<compile_context>
chip_gen: v7x
topology: tpu7x:2x2x1
jax: 0.10.2.dev20260603
libtpu: 0.0.44.dev20260713+nightly
codegen_flags: <defaults>
</compile_context>

<pallas_src>
import functools

import jax
import jax.numpy as jnp
from jax import lax
from jax.experimental import pallas as pl
from jax.experimental.pallas import tpu as pltpu
from jax.experimental.pallas import tpu_sc as plsc


def _loss1_sums(inp3, target, output):
    B, C, H, W = target.shape
    NB = 16

    def body(in_ref, t_ref, o_ref, sabs_ref, sin_ref, acc_abs, acc_in):
        b = pl.program_id(0)

        @pl.when(b == 0)
        def _():
            acc_abs[...] = jnp.zeros_like(acc_abs)
            acc_in[...] = jnp.zeros_like(acc_in)

        acc = acc_abs[...]
        acci = acc_in[...]
        for nb in range(NB):
            inb = in_ref[nb]
            for c in range(C):
                acc = acc + jnp.abs(
                    jnp.where(inb != 0.0, o_ref[nb, c], 0.0) - t_ref[nb, c]
                )
            acci = acci + inb
        acc_abs[...] = acc
        acc_in[...] = acci

        @pl.when(b == pl.num_programs(0) - 1)
        def _():
            sabs_ref[0, 0] = jnp.sum(acc_abs[...])
            sin_ref[0, 0] = jnp.sum(acc_in[...])

    return pl.pallas_call(
        body,
        grid=(B // NB,),
        in_specs=[
            pl.BlockSpec((NB, H, W), lambda b: (b, 0, 0)),
            pl.BlockSpec((NB, C, H, W), lambda b: (b, 0, 0, 0)),
            pl.BlockSpec((NB, C, H, W), lambda b: (b, 0, 0, 0)),
        ],
        out_specs=[
            pl.BlockSpec((1, 1), lambda b: (0, 0), memory_space=pltpu.SMEM),
            pl.BlockSpec((1, 1), lambda b: (0, 0), memory_space=pltpu.SMEM),
        ],
        out_shape=[jax.ShapeDtypeStruct((1, 1), jnp.float32)] * 2,
        scratch_shapes=[pltpu.VMEM((H, W), jnp.float32)] * 2,
    )(inp3, target, output)


def _sc_gather_diff(tflat, oflat, off1d, B, C, H, W, L):
    out_rows, out_cols = B * C, L
    slab = 8
    nwu = out_rows // slab
    lanes = 128
    per_row = out_cols // lanes
    idx_rows = slab * per_row
    off_rows = 4
    try:
        info = plsc.get_sparse_core_info()
        nc, ns = info.num_cores, info.num_subcores
    except Exception:
        nc, ns = 2, 16
    mesh = plsc.VectorSubcoreMesh(
        core_axis_name="c", subcore_axis_name="s", num_cores=nc, num_subcores=ns
    )

    @functools.partial(
        pl.kernel,
        out_type=jax.ShapeDtypeStruct((out_rows, 2 * out_cols), jnp.float32),
        mesh=mesh,
        scratch_types=[
            pltpu.VMEM((off_rows * L,), jnp.int32),
            pltpu.VMEM((idx_rows, lanes), jnp.int32),
            pltpu.VMEM((slab, out_cols), jnp.float32),
            pltpu.VMEM((slab, out_cols), jnp.float32),
            pltpu.SemaphoreType.DMA,
        ],
    )
    def k(t_hbm, o_hbm, off_hbm, out_hbm, off_v, idx_v, tv, ov, sem):
        wid = lax.axis_index("s") * nc + lax.axis_index("c")

        @pl.when(wid < nwu)
        def _():
            bc0 = wid * slab
            b0 = jnp.minimum(bc0 // C, B - off_rows)
            src0 = pl.multiple_of(b0 * L, 8)
            pltpu.sync_copy(off_hbm.at[pl.ds(src0, off_rows * L)], off_v)
            for m in range(slab):
                bc = bc0 + m
                basev = jnp.broadcast_to(bc * (H * W), (16,))
                row0 = (bc // C - b0) * L
                for i in range(out_cols // 16):
                    src = pl.multiple_of(row0 + i * 16, 8)
                    ov16 = off_v[pl.ds(src, 16)]
                    idx_v[m * per_row + i // 8, pl.ds((i % 8) * 16, 16)] = (
                        ov16 + basev
                    )
            copies = []
            for j in range(idx_rows):
                dst = (j // per_row, pl.ds((j % per_row) * lanes, lanes))
                copies.append(pltpu.async_copy(t_hbm.at[idx_v.at[j]], tv.at[dst], sem))
                copies.append(pltpu.async_copy(o_hbm.at[idx_v.at[j]], ov.at[dst], sem))
            for cp in copies:
                cp.wait()
            base = pl.multiple_of(wid * slab, 8)
            pltpu.sync_copy(tv, out_hbm.at[pl.ds(base, slab), pl.ds(0, out_cols)])
            pltpu.sync_copy(
                ov, out_hbm.at[pl.ds(base, slab), pl.ds(out_cols, out_cols)]
            )

    return k(tflat, oflat, off1d)


def _combine(gto, bT, pI_row, sabs, sin, C):
    BC, KL2 = gto.shape
    KL = KL2 // 2
    D, S = bT.shape
    K = KL // D

    def body(g_ref, b_ref, pI_ref, sabs_ref, sin_ref, loss_ref, l1_ref, l2_ref):
        bm = b_ref[...]
        pI = pI_ref[...]
        diff = g_ref[:, :KL] - g_ref[:, KL:]
        E = jnp.zeros((BC, S), jnp.float32)
        for k in range(K):
            gk = diff[:, k * D:(k + 1) * D]
            Mk = jnp.dot(gk, bm, preferred_element_type=jnp.float32)
            E = E + Mk * (pI == k).astype(jnp.float32)
        s2 = jnp.sum(jnp.abs(E))
        l1 = sabs_ref[0, 0] / (C * sin_ref[0, 0])
        l2 = s2 / (BC * S)
        l1_ref[0, 0] = l1
        l2_ref[0, 0] = l2
        loss_ref[0, 0] = l1 + l2

    return pl.pallas_call(
        body,
        in_specs=[
            pl.BlockSpec(memory_space=pltpu.VMEM),
            pl.BlockSpec(memory_space=pltpu.VMEM),
            pl.BlockSpec(memory_space=pltpu.VMEM),
            pl.BlockSpec(memory_space=pltpu.SMEM),
            pl.BlockSpec(memory_space=pltpu.SMEM),
        ],
        out_specs=[
            pl.BlockSpec(memory_space=pltpu.SMEM),
            pl.BlockSpec(memory_space=pltpu.SMEM),
            pl.BlockSpec(memory_space=pltpu.SMEM),
        ],
        out_shape=[jax.ShapeDtypeStruct((1, 1), jnp.float32)] * 3,
    )(gto, bT, pI_row, sabs, sin)


def kernel(input, mapRecord, target, output, patchIndex, basis):
    B, C, H, W = output.shape
    L = mapRecord.shape[1]
    S = basis.shape[0]

    inp3 = input.reshape(B, H, W)
    sabs, sin = _loss1_sums(inp3, target, output)

    off1d = (mapRecord[:, :, 0] * W + mapRecord[:, :, 1]).reshape(-1)
    gto = _sc_gather_diff(
        target.reshape(-1), output.reshape(-1), off1d, B, C, H, W, L
    )

    bT = basis.reshape(S, -1).T
    pI_row = patchIndex.reshape(1, S)
    loss, l1, l2 = _combine(gto, bT, pI_row, sabs, sin, C)
    return loss.reshape(()), l1.reshape(()), l2.reshape(())

# --- scband reference (transcript-rebuilt; emitter-appended) ---
"""Pipeline reference for scband-total-loss-42030549958920 (READ-ONLY COPY).

The authoritative reference and input builder live on the scoring server;
editing this copy changes nothing except your own understanding.
"""

import jax, jax.numpy as jnp
import numpy as np

PATCH_NUM = 4
SAMPLE_NUM = 10
P = 3
N_CTRL = 8
KNOTS = np.array([0.0, 0.0, 0.0, 0.0, 0.2, 0.4, 0.6, 0.8, 1.0, 1.0, 1.0, 1.0], dtype=np.float64)
W1 = 1.0
W2 = 1.0


def find_span(n, p, u, U):
    if u >= U[n + 1]:
        return n
    if u <= U[p]:
        return p
    low, high = p, n + 1
    mid = (low + high) // 2
    while u < U[mid] or u >= U[mid + 1]:
        if u < U[mid]:
            high = mid
        else:
            low = mid
        mid = (low + high) // 2
    return mid


def basis_funcs(i, u, p, U):
    # The NURBS Book, Alg A2.2 (== dersBasisFunc(..., nders=0)[0])
    left = np.zeros(p + 1)
    right = np.zeros(p + 1)
    N = np.zeros(p + 1)
    N[0] = 1.0
    for j in range(1, p + 1):
        left[j] = u - U[i + 1 - j]
        right[j] = U[i + j] - u
        saved = 0.0
        for r in range(j):
            temp = N[r] / (right[r + 1] + left[j - r])
            N[r] = saved + right[r + 1] * temp
            saved = left[j - r] * temp
        N[j] = saved
    return N


def compute_basis(u, v):
    n = N_CTRL
    m = N_CTRL
    p = P
    q = P
    uspan = find_span(n - 1, p, u, KNOTS)
    ub = basis_funcs(uspan, u, p, KNOTS)
    vspan = find_span(m - 1, q, v, KNOTS)
    vb = basis_funcs(vspan, v, q, KNOTS)
    uv = np.zeros((m, n))
    uv[vspan - q:vspan + 1, uspan - p:uspan + 1] = np.outer(vb[:, None].ravel()[:, None], ub[None, :].ravel()[None, :])
    return uv


def compute_all_span_basis():
    u_samples = np.linspace(0, 1, SAMPLE_NUM)
    patch_index = []
    basis = []
    for k in range(PATCH_NUM):
        for i in range(SAMPLE_NUM):
            for j in range(SAMPLE_NUM):
                u = u_samples[j]
                v = u_samples[i]
                patch_index.append(k)
                basis.append(compute_basis(u, v))
    return np.array(patch_index, dtype=np.int32), np.array(basis, dtype=np.float32)


def setup_inputs(seed: int = 0) -> dict:
    key = jax.random.key(seed)
    k1, k2, k3, k4 = jax.random.split(key, 4)
    B, C, H, W = 64, 3, 128, 128
    L = PATCH_NUM * N_CTRL * N_CTRL  # 256
    inp = jax.random.uniform(k1, (B, 1, H, W), dtype=jnp.float32)
    mapRecord = jax.random.randint(k2, (B, L, 2), 0, H, dtype=jnp.int32)
    target = jax.random.normal(k3, (B, C, H, W), dtype=jnp.float32)
    output = jax.random.normal(k4, (B, C, H, W), dtype=jnp.float32)
    patch_index, basis = compute_all_span_basis()
    return {
        "input": inp,
        "mapRecord": mapRecord,
        "target": target,
        "output": output,
        "patchIndex": jnp.asarray(patch_index),
        "basis": jnp.asarray(basis),
    }


def reference(input, mapRecord, target, output, patchIndex, basis):
    B, C, H, W = output.shape
    # coefsLoss
    geo = jnp.broadcast_to(input[:, 0:1, :, :], output.shape)
    out_coefs = jnp.where(geo != 0, output, jnp.zeros_like(output))
    count = jnp.sum(geo)
    loss1 = jnp.sum(jnp.abs(out_coefs - target)) / count
    # solutionLoss: matrixMap via gather
    bi = jnp.arange(B)[:, None, None]
    ci = jnp.arange(C)[None, :, None]
    ridx = mapRecord[:, None, :, 0]
    cidx = mapRecord[:, None, :, 1]
    targets_coefs = target[bi, ci, ridx, cidx].reshape(B, C, PATCH_NUM, N_CTRL, N_CTRL)
    outputs_coefs = output[bi, ci, ridx, cidx].reshape(B, C, PATCH_NUM, N_CTRL, N_CTRL)
    tcs = targets_coefs[:, :, patchIndex]
    ocs = outputs_coefs[:, :, patchIndex]
    be = basis[None, None, :, :, :]
    true_sol = jnp.sum(tcs * be, axis=(3, 4))
    pred_sol = jnp.sum(ocs * be, axis=(3, 4))
    loss2 = jnp.mean(jnp.abs(true_sol - pred_sol))
    loss = W1 * loss1 + W2 * loss2
    return (loss, loss1, loss2)

if __name__ == "__main__":
    import jax
    _d = setup_inputs()
    print(jax.jit(kernel)(*tuple(_d.values())))

</pallas_src>

<mosaic_0001>
#map = affine_map<(d0, d1) -> (0)>
#map1 = affine_map<(d0, d1) -> (0, 0)>
module attributes {stable_mosaic.version = 14 : i64} {
  func.func @k(%arg0: i32, %arg1: i32, %arg2: memref<3145728xf32, #tpu.memory_space<hbm>>, %arg3: memref<3145728xf32, #tpu.memory_space<hbm>>, %arg4: memref<16384xi32, #tpu.memory_space<hbm>>, %arg5: memref<192x512xf32, #tpu.memory_space<hbm>>, %arg6: memref<1024xi32, #tpu.memory_space<vmem>>, %arg7: memref<16x128xi32, #tpu.memory_space<vmem>>, %arg8: memref<8x256xf32, #tpu.memory_space<vmem>>, %arg9: memref<8x256xf32, #tpu.memory_space<vmem>>, %arg10: memref<!tpu.dma_semaphore, #tpu.memory_space<semaphore_mem>>) attributes {dimension_semantics = [#tpu.dimension_semantics<core_parallel>, #tpu.dimension_semantics<subcore_parallel>], iteration_bounds = array<i64: 2, 16>, scalar_prefetch = 0 : i64, scratch_operands = 5 : i64, tpu.core_type = #tpu.core_type<sc_vector_subcore>, window_params = [{transform_indices = #map}, {transform_indices = #map}, {transform_indices = #map}, {transform_indices = #map1}]} {
    %mul3A = arith.constant 2 : i32
    %mul3A_0 = arith.muli %arg1, %mul3A : i32
    %add3A = arith.addi %mul3A_0, %arg0 : i32
    %lt3A = arith.constant 24 : i32
    %lt3A_1 = arith.cmpi slt, %add3A, %lt3A : i32
    %convert_element_type3A = arith.extui %lt3A_1 : i1 to i32
    %cond3A = arith.constant 0 : i32
    %cond3A_2 = arith.cmpi ne, %convert_element_type3A, %cond3A : i32
    scf.if %cond3A_2 {
      %mul3A_3 = arith.constant 8 : i32
      %mul3A_4 = arith.muli %add3A, %mul3A_3 : i32
      %jit3A = arith.constant 3 : i32
      %div3A = arith.divsi %mul3A_4, %jit3A : i32
      %sign3A = arith.constant 0 : i32
      %sign3A_5 = arith.cmpi sgt, %mul3A_4, %sign3A : i32
      %sign3A_6 = arith.extui %sign3A_5 : i1 to i32
      %sign3A_7 = arith.constant 0 : i32
      %sign3A_8 = arith.cmpi slt, %mul3A_4, %sign3A_7 : i32
      %sign3A_9 = arith.extui %sign3A_8 : i1 to i32
      %sign3A_10 = arith.subi %sign3A_6, %sign3A_9 : i32
      %sign3A_11 = arith.constant 0 : i32
      %sign3A_12 = arith.cmpi sgt, %jit3A, %sign3A_11 : i32
      %sign3A_13 = arith.extui %sign3A_12 : i1 to i32
      %sign3A_14 = arith.constant 0 : i32
      %sign3A_15 = arith.cmpi slt, %jit3A, %sign3A_14 : i32
      %sign3A_16 = arith.extui %sign3A_15 : i1 to i32
      %sign3A_17 = arith.subi %sign3A_13, %sign3A_16 : i32
      %ne3A = arith.cmpi ne, %sign3A_10, %sign3A_17 : i32
      %rem3A = arith.remsi %mul3A_4, %jit3A : i32
      %ne3A_18 = arith.constant 0 : i32
      %ne3A_19 = arith.cmpi ne, %rem3A, %ne3A_18 : i32
      %and3A = arith.andi %ne3A, %ne3A_19 : i1
      %sub3A = arith.constant 1 : i32
      %sub3A_20 = arith.subi %div3A, %sub3A : i32
      %select_n3A = arith.select %and3A, %sub3A_20, %div3A : i32
      %min3A = arith.constant 60 : i32
      %min3A_21 = arith.minsi %select_n3A, %min3A : i32
      %mul3A_22 = arith.constant 256 : i32
      %mul3A_23 = arith.muli %min3A_21, %mul3A_22 : i32
      %multiple_of3A = tpu.assume_multiple %mul3A_23, 8 : i32
      "tpu.region"() ({
        %run_scoped3A = tpu.sem_alloc : memref<!tpu.dma_semaphore, #tpu.memory_space<semaphore_mem>>
        %dma_start3A_2582 = tpu.memref_slice %arg4[%multiple_of3A] : memref<16384xi32, #tpu.memory_space<hbm>> -> memref<1024xi32, #tpu.memory_space<hbm>>
        %dma_start3A_2583 = tpu.memref_slice %arg4[%multiple_of3A] : memref<16384xi32, #tpu.memory_space<hbm>> -> memref<1024xi32, #tpu.memory_space<hbm>>
        tpu.enqueue_dma source(%dma_start3A_2583 : memref<1024xi32, #tpu.memory_space<hbm>>) target(%arg6 : memref<1024xi32, #tpu.memory_space<vmem>>) target_semaphore(%run_scoped3A : memref<!tpu.dma_semaphore, #tpu.memory_space<semaphore_mem>>)
        %dma_wait3A_2584 = tpu.memref_slice %arg4[%multiple_of3A] : memref<16384xi32, #tpu.memory_space<hbm>> -> memref<1024xi32, #tpu.memory_space<hbm>>
        %dma_wait3A_2585 = tpu.memref_slice %arg4[%multiple_of3A] : memref<16384xi32, #tpu.memory_space<hbm>> -> memref<1024xi32, #tpu.memory_space<hbm>>
        tpu.wait_dma2 semaphore(%run_scoped3A : memref<!tpu.dma_semaphore, #tpu.memory_space<semaphore_mem>>) src(%dma_wait3A_2585 : memref<1024xi32, #tpu.memory_space<hbm>>) dst(%arg6 : memref<1024xi32, #tpu.memory_space<vmem>>)
        tpu.yield
      }) : () -> ()
      %add3A_24 = arith.constant 0 : i32
      %add3A_25 = arith.addi %mul3A_4, %add3A_24 : i32
      %mul3A_26 = arith.constant 16384 : i32
      %mul3A_27 = arith.muli %add3A_25, %mul3A_26 : i32
      %broadcast_in_dim3A = vector.broadcast %mul3A_27 : i32 to vector<16xi32>
      %jit3A_28 = arith.constant 3 : i32
      %div3A_29 = arith.divsi %add3A_25, %jit3A_28 : i32
      %sign3A_30 = arith.constant 0 : i32
      %sign3A_31 = arith.cmpi sgt, %add3A_25, %sign3A_30 : i32
      %sign3A_32 = arith.extui %sign3A_31 : i1 to i32
      %sign3A_33 = arith.constant 0 : i32
      %sign3A_34 = arith.cmpi slt, %add3A_25, %sign3A_33 : i32
      %sign3A_35 = arith.extui %sign3A_34 : i1 to i32
      %sign3A_36 = arith.subi %sign3A_32, %sign3A_35 : i32
      %sign3A_37 = arith.constant 0 : i32
      %sign3A_38 = arith.cmpi sgt, %jit3A_28, %sign3A_37 : i32
      %sign3A_39 = arith.extui %sign3A_38 : i1 to i32
      %sign3A_40 = arith.constant 0 : i32
      %sign3A_41 = arith.cmpi slt, %jit3A_28, %sign3A_40 : i32
      %sign3A_42 = arith.extui %sign3A_41 : i1 to i32
      %sign3A_43 = arith.subi %sign3A_39, %sign3A_42 : i32
      %ne3A_44 = arith.cmpi ne, %sign3A_36, %sign3A_43 : i32
      %rem3A_45 = arith.remsi %add3A_25, %jit3A_28 : i32
      %ne3A_46 = arith.constant 0 : i32
      %ne3A_47 = arith.cmpi ne, %rem3A_45, %ne3A_46 : i32
      %and3A_48 = arith.andi %ne3A_44, %ne3A_47 : i1
      %sub3A_49 = arith.constant 1 : i32
      %sub3A_50 = arith.subi %div3A_29, %sub3A_49 : i32
      %select_n3A_51 = arith.select %and3A_48, %sub3A_50, %div3A_29 : i32
      %sub3A_52 = arith.subi %select_n3A_51, %min3A_21 : i32
      %mul3A_53 = arith.constant 256 : i32
      %mul3A_54 = arith.muli %sub3A_52, %mul3A_53 : i32
      %add3A_55 = arith.constant 0 : i32
      %add3A_56 = arith.addi %mul3A_54, %add3A_55 : i32
      %multiple_of3A_57 = tpu.assume_multiple %add3A_56, 8 : i32
      %get3A = arith.index_cast %multiple_of3A_57 : i32 to index
      %get3A_58 = tpu.vector_load %arg6[%get3A] {strides = array<i32>} : memref<1024xi32, #tpu.memory_space<vmem>>, vector<16xi32>,
      %get3A_59 = vector.shape_cast %get3A_58 : vector<16xi32> to vector<16xi32>
      %add3A_60 = arith.addi %get3A_59, %broadcast_in_dim3A : vector<16xi32>
      %swap3A = arith.constant 0 : i32
      %swap3A_61 = arith.index_cast %swap3A : i32 to index
      %swap3A_62 = arith.constant 0 : index
      %swap3A_63 = tpu.vector_load %arg7[%swap3A_61, %swap3A_62] {strides = array<i32>} : memref<16x128xi32, #tpu.memory_space<vmem>>, vector<1x16xi32>,
      %swap3A_64 = vector.shape_cast %swap3A_63 : vector<1x16xi32> to vector<16xi32>
      %swap3A_65 = vector.shape_cast %add3A_60 : vector<16xi32> to vector<1x16xi32>
      tpu.vector_store %arg7[%swap3A_61, %swap3A_62], %swap3A_65 {strides = array<i32>} : memref<16x128xi32, #tpu.memory_space<vmem>>, vector<1x16xi32>,
      %add3A_66 = arith.constant 16 : i32
      %add3A_67 = arith.addi %mul3A_54, %add3A_66 : i32
      %multiple_of3A_68 = tpu.assume_multiple %add3A_67, 8 : i32
      %get3A_69 = arith.index_cast %multiple_of3A_68 : i32 to index
      %get3A_70 = tpu.vector_load %arg6[%get3A_69] {strides = array<i32>} : memref<1024xi32, #tpu.memory_space<vmem>>, vector<16xi32>,
      %get3A_71 = vector.shape_cast %get3A_70 : vector<16xi32> to vector<16xi32>
      %add3A_72 = arith.addi %get3A_71, %broadcast_in_dim3A : vector<16xi32>
      %swap3A_73 = arith.constant 0 : i32
      %swap3A_74 = arith.index_cast %swap3A_73 : i32 to index
      %swap3A_75 = arith.constant 16 : index
      %swap3A_76 = tpu.vector_load %arg7[%swap3A_74, %swap3A_75] {strides = array<i32>} : memref<16x128xi32, #tpu.memory_space<vmem>>, vector<1x16xi32>,
      %swap3A_77 = vector.shape_cast %swap3A_76 : vector<1x16xi32> to vector<16xi32>
      %swap3A_78 = vector.shape_cast %add3A_72 : vector<16xi32> to vector<1x16xi32>
      tpu.vector_store %arg7[%swap3A_74, %swap3A_75], %swap3A_78 {strides = array<i32>} : memref<16x128xi32, #tpu.memory_space<vmem>>, vector<1x16xi32>,
      %add3A_79 = arith.constant 32 : i32
      %add3A_80 = arith.addi %mul3A_54, %add3A_79 : i32
      %multiple_of3A_81 = tpu.assume_multiple %add3A_80, 8 : i32
      %get3A_82 = arith.index_cast %multiple_of3A_81 : i32 to index
      %get3A_83 = tpu.vector_load %arg6[%get3A_82] {strides = array<i32>} : memref<1024xi32, #tpu.memory_space<vmem>>, vector<16xi32>,
      %get3A_84 = vector.shape_cast %get3A_83 : vector<16xi32> to vector<16xi32>
      %add3A_85 = arith.addi %get3A_84, %broadcast_in_dim3A : vector<16xi32>
      %swap3A_86 = arith.constant 0 : i32
      %swap3A_87 = arith.index_cast %swap3A_86 : i32 to index
      %swap3A_88 = arith.constant 32 : index
      %swap3A_89 = tpu.vector_load %arg7[%swap3A_87, %swap3A_88] {strides = array<i32>} : memref<16x128xi32, #tpu.memory_space<vmem>>, vector<1x16xi32>,
      %swap3A_90 = vector.shape_cast %swap3A_89 : vector<1x16xi32> to vector<16xi32>
      %swap3A_91 = vector.shape_cast %add3A_85 : vector<16xi32> to vector<1x16xi32>
      tpu.vector_store %arg7[%swap3A_87, %swap3A_88], %swap3A_91 {strides = array<i32>} : memref<16x128xi32, #tpu.memory_space<vmem>>, vector<1x16xi32>,
      %add3A_92 = arith.constant 48 : i32
      %add3A_93 = arith.addi %mul3A_54, %add3A_92 : i32
      %multiple_of3A_94 = tpu.assume_multiple %add3A_93, 8 : i32
      %get3A_95 = arith.index_cast %multiple_of3A_94 : i32 to index
      %get3A_96 = tpu.vector_load %arg6[%get3A_95] {strides = array<i32>} : memref<1024xi32, #tpu.memory_space<vmem>>, vector<16xi32>,
      %get3A_97 = vector.shape_cast %get3A_96 : vector<16xi32> to vector<16xi32>
      %add3A_98 = arith.addi %get3A_97, %broadcast_in_dim3A : vector<16xi32>
      %swap3A_99 = arith.constant 0 : i32
      %swap3A_100 = arith.index_cast %swap3A_99 : i32 to index
      %swap3A_101 = arith.constant 48 : index
      %swap3A_102 = tpu.vector_load %arg7[%swap3A_100, %swap3A_101] {strides = array<i32>} : memref<16x128xi32, #tpu.memory_space<vmem>>, vector<1x16xi32>,
      %swap3A_103 = vector.shape_cast %swap3A_102 : vector<1x16xi32> to vector<16xi32>
      %swap3A_104 = vector.shape_cast %add3A_98 : vector<16xi32> to vector<1x16xi32>
      tpu.vector_store %arg7[%swap3A_100, %swap3A_101], %swap3A_104 {strides = array<i32>} : memref<16x128xi32, #tpu.memory_space<vmem>>, vector<1x16xi32>,
      %add3A_105 = arith.constant 64 : i32
      %add3A_106 = arith.addi %mul3A_54, %add3A_105 : i32
      %multiple_of3A_107 = tpu.assume_multiple %add3A_106, 8 : i32
      %get3A_108 = arith.index_cast %multiple_of3A_107 : i32 to index
      %get3A_109 = tpu.vector_load %arg6[%get3A_108] {strides = array<i32>} : memref<1024xi32, #tpu.memory_space<vmem>>, vector<16xi32>,
      %get3A_110 = vector.shape_cast %get3A_109 : vector<16xi32> to vector<16xi32>
      %add3A_111 = arith.addi %get3A_110, %broadcast_in_dim3A : vector<16xi32>
      %swap3A_112 = arith.constant 0 : i32
      %swap3A_113 = arith.index_cast %swap3A_112 : i32 to index
      %swap3A_114 = arith.constant 64 : index
      %swap3A_115 = tpu.vector_load %arg7[%swap3A_113, %swap3A_114] {strides = array<i32>} : memref<16x128xi32, #tpu.memory_space<vmem>>, vector<1x16xi32>,
      %swap3A_116 = vector.shape_cast %swap3A_115 : vector<1x16xi32> to vector<16xi32>
      %swap3A_117 = vector.shape_cast %add3A_111 : vector<16xi32> to vector<1x16xi32>
      tpu.vector_store %arg7[%swap3A_113, %swap3A_114], %swap3A_117 {strides = array<i32>} : memref<16x128xi32, #tpu.memory_space<vmem>>, vector<1x16xi32>,
      %add3A_118 = arith.constant 80 : i32
      %add3A_119 = arith.addi %mul3A_54, %add3A_118 : i32
      %multiple_of3A_120 = tpu.assume_multiple %add3A_119, 8 : i32
      %get3A_121 = arith.index_cast %multiple_of3A_120 : i32 to index
      %get3A_122 = tpu.vector_load %arg6[%get3A_121] {strides = array<i32>} : memref<1024xi32, #tpu.memory_space<vmem>>, vector<16xi32>,
      %get3A_123 = vector.shape_cast %get3A_122 : vector<16xi32> to vector<16xi32>
      %add3A_124 = arith.addi %get3A_123, %broadcast_in_dim3A : vector<16xi32>
      %swap3A_125 = arith.constant 0 : i32
      %swap3A_126 = arith.index_cast %swap3A_125 : i32 to index
      %swap3A_127 = arith.constant 80 : index
      %swap3A_128 = tpu.vector_load %arg7[%swap3A_126, %swap3A_127] {strides = array<i32>} : memref<16x128xi32, #tpu.memory_space<vmem>>, vector<1x16xi32>,
      %swap3A_129 = vector.shape_cast %swap3A_128 : vector<1x16xi32> to vector<16xi32>
      %swap3A_130 = vector.shape_cast %add3A_124 : vector<16xi32> to vector<1x16xi32>
      tpu.vector_store %arg7[%swap3A_126, %swap3A_127], %swap3A_130 {strides = array<i32>} : memref<16x128xi32, #tpu.memory_space<vmem>>, vector<1x16xi32>,
      %add3A_131 = arith.constant 96 : i32
      %add3A_132 = arith.addi %mul3A_54, %add3A_131 : i32
      %multiple_of3A_133 = tpu.assume_multiple %add3A_132, 8 : i32
      %get3A_134 = arith.index_cast %multiple_of3A_133 : i32 to index
      %get3A_135 = tpu.vector_load %arg6[%get3A_134] {strides = array<i32>} : memref<1024xi32, #tpu.memory_space<vmem>>, vector<16xi32>,
      %get3A_136 = vector.shape_cast %get3A_135 : vector<16xi32> to vector<16xi32>
      %add3A_137 = arith.addi %get3A_136, %broadcast_in_dim3A : vector<16xi32>
      %swap3A_138 = arith.constant 0 : i32
      %swap3A_139 = arith.index_cast %swap3A_138 : i32 to index
      %swap3A_140 = arith.constant 96 : index
      %swap3A_141 = tpu.vector_load %arg7[%swap3A_139, %swap3A_140] {strides = array<i32>} : memref<16x128xi32, #tpu.memory_space<vmem>>, vector<1x16xi32>,
      %swap3A_142 = vector.shape_cast %swap3A_141 : vector<1x16xi32> to vector<16xi32>
      %swap3A_143 = vector.shape_cast %add3A_137 : vector<16xi32> to vector<1x16xi32>
      tpu.vector_store %arg7[%swap3A_139, %swap3A_140], %swap3A_143 {strides = array<i32>} : memref<16x128xi32, #tpu.memory_space<vmem>>, vector<1x16xi32>,
      %add3A_144 = arith.constant 112 : i32
      %add3A_145 = arith.addi %mul3A_54, %add3A_144 : i32
      %multiple_of3A_146 = tpu.assume_multiple %add3A_145, 8 : i32
      %get3A_147 = arith.index_cast %multiple_of3A_146 : i32 to index
      %get3A_148 = tpu.vector_load %arg6[%get3A_147] {strides = array<i32>} : memref<1024xi32, #tpu.memory_space<vmem>>, vector<16xi32>,
      %get3A_149 = vector.shape_cast %get3A_148 : vector<16xi32> to vector<16xi32>
      %add3A_150 = arith.addi %get3A_149, %broadcast_in_dim3A : vector<16xi32>
      %swap3A_151 = arith.constant 0 : i32
      %swap3A_152 = arith.index_cast %swap3A_151 : i32 to index
      %swap3A_153 = arith.constant 112 : index
      %swap3A_154 = tpu.vector_load %arg7[%swap3A_152, %swap3A_153] {strides = array<i32>} : memref<16x128xi32, #tpu.memory_space<vmem>>, vector<1x16xi32>,
      %swap3A_155 = vector.shape_cast %swap3A_154 : vector<1x16xi32> to vector<16xi32>
      %swap3A_156 = vector.shape_cast %add3A_150 : vector<16xi32> to vector<1x16xi32>
      tpu.vector_store %arg7[%swap3A_152, %swap3A_153], %swap3A_156 {strides = array<i32>} : memref<16x128xi32, #tpu.memory_space<vmem>>, vector<1x16xi32>,
      %add3A_157 = arith.constant 128 : i32
      %add3A_158 = arith.addi %mul3A_54, %add3A_157 : i32
      %multiple_of3A_159 = tpu.assume_multiple %add3A_158, 8 : i32
      %get3A_160 = arith.index_cast %multiple_of3A_159 : i32 to index
      %get3A_161 = tpu.vector_load %arg6[%get3A_160] {strides = array<i32>} : memref<1024xi32, #tpu.memory_space<vmem>>, vector<16xi32>,
      %get3A_162 = vector.shape_cast %get3A_161 : vector<16xi32> to vector<16xi32>
      %add3A_163 = arith.addi %get3A_162, %broadcast_in_dim3A : vector<16xi32>
      %swap3A_164 = arith.constant 1 : i32
      %swap3A_165 = arith.index_cast %swap3A_164 : i32 to index
      %swap3A_166 = arith.constant 0 : index
      %swap3A_167 = tpu.vector_load %arg7[%swap3A_165, %swap3A_166] {strides = array<i32>} : memref<16x128xi32, #tpu.memory_space<vmem>>, vector<1x16xi32>,
      %swap3A_168 = vector.shape_cast %swap3A_167 : vector<1x16xi32> to vector<16xi32>
      %swap3A_169 = vector.shape_cast %add3A_163 : vector<16xi32> to vector<1x16xi32>
      tpu.vector_store %arg7[%swap3A_165, %swap3A_166], %swap3A_169 {strides = array<i32>} : memref<16x128xi32, #tpu.memory_space<vmem>>, vector<1x16xi32>,
      %add3A_170 = arith.constant 144 : i32
      %add3A_171 = arith.addi %mul3A_54, %add3A_170 : i32
      %multiple_of3A_172 = tpu.assume_multiple %add3A_171, 8 : i32
      %get3A_173 = arith.index_cast %multiple_of3A_172 : i32 to index
      %get3A_174 = tpu.vector_load %arg6[%get3A_173] {strides = array<i32>} : memref<1024xi32, #tpu.memory_space<vmem>>, vector<16xi32>,
      %get3A_175 = vector.shape_cast %get3A_174 : vector<16xi32> to vector<16xi32>
      %add3A_176 = arith.addi %get3A_175, %broadcast_in_dim3A : vector<16xi32>
      %swap3A_177 = arith.constant 1 : i32
      %swap3A_178 = arith.index_cast %swap3A_177 : i32 to index
      %swap3A_179 = arith.constant 16 : index
      %swap3A_180 = tpu.vector_load %arg7[%swap3A_178, %swap3A_179] {strides = array<i32>} : memref<16x128xi32, #tpu.memory_space<vmem>>, vector<1x16xi32>,
      %swap3A_181 = vector.shape_cast %swap3A_180 : vector<1x16xi32> to vector<16xi32>
      %swap3A_182 = vector.shape_cast %add3A_176 : vector<16xi32> to vector<1x16xi32>
      tpu.vector_store %arg7[%swap3A_178, %swap3A_179], %swap3A_182 {strides = array<i32>} : memref<16x128xi32, #tpu.memory_space<vmem>>, vector<1x16xi32>,
      %add3A_183 = arith.constant 160 : i32
      %add3A_184 = arith.addi %mul3A_54, %add3A_183 : i32
      %multiple_of3A_185 = tpu.assume_multiple %add3A_184, 8 : i32
      %get3A_186 = arith.index_cast %multiple_of3A_185 : i32 to index
      %get3A_187 = tpu.vector_load %arg6[%get3A_186] {strides = array<i32>} : memref<1024xi32, #tpu.memory_space<vmem>>, vector<16xi32>,
      %get3A_188 = vector.shape_cast %get3A_187 : vector<16xi32> to vector<16xi32>
      %add3A_189 = arith.addi %get3A_188, %broadcast_in_dim3A : vector<16xi32>
      %swap3A_190 = arith.constant 1 : i32
      %swap3A_191 = arith.index_cast %swap3A_190 : i32 to index
      %swap3A_192 = arith.constant 32 : index
      %swap3A_193 = tpu.vector_load %arg7[%swap3A_191, %swap3A_192] {strides = array<i32>} : memref<16x128xi32, #tpu.memory_space<vmem>>, vector<1x16xi32>,
      %swap3A_194 = vector.shape_cast %swap3A_193 : vector<1x16xi32> to vector<16xi32>
      %swap3A_195 = vector.shape_cast %add3A_189 : vector<16xi32> to vector<1x16xi32>
      tpu.vector_store %arg7[%swap3A_191, %swap3A_192], %swap3A_195 {strides = array<i32>} : memref<16x128xi32, #tpu.memory_space<vmem>>, vector<1x16xi32>,
      %add3A_196 = arith.constant 176 : i32
      %add3A_197 = arith.addi %mul3A_54, %add3A_196 : i32
      %multiple_of3A_198 = tpu.assume_multiple %add3A_197, 8 : i32
      %get3A_199 = arith.index_cast %multiple_of3A_198 : i32 to index
      %get3A_200 = tpu.vector_load %arg6[%get3A_199] {strides = array<i32>} : memref<1024xi32, #tpu.memory_space<vmem>>, vector<16xi32>,
      %get3A_201 = vector.shape_cast %get3A_200 : vector<16xi32> to vector<16xi32>
      %add3A_202 = arith.addi %get3A_201, %broadcast_in_dim3A : vector<16xi32>
      %swap3A_203 = arith.constant 1 : i32
      %swap3A_204 = arith.index_cast %swap3A_203 : i32 to index
      %swap3A_205 = arith.constant 48 : index
      %swap3A_206 = tpu.vector_load %arg7[%swap3A_204, %swap3A_205] {strides = array<i32>} : memref<16x128xi32, #tpu.memory_space<vmem>>, vector<1x16xi32>,
      %swap3A_207 = vector.shape_cast %swap3A_206 : vector<1x16xi32> to vector<16xi32>
      %swap3A_208 = vector.shape_cast %add3A_202 : vector<16xi32> to vector<1x16xi32>
      tpu.vector_store %arg7[%swap3A_204, %swap3A_205], %swap3A_208 {strides = array<i32>} : memref<16x128xi32, #tpu.memory_space<vmem>>, vector<1x16xi32>,
      %add3A_209 = arith.constant 192 : i32
      %add3A_210 = arith.addi %mul3A_54, %add3A_209 : i32
      %multiple_of3A_211 = tpu.assume_multiple %add3A_210, 8 : i32
      %get3A_212 = arith.index_cast %multiple_of3A_211 : i32 to index
      %get3A_213 = tpu.vector_load %arg6[%get3A_212] {strides = array<i32>} : memref<1024xi32, #tpu.memory_space<vmem>>, vector<16xi32>,
      %get3A_214 = vector.shape_cast %get3A_213 : vector<16xi32> to vector<16xi32>
      %add3A_215 = arith.addi %get3A_214, %broadcast_in_dim3A : vector<16xi32>
      %swap3A_216 = arith.constant 1 : i32
      %swap3A_217 = arith.index_cast %swap3A_216 : i32 to index
      %swap3A_218 = arith.constant 64 : index
      %swap3A_219 = tpu.vector_load %arg7[%swap3A_217, %swap3A_218] {strides = array<i32>} : memref<16x128xi32, #tpu.memory_space<vmem>>, vector<1x16xi32>,
      %swap3A_220 = vector.shape_cast %swap3A_219 : vector<1x16xi32> to vector<16xi32>
      %swap3A_221 = vector.shape_cast %add3A_215 : vector<16xi32> to vector<1x16xi32>
      tpu.vector_store %arg7[%swap3A_217, %swap3A_218], %swap3A_221 {strides = array<i32>} : memref<16x128xi32, #tpu.memory_space<vmem>>, vector<1x16xi32>,
      %add3A_222 = arith.constant 208 : i32
      %add3A_223 = arith.addi %mul3A_54, %add3A_222 : i32
      %multiple_of3A_224 = tpu.assume_multiple %add3A_223, 8 : i32
      %get3A_225 = arith.index_cast %multiple_of3A_224 : i32 to index
      %get3A_226 = tpu.vector_load %arg6[%get3A_225] {strides = array<i32>} : memref<1024xi32, #tpu.memory_space<vmem>>, vector<16xi32>,
      %get3A_227 = vector.shape_cast %get3A_226 : vector<16xi32> to vector<16xi32>
      %add3A_228 = arith.addi %get3A_227, %broadcast_in_dim3A : vector<16xi32>
      %swap3A_229 = arith.constant 1 : i32
      %swap3A_230 = arith.index_cast %swap3A_229 : i32 to index
      %swap3A_231 = arith.constant 80 : index
      %swap3A_232 = tpu.vector_load %arg7[%swap3A_230, %swap3A_231] {strides = array<i32>} : memref<16x128xi32, #tpu.memory_space<vmem>>, vector<1x16xi32>,
      %swap3A_233 = vector.shape_cast %swap3A_232 : vector<1x16xi32> to vector<16xi32>
      %swap3A_234 = vector.shape_cast %add3A_228 : vector<16xi32> to vector<1x16xi32>
      tpu.vector_store %arg7[%swap3A_230, %swap3A_231], %swap3A_234 {strides = array<i32>} : memref<16x128xi32, #tpu.memory_space<vmem>>, vector<1x16xi32>,
      %add3A_235 = arith.constant 224 : i32
      %add3A_236 = arith.addi %mul3A_54, %add3A_235 : i32
      %multiple_of3A_237 = tpu.assume_multiple %add3A_236, 8 : i32
      %get3A_238 = arith.index_cast %multiple_of3A_237 : i32 to index
      %get3A_239 = tpu.vector_load %arg6[%get3A_238] {strides = array<i32>} : memref<1024xi32, #tpu.memory_space<vmem>>, vector<16xi32>,
      %get3A_240 = vector.shape_cast %get3A_239 : vector<16xi32> to vector<16xi32>
      %add3A_241 = arith.addi %get3A_240, %broadcast_in_dim3A : vector<16xi32>
      %swap3A_242 = arith.constant 1 : i32
      %swap3A_243 = arith.index_cast %swap3A_242 : i32 to index
      %swap3A_244 = arith.constant 96 : index
      %swap3A_245 = tpu.vector_load %arg7[%swap3A_243, %swap3A_244] {strides = array<i32>} : memref<16x128xi32, #tpu.memory_space<vmem>>, vector<1x16xi32>,
      %swap3A_246 = vector.shape_cast %swap3A_245 : vector<1x16xi32> to vector<16xi32>
      %swap3A_247 = vector.shape_cast %add3A_241 : vector<16xi32> to vector<1x16xi32>
      tpu.vector_store %arg7[%swap3A_243, %swap3A_244], %swap3A_247 {strides = array<i32>} : memref<16x128xi32, #tpu.memory_space<vmem>>, vector<1x16xi32>,
      %add3A_248 = arith.constant 240 : i32
      %add3A_249 = arith.addi %mul3A_54, %add3A_248 : i32
      %multiple_of3A_250 = tpu.assume_multiple %add3A_249, 8 : i32
      %get3A_251 = arith.index_cast %multiple_of3A_250 : i32 to index
      %get3A_252 = tpu.vector_load %arg6[%get3A_251] {strides = array<i32>} : memref<1024xi32, #tpu.memory_space<vmem>>, vector<16xi32>,
      %get3A_253 = vector.shape_cast %get3A_252 : vector<16xi32> to vector<16xi32>
      %add3A_254 = arith.addi %get3A_253, %broadcast_in_dim3A : vector<16xi32>
      %swap3A_255 = arith.constant 1 : i32
      %swap3A_256 = arith.index_cast %swap3A_255 : i32 to index
      %swap3A_257 = arith.constant 112 : index
      %swap3A_258 = tpu.vector_load %arg7[%swap3A_256, %swap3A_257] {strides = array<i32>} : memref<16x128xi32, #tpu.memory_space<vmem>>, vector<1x16xi32>,
      %swap3A_259 = vector.shape_cast %swap3A_258 : vector<1x16xi32> to vector<16xi32>
      %swap3A_260 = vector.shape_cast %add3A_254 : vector<16xi32> to vector<1x16xi32>
      tpu.vector_store %arg7[%swap3A_256, %swap3A_257], %swap3A_260 {strides = array<i32>} : memref<16x128xi32, #tpu.memory_space<vmem>>, vector<1x16xi32>,
      %add3A_261 = arith.constant 1 : i32
      %add3A_262 = arith.addi %mul3A_4, %add3A_261 : i32
      %mul3A_263 = arith.constant 16384 : i32
      %mul3A_264 = arith.muli %add3A_262, %mul3A_263 : i32
      %broadcast_in_dim3A_265 = vector.broadcast %mul3A_264 : i32 to vector<16xi32>
      %jit3A_266 = arith.constant 3 : i32
      %div3A_267 = arith.divsi %add3A_262, %jit3A_266 : i32
      %sign3A_268 = arith.constant 0 : i32
      %sign3A_269 = arith.cmpi sgt, %add3A_262, %sign3A_268 : i32
      %sign3A_270 = arith.extui %sign3A_269 : i1 to i32
      %sign3A_271 = arith.constant 0 : i32
      %sign3A_272 = arith.cmpi slt, %add3A_262, %sign3A_271 : i32
      %sign3A_273 = arith.extui %sign3A_272 : i1 to i32
      %sign3A_274 = arith.subi %sign3A_270, %sign3A_273 : i32
      %sign3A_275 = arith.constant 0 : i32
      %sign3A_276 = arith.cmpi sgt, %jit3A_266, %sign3A_275 : i32
      %sign3A_277 = arith.extui %sign3A_276 : i1 to i32
      %sign3A_278 = arith.constant 0 : i32
      %sign3A_279 = arith.cmpi slt, %jit3A_266, %sign3A_278 : i32
      %sign3A_280 = arith.extui %sign3A_279 : i1 to i32
      %sign3A_281 = arith.subi %sign3A_277, %sign3A_280 : i32
      %ne3A_282 = arith.cmpi ne, %sign3A_274, %sign3A_281 : i32
      %rem3A_283 = arith.remsi %add3A_262, %jit3A_266 : i32
      %ne3A_284 = arith.constant 0 : i32
      %ne3A_285 = arith.cmpi ne, %rem3A_283, %ne3A_284 : i32
      %and3A_286 = arith.andi %ne3A_282, %ne3A_285 : i1
      %sub3A_287 = arith.constant 1 : i32
      %sub3A_288 = arith.subi %div3A_267, %sub3A_287 : i32
      %select_n3A_289 = arith.select %and3A_286, %sub3A_288, %div3A_267 : i32
      %sub3A_290 = arith.subi %select_n3A_289, %min3A_21 : i32
      %mul3A_291 = arith.constant 256 : i32
      %mul3A_292 = arith.muli %sub3A_290, %mul3A_291 : i32
      %add3A_293 = arith.constant 0 : i32
      %add3A_294 = arith.addi %mul3A_292, %add3A_293 : i32
      %multiple_of3A_295 = tpu.assume_multiple %add3A_294, 8 : i32
      %get3A_296 = arith.index_cast %multiple_of3A_295 : i32 to index
      %get3A_297 = tpu.vector_load %arg6[%get3A_296] {strides = array<i32>} : memref<1024xi32, #tpu.memory_space<vmem>>, vector<16xi32>,
      %get3A_298 = vector.shape_cast %get3A_297 : vector<16xi32> to vector<16xi32>
      %add3A_299 = arith.addi %get3A_298, %broadcast_in_dim3A_265 : vector<16xi32>
      %swap3A_300 = arith.constant 2 : i32
      %swap3A_301 = arith.index_cast %swap3A_300 : i32 to index
      %swap3A_302 = arith.constant 0 : index
      %swap3A_303 = tpu.vector_load %arg7[%swap3A_301, %swap3A_302] {strides = array<i32>} : memref<16x128xi32, #tpu.memory_space<vmem>>, vector<1x16xi32>,
      %swap3A_304 = vector.shape_cast %swap3A_303 : vector<1x16xi32> to vector<16xi32>
      %swap3A_305 = vector.shape_cast %add3A_299 : vector<16xi32> to vector<1x16xi32>
      tpu.vector_store %arg7[%swap3A_301, %swap3A_302], %swap3A_305 {strides = array<i32>} : memref<16x128xi32, #tpu.memory_space<vmem>>, vector<1x16xi32>,
      %add3A_306 = arith.constant 16 : i32
      %add3A_307 = arith.addi %mul3A_292, %add3A_306 : i32
      %multiple_of3A_308 = tpu.assume_multiple %add3A_307, 8 : i32
      %get3A_309 = arith.index_cast %multiple_of3A_308 : i32 to index
      %get3A_310 = tpu.vector_load %arg6[%get3A_309] {strides = array<i32>} : memref<1024xi32, #tpu.memory_space<vmem>>, vector<16xi32>,
      %get3A_311 = vector.shape_cast %get3A_310 : vector<16xi32> to vector<16xi32>
      %add3A_312 = arith.addi %get3A_311, %broadcast_in_dim3A_265 : vector<16xi32>
      %swap3A_313 = arith.constant 2 : i32
      %swap3A_314 = arith.index_cast %swap3A_313 : i32 to index
      %swap3A_315 = arith.constant 16 : index
      %swap3A_316 = tpu.vector_load %arg7[%swap3A_314, %swap3A_315] {strides = array<i32>} : memref<16x128xi32, #tpu.memory_space<vmem>>, vector<1x16xi32>,
      %swap3A_317 = vector.shape_cast %swap3A_316 : vector<1x16xi32> to vector<16xi32>
      %swap3A_318 = vector.shape_cast %add3A_312 : vector<16xi32> to vector<1x16xi32>
      tpu.vector_store %arg7[%swap3A_314, %swap3A_315], %swap3A_318 {strides = array<i32>} : memref<16x128xi32, #tpu.memory_space<vmem>>, vector<1x16xi32>,
      %add3A_319 = arith.constant 32 : i32
      %add3A_320 = arith.addi %mul3A_292, %add3A_319 : i32
      %multiple_of3A_321 = tpu.assume_multiple %add3A_320, 8 : i32
      %get3A_322 = arith.index_cast %multiple_of3A_321 : i32 to index
      %get3A_323 = tpu.vector_load %arg6[%get3A_322] {strides = array<i32>} : memref<1024xi32, #tpu.memory_space<vmem>>, vector<16xi32>,
      %get3A_324 = vector.shape_cast %get3A_323 : vector<16xi32> to vector<16xi32>
      %add3A_325 = arith.addi %get3A_324, %broadcast_in_dim3A_265 : vector<16xi32>
      %swap3A_326 = arith.constant 2 : i32
      %swap3A_327 = arith.index_cast %swap3A_326 : i32 to index
      %swap3A_328 = arith.constant 32 : index
      %swap3A_329 = tpu.vector_load %arg7[%swap3A_327, %swap3A_328] {strides = array<i32>} : memref<16x128xi32, #tpu.memory_space<vmem>>, vector<1x16xi32>,
      %swap3A_330 = vector.shape_cast %swap3A_329 : vector<1x16xi32> to vector<16xi32>
      %swap3A_331 = vector.shape_cast %add3A_325 : vector<16xi32> to vector<1x16xi32>
      tpu.vector_store %arg7[%swap3A_327, %swap3A_328], %swap3A_331 {strides = array<i32>} : memref<16x128xi32, #tpu.memory_space<vmem>>, vector<1x16xi32>,
      %add3A_332 = arith.constant 48 : i32
      %add3A_333 = arith.addi %mul3A_292, %add3A_332 : i32
      %multiple_of3A_334 = tpu.assume_multiple %add3A_333, 8 : i32
      %get3A_335 = arith.index_cast %multiple_of3A_334 : i32 to index
      %get3A_336 = tpu.vector_load %arg6[%get3A_335] {strides = array<i32>} : memref<1024xi32, #tpu.memory_space<vmem>>, vector<16xi32>,
      %get3A_337 = vector.shape_cast %get3A_336 : vector<16xi32> to vector<16xi32>
      %add3A_338 = arith.addi %get3A_337, %broadcast_in_dim3A_265 : vector<16xi32>
      %swap3A_339 = arith.constant 2 : i32
      %swap3A_340 = arith.index_cast %swap3A_339 : i32 to index
      %swap3A_341 = arith.constant 48 : index
      %swap3A_342 = tpu.vector_load %arg7[%swap3A_340, %swap3A_341] {strides = array<i32>} : memref<16x128xi32, #tpu.memory_space<vmem>>, vector<1x16xi32>,
      %swap3A_343 = vector.shape_cast %swap3A_342 : vector<1x16xi32> to vector<16xi32>
      %swap3A_344 = vector.shape_cast %add3A_338 : vector<16xi32> to vector<1x16xi32>
      tpu.vector_store %arg7[%swap3A_340, %swap3A_341], %swap3A_344 {strides = array<i32>} : memref<16x128xi32, #tpu.memory_space<vmem>>, vector<1x16xi32>,
      %add3A_345 = arith.constant 64 : i32
      %add3A_346 = arith.addi %mul3A_292, %add3A_345 : i32
      %multiple_of3A_347 = tpu.assume_multiple %add3A_346, 8 : i32
      %get3A_348 = arith.index_cast %multiple_of3A_347 : i32 to index
      %get3A_349 = tpu.vector_load %arg6[%get3A_348] {strides = array<i32>} : memref<1024xi32, #tpu.memory_space<vmem>>, vector<16xi32>,
      %get3A_350 = vector.shape_cast %get3A_349 : vector<16xi32> to vector<16xi32>
      %add3A_351 = arith.addi %get3A_350, %broadcast_in_dim3A_265 : vector<16xi32>
      %swap3A_352 = arith.constant 2 : i32
      %swap3A_353 = arith.index_cast %swap3A_352 : i32 to index
      %swap3A_354 = arith.constant 64 : index
      %swap3A_355 = tpu.vector_load %arg7[%swap3A_353, %swap3A_354] {strides = array<i32>} : memref<16x128xi32, #tpu.memory_space<vmem>>, vector<1x16xi32>,
      %swap3A_356 = vector.shape_cast %swap3A_355 : vector<1x16xi32> to vector<16xi32>
      %swap3A_357 = vector.shape_cast %add3A_351 : vector<16xi32> to vector<1x16xi32>
      tpu.vector_store %arg7[%swap3A_353, %swap3A_354], %swap3A_357 {strides = array<i32>} : memref<16x128xi32, #tpu.memory_space<vmem>>, vector<1x16xi32>,
      %add3A_358 = arith.constant 80 : i32
      %add3A_359 = arith.addi %mul3A_292, %add3A_358 : i32
      %multiple_of3A_360 = tpu.assume_multiple %add3A_359, 8 : i32
      %get3A_361 = arith.index_cast %multiple_of3A_360 : i32 to index
      %get3A_362 = tpu.vector_load %arg6[%get3A_361] {strides = array<i32>} : memref<1024xi32, #tpu.memory_space<vmem>>, vector<16xi32>,
      %get3A_363 = vector.shape_cast %get3A_362 : vector<16xi32> to vector<16xi32>
      %add3A_364 = arith.addi %get3A_363, %broadcast_in_dim3A_265 : vector<16xi32>
      %swap3A_365 = arith.constant 2 : i32
      %swap3A_366 = arith.index_cast %swap3A_365 : i32 to index
      %swap3A_367 = arith.constant 80 : index
      %swap3A_368 = tpu.vector_load %arg7[%swap3A_366, %swap3A_367] {strides = array<i32>} : memref<16x128xi32, #tpu.memory_space<vmem>>, vector<1x16xi32>,
      %swap3A_369 = vector.shape_cast %swap3A_368 : vector<1x16xi32> to vector<16xi32>
      %swap3A_370 = vector.shape_cast %add3A_364 : vector<16xi32> to vector<1x16xi32>
      tpu.vector_store %arg7[%swap3A_366, %swap3A_367], %swap3A_370 {strides = array<i32>} : memref<16x128xi32, #tpu.memory_space<vmem>>, vector<1x16xi32>,
      %add3A_371 = arith.constant 96 : i32
      %add3A_372 = arith.addi %mul3A_292, %add3A_371 : i32
      %multiple_of3A_373 = tpu.assume_multiple %add3A_372, 8 : i32
      %get3A_374 = arith.index_cast %multiple_of3A_373 : i32 to index
      %get3A_375 = tpu.vector_load %arg6[%get3A_374] {strides = array<i32>} : memref<1024xi32, #tpu.memory_space<vmem>>, vector<16xi32>,
      %get3A_376 = vector.shape_cast %get3A_375 : vector<16xi32> to vector<16xi32>
      %add3A_377 = arith.addi %get3A_376, %broadcast_in_dim3A_265 : vector<16xi32>
      %swap3A_378 = arith.constant 2 : i32
      %swap3A_379 = arith.index_cast %swap3A_378 : i32 to index
      %swap3A_380 = arith.constant 96 : index
      %swap3A_381 = tpu.vector_load %arg7[%swap3A_379, %swap3A_380] {strides = array<i32>} : memref<16x128xi32, #tpu.memory_space<vmem>>, vector<1x16xi32>,
      %swap3A_382 = vector.shape_cast %swap3A_381 : vector<1x16xi32> to vector<16xi32>
      %swap3A_383 = vector.shape_cast %add3A_377 : vector<16xi32> to vector<1x16xi32>
      tpu.vector_store %arg7[%swap3A_379, %swap3A_380], %swap3A_383 {strides = array<i32>} : memref<16x128xi32, #tpu.memory_space<vmem>>, vector<1x16xi32>,
      %add3A_384 = arith.constant 112 : i32
      %add3A_385 = arith.addi %mul3A_292, %add3A_384 : i32
      %multiple_of3A_386 = tpu.assume_multiple %add3A_385, 8 : i32
      %get3A_387 = arith.index_cast %multiple_of3A_386 : i32 to index
      %get3A_388 = tpu.vector_load %arg6[%get3A_387] {strides = array<i32>} : memref<1024xi32, #tpu.memory_space<vmem>>, vector<16xi32>,
      %get3A_389 = vector.shape_cast %get3A_388 : vector<16xi32> to vector<16xi32>
      %add3A_390 = arith.addi %get3A_389, %broadcast_in_dim3A_265 : vector<16xi32>
      %swap3A_391 = arith.constant 2 : i32
      %swap3A_392 = arith.index_cast %swap3A_391 : i32 to index
      %swap3A_393 = arith.constant 112 : index
      %swap3A_394 = tpu.vector_load %arg7[%swap3A_392, %swap3A_393] {strides = array<i32>} : memref<16x128xi32, #tpu.memory_space<vmem>>, vector<1x16xi32>,
      %swap3A_395 = vector.shape_cast %swap3A_394 : vector<1x16xi32> to vector<16xi32>
      %swap3A_396 = vector.shape_cast %add3A_390 : vector<16xi32> to vector<1x16xi32>
      tpu.vector_store %arg7[%swap3A_392, %swap3A_393], %swap3A_396 {strides = array<i32>} : memref<16x128xi32, #tpu.memory_space<vmem>>, vector<1x16xi32>,
      %add3A_397 = arith.constant 128 : i32
      %add3A_398 = arith.addi %mul3A_292, %add3A_397 : i32
      %multiple_of3A_399 = tpu.assume_multiple %add3A_398, 8 : i32
      %get3A_400 = arith.index_cast %multiple_of3A_399 : i32 to index
      %get3A_401 = tpu.vector_load %arg6[%get3A_400] {strides = array<i32>} : memref<1024xi32, #tpu.memory_space<vmem>>, vector<16xi32>,
      %get3A_402 = vector.shape_cast %get3A_401 : vector<16xi32> to vector<16xi32>
      %add3A_403 = arith.addi %get3A_402, %broadcast_in_dim3A_265 : vector<16xi32>
      %swap3A_404 = arith.constant 3 : i32
      %swap3A_405 = arith.index_cast %swap3A_404 : i32 to index
      %swap3A_406 = arith.constant 0 : index
      %swap3A_407 = tpu.vector_load %arg7[%swap3A_405, %swap3A_406] {strides = array<i32>} : memref<16x128xi32, #tpu.memory_space<vmem>>, vector<1x16xi32>,
      %swap3A_408 = vector.shape_cast %swap3A_407 : vector<1x16xi32> to vector<16xi32>
      %swap3A_409 = vector.shape_cast %add3A_403 : vector<16xi32> to vector<1x16xi32>
      tpu.vector_store %arg7[%swap3A_405, %swap3A_406], %swap3A_409 {strides = array<i32>} : memref<16x128xi32, #tpu.memory_space<vmem>>, vector<1x16xi32>,
      %add3A_410 = arith.constant 144 : i32
      %add3A_411 = arith.addi %mul3A_292, %add3A_410 : i32
      %multiple_of3A_412 = tpu.assume_multiple %add3A_411, 8 : i32
      %get3A_413 = arith.index_cast %multiple_of3A_412 : i32 to index
      %get3A_414 = tpu.vector_load %arg6[%get3A_413] {strides = array<i32>} : memref<1024xi32, #tpu.memory_space<vmem>>, vector<16xi32>,
      %get3A_415 = vector.shape_cast %get3A_414 : vector<16xi32> to vector<16xi32>
      %add3A_416 = arith.addi %get3A_415, %broadcast_in_dim3A_265 : vector<16xi32>
      %swap3A_417 = arith.constant 3 : i32
      %swap3A_418 = arith.index_cast %swap3A_417 : i32 to index
      %swap3A_419 = arith.constant 16 : index
      %swap3A_420 = tpu.vector_load %arg7[%swap3A_418, %swap3A_419] {strides = array<i32>} : memref<16x128xi32, #tpu.memory_space<vmem>>, vector<1x16xi32>,
      %swap3A_421 = vector.shape_cast %swap3A_420 : vector<1x16xi32> to vector<16xi32>
      %swap3A_422 = vector.shape_cast %add3A_416 : vector<16xi32> to vector<1x16xi32>
      tpu.vector_store %arg7[%swap3A_418, %swap3A_419], %swap3A_422 {strides = array<i32>} : memref<16x128xi32, #tpu.memory_space<vmem>>, vector<1x16xi32>,
      %add3A_423 = arith.constant 160 : i32
      %add3A_424 = arith.addi %mul3A_292, %add3A_423 : i32
      %multiple_of3A_425 = tpu.assume_multiple %add3A_424, 8 : i32
      %get3A_426 = arith.index_cast %multiple_of3A_425 : i32 to index
      %get3A_427 = tpu.vector_load %arg6[%get3A_426] {strides = array<i32>} : memref<1024xi32, #tpu.memory_space<vmem>>, vector<16xi32>,
      %get3A_428 = vector.shape_cast %get3A_427 : vector<16xi32> to vector<16xi32>
      %add3A_429 = arith.addi %get3A_428, %broadcast_in_dim3A_265 : vector<16xi32>
      %swap3A_430 = arith.constant 3 : i32
      %swap3A_431 = arith.index_cast %swap3A_430 : i32 to index
      %swap3A_432 = arith.constant 32 : index
      %swap3A_433 = tpu.vector_load %arg7[%swap3A_431, %swap3A_432] {strides = array<i32>} : memref<16x128xi32, #tpu.memory_space<vmem>>, vector<1x16xi32>,
      %swap3A_434 = vector.shape_cast %swap3A_433 : vector<1x16xi32> to vector<16xi32>
      %swap3A_435 = vector.shape_cast %add3A_429 : vector<16xi32> to vector<1x16xi32>
      tpu.vector_store %arg7[%swap3A_431, %swap3A_432], %swap3A_435 {strides = array<i32>} : memref<16x128xi32, #tpu.memory_space<vmem>>, vector<1x16xi32>,
      %add3A_436 = arith.constant 176 : i32
      %add3A_437 = arith.addi %mul3A_292, %add3A_436 : i32
      %multiple_of3A_438 = tpu.assume_multiple %add3A_437, 8 : i32
      %get3A_439 = arith.index_cast %multiple_of3A_438 : i32 to index
      %get3A_440 = tpu.vector_load %arg6[%get3A_439] {strides = array<i32>} : memref<1024xi32, #tpu.memory_space<vmem>>, vector<16xi32>,
      %get3A_441 = vector.shape_cast %get3A_440 : vector<16xi32> to vector<16xi32>
      %add3A_442 = arith.addi %get3A_441, %broadcast_in_dim3A_265 : vector<16xi32>
      %swap3A_443 = arith.constant 3 : i32
      %swap3A_444 = arith.index_cast %swap3A_443 : i32 to index
      %swap3A_445 = arith.constant 48 : index
      %swap3A_446 = tpu.vector_load %arg7[%swap3A_444, %swap3A_445] {strides = array<i32>} : memref<16x128xi32, #tpu.memory_space<vmem>>, vector<1x16xi32>,
      %swap3A_447 = vector.shape_cast %swap3A_446 : vector<1x16xi32> to vector<16xi32>
      %swap3A_448 = vector.shape_cast %add3A_442 : vector<16xi32> to vector<1x16xi32>
      tpu.vector_store %arg7[%swap3A_444, %swap3A_445], %swap3A_448 {strides = array<i32>} : memref<16x128xi32, #tpu.memory_space<vmem>>, vector<1x16xi32>,
      %add3A_449 = arith.constant 192 : i32
      %add3A_450 = arith.addi %mul3A_292, %add3A_449 : i32
      %multiple_of3A_451 = tpu.assume_multiple %add3A_450, 8 : i32
      %get3A_452 = arith.index_cast %multiple_of3A_451 : i32 to index
      %get3A_453 = tpu.vector_load %arg6[%get3A_452] {strides = array<i32>} : memref<1024xi32, #tpu.memory_space<vmem>>, vector<16xi32>,
      %get3A_454 = vector.shape_cast %get3A_453 : vector<16xi32> to vector<16xi32>
      %add3A_455 = arith.addi %get3A_454, %broadcast_in_dim3A_265 : vector<16xi32>
      %swap3A_456 = arith.constant 3 : i32
      %swap3A_457 = arith.index_cast %swap3A_456 : i32 to index
      %swap3A_458 = arith.constant 64 : index
      %swap3A_459 = tpu.vector_load %arg7[%swap3A_457, %swap3A_458] {strides = array<i32>} : memref<16x128xi32, #tpu.memory_space<vmem>>, vector<1x16xi32>,
      %swap3A_460 = vector.shape_cast %swap3A_459 : vector<1x16xi32> to vector<16xi32>
      %swap3A_461 = vector.shape_cast %add3A_455 : vector<16xi32> to vector<1x16xi32>
      tpu.vector_store %arg7[%swap3A_457, %swap3A_458], %swap3A_461 {strides = array<i32>} : memref<16x128xi32, #tpu.memory_space<vmem>>, vector<1x16xi32>,
      %add3A_462 = arith.constant 208 : i32
      %add3A_463 = arith.addi %mul3A_292, %add3A_462 : i32
      %multiple_of3A_464 = tpu.assume_multiple %add3A_463, 8 : i32
      %get3A_465 = arith.index_cast %multiple_of3A_464 : i32 to index
      %get3A_466 = tpu.vector_load %arg6[%get3A_465] {strides = array<i32>} : memref<1024xi32, #tpu.memory_space<vmem>>, vector<16xi32>,
      %get3A_467 = vector.shape_cast %get3A_466 : vector<16xi32> to vector<16xi32>
      %add3A_468 = arith.addi %get3A_467, %broadcast_in_dim3A_265 : vector<16xi32>
      %swap3A_469 = arith.constant 3 : i32
      %swap3A_470 = arith.index_cast %swap3A_469 : i32 to index
      %swap3A_471 = arith.constant 80 : index
      %swap3A_472 = tpu.vector_load %arg7[%swap3A_470, %swap3A_471] {strides = array<i32>} : memref<16x128xi32, #tpu.memory_space<vmem>>, vector<1x16xi32>,
      %swap3A_473 = vector.shape_cast %swap3A_472 : vector<1x16xi32> to vector<16xi32>
      %swap3A_474 = vector.shape_cast %add3A_468 : vector<16xi32> to vector<1x16xi32>
      tpu.vector_store %arg7[%swap3A_470, %swap3A_471], %swap3A_474 {strides = array<i32>} : memref<16x128xi32, #tpu.memory_space<vmem>>, vector<1x16xi32>,
      %add3A_475 = arith.constant 224 : i32
      %add3A_476 = arith.addi %mul3A_292, %add3A_475 : i32
      %multiple_of3A_477 = tpu.assume_multiple %add3A_476, 8 : i32
      %get3A_478 = arith.index_cast %multiple_of3A_477 : i32 to index
      %get3A_479 = tpu.vector_load %arg6[%get3A_478] {strides = array<i32>} : memref<1024xi32, #tpu.memory_space<vmem>>, vector<16xi32>,
      %get3A_480 = vector.shape_cast %get3A_479 : vector<16xi32> to vector<16xi32>
      %add3A_481 = arith.addi %get3A_480, %broadcast_in_dim3A_265 : vector<16xi32>
      %swap3A_482 = arith.constant 3 : i32
      %swap3A_483 = arith.index_cast %swap3A_482 : i32 to index
      %swap3A_484 = arith.constant 96 : index
      %swap3A_485 = tpu.vector_load %arg7[%swap3A_483, %swap3A_484] {strides = array<i32>} : memref<16x128xi32, #tpu.memory_space<vmem>>, vector<1x16xi32>,
      %swap3A_486 = vector.shape_cast %swap3A_485 : vector<1x16xi32> to vector<16xi32>
      %swap3A_487 = vector.shape_cast %add3A_481 : vector<16xi32> to vector<1x16xi32>
      tpu.vector_store %arg7[%swap3A_483, %swap3A_484], %swap3A_487 {strides = array<i32>} : memref<16x128xi32, #tpu.memory_space<vmem>>, vector<1x16xi32>,
      %add3A_488 = arith.constant 240 : i32
      %add3A_489 = arith.addi %mul3A_292, %add3A_488 : i32
      %multiple_of3A_490 = tpu.assume_multiple %add3A_489, 8 : i32
      %get3A_491 = arith.index_cast %multiple_of3A_490 : i32 to index
      %get3A_492 = tpu.vector_load %arg6[%get3A_491] {strides = array<i32>} : memref<1024xi32, #tpu.memory_space<vmem>>, vector<16xi32>,
      %get3A_493 = vector.shape_cast %get3A_492 : vector<16xi32> to vector<16xi32>
      %add3A_494 = arith.addi %get3A_493, %broadcast_in_dim3A_265 : vector<16xi32>
      %swap3A_495 = arith.constant 3 : i32
      %swap3A_496 = arith.index_cast %swap3A_495 : i32 to index
      %swap3A_497 = arith.constant 112 : index
      %swap3A_498 = tpu.vector_load %arg7[%swap3A_496, %swap3A_497] {strides = array<i32>} : memref<16x128xi32, #tpu.memory_space<vmem>>, vector<1x16xi32>,
      %swap3A_499 = vector.shape_cast %swap3A_498 : vector<1x16xi32> to vector<16xi32>
      %swap3A_500 = vector.shape_cast %add3A_494 : vector<16xi32> to vector<1x16xi32>
      tpu.vector_store %arg7[%swap3A_496, %swap3A_497], %swap3A_500 {strides = array<i32>} : memref<16x128xi32, #tpu.memory_space<vmem>>, vector<1x16xi32>,
      %add3A_501 = arith.constant 2 : i32
      %add3A_502 = arith.addi %mul3A_4, %add3A_501 : i32
      %mul3A_503 = arith.constant 16384 : i32
      %mul3A_504 = arith.muli %add3A_502, %mul3A_503 : i32
      %broadcast_in_dim3A_505 = vector.broadcast %mul3A_504 : i32 to vector<16xi32>
      %jit3A_506 = arith.constant 3 : i32
      %div3A_507 = arith.divsi %add3A_502, %jit3A_506 : i32
      %sign3A_508 = arith.constant 0 : i32
      %sign3A_509 = arith.cmpi sgt, %add3A_502, %sign3A_508 : i32
      %sign3A_510 = arith.extui %sign3A_509 : i1 to i32
      %sign3A_511 = arith.constant 0 : i32
      %sign3A_512 = arith.cmpi slt, %add3A_502, %sign3A_511 : i32
      %sign3A_513 = arith.extui %sign3A_512 : i1 to i32
      %sign3A_514 = arith.subi %sign3A_510, %sign3A_513 : i32
      %sign3A_515 = arith.constant 0 : i32
      %sign3A_516 = arith.cmpi sgt, %jit3A_506, %sign3A_515 : i32
      %sign3A_517 = arith.extui %sign3A_516 : i1 to i32
      %sign3A_518 = arith.constant 0 : i32
      %sign3A_519 = arith.cmpi slt, %jit3A_506, %sign3A_518 : i32
      %sign3A_520 = arith.extui %sign3A_519 : i1 to i32
      %sign3A_521 = arith.subi %sign3A_517, %sign3A_520 : i32
      %ne3A_522 = arith.cmpi ne, %sign3A_514, %sign3A_521 : i32
      %rem3A_523 = arith.remsi %add3A_502, %jit3A_506 : i32
      %ne3A_524 = arith.constant 0 : i32
      %ne3A_525 = arith.cmpi ne, %rem3A_523, %ne3A_524 : i32
      %and3A_526 = arith.andi %ne3A_522, %ne3A_525 : i1
      %sub3A_527 = arith.constant 1 : i32
      %sub3A_528 = arith.subi %div3A_507, %sub3A_527 : i32
      %select_n3A_529 = arith.select %and3A_526, %sub3A_528, %div3A_507 : i32
      %sub3A_530 = arith.subi %select_n3A_529, %min3A_21 : i32
      %mul3A_531 = arith.constant 256 : i32
      %mul3A_532 = arith.muli %sub3A_530, %mul3A_531 : i32
      %add3A_533 = arith.constant 0 : i32
      %add3A_534 = arith.addi %mul3A_532, %add3A_533 : i32
      %multiple_of3A_535 = tpu.assume_multiple %add3A_534, 8 : i32
      %get3A_536 = arith.index_cast %multiple_of3A_535 : i32 to index
      %get3A_537 = tpu.vector_load %arg6[%get3A_536] {strides = array<i32>} : memref<1024xi32, #tpu.memory_space<vmem>>, vector<16xi32>,
      %get3A_538 = vector.shape_cast %get3A_537 : vector<16xi32> to vector<16xi32>
      %add3A_539 = arith.addi %get3A_538, %broadcast_in_dim3A_505 : vector<16xi32>
      %swap3A_540 = arith.constant 4 : i32
      %swap3A_541 = arith.index_cast %swap3A_540 : i32 to index
      %swap3A_542 = arith.constant 0 : index
      %swap3A_543 = tpu.vector_load %arg7[%swap3A_541, %swap3A_542] {strides = array<i32>} : memref<16x128xi32, #tpu.memory_space<vmem>>, vector<1x16xi32>,
      %swap3A_544 = vector.shape_cast %swap3A_543 : vector<1x16xi32> to vector<16xi32>
      %swap3A_545 = vector.shape_cast %add3A_539 : vector<16xi32> to vector<1x16xi32>
      tpu.vector_store %arg7[%swap3A_541, %swap3A_542], %swap3A_545 {strides = array<i32>} : memref<16x128xi32, #tpu.memory_space<vmem>>, vector<1x16xi32>,
      %add3A_546 = arith.constant 16 : i32
      %add3A_547 = arith.addi %mul3A_532, %add3A_546 : i32
      %multiple_of3A_548 = tpu.assume_multiple %add3A_547, 8 : i32
      %get3A_549 = arith.index_cast %multiple_of3A_548 : i32 to index
      %get3A_550 = tpu.vector_load %arg6[%get3A_549] {strides = array<i32>} : memref<1024xi32, #tpu.memory_space<vmem>>, vector<16xi32>,
      %get3A_551 = vector.shape_cast %get3A_550 : vector<16xi32> to vector<16xi32>
      %add3A_552 = arith.addi %get3A_551, %broadcast_in_dim3A_505 : vector<16xi32>
      %swap3A_553 = arith.constant 4 : i32
      %swap3A_554 = arith.index_cast %swap3A_553 : i32 to index
      %swap3A_555 = arith.constant 16 : index
      %swap3A_556 = tpu.vector_load %arg7[%swap3A_554, %swap3A_555] {strides = array<i32>} : memref<16x128xi32, #tpu.memory_space<vmem>>, vector<1x16xi32>,
      %swap3A_557 = vector.shape_cast %swap3A_556 : vector<1x16xi32> to vector<16xi32>
      %swap3A_558 = vector.shape_cast %add3A_552 : vector<16xi32> to vector<1x16xi32>
      tpu.vector_store %arg7[%swap3A_554, %swap3A_555], %swap3A_558 {strides = array<i32>} : memref<16x128xi32, #tpu.memory_space<vmem>>, vector<1x16xi32>,
      %add3A_559 = arith.constant 32 : i32
      %add3A_560 = arith.addi %mul3A_532, %add3A_559 : i32
      %multiple_of3A_561 = tpu.assume_multiple %add3A_560, 8 : i32
      %get3A_562 = arith.index_cast %multiple_of3A_561 : i32 to index
      %get3A_563 = tpu.vector_load %arg6[%get3A_562] {strides = array<i32>} : memref<1024xi32, #tpu.memory_space<vmem>>, vector<16xi32>,
      %get3A_564 = vector.shape_cast %get3A_563 : vector<16xi32> to vector<16xi32>
      %add3A_565 = arith.addi %get3A_564, %broadcast_in_dim3A_505 : vector<16xi32>
      %swap3A_566 = arith.constant 4 : i32
      %swap3A_567 = arith.index_cast %swap3A_566 : i32 to index
      %swap3A_568 = arith.constant 32 : index
      %swap3A_569 = tpu.vector_load %arg7[%swap3A_567, %swap3A_568] {strides = array<i32>} : memref<16x128xi32, #tpu.memory_space<vmem>>, vector<1x16xi32>,
      %swap3A_570 = vector.shape_cast %swap3A_569 : vector<1x16xi32> to vector<16xi32>
      %swap3A_571 = vector.shape_cast %add3A_565 : vector<16xi32> to vector<1x16xi32>
      tpu.vector_store %arg7[%swap3A_567, %swap3A_568], %swap3A_571 {strides = array<i32>} : memref<16x128xi32, #tpu.memory_space<vmem>>, vector<1x16xi32>,
      %add3A_572 = arith.constant 48 : i32
      %add3A_573 = arith.addi %mul3A_532, %add3A_572 : i32
      %multiple_of3A_574 = tpu.assume_multiple %add3A_573, 8 : i32
      %get3A_575 = arith.index_cast %multiple_of3A_574 : i32 to index
      %get3A_576 = tpu.vector_load %arg6[%get3A_575] {strides = array<i32>} : memref<1024xi32, #tpu.memory_space<vmem>>, vector<16xi32>,
      %get3A_577 = vector.shape_cast %get3A_576 : vector<16xi32> to vector<16xi32>
      %add3A_578 = arith.addi %get3A_577, %broadcast_in_dim3A_505 : vector<16xi32>
      %swap3A_579 = arith.constant 4 : i32
      %swap3A_580 = arith.index_cast %swap3A_579 : i32 to index
      %swap3A_581 = arith.constant 48 : index
      %swap3A_582 = tpu.vector_load %arg7[%swap3A_580, %swap3A_581] {strides = array<i32>} : memref<16x128xi32, #tpu.memory_space<vmem>>, vector<1x16xi32>,
      %swap3A_583 = vector.shape_cast %swap3A_582 : vector<1x16xi32> to vector<16xi32>
      %swap3A_584 = vector.shape_cast %add3A_578 : vector<16xi32> to vector<1x16xi32>
      tpu.vector_store %arg7[%swap3A_580, %swap3A_581], %swap3A_584 {strides = array<i32>} : memref<16x128xi32, #tpu.memory_space<vmem>>, vector<1x16xi32>,
      %add3A_585 = arith.constant 64 : i32
      %add3A_586 = arith.addi %mul3A_532, %add3A_585 : i32
      %multiple_of3A_587 = tpu.assume_multiple %add3A_586, 8 : i32
      %get3A_588 = arith.index_cast %multiple_of3A_587 : i32 to index
      %get3A_589 = tpu.vector_load %arg6[%get3A_588] {strides = array<i32>} : memref<1024xi32, #tpu.memory_space<vmem>>, vector<16xi32>,
      %get3A_590 = vector.shape_cast %get3A_589 : vector<16xi32> to vector<16xi32>
      %add3A_591 = arith.addi %get3A_590, %broadcast_in_dim3A_505 : vector<16xi32>
      %swap3A_592 = arith.constant 4 : i32
      %swap3A_593 = arith.index_cast %swap3A_592 : i32 to index
      %swap3A_594 = arith.constant 64 : index
      %swap3A_595 = tpu.vector_load %arg7[%swap3A_593, %swap3A_594] {strides = array<i32>} : memref<16x128xi32, #tpu.memory_space<vmem>>, vector<1x16xi32>,
      %swap3A_596 = vector.shape_cast %swap3A_595 : vector<1x16xi32> to vector<16xi32>
      %swap3A_597 = vector.shape_cast %add3A_591 : vector<16xi32> to vector<1x16xi32>
      tpu.vector_store %arg7[%swap3A_593, %swap3A_594], %swap3A_597 {strides = array<i32>} : memref<16x128xi32, #tpu.memory_space<vmem>>, vector<1x16xi32>,
      %add3A_598 = arith.constant 80 : i32
      %add3A_599 = arith.addi %mul3A_532, %add3A_598 : i32
      %multiple_of3A_600 = tpu.assume_multiple %add3A_599, 8 : i32
      %get3A_601 = arith.index_cast %multiple_of3A_600 : i32 to index
      %get3A_602 = tpu.vector_load %arg6[%get3A_601] {strides = array<i32>} : memref<1024xi32, #tpu.memory_space<vmem>>, vector<16xi32>,
      %get3A_603 = vector.shape_cast %get3A_602 : vector<16xi32> to vector<16xi32>
      %add3A_604 = arith.addi %get3A_603, %broadcast_in_dim3A_505 : vector<16xi32>
      %swap3A_605 = arith.constant 4 : i32
      %swap3A_606 = arith.index_cast %swap3A_605 : i32 to index
      %swap3A_607 = arith.constant 80 : index
      %swap3A_608 = tpu.vector_load %arg7[%swap3A_606, %swap3A_607] {strides = array<i32>} : memref<16x128xi32, #tpu.memory_space<vmem>>, vector<1x16xi32>,
      %swap3A_609 = vector.shape_cast %swap3A_608 : vector<1x16xi32> to vector<16xi32>
      %swap3A_610 = vector.shape_cast %add3A_604 : vector<16xi32> to vector<1x16xi32>
      tpu.vector_store %arg7[%swap3A_606, %swap3A_607], %swap3A_610 {strides = array<i32>} : memref<16x128xi32, #tpu.memory_space<vmem>>, vector<1x16xi32>,
      %add3A_611 = arith.constant 96 : i32
      %add3A_612 = arith.addi %mul3A_532, %add3A_611 : i32
      %multiple_of3A_613 = tpu.assume_multiple %add3A_612, 8 : i32
      %get3A_614 = arith.index_cast %multiple_of3A_613 : i32 to index
      %get3A_615 = tpu.vector_load %arg6[%get3A_614] {strides = array<i32>} : memref<1024xi32, #tpu.memory_space<vmem>>, vector<16xi32>,
      %get3A_616 = vector.shape_cast %get3A_615 : vector<16xi32> to vector<16xi32>
      %add3A_617 = arith.addi %get3A_616, %broadcast_in_dim3A_505 : vector<16xi32>
      %swap3A_618 = arith.constant 4 : i32
      %swap3A_619 = arith.index_cast %swap3A_618 : i32 to index
      %swap3A_620 = arith.constant 96 : index
      %swap3A_621 = tpu.vector_load %arg7[%swap3A_619, %swap3A_620] {strides = array<i32>} : memref<16x128xi32, #tpu.memory_space<vmem>>, vector<1x16xi32>,
      %swap3A_622 = vector.shape_cast %swap3A_621 : vector<1x16xi32> to vector<16xi32>
      %swap3A_623 = vector.shape_cast %add3A_617 : vector<16xi32> to vector<1x16xi32>
      tpu.vector_store %arg7[%swap3A_619, %swap3A_620], %swap3A_623 {strides = array<i32>} : memref<16x128xi32, #tpu.memory_space<vmem>>, vector<1x16xi32>,
      %add3A_624 = arith.constant 112 : i32
      %add3A_625 = arith.addi %mul3A_532, %add3A_624 : i32
      %multiple_of3A_626 = tpu.assume_multiple %add3A_625, 8 : i32
      %get3A_627 = arith.index_cast %multiple_of3A_626 : i32 to index
      %get3A_628 = tpu.vector_load %arg6[%get3A_627] {strides = array<i32>} : memref<1024xi32, #tpu.memory_space<vmem>>, vector<16xi32>,
      %get3A_629 = vector.shape_cast %get3A_628 : vector<16xi32> to vector<16xi32>
      %add3A_630 = arith.addi %get3A_629, %broadcast_in_dim3A_505 : vector<16xi32>
      %swap3A_631 = arith.constant 4 : i32
      %swap3A_632 = arith.index_cast %swap3A_631 : i32 to index
      %swap3A_633 = arith.constant 112 : index
      %swap3A_634 = tpu.vector_load %arg7[%swap3A_632, %swap3A_633] {strides = array<i32>} : memref<16x128xi32, #tpu.memory_space<vmem>>, vector<1x16xi32>,
      %swap3A_635 = vector.shape_cast %swap3A_634 : vector<1x16xi32> to vector<16xi32>
      %swap3A_636 = vector.shape_cast %add3A_630 : vector<16xi32> to vector<1x16xi32>
      tpu.vector_store %arg7[%swap3A_632, %swap3A_633], %swap3A_636 {strides = array<i32>} : memref<16x128xi32, #tpu.memory_space<vmem>>, vector<1x16xi32>,
      %add3A_637 = arith.constant 128 : i32
      %add3A_638 = arith.addi %mul3A_532, %add3A_637 : i32
      %multiple_of3A_639 = tpu.assume_multiple %add3A_638, 8 : i32
      %get3A_640 = arith.index_cast %multiple_of3A_639 : i32 to index
      %get3A_641 = tpu.vector_load %arg6[%get3A_640] {strides = array<i32>} : memref<1024xi32, #tpu.memory_space<vmem>>, vector<16xi32>,
      %get3A_642 = vector.shape_cast %get3A_641 : vector<16xi32> to vector<16xi32>
      %add3A_643 = arith.addi %get3A_642, %broadcast_in_dim3A_505 : vector<16xi32>
      %swap3A_644 = arith.constant 5 : i32
      %swap3A_645 = arith.index_cast %swap3A_644 : i32 to index
      %swap3A_646 = arith.constant 0 : index
      %swap3A_647 = tpu.vector_load %arg7[%swap3A_645, %swap3A_646] {strides = array<i32>} : memref<16x128xi32, #tpu.memory_space<vmem>>, vector<1x16xi32>,
      %swap3A_648 = vector.shape_cast %swap3A_647 : vector<1x16xi32> to vector<16xi32>
      %swap3A_649 = vector.shape_cast %add3A_643 : vector<16xi32> to vector<1x16xi32>
      tpu.vector_store %arg7[%swap3A_645, %swap3A_646], %swap3A_649 {strides = array<i32>} : memref<16x128xi32, #tpu.memory_space<vmem>>, vector<1x16xi32>,
      %add3A_650 = arith.constant 144 : i32
      %add3A_651 = arith.addi %mul3A_532, %add3A_650 : i32
      %multiple_of3A_652 = tpu.assume_multiple %add3A_651, 8 : i32
      %get3A_653 = arith.index_cast %multiple_of3A_652 : i32 to index
      %get3A_654 = tpu.vector_load %arg6[%get3A_653] {strides = array<i32>} : memref<1024xi32, #tpu.memory_space<vmem>>, vector<16xi32>,
      %get3A_655 = vector.shape_cast %get3A_654 : vector<16xi32> to vector<16xi32>
      %add3A_656 = arith.addi %get3A_655, %broadcast_in_dim3A_505 : vector<16xi32>
      %swap3A_657 = arith.constant 5 : i32
      %swap3A_658 = arith.index_cast %swap3A_657 : i32 to index
      %swap3A_659 = arith.constant 16 : index
      %swap3A_660 = tpu.vector_load %arg7[%swap3A_658, %swap3A_659] {strides = array<i32>} : memref<16x128xi32, #tpu.memory_space<vmem>>, vector<1x16xi32>,
      %swap3A_661 = vector.shape_cast %swap3A_660 : vector<1x16xi32> to vector<16xi32>
      %swap3A_662 = vector.shape_cast %add3A_656 : vector<16xi32> to vector<1x16xi32>
      tpu.vector_store %arg7[%swap3A_658, %swap3A_659], %swap3A_662 {strides = array<i32>} : memref<16x128xi32, #tpu.memory_space<vmem>>, vector<1x16xi32>,
      %add3A_663 = arith.constant 160 : i32
      %add3A_664 = arith.addi %mul3A_532, %add3A_663 : i32
      %multiple_of3A_665 = tpu.assume_multiple %add3A_664, 8 : i32
      %get3A_666 = arith.index_cast %multiple_of3A_665 : i32 to index
      %get3A_667 = tpu.vector_load %arg6[%get3A_666] {strides = array<i32>} : memref<1024xi32, #tpu.memory_space<vmem>>, vector<16xi32>,
      %get3A_668 = vector.shape_cast %get3A_667 : vector<16xi32> to vector<16xi32>
      %add3A_669 = arith.addi %get3A_668, %broadcast_in_dim3A_505 : vector<16xi32>
      %swap3A_670 = arith.constant 5 : i32
      %swap3A_671 = arith.index_cast %swap3A_670 : i32 to index
      %swap3A_672 = arith.constant 32 : index
      %swap3A_673 = tpu.vector_load %arg7[%swap3A_671, %swap3A_672] {strides = array<i32>} : memref<16x128xi32, #tpu.memory_space<vmem>>, vector<1x16xi32>,
      %swap3A_674 = vector.shape_cast %swap3A_673 : vector<1x16xi32> to vector<16xi32>
      %swap3A_675 = vector.shape_cast %add3A_669 : vector<16xi32> to vector<1x16xi32>
      tpu.vector_store %arg7[%swap3A_671, %swap3A_672], %swap3A_675 {strides = array<i32>} : memref<16x128xi32, #tpu.memory_space<vmem>>, vector<1x16xi32>,
      %add3A_676 = arith.constant 176 : i32
      %add3A_677 = arith.addi %mul3A_532, %add3A_676 : i32
      %multiple_of3A_678 = tpu.assume_multiple %add3A_677, 8 : i32
      %get3A_679 = arith.index_cast %multiple_of3A_678 : i32 to index
      %get3A_680 = tpu.vector_load %arg6[%get3A_679] {strides = array<i32>} : memref<1024xi32, #tpu.memory_space<vmem>>, vector<16xi32>,
      %get3A_681 = vector.shape_cast %get3A_680 : vector<16xi32> to vector<16xi32>
      %add3A_682 = arith.addi %get3A_681, %broadcast_in_dim3A_505 : vector<16xi32>
      %swap3A_683 = arith.constant 5 : i32
      %swap3A_684 = arith.index_cast %swap3A_683 : i32 to index
      %swap3A_685 = arith.constant 48 : index
      %swap3A_686 = tpu.vector_load %arg7[%swap3A_684, %swap3A_685] {strides = array<i32>} : memref<16x128xi32, #tpu.memory_space<vmem>>, vector<1x16xi32>,
      %swap3A_687 = vector.shape_cast %swap3A_686 : vector<1x16xi32> to vector<16xi32>
      %swap3A_688 = vector.shape_cast %add3A_682 : vector<16xi32> to vector<1x16xi32>
      tpu.vector_store %arg7[%swap3A_684, %swap3A_685], %swap3A_688 {strides = array<i32>} : memref<16x128xi32, #tpu.memory_space<vmem>>, vector<1x16xi32>,
      %add3A_689 = arith.constant 192 : i32
      %add3A_690 = arith.addi %mul3A_532, %add3A_689 : i32
      %multiple_of3A_691 = tpu.assume_multiple %add3A_690, 8 : i32
      %get3A_692 = arith.index_cast %multiple_of3A_691 : i32 to index
      %get3A_693 = tpu.vector_load %arg6[%get3A_692] {strides = array<i32>} : memref<1024xi32, #tpu.memory_space<vmem>>, vector<16xi32>,
      %get3A_694 = vector.shape_cast %get3A_693 : vector<16xi32> to vector<16xi32>
      %add3A_695 = arith.addi %get3A_694, %broadcast_in_dim3A_505 : vector<16xi32>
      %swap3A_696 = arith.constant 5 : i32
      %swap3A_697 = arith.index_cast %swap3A_696 : i32 to index
      %swap3A_698 = arith.constant 64 : index
      %swap3A_699 = tpu.vector_load %arg7[%swap3A_697, %swap3A_698] {strides = array<i32>} : memref<16x128xi32, #tpu.memory_space<vmem>>, vector<1x16xi32>,
      %swap3A_700 = vector.shape_cast %swap3A_699 : vector<1x16xi32> to vector<16xi32>
      %swap3A_701 = vector.shape_cast %add3A_695 : vector<16xi32> to vector<1x16xi32>
      tpu.vector_store %arg7[%swap3A_697, %swap3A_698], %swap3A_701 {strides = array<i32>} : memref<16x128xi32, #tpu.memory_space<vmem>>, vector<1x16xi32>,
      %add3A_702 = arith.constant 208 : i32
      %add3A_703 = arith.addi %mul3A_532, %add3A_702 : i32
      %multiple_of3A_704 = tpu.assume_multiple %add3A_703, 8 : i32
      %get3A_705 = arith.index_cast %multiple_of3A_704 : i32 to index
      %get3A_706 = tpu.vector_load %arg6[%get3A_705] {strides = array<i32>} : memref<1024xi32, #tpu.memory_space<vmem>>, vector<16xi32>,
      %get3A_707 = vector.shape_cast %get3A_706 : vector<16xi32> to vector<16xi32>
      %add3A_708 = arith.addi %get3A_707, %broadcast_in_dim3A_505 : vector<16xi32>
      %swap3A_709 = arith.constant 5 : i32
      %swap3A_710 = arith.index_cast %swap3A_709 : i32 to index
      %swap3A_711 = arith.constant 80 : index
      %swap3A_712 = tpu.vector_load %arg7[%swap3A_710, %swap3A_711] {strides = array<i32>} : memref<16x128xi32, #tpu.memory_space<vmem>>, vector<1x16xi32>,
      %swap3A_713 = vector.shape_cast %swap3A_712 : vector<1x16xi32> to vector<16xi32>
      %swap3A_714 = vector.shape_cast %add3A_708 : vector<16xi32> to vector<1x16xi32>
      tpu.vector_store %arg7[%swap3A_710, %swap3A_711], %swap3A_714 {strides = array<i32>} : memref<16x128xi32, #tpu.memory_space<vmem>>, vector<1x16xi32>,
      %add3A_715 = arith.constant 224 : i32
      %add3A_716 = arith.addi %mul3A_532, %add3A_715 : i32
      %multiple_of3A_717 = tpu.assume_multiple %add3A_716, 8 : i32
      %get3A_718 = arith.index_cast %multiple_of3A_717 : i32 to index
      %get3A_719 = tpu.vector_load %arg6[%get3A_718] {strides = array<i32>} : memref<1024xi32, #tpu.memory_space<vmem>>, vector<16xi32>,
      %get3A_720 = vector.shape_cast %get3A_719 : vector<16xi32> to vector<16xi32>
      %add3A_721 = arith.addi %get3A_720, %broadcast_in_dim3A_505 : vector<16xi32>
      %swap3A_722 = arith.constant 5 : i32
      %swap3A_723 = arith.index_cast %swap3A_722 : i32 to index
      %swap3A_724 = arith.constant 96 : index
      %swap3A_725 = tpu.vector_load %arg7[%swap3A_723, %swap3A_724] {strides = array<i32>} : memref<16x128xi32, #tpu.memory_space<vmem>>, vector<1x16xi32>,
      %swap3A_726 = vector.shape_cast %swap3A_725 : vector<1x16xi32> to vector<16xi32>
      %swap3A_727 = vector.shape_cast %add3A_721 : vector<16xi32> to vector<1x16xi32>
      tpu.vector_store %arg7[%swap3A_723, %swap3A_724], %swap3A_727 {strides = array<i32>} : memref<16x128xi32, #tpu.memory_space<vmem>>, vector<1x16xi32>,
      %add3A_728 = arith.constant 240 : i32
      %add3A_729 = arith.addi %mul3A_532, %add3A_728 : i32
      %multiple_of3A_730 = tpu.assume_multiple %add3A_729, 8 : i32
      %get3A_731 = arith.index_cast %multiple_of3A_730 : i32 to index
      %get3A_732 = tpu.vector_load %arg6[%get3A_731] {strides = array<i32>} : memref<1024xi32, #tpu.memory_space<vmem>>, vector<16xi32>,
      %get3A_733 = vector.shape_cast %get3A_732 : vector<16xi32> to vector<16xi32>
      %add3A_734 = arith.addi %get3A_733, %broadcast_in_dim3A_505 : vector<16xi32>
      %swap3A_735 = arith.constant 5 : i32
      %swap3A_736 = arith.index_cast %swap3A_735 : i32 to index
      %swap3A_737 = arith.constant 112 : index
      %swap3A_738 = tpu.vector_load %arg7[%swap3A_736, %swap3A_737] {strides = array<i32>} : memref<16x128xi32, #tpu.memory_space<vmem>>, vector<1x16xi32>,
      %swap3A_739 = vector.shape_cast %swap3A_738 : vector<1x16xi32> to vector<16xi32>
      %swap3A_740 = vector.shape_cast %add3A_734 : vector<16xi32> to vector<1x16xi32>
      tpu.vector_store %arg7[%swap3A_736, %swap3A_737], %swap3A_740 {strides = array<i32>} : memref<16x128xi32, #tpu.memory_space<vmem>>, vector<1x16xi32>,
      %add3A_741 = arith.constant 3 : i32
      %add3A_742 = arith.addi %mul3A_4, %add3A_741 : i32
      %mul3A_743 = arith.constant 16384 : i32
      %mul3A_744 = arith.muli %add3A_742, %mul3A_743 : i32
      %broadcast_in_dim3A_745 = vector.broadcast %mul3A_744 : i32 to vector<16xi32>
      %jit3A_746 = arith.constant 3 : i32
      %div3A_747 = arith.divsi %add3A_742, %jit3A_746 : i32
      %sign3A_748 = arith.constant 0 : i32
      %sign3A_749 = arith.cmpi sgt, %add3A_742, %sign3A_748 : i32
      %sign3A_750 = arith.extui %sign3A_749 : i1 to i32
      %sign3A_751 = arith.constant 0 : i32
      %sign3A_752 = arith.cmpi slt, %add3A_742, %sign3A_751 : i32
      %sign3A_753 = arith.extui %sign3A_752 : i1 to i32
      %sign3A_754 = arith.subi %sign3A_750, %sign3A_753 : i32
      %sign3A_755 = arith.constant 0 : i32
      %sign3A_756 = arith.cmpi sgt, %jit3A_746, %sign3A_755 : i32
      %sign3A_757 = arith.extui %sign3A_756 : i1 to i32
      %sign3A_758 = arith.constant 0 : i32
      %sign3A_759 = arith.cmpi slt, %jit3A_746, %sign3A_758 : i32
      %sign3A_760 = arith.extui %sign3A_759 : i1 to i32
      %sign3A_761 = arith.subi %sign3A_757, %sign3A_760 : i32
      %ne3A_762 = arith.cmpi ne, %sign3A_754, %sign3A_761 : i32
      %rem3A_763 = arith.remsi %add3A_742, %jit3A_746 : i32
      %ne3A_764 = arith.constant 0 : i32
      %ne3A_765 = arith.cmpi ne, %rem3A_763, %ne3A_764 : i32
      %and3A_766 = arith.andi %ne3A_762, %ne3A_765 : i1
      %sub3A_767 = arith.constant 1 : i32
      %sub3A_768 = arith.subi %div3A_747, %sub3A_767 : i32
      %select_n3A_769 = arith.select %and3A_766, %sub3A_768, %div3A_747 : i32
      %sub3A_770 = arith.subi %select_n3A_769, %min3A_21 : i32
      %mul3A_771 = arith.constant 256 : i32
      %mul3A_772 = arith.muli %sub3A_770, %mul3A_771 : i32
      %add3A_773 = arith.constant 0 : i32
      %add3A_774 = arith.addi %mul3A_772, %add3A_773 : i32
      %multiple_of3A_775 = tpu.assume_multiple %add3A_774, 8 : i32
      %get3A_776 = arith.index_cast %multiple_of3A_775 : i32 to index
      %get3A_777 = tpu.vector_load %arg6[%get3A_776] {strides = array<i32>} : memref<1024xi32, #tpu.memory_space<vmem>>, vector<16xi32>,
      %get3A_778 = vector.shape_cast %get3A_777 : vector<16xi32> to vector<16xi32>
      %add3A_779 = arith.addi %get3A_778, %broadcast_in_dim3A_745 : vector<16xi32>
      %swap3A_780 = arith.constant 6 : i32
      %swap3A_781 = arith.index_cast %swap3A_780 : i32 to index
      %swap3A_782 = arith.constant 0 : index
      %swap3A_783 = tpu.vector_load %arg7[%swap3A_781, %swap3A_782] {strides = array<i32>} : memref<16x128xi32, #tpu.memory_space<vmem>>, vector<1x16xi32>,
      %swap3A_784 = vector.shape_cast %swap3A_783 : vector<1x16xi32> to vector<16xi32>
      %swap3A_785 = vector.shape_cast %add3A_779 : vector<16xi32> to vector<1x16xi32>
      tpu.vector_store %arg7[%swap3A_781, %swap3A_782], %swap3A_785 {strides = array<i32>} : memref<16x128xi32, #tpu.memory_space<vmem>>, vector<1x16xi32>,
      %add3A_786 = arith.constant 16 : i32
      %add3A_787 = arith.addi %mul3A_772, %add3A_786 : i32
      %multiple_of3A_788 = tpu.assume_multiple %add3A_787, 8 : i32
      %get3A_789 = arith.index_cast %multiple_of3A_788 : i32 to index
      %get3A_790 = tpu.vector_load %arg6[%get3A_789] {strides = array<i32>} : memref<1024xi32, #tpu.memory_space<vmem>>, vector<16xi32>,
      %get3A_791 = vector.shape_cast %get3A_790 : vector<16xi32> to vector<16xi32>
      %add3A_792 = arith.addi %get3A_791, %broadcast_in_dim3A_745 : vector<16xi32>
      %swap3A_793 = arith.constant 6 : i32
      %swap3A_794 = arith.index_cast %swap3A_793 : i32 to index
      %swap3A_795 = arith.constant 16 : index
      %swap3A_796 = tpu.vector_load %arg7[%swap3A_794, %swap3A_795] {strides = array<i32>} : memref<16x128xi32, #tpu.memory_space<vmem>>, vector<1x16xi32>,
      %swap3A_797 = vector.shape_cast %swap3A_796 : vector<1x16xi32> to vector<16xi32>
      %swap3A_798 = vector.shape_cast %add3A_792 : vector<16xi32> to vector<1x16xi32>
      tpu.vector_store %arg7[%swap3A_794, %swap3A_795], %swap3A_798 {strides = array<i32>} : memref<16x128xi32, #tpu.memory_space<vmem>>, vector<1x16xi32>,
      %add3A_799 = arith.constant 32 : i32
      %add3A_800 = arith.addi %mul3A_772, %add3A_799 : i32
      %multiple_of3A_801 = tpu.assume_multiple %add3A_800, 8 : i32
      %get3A_802 = arith.index_cast %multiple_of3A_801 : i32 to index
      %get3A_803 = tpu.vector_load %arg6[%get3A_802] {strides = array<i32>} : memref<1024xi32, #tpu.memory_space<vmem>>, vector<16xi32>,
      %get3A_804 = vector.shape_cast %get3A_803 : vector<16xi32> to vector<16xi32>
      %add3A_805 = arith.addi %get3A_804, %broadcast_in_dim3A_745 : vector<16xi32>
      %swap3A_806 = arith.constant 6 : i32
      %swap3A_807 = arith.index_cast %swap3A_806 : i32 to index
      %swap3A_808 = arith.constant 32 : index
      %swap3A_809 = tpu.vector_load %arg7[%swap3A_807, %swap3A_808] {strides = array<i32>} : memref<16x128xi32, #tpu.memory_space<vmem>>, vector<1x16xi32>,
      %swap3A_810 = vector.shape_cast %swap3A_809 : vector<1x16xi32> to vector<16xi32>
      %swap3A_811 = vector.shape_cast %add3A_805 : vector<16xi32> to vector<1x16xi32>
      tpu.vector_store %arg7[%swap3A_807, %swap3A_808], %swap3A_811 {strides = array<i32>} : memref<16x128xi32, #tpu.memory_space<vmem>>, vector<1x16xi32>,
      %add3A_812 = arith.constant 48 : i32
      %add3A_813 = arith.addi %mul3A_772, %add3A_812 : i32
      %multiple_of3A_814 = tpu.assume_multiple %add3A_813, 8 : i32
      %get3A_815 = arith.index_cast %multiple_of3A_814 : i32 to index
      %get3A_816 = tpu.vector_load %arg6[%get3A_815] {strides = array<i32>} : memref<1024xi32, #tpu.memory_space<vmem>>, vector<16xi32>,
      %get3A_817 = vector.shape_cast %get3A_816 : vector<16xi32> to vector<16xi32>
      %add3A_818 = arith.addi %get3A_817, %broadcast_in_dim3A_745 : vector<16xi32>
      %swap3A_819 = arith.constant 6 : i32
      %swap3A_820 = arith.index_cast %swap3A_819 : i32 to index
      %swap3A_821 = arith.constant 48 : index
      %swap3A_822 = tpu.vector_load %arg7[%swap3A_820, %swap3A_821] {strides = array<i32>} : memref<16x128xi32, #tpu.memory_space<vmem>>, vector<1x16xi32>,
      %swap3A_823 = vector.shape_cast %swap3A_822 : vector<1x16xi32> to vector<16xi32>
      %swap3A_824 = vector.shape_cast %add3A_818 : vector<16xi32> to vector<1x16xi32>
      tpu.vector_store %arg7[%swap3A_820, %swap3A_821], %swap3A_824 {strides = array<i32>} : memref<16x128xi32, #tpu.memory_space<vmem>>, vector<1x16xi32>,
      %add3A_825 = arith.constant 64 : i32
      %add3A_826 = arith.addi %mul3A_772, %add3A_825 : i32
      %multiple_of3A_827 = tpu.assume_multiple %add3A_826, 8 : i32
      %get3A_828 = arith.index_cast %multiple_of3A_827 : i32 to index
      %get3A_829 = tpu.vector_load %arg6[%get3A_828] {strides = array<i32>} : memref<1024xi32, #tpu.memory_space<vmem>>, vector<16xi32>,
      %get3A_830 = vector.shape_cast %get3A_829 : vector<16xi32> to vector<16xi32>
      %add3A_831 = arith.addi %get3A_830, %broadcast_in_dim3A_745 : vector<16xi32>
      %swap3A_832 = arith.constant 6 : i32
      %swap3A_833 = arith.index_cast %swap3A_832 : i32 to index
      %swap3A_834 = arith.constant 64 : index
      %swap3A_835 = tpu.vector_load %arg7[%swap3A_833, %swap3A_834] {strides = array<i32>} : memref<16x128xi32, #tpu.memory_space<vmem>>, vector<1x16xi32>,
      %swap3A_836 = vector.shape_cast %swap3A_835 : vector<1x16xi32> to vector<16xi32>
      %swap3A_837 = vector.shape_cast %add3A_831 : vector<16xi32> to vector<1x16xi32>
      tpu.vector_store %arg7[%swap3A_833, %swap3A_834], %swap3A_837 {strides = array<i32>} : memref<16x128xi32, #tpu.memory_space<vmem>>, vector<1x16xi32>,
      %add3A_838 = arith.constant 80 : i32
      %add3A_839 = arith.addi %mul3A_772, %add3A_838 : i32
      %multiple_of3A_840 = tpu.assume_multiple %add3A_839, 8 : i32
      %get3A_841 = arith.index_cast %multiple_of3A_840 : i32 to index
      %get3A_842 = tpu.vector_load %arg6[%get3A_841] {strides = array<i32>} : memref<1024xi32, #tpu.memory_space<vmem>>, vector<16xi32>,
      %get3A_843 = vector.shape_cast %get3A_842 : vector<16xi32> to vector<16xi32>
      %add3A_844 = arith.addi %get3A_843, %broadcast_in_dim3A_745 : vector<16xi32>
      %swap3A_845 = arith.constant 6 : i32
      %swap3A_846 = arith.index_cast %swap3A_845 : i32 to index
      %swap3A_847 = arith.constant 80 : index
      %swap3A_848 = tpu.vector_load %arg7[%swap3A_846, %swap3A_847] {strides = array<i32>} : memref<16x128xi32, #tpu.memory_space<vmem>>, vector<1x16xi32>,
      %swap3A_849 = vector.shape_cast %swap3A_848 : vector<1x16xi32> to vector<16xi32>
      %swap3A_850 = vector.shape_cast %add3A_844 : vector<16xi32> to vector<1x16xi32>
      tpu.vector_store %arg7[%swap3A_846, %swap3A_847], %swap3A_850 {strides = array<i32>} : memref<16x128xi32, #tpu.memory_space<vmem>>, vector<1x16xi32>,
      %add3A_851 = arith.constant 96 : i32
      %add3A_852 = arith.addi %mul3A_772, %add3A_851 : i32
      %multiple_of3A_853 = tpu.assume_multiple %add3A_852, 8 : i32
      %get3A_854 = arith.index_cast %multiple_of3A_853 : i32 to index
      %get3A_855 = tpu.vector_load %arg6[%get3A_854] {strides = array<i32>} : memref<1024xi32, #tpu.memory_space<vmem>>, vector<16xi32>,
      %get3A_856 = vector.shape_cast %get3A_855 : vector<16xi32> to vector<16xi32>
      %add3A_857 = arith.addi %get3A_856, %broadcast_in_dim3A_745 : vector<16xi32>
      %swap3A_858 = arith.constant 6 : i32
      %swap3A_859 = arith.index_cast %swap3A_858 : i32 to index
      %swap3A_860 = arith.constant 96 : index
      %swap3A_861 = tpu.vector_load %arg7[%swap3A_859, %swap3A_860] {strides = array<i32>} : memref<16x128xi32, #tpu.memory_space<vmem>>, vector<1x16xi32>,
      %swap3A_862 = vector.shape_cast %swap3A_861 : vector<1x16xi32> to vector<16xi32>
      %swap3A_863 = vector.shape_cast %add3A_857 : vector<16xi32> to vector<1x16xi32>
      tpu.vector_store %arg7[%swap3A_859, %swap3A_860], %swap3A_863 {strides = array<i32>} : memref<16x128xi32, #tpu.memory_space<vmem>>, vector<1x16xi32>,
      %add3A_864 = arith.constant 112 : i32
      %add3A_865 = arith.addi %mul3A_772, %add3A_864 : i32
      %multiple_of3A_866 = tpu.assume_multiple %add3A_865, 8 : i32
      %get3A_867 = arith.index_cast %multiple_of3A_866 : i32 to index
      %get3A_868 = tpu.vector_load %arg6[%get3A_867] {strides = array<i32>} : memref<1024xi32, #tpu.memory_space<vmem>>, vector<16xi32>,
      %get3A_869 = vector.shape_cast %get3A_868 : vector<16xi32> to vector<16xi32>
      %add3A_870 = arith.addi %get3A_869, %broadcast_in_dim3A_745 : vector<16xi32>
      %swap3A_871 = arith.constant 6 : i32
      %swap3A_872 = arith.index_cast %swap3A_871 : i32 to index
      %swap3A_873 = arith.constant 112 : index
      %swap3A_874 = tpu.vector_load %arg7[%swap3A_872, %swap3A_873] {strides = array<i32>} : memref<16x128xi32, #tpu.memory_space<vmem>>, vector<1x16xi32>,
      %swap3A_875 = vector.shape_cast %swap3A_874 : vector<1x16xi32> to vector<16xi32>
      %swap3A_876 = vector.shape_cast %add3A_870 : vector<16xi32> to vector<1x16xi32>
      tpu.vector_store %arg7[%swap3A_872, %swap3A_873], %swap3A_876 {strides = array<i32>} : memref<16x128xi32, #tpu.memory_space<vmem>>, vector<1x16xi32>,
      %add3A_877 = arith.constant 128 : i32
      %add3A_878 = arith.addi %mul3A_772, %add3A_877 : i32
      %multiple_of3A_879 = tpu.assume_multiple %add3A_878, 8 : i32
      %get3A_880 = arith.index_cast %multiple_of3A_879 : i32 to index
      %get3A_881 = tpu.vector_load %arg6[%get3A_880] {strides = array<i32>} : memref<1024xi32, #tpu.memory_space<vmem>>, vector<16xi32>,
      %get3A_882 = vector.shape_cast %get3A_881 : vector<16xi32> to vector<16xi32>
      %add3A_883 = arith.addi %get3A_882, %broadcast_in_dim3A_745 : vector<16xi32>
      %swap3A_884 = arith.constant 7 : i32
      %swap3A_885 = arith.index_cast %swap3A_884 : i32 to index
      %swap3A_886 = arith.constant 0 : index
      %swap3A_887 = tpu.vector_load %arg7[%swap3A_885, %swap3A_886] {strides = array<i32>} : memref<16x128xi32, #tpu.memory_space<vmem>>, vector<1x16xi32>,
      %swap3A_888 = vector.shape_cast %swap3A_887 : vector<1x16xi32> to vector<16xi32>
      %swap3A_889 = vector.shape_cast %add3A_883 : vector<16xi32> to vector<1x16xi32>
      tpu.vector_store %arg7[%swap3A_885, %swap3A_886], %swap3A_889 {strides = array<i32>} : memref<16x128xi32, #tpu.memory_space<vmem>>, vector<1x16xi32>,
      %add3A_890 = arith.constant 144 : i32
      %add3A_891 = arith.addi %mul3A_772, %add3A_890 : i32
      %multiple_of3A_892 = tpu.assume_multiple %add3A_891, 8 : i32
      %get3A_893 = arith.index_cast %multiple_of3A_892 : i32 to index
      %get3A_894 = tpu.vector_load %arg6[%get3A_893] {strides = array<i32>} : memref<1024xi32, #tpu.memory_space<vmem>>, vector<16xi32>,
      %get3A_895 = vector.shape_cast %get3A_894 : vector<16xi32> to vector<16xi32>
      %add3A_896 = arith.addi %get3A_895, %broadcast_in_dim3A_745 : vector<16xi32>
      %swap3A_897 = arith.constant 7 : i32
      %swap3A_898 = arith.index_cast %swap3A_897 : i32 to index
      %swap3A_899 = arith.constant 16 : index
      %swap3A_900 = tpu.vector_load %arg7[%swap3A_898, %swap3A_899] {strides = array<i32>} : memref<16x128xi32, #tpu.memory_space<vmem>>, vector<1x16xi32>,
      %swap3A_901 = vector.shape_cast %swap3A_900 : vector<1x16xi32> to vector<16xi32>
      %swap3A_902 = vector.shape_cast %add3A_896 : vector<16xi32> to vector<1x16xi32>
      tpu.vector_store %arg7[%swap3A_898, %swap3A_899], %swap3A_902 {strides = array<i32>} : memref<16x128xi32, #tpu.memory_space<vmem>>, vector<1x16xi32>,
      %add3A_903 = arith.constant 160 : i32
      %add3A_904 = arith.addi %mul3A_772, %add3A_903 : i32
      %multiple_of3A_905 = tpu.assume_multiple %add3A_904, 8 : i32
      %get3A_906 = arith.index_cast %multiple_of3A_905 : i32 to index
      %get3A_907 = tpu.vector_load %arg6[%get3A_906] {strides = array<i32>} : memref<1024xi32, #tpu.memory_space<vmem>>, vector<16xi32>,
      %get3A_908 = vector.shape_cast %get3A_907 : vector<16xi32> to vector<16xi32>
      %add3A_909 = arith.addi %get3A_908, %broadcast_in_dim3A_745 : vector<16xi32>
      %swap3A_910 = arith.constant 7 : i32
      %swap3A_911 = arith.index_cast %swap3A_910 : i32 to index
      %swap3A_912 = arith.constant 32 : index
      %swap3A_913 = tpu.vector_load %arg7[%swap3A_911, %swap3A_912] {strides = array<i32>} : memref<16x128xi32, #tpu.memory_space<vmem>>, vector<1x16xi32>,
      %swap3A_914 = vector.shape_cast %swap3A_913 : vector<1x16xi32> to vector<16xi32>
      %swap3A_915 = vector.shape_cast %add3A_909 : vector<16xi32> to vector<1x16xi32>
      tpu.vector_store %arg7[%swap3A_911, %swap3A_912], %swap3A_915 {strides = array<i32>} : memref<16x128xi32, #tpu.memory_space<vmem>>, vector<1x16xi32>,
      %add3A_916 = arith.constant 176 : i32
      %add3A_917 = arith.addi %mul3A_772, %add3A_916 : i32
      %multiple_of3A_918 = tpu.assume_multiple %add3A_917, 8 : i32
      %get3A_919 = arith.index_cast %multiple_of3A_918 : i32 to index
      %get3A_920 = tpu.vector_load %arg6[%get3A_919] {strides = array<i32>} : memref<1024xi32, #tpu.memory_space<vmem>>, vector<16xi32>,
      %get3A_921 = vector.shape_cast %get3A_920 : vector<16xi32> to vector<16xi32>
      %add3A_922 = arith.addi %get3A_921, %broadcast_in_dim3A_745 : vector<16xi32>
      %swap3A_923 = arith.constant 7 : i32
      %swap3A_924 = arith.index_cast %swap3A_923 : i32 to index
      %swap3A_925 = arith.constant 48 : index
      %swap3A_926 = tpu.vector_load %arg7[%swap3A_924, %swap3A_925] {strides = array<i32>} : memref<16x128xi32, #tpu.memory_space<vmem>>, vector<1x16xi32>,
      %swap3A_927 = vector.shape_cast %swap3A_926 : vector<1x16xi32> to vector<16xi32>
      %swap3A_928 = vector.shape_cast %add3A_922 : vector<16xi32> to vector<1x16xi32>
      tpu.vector_store %arg7[%swap3A_924, %swap3A_925], %swap3A_928 {strides = array<i32>} : memref<16x128xi32, #tpu.memory_space<vmem>>, vector<1x16xi32>,
      %add3A_929 = arith.constant 192 : i32
      %add3A_930 = arith.addi %mul3A_772, %add3A_929 : i32
      %multiple_of3A_931 = tpu.assume_multiple %add3A_930, 8 : i32
      %get3A_932 = arith.index_cast %multiple_of3A_931 : i32 to index
      %get3A_933 = tpu.vector_load %arg6[%get3A_932] {strides = array<i32>} : memref<1024xi32, #tpu.memory_space<vmem>>, vector<16xi32>,
      %get3A_934 = vector.shape_cast %get3A_933 : vector<16xi32> to vector<16xi32>
      %add3A_935 = arith.addi %get3A_934, %broadcast_in_dim3A_745 : vector<16xi32>
      %swap3A_936 = arith.constant 7 : i32
      %swap3A_937 = arith.index_cast %swap3A_936 : i32 to index
      %swap3A_938 = arith.constant 64 : index
      %swap3A_939 = tpu.vector_load %arg7[%swap3A_937, %swap3A_938] {strides = array<i32>} : memref<16x128xi32, #tpu.memory_space<vmem>>, vector<1x16xi32>,
      %swap3A_940 = vector.shape_cast %swap3A_939 : vector<1x16xi32> to vector<16xi32>
      %swap3A_941 = vector.shape_cast %add3A_935 : vector<16xi32> to vector<1x16xi32>
      tpu.vector_store %arg7[%swap3A_937, %swap3A_938], %swap3A_941 {strides = array<i32>} : memref<16x128xi32, #tpu.memory_space<vmem>>, vector<1x16xi32>,
      %add3A_942 = arith.constant 208 : i32
      %add3A_943 = arith.addi %mul3A_772, %add3A_942 : i32
      %multiple_of3A_944 = tpu.assume_multiple %add3A_943, 8 : i32
      %get3A_945 = arith.index_cast %multiple_of3A_944 : i32 to index
      %get3A_946 = tpu.vector_load %arg6[%get3A_945] {strides = array<i32>} : memref<1024xi32, #tpu.memory_space<vmem>>, vector<16xi32>,
      %get3A_947 = vector.shape_cast %get3A_946 : vector<16xi32> to vector<16xi32>
      %add3A_948 = arith.addi %get3A_947, %broadcast_in_dim3A_745 : vector<16xi32>
      %swap3A_949 = arith.constant 7 : i32
      %swap3A_950 = arith.index_cast %swap3A_949 : i32 to index
      %swap3A_951 = arith.constant 80 : index
      %swap3A_952 = tpu.vector_load %arg7[%swap3A_950, %swap3A_951] {strides = array<i32>} : memref<16x128xi32, #tpu.memory_space<vmem>>, vector<1x16xi32>,
      %swap3A_953 = vector.shape_cast %swap3A_952 : vector<1x16xi32> to vector<16xi32>
      %swap3A_954 = vector.shape_cast %add3A_948 : vector<16xi32> to vector<1x16xi32>
      tpu.vector_store %arg7[%swap3A_950, %swap3A_951], %swap3A_954 {strides = array<i32>} : memref<16x128xi32, #tpu.memory_space<vmem>>, vector<1x16xi32>,
      %add3A_955 = arith.constant 224 : i32
      %add3A_956 = arith.addi %mul3A_772, %add3A_955 : i32
      %multiple_of3A_957 = tpu.assume_multiple %add3A_956, 8 : i32
      %get3A_958 = arith.index_cast %multiple_of3A_957 : i32 to index
      %get3A_959 = tpu.vector_load %arg6[%get3A_958] {strides = array<i32>} : memref<1024xi32, #tpu.memory_space<vmem>>, vector<16xi32>,
      %get3A_960 = vector.shape_cast %get3A_959 : vector<16xi32> to vector<16xi32>
      %add3A_961 = arith.addi %get3A_960, %broadcast_in_dim3A_745 : vector<16xi32>
      %swap3A_962 = arith.constant 7 : i32
      %swap3A_963 = arith.index_cast %swap3A_962 : i32 to index
      %swap3A_964 = arith.constant 96 : index
      %swap3A_965 = tpu.vector_load %arg7[%swap3A_963, %swap3A_964] {strides = array<i32>} : memref<16x128xi32, #tpu.memory_space<vmem>>, vector<1x16xi32>,
      %swap3A_966 = vector.shape_cast %swap3A_965 : vector<1x16xi32> to vector<16xi32>
      %swap3A_967 = vector.shape_cast %add3A_961 : vector<16xi32> to vector<1x16xi32>
      tpu.vector_store %arg7[%swap3A_963, %swap3A_964], %swap3A_967 {strides = array<i32>} : memref<16x128xi32, #tpu.memory_space<vmem>>, vector<1x16xi32>,
      %add3A_968 = arith.constant 240 : i32
      %add3A_969 = arith.addi %mul3A_772, %add3A_968 : i32
      %multiple_of3A_970 = tpu.assume_multiple %add3A_969, 8 : i32
      %get3A_971 = arith.index_cast %multiple_of3A_970 : i32 to index
      %get3A_972 = tpu.vector_load %arg6[%get3A_971] {strides = array<i32>} : memref<1024xi32, #tpu.memory_space<vmem>>, vector<16xi32>,
      %get3A_973 = vector.shape_cast %get3A_972 : vector<16xi32> to vector<16xi32>
      %add3A_974 = arith.addi %get3A_973, %broadcast_in_dim3A_745 : vector<16xi32>
      %swap3A_975 = arith.constant 7 : i32
      %swap3A_976 = arith.index_cast %swap3A_975 : i32 to index
      %swap3A_977 = arith.constant 112 : index
      %swap3A_978 = tpu.vector_load %arg7[%swap3A_976, %swap3A_977] {strides = array<i32>} : memref<16x128xi32, #tpu.memory_space<vmem>>, vector<1x16xi32>,
      %swap3A_979 = vector.shape_cast %swap3A_978 : vector<1x16xi32> to vector<16xi32>
      %swap3A_980 = vector.shape_cast %add3A_974 : vector<16xi32> to vector<1x16xi32>
      tpu.vector_store %arg7[%swap3A_976, %swap3A_977], %swap3A_980 {strides = array<i32>} : memref<16x128xi32, #tpu.memory_space<vmem>>, vector<1x16xi32>,
      %add3A_981 = arith.constant 4 : i32
      %add3A_982 = arith.addi %mul3A_4, %add3A_981 : i32
      %mul3A_983 = arith.constant 16384 : i32
      %mul3A_984 = arith.muli %add3A_982, %mul3A_983 : i32
      %broadcast_in_dim3A_985 = vector.broadcast %mul3A_984 : i32 to vector<16xi32>
      %jit3A_986 = arith.constant 3 : i32
      %div3A_987 = arith.divsi %add3A_982, %jit3A_986 : i32
      %sign3A_988 = arith.constant 0 : i32
      %sign3A_989 = arith.cmpi sgt, %add3A_982, %sign3A_988 : i32
      %sign3A_990 = arith.extui %sign3A_989 : i1 to i32
      %sign3A_991 = arith.constant 0 : i32
      %sign3A_992 = arith.cmpi slt, %add3A_982, %sign3A_991 : i32
      %sign3A_993 = arith.extui %sign3A_992 : i1 to i32
      %sign3A_994 = arith.subi %sign3A_990, %sign3A_993 : i32
      %sign3A_995 = arith.constant 0 : i32
      %sign3A_996 = arith.cmpi sgt, %jit3A_986, %sign3A_995 : i32
      %sign3A_997 = arith.extui %sign3A_996 : i1 to i32
      %sign3A_998 = arith.constant 0 : i32
      %sign3A_999 = arith.cmpi slt, %jit3A_986, %sign3A_998 : i32
      %sign3A_1000 = arith.extui %sign3A_999 : i1 to i32
      %sign3A_1001 = arith.subi %sign3A_997, %sign3A_1000 : i32
      %ne3A_1002 = arith.cmpi ne, %sign3A_994, %sign3A_1001 : i32
      %rem3A_1003 = arith.remsi %add3A_982, %jit3A_986 : i32
      %ne3A_1004 = arith.constant 0 : i32
      %ne3A_1005 = arith.cmpi ne, %rem3A_1003, %ne3A_1004 : i32
      %and3A_1006 = arith.andi %ne3A_1002, %ne3A_1005 : i1
      %sub3A_1007 = arith.constant 1 : i32
      %sub3A_1008 = arith.subi %div3A_987, %sub3A_1007 : i32
      %select_n3A_1009 = arith.select %and3A_1006, %sub3A_1008, %div3A_987 : i32
      %sub3A_1010 = arith.subi %select_n3A_1009, %min3A_21 : i32
      %mul3A_1011 = arith.constant 256 : i32
      %mul3A_1012 = arith.muli %sub3A_1010, %mul3A_1011 : i32
      %add3A_1013 = arith.constant 0 : i32
      %add3A_1014 = arith.addi %mul3A_1012, %add3A_1013 : i32
      %multiple_of3A_1015 = tpu.assume_multiple %add3A_1014, 8 : i32
      %get3A_1016 = arith.index_cast %multiple_of3A_1015 : i32 to index
      %get3A_1017 = tpu.vector_load %arg6[%get3A_1016] {strides = array<i32>} : memref<1024xi32, #tpu.memory_space<vmem>>, vector<16xi32>,
      %get3A_1018 = vector.shape_cast %get3A_1017 : vector<16xi32> to vector<16xi32>
      %add3A_1019 = arith.addi %get3A_1018, %broadcast_in_dim3A_985 : vector<16xi32>
      %swap3A_1020 = arith.constant 8 : i32
      %swap3A_1021 = arith.index_cast %swap3A_1020 : i32 to index
      %swap3A_1022 = arith.constant 0 : index
      %swap3A_1023 = tpu.vector_load %arg7[%swap3A_1021, %swap3A_1022] {strides = array<i32>} : memref<16x128xi32, #tpu.memory_space<vmem>>, vector<1x16xi32>,
      %swap3A_1024 = vector.shape_cast %swap3A_1023 : vector<1x16xi32> to vector<16xi32>
      %swap3A_1025 = vector.shape_cast %add3A_1019 : vector<16xi32> to vector<1x16xi32>
      tpu.vector_store %arg7[%swap3A_1021, %swap3A_1022], %swap3A_1025 {strides = array<i32>} : memref<16x128xi32, #tpu.memory_space<vmem>>, vector<1x16xi32>,
      %add3A_1026 = arith.constant 16 : i32
      %add3A_1027 = arith.addi %mul3A_1012, %add3A_1026 : i32
      %multiple_of3A_1028 = tpu.assume_multiple %add3A_1027, 8 : i32
      %get3A_1029 = arith.index_cast %multiple_of3A_1028 : i32 to index
      %get3A_1030 = tpu.vector_load %arg6[%get3A_1029] {strides = array<i32>} : memref<1024xi32, #tpu.memory_space<vmem>>, vector<16xi32>,
      %get3A_1031 = vector.shape_cast %get3A_1030 : vector<16xi32> to vector<16xi32>
      %add3A_1032 = arith.addi %get3A_1031, %broadcast_in_dim3A_985 : vector<16xi32>
      %swap3A_1033 = arith.constant 8 : i32
      %swap3A_1034 = arith.index_cast %swap3A_1033 : i32 to index
      %swap3A_1035 = arith.constant 16 : index
      %swap3A_1036 = tpu.vector_load %arg7[%swap3A_1034, %swap3A_1035] {strides = array<i32>} : memref<16x128xi32, #tpu.memory_space<vmem>>, vector<1x16xi32>,
      %swap3A_1037 = vector.shape_cast %swap3A_1036 : vector<1x16xi32> to vector<16xi32>
      %swap3A_1038 = vector.shape_cast %add3A_1032 : vector<16xi32> to vector<1x16xi32>
      tpu.vector_store %arg7[%swap3A_1034, %swap3A_1035], %swap3A_1038 {strides = array<i32>} : memref<16x128xi32, #tpu.memory_space<vmem>>, vector<1x16xi32>,
      %add3A_1039 = arith.constant 32 : i32
      %add3A_1040 = arith.addi %mul3A_1012, %add3A_1039 : i32
      %multiple_of3A_1041 = tpu.assume_multiple %add3A_1040, 8 : i32
      %get3A_1042 = arith.index_cast %multiple_of3A_1041 : i32 to index
      %get3A_1043 = tpu.vector_load %arg6[%get3A_1042] {strides = array<i32>} : memref<1024xi32, #tpu.memory_space<vmem>>, vector<16xi32>,
      %get3A_1044 = vector.shape_cast %get3A_1043 : vector<16xi32> to vector<16xi32>
      %add3A_1045 = arith.addi %get3A_1044, %broadcast_in_dim3A_985 : vector<16xi32>
      %swap3A_1046 = arith.constant 8 : i32
      %swap3A_1047 = arith.index_cast %swap3A_1046 : i32 to index
      %swap3A_1048 = arith.constant 32 : index
      %swap3A_1049 = tpu.vector_load %arg7[%swap3A_1047, %swap3A_1048] {strides = array<i32>} : memref<16x128xi32, #tpu.memory_space<vmem>>, vector<1x16xi32>,
      %swap3A_1050 = vector.shape_cast %swap3A_1049 : vector<1x16xi32> to vector<16xi32>
      %swap3A_1051 = vector.shape_cast %add3A_1045 : vector<16xi32> to vector<1x16xi32>
      tpu.vector_store %arg7[%swap3A_1047, %swap3A_1048], %swap3A_1051 {strides = array<i32>} : memref<16x128xi32, #tpu.memory_space<vmem>>, vector<1x16xi32>,
      %add3A_1052 = arith.constant 48 : i32
      %add3A_1053 = arith.addi %mul3A_1012, %add3A_1052 : i32
      %multiple_of3A_1054 = tpu.assume_multiple %add3A_1053, 8 : i32
      %get3A_1055 = arith.index_cast %multiple_of3A_1054 : i32 to index
      %get3A_1056 = tpu.vector_load %arg6[%get3A_1055] {strides = array<i32>} : memref<1024xi32, #tpu.memory_space<vmem>>, vector<16xi32>,
      %get3A_1057 = vector.shape_cast %get3A_1056 : vector<16xi32> to vector<16xi32>
      %add3A_1058 = arith.addi %get3A_1057, %broadcast_in_dim3A_985 : vector<16xi32>
      %swap3A_1059 = arith.constant 8 : i32
      %swap3A_1060 = arith.index_cast %swap3A_1059 : i32 to index
      %swap3A_1061 = arith.constant 48 : index
      %swap3A_1062 = tpu.vector_load %arg7[%swap3A_1060, %swap3A_1061] {strides = array<i32>} : memref<16x128xi32, #tpu.memory_space<vmem>>, vector<1x16xi32>,
      %swap3A_1063 = vector.shape_cast %swap3A_1062 : vector<1x16xi32> to vector<16xi32>
      %swap3A_1064 = vector.shape_cast %add3A_1058 : vector<16xi32> to vector<1x16xi32>
      tpu.vector_store %arg7[%swap3A_1060, %swap3A_1061], %swap3A_1064 {strides = array<i32>} : memref<16x128xi32, #tpu.memory_space<vmem>>, vector<1x16xi32>,
      %add3A_1065 = arith.constant 64 : i32
      %add3A_1066 = arith.addi %mul3A_1012, %add3A_1065 : i32
      %multiple_of3A_1067 = tpu.assume_multiple %add3A_1066, 8 : i32
      %get3A_1068 = arith.index_cast %multiple_of3A_1067 : i32 to index
      %get3A_1069 = tpu.vector_load %arg6[%get3A_1068] {strides = array<i32>} : memref<1024xi32, #tpu.memory_space<vmem>>, vector<16xi32>,
      %get3A_1070 = vector.shape_cast %get3A_1069 : vector<16xi32> to vector<16xi32>
      %add3A_1071 = arith.addi %get3A_1070, %broadcast_in_dim3A_985 : vector<16xi32>
      %swap3A_1072 = arith.constant 8 : i32
      %swap3A_1073 = arith.index_cast %swap3A_1072 : i32 to index
      %swap3A_1074 = arith.constant 64 : index
      %swap3A_1075 = tpu.vector_load %arg7[%swap3A_1073, %swap3A_1074] {strides = array<i32>} : memref<16x128xi32, #tpu.memory_space<vmem>>, vector<1x16xi32>,
      %swap3A_1076 = vector.shape_cast %swap3A_1075 : vector<1x16xi32> to vector<16xi32>
      %swap3A_1077 = vector.shape_cast %add3A_1071 : vector<16xi32> to vector<1x16xi32>
      tpu.vector_store %arg7[%swap3A_1073, %swap3A_1074], %swap3A_1077 {strides = array<i32>} : memref<16x128xi32, #tpu.memory_space<vmem>>, vector<1x16xi32>,
      %add3A_1078 = arith.constant 80 : i32
      %add3A_1079 = arith.addi %mul3A_1012, %add3A_1078 : i32
      %multiple_of3A_1080 = tpu.assume_multiple %add3A_1079, 8 : i32
      %get3A_1081 = arith.index_cast %multiple_of3A_1080 : i32 to index
      %get3A_1082 = tpu.vector_load %arg6[%get3A_1081] {strides = array<i32>} : memref<1024xi32, #tpu.memory_space<vmem>>, vector<16xi32>,
      %get3A_1083 = vector.shape_cast %get3A_1082 : vector<16xi32> to vector<16xi32>
      %add3A_1084 = arith.addi %get3A_1083, %broadcast_in_dim3A_985 : vector<16xi32>
      %swap3A_1085 = arith.constant 8 : i32
      %swap3A_1086 = arith.index_cast %swap3A_1085 : i32 to index
      %swap3A_1087 = arith.constant 80 : index
      %swap3A_1088 = tpu.vector_load %arg7[%swap3A_1086, %swap3A_1087] {strides = array<i32>} : memref<16x128xi32, #tpu.memory_space<vmem>>, vector<1x16xi32>,
      %swap3A_1089 = vector.shape_cast %swap3A_1088 : vector<1x16xi32> to vector<16xi32>
      %swap3A_1090 = vector.shape_cast %add3A_1084 : vector<16xi32> to vector<1x16xi32>
      tpu.vector_store %arg7[%swap3A_1086, %swap3A_1087], %swap3A_1090 {strides = array<i32>} : memref<16x128xi32, #tpu.memory_space<vmem>>, vector<1x16xi32>,
      %add3A_1091 = arith.constant 96 : i32
      %add3A_1092 = arith.addi %mul3A_1012, %add3A_1091 : i32
      %multiple_of3A_1093 = tpu.assume_multiple %add3A_1092, 8 : i32
      %get3A_1094 = arith.index_cast %multiple_of3A_1093 : i32 to index
      %get3A_1095 = tpu.vector_load %arg6[%get3A_1094] {strides = array<i32>} : memref<1024xi32, #tpu.memory_space<vmem>>, vector<16xi32>,
      %get3A_1096 = vector.shape_cast %get3A_1095 : vector<16xi32> to vector<16xi32>
      %add3A_1097 = arith.addi %get3A_1096, %broadcast_in_dim3A_985 : vector<16xi32>
      %swap3A_1098 = arith.constant 8 : i32
      %swap3A_1099 = arith.index_cast %swap3A_1098 : i32 to index
      %swap3A_1100 = arith.constant 96 : index
      %swap3A_1101 = tpu.vector_load %arg7[%swap3A_1099, %swap3A_1100] {strides = array<i32>} : memref<16x128xi32, #tpu.memory_space<vmem>>, vector<1x16xi32>,
      %swap3A_1102 = vector.shape_cast %swap3A_1101 : vector<1x16xi32> to vector<16xi32>
      %swap3A_1103 = vector.shape_cast %add3A_1097 : vector<16xi32> to vector<1x16xi32>
      tpu.vector_store %arg7[%swap3A_1099, %swap3A_1100], %swap3A_1103 {strides = array<i32>} : memref<16x128xi32, #tpu.memory_space<vmem>>, vector<1x16xi32>,
      %add3A_1104 = arith.constant 112 : i32
      %add3A_1105 = arith.addi %mul3A_1012, %add3A_1104 : i32
      %multiple_of3A_1106 = tpu.assume_multiple %add3A_1105, 8 : i32
      %get3A_1107 = arith.index_cast %multiple_of3A_1106 : i32 to index
      %get3A_1108 = tpu.vector_load %arg6[%get3A_1107] {strides = array<i32>} : memref<1024xi32, #tpu.memory_space<vmem>>, vector<16xi32>,
      %get3A_1109 = vector.shape_cast %get3A_1108 : vector<16xi32> to vector<16xi32>
      %add3A_1110 = arith.addi %get3A_1109, %broadcast_in_dim3A_985 : vector<16xi32>
      %swap3A_1111 = arith.constant 8 : i32
      %swap3A_1112 = arith.index_cast %swap3A_1111 : i32 to index
      %swap3A_1113 = arith.constant 112 : index
      %swap3A_1114 = tpu.vector_load %arg7[%swap3A_1112, %swap3A_1113] {strides = array<i32>} : memref<16x128xi32, #tpu.memory_space<vmem>>, vector<1x16xi32>,
      %swap3A_1115 = vector.shape_cast %swap3A_1114 : vector<1x16xi32> to vector<16xi32>
      %swap3A_1116 = vector.shape_cast %add3A_1110 : vector<16xi32> to vector<1x16xi32>
      tpu.vector_store %arg7[%swap3A_1112, %swap3A_1113], %swap3A_1116 {strides = array<i32>} : memref<16x128xi32, #tpu.memory_space<vmem>>, vector<1x16xi32>,
      %add3A_1117 = arith.constant 128 : i32
      %add3A_1118 = arith.addi %mul3A_1012, %add3A_1117 : i32
      %multiple_of3A_1119 = tpu.assume_multiple %add3A_1118, 8 : i32
      %get3A_1120 = arith.index_cast %multiple_of3A_1119 : i32 to index
      %get3A_1121 = tpu.vector_load %arg6[%get3A_1120] {strides = array<i32>} : memref<1024xi32, #tpu.memory_space<vmem>>, vector<16xi32>,
      %get3A_1122 = vector.shape_cast %get3A_1121 : vector<16xi32> to vector<16xi32>
      %add3A_1123 = arith.addi %get3A_1122, %broadcast_in_dim3A_985 : vector<16xi32>
      %swap3A_1124 = arith.constant 9 : i32
      %swap3A_1125 = arith.index_cast %swap3A_1124 : i32 to index
      %swap3A_1126 = arith.constant 0 : index
      %swap3A_1127 = tpu.vector_load %arg7[%swap3A_1125, %swap3A_1126] {strides = array<i32>} : memref<16x128xi32, #tpu.memory_space<vmem>>, vector<1x16xi32>,
      %swap3A_1128 = vector.shape_cast %swap3A_1127 : vector<1x16xi32> to vector<16xi32>
      %swap3A_1129 = vector.shape_cast %add3A_1123 : vector<16xi32> to vector<1x16xi32>
      tpu.vector_store %arg7[%swap3A_1125, %swap3A_1126], %swap3A_1129 {strides = array<i32>} : memref<16x128xi32, #tpu.memory_space<vmem>>, vector<1x16xi32>,
      %add3A_1130 = arith.constant 144 : i32
      %add3A_1131 = arith.addi %mul3A_1012, %add3A_1130 : i32
      %multiple_of3A_1132 = tpu.assume_multiple %add3A_1131, 8 : i32
      %get3A_1133 = arith.index_cast %multiple_of3A_1132 : i32 to index
      %get3A_1134 = tpu.vector_load %arg6[%get3A_1133] {strides = array<i32>} : memref<1024xi32, #tpu.memory_space<vmem>>, vector<16xi32>,
      %get3A_1135 = vector.shape_cast %get3A_1134 : vector<16xi32> to vector<16xi32>
      %add3A_1136 = arith.addi %get3A_1135, %broadcast_in_dim3A_985 : vector<16xi32>
      %swap3A_1137 = arith.constant 9 : i32
      %swap3A_1138 = arith.index_cast %swap3A_1137 : i32 to index
      %swap3A_1139 = arith.constant 16 : index
      %swap3A_1140 = tpu.vector_load %arg7[%swap3A_1138, %swap3A_1139] {strides = array<i32>} : memref<16x128xi32, #tpu.memory_space<vmem>>, vector<1x16xi32>,
      %swap3A_1141 = vector.shape_cast %swap3A_1140 : vector<1x16xi32> to vector<16xi32>
      %swap3A_1142 = vector.shape_cast %add3A_1136 : vector<16xi32> to vector<1x16xi32>
      tpu.vector_store %arg7[%swap3A_1138, %swap3A_1139], %swap3A_1142 {strides = array<i32>} : memref<16x128xi32, #tpu.memory_space<vmem>>, vector<1x16xi32>,
      %add3A_1143 = arith.constant 160 : i32
      %add3A_1144 = arith.addi %mul3A_1012, %add3A_1143 : i32
      %multiple_of3A_1145 = tpu.assume_multiple %add3A_1144, 8 : i32
      %get3A_1146 = arith.index_cast %multiple_of3A_1145 : i32 to index
      %get3A_1147 = tpu.vector_load %arg6[%get3A_1146] {strides = array<i32>} : memref<1024xi32, #tpu.memory_space<vmem>>, vector<16xi32>,
      %get3A_1148 = vector.shape_cast %get3A_1147 : vector<16xi32> to vector<16xi32>
      %add3A_1149 = arith.addi %get3A_1148, %broadcast_in_dim3A_985 : vector<16xi32>
      %swap3A_1150 = arith.constant 9 : i32
      %swap3A_1151 = arith.index_cast %swap3A_1150 : i32 to index
      %swap3A_1152 = arith.constant 32 : index
      %swap3A_1153 = tpu.vector_load %arg7[%swap3A_1151, %swap3A_1152] {strides = array<i32>} : memref<16x128xi32, #tpu.memory_space<vmem>>, vector<1x16xi32>,
      %swap3A_1154 = vector.shape_cast %swap3A_1153 : vector<1x16xi32> to vector<16xi32>
      %swap3A_1155 = vector.shape_cast %add3A_1149 : vector<16xi32> to vector<1x16xi32>
      tpu.vector_store %arg7[%swap3A_1151, %swap3A_1152], %swap3A_1155 {strides = array<i32>} : memref<16x128xi32, #tpu.memory_space<vmem>>, vector<1x16xi32>,
      %add3A_1156 = arith.constant 176 : i32
      %add3A_1157 = arith.addi %mul3A_1012, %add3A_1156 : i32
      %multiple_of3A_1158 = tpu.assume_multiple %add3A_1157, 8 : i32
      %get3A_1159 = arith.index_cast %multiple_of3A_1158 : i32 to index
      %get3A_1160 = tpu.vector_load %arg6[%get3A_1159] {strides = array<i32>} : memref<1024xi32, #tpu.memory_space<vmem>>, vector<16xi32>,
      %get3A_1161 = vector.shape_cast %get3A_1160 : vector<16xi32> to vector<16xi32>
      %add3A_1162 = arith.addi %get3A_1161, %broadcast_in_dim3A_985 : vector<16xi32>
      %swap3A_1163 = arith.constant 9 : i32
      %swap3A_1164 = arith.index_cast %swap3A_1163 : i32 to index
      %swap3A_1165 = arith.constant 48 : index
      %swap3A_1166 = tpu.vector_load %arg7[%swap3A_1164, %swap3A_1165] {strides = array<i32>} : memref<16x128xi32, #tpu.memory_space<vmem>>, vector<1x16xi32>,
      %swap3A_1167 = vector.shape_cast %swap3A_1166 : vector<1x16xi32> to vector<16xi32>
      %swap3A_1168 = vector.shape_cast %add3A_1162 : vector<16xi32> to vector<1x16xi32>
      tpu.vector_store %arg7[%swap3A_1164, %swap3A_1165], %swap3A_1168 {strides = array<i32>} : memref<16x128xi32, #tpu.memory_space<vmem>>, vector<1x16xi32>,
      %add3A_1169 = arith.constant 192 : i32
      %add3A_1170 = arith.addi %mul3A_1012, %add3A_1169 : i32
      %multiple_of3A_1171 = tpu.assume_multiple %add3A_1170, 8 : i32
      %get3A_1172 = arith.index_cast %multiple_of3A_1171 : i32 to index
      %get3A_1173 = tpu.vector_load %arg6[%get3A_1172] {strides = array<i32>} : memref<1024xi32, #tpu.memory_space<vmem>>, vector<16xi32>,
      %get3A_1174 = vector.shape_cast %get3A_1173 : vector<16xi32> to vector<16xi32>
      %add3A_1175 = arith.addi %get3A_1174, %broadcast_in_dim3A_985 : vector<16xi32>
      %swap3A_1176 = arith.constant 9 : i32
      %swap3A_1177 = arith.index_cast %swap3A_1176 : i32 to index
      %swap3A_1178 = arith.constant 64 : index
      %swap3A_1179 = tpu.vector_load %arg7[%swap3A_1177, %swap3A_1178] {strides = array<i32>} : memref<16x128xi32, #tpu.memory_space<vmem>>, vector<1x16xi32>,
      %swap3A_1180 = vector.shape_cast %swap3A_1179 : vector<1x16xi32> to vector<16xi32>
      %swap3A_1181 = vector.shape_cast %add3A_1175 : vector<16xi32> to vector<1x16xi32>
      tpu.vector_store %arg7[%swap3A_1177, %swap3A_1178], %swap3A_1181 {strides = array<i32>} : memref<16x128xi32, #tpu.memory_space<vmem>>, vector<1x16xi32>,
      %add3A_1182 = arith.constant 208 : i32
      %add3A_1183 = arith.addi %mul3A_1012, %add3A_1182 : i32
      %multiple_of3A_1184 = tpu.assume_multiple %add3A_1183, 8 : i32
      %get3A_1185 = arith.index_cast %multiple_of3A_1184 : i32 to index
      %get3A_1186 = tpu.vector_load %arg6[%get3A_1185] {strides = array<i32>} : memref<1024xi32, #tpu.memory_space<vmem>>, vector<16xi32>,
      %get3A_1187 = vector.shape_cast %get3A_1186 : vector<16xi32> to vector<16xi32>
      %add3A_1188 = arith.addi %get3A_1187, %broadcast_in_dim3A_985 : vector<16xi32>
      %swap3A_1189 = arith.constant 9 : i32
      %swap3A_1190 = arith.index_cast %swap3A_1189 : i32 to index
      %swap3A_1191 = arith.constant 80 : index
      %swap3A_1192 = tpu.vector_load %arg7[%swap3A_1190, %swap3A_1191] {strides = array<i32>} : memref<16x128xi32, #tpu.memory_space<vmem>>, vector<1x16xi32>,
      %swap3A_1193 = vector.shape_cast %swap3A_1192 : vector<1x16xi32> to vector<16xi32>
      %swap3A_1194 = vector.shape_cast %add3A_1188 : vector<16xi32> to vector<1x16xi32>
      tpu.vector_store %arg7[%swap3A_1190, %swap3A_1191], %swap3A_1194 {strides = array<i32>} : memref<16x128xi32, #tpu.memory_space<vmem>>, vector<1x16xi32>,
      %add3A_1195 = arith.constant 224 : i32
      %add3A_1196 = arith.addi %mul3A_1012, %add3A_1195 : i32
      %multiple_of3A_1197 = tpu.assume_multiple %add3A_1196, 8 : i32
      %get3A_1198 = arith.index_cast %multiple_of3A_1197 : i32 to index
      %get3A_1199 = tpu.vector_load %arg6[%get3A_1198] {strides = array<i32>} : memref<1024xi32, #tpu.memory_space<vmem>>, vector<16xi32>,
      %get3A_1200 = vector.shape_cast %get3A_1199 : vector<16xi32> to vector<16xi32>
      %add3A_1201 = arith.addi %get3A_1200, %broadcast_in_dim3A_985 : vector<16xi32>
      %swap3A_1202 = arith.constant 9 : i32
      %swap3A_1203 = arith.index_cast %swap3A_1202 : i32 to index
      %swap3A_1204 = arith.constant 96 : index
      %swap3A_1205 = tpu.vector_load %arg7[%swap3A_1203, %swap3A_1204] {strides = array<i32>} : memref<16x128xi32, #tpu.memory_space<vmem>>, vector<1x16xi32>,
      %swap3A_1206 = vector.shape_cast %swap3A_1205 : vector<1x16xi32> to vector<16xi32>
      %swap3A_1207 = vector.shape_cast %add3A_1201 : vector<16xi32> to vector<1x16xi32>
      tpu.vector_store %arg7[%swap3A_1203, %swap3A_1204], %swap3A_1207 {strides = array<i32>} : memref<16x128xi32, #tpu.memory_space<vmem>>, vector<1x16xi32>,
      %add3A_1208 = arith.constant 240 : i32
      %add3A_1209 = arith.addi %mul3A_1012, %add3A_1208 : i32
      %multiple_of3A_1210 = tpu.assume_multiple %add3A_1209, 8 : i32
      %get3A_1211 = arith.index_cast %multiple_of3A_1210 : i32 to index
      %get3A_1212 = tpu.vector_load %arg6[%get3A_1211] {strides = array<i32>} : memref<1024xi32, #tpu.memory_space<vmem>>, vector<16xi32>,
      %get3A_1213 = vector.shape_cast %get3A_1212 : vector<16xi32> to vector<16xi32>
      %add3A_1214 = arith.addi %get3A_1213, %broadcast_in_dim3A_985 : vector<16xi32>
      %swap3A_1215 = arith.constant 9 : i32
      %swap3A_1216 = arith.index_cast %swap3A_1215 : i32 to index
      %swap3A_1217 = arith.constant 112 : index
      %swap3A_1218 = tpu.vector_load %arg7[%swap3A_1216, %swap3A_1217] {strides = array<i32>} : memref<16x128xi32, #tpu.memory_space<vmem>>, vector<1x16xi32>,
      %swap3A_1219 = vector.shape_cast %swap3A_1218 : vector<1x16xi32> to vector<16xi32>
      %swap3A_1220 = vector.shape_cast %add3A_1214 : vector<16xi32> to vector<1x16xi32>
      tpu.vector_store %arg7[%swap3A_1216, %swap3A_1217], %swap3A_1220 {strides = array<i32>} : memref<16x128xi32, #tpu.memory_space<vmem>>, vector<1x16xi32>,
      %add3A_1221 = arith.constant 5 : i32
      %add3A_1222 = arith.addi %mul3A_4, %add3A_1221 : i32
      %mul3A_1223 = arith.constant 16384 : i32
      %mul3A_1224 = arith.muli %add3A_1222, %mul3A_1223 : i32
      %broadcast_in_dim3A_1225 = vector.broadcast %mul3A_1224 : i32 to vector<16xi32>
      %jit3A_1226 = arith.constant 3 : i32
      %div3A_1227 = arith.divsi %add3A_1222, %jit3A_1226 : i32
      %sign3A_1228 = arith.constant 0 : i32
      %sign3A_1229 = arith.cmpi sgt, %add3A_1222, %sign3A_1228 : i32
      %sign3A_1230 = arith.extui %sign3A_1229 : i1 to i32
      %sign3A_1231 = arith.constant 0 : i32
      %sign3A_1232 = arith.cmpi slt, %add3A_1222, %sign3A_1231 : i32
      %sign3A_1233 = arith.extui %sign3A_1232 : i1 to i32
      %sign3A_1234 = arith.subi %sign3A_1230, %sign3A_1233 : i32
      %sign3A_1235 = arith.constant 0 : i32
      %sign3A_1236 = arith.cmpi sgt, %jit3A_1226, %sign3A_1235 : i32
      %sign3A_1237 = arith.extui %sign3A_1236 : i1 to i32
      %sign3A_1238 = arith.constant 0 : i32
      %sign3A_1239 = arith.cmpi slt, %jit3A_1226, %sign3A_1238 : i32
      %sign3A_1240 = arith.extui %sign3A_1239 : i1 to i32
      %sign3A_1241 = arith.subi %sign3A_1237, %sign3A_1240 : i32
      %ne3A_1242 = arith.cmpi ne, %sign3A_1234, %sign3A_1241 : i32
      %rem3A_1243 = arith.remsi %add3A_1222, %jit3A_1226 : i32
      %ne3A_1244 = arith.constant 0 : i32
      %ne3A_1245 = arith.cmpi ne, %rem3A_1243, %ne3A_1244 : i32
      %and3A_1246 = arith.andi %ne3A_1242, %ne3A_1245 : i1
      %sub3A_1247 = arith.constant 1 : i32
      %sub3A_1248 = arith.subi %div3A_1227, %sub3A_1247 : i32
      %select_n3A_1249 = arith.select %and3A_1246, %sub3A_1248, %div3A_1227 : i32
      %sub3A_1250 = arith.subi %select_n3A_1249, %min3A_21 : i32
      %mul3A_1251 = arith.constant 256 : i32
      %mul3A_1252 = arith.muli %sub3A_1250, %mul3A_1251 : i32
      %add3A_1253 = arith.constant 0 : i32
      %add3A_1254 = arith.addi %mul3A_1252, %add3A_1253 : i32
      %multiple_of3A_1255 = tpu.assume_multiple %add3A_1254, 8 : i32
      %get3A_1256 = arith.index_cast %multiple_of3A_1255 : i32 to index
      %get3A_1257 = tpu.vector_load %arg6[%get3A_1256] {strides = array<i32>} : memref<1024xi32, #tpu.memory_space<vmem>>, vector<16xi32>,
      %get3A_1258 = vector.shape_cast %get3A_1257 : vector<16xi32> to vector<16xi32>
      %add3A_1259 = arith.addi %get3A_1258, %broadcast_in_dim3A_1225 : vector<16xi32>
      %swap3A_1260 = arith.constant 10 : i32
      %swap3A_1261 = arith.index_cast %swap3A_1260 : i32 to index
      %swap3A_1262 = arith.constant 0 : index
      %swap3A_1263 = tpu.vector_load %arg7[%swap3A_1261, %swap3A_1262] {strides = array<i32>} : memref<16x128xi32, #tpu.memory_space<vmem>>, vector<1x16xi32>,
      %swap3A_1264 = vector.shape_cast %swap3A_1263 : vector<1x16xi32> to vector<16xi32>
      %swap3A_1265 = vector.shape_cast %add3A_1259 : vector<16xi32> to vector<1x16xi32>
      tpu.vector_store %arg7[%swap3A_1261, %swap3A_1262], %swap3A_1265 {strides = array<i32>} : memref<16x128xi32, #tpu.memory_space<vmem>>, vector<1x16xi32>,
      %add3A_1266 = arith.constant 16 : i32
      %add3A_1267 = arith.addi %mul3A_1252, %add3A_1266 : i32
      %multiple_of3A_1268 = tpu.assume_multiple %add3A_1267, 8 : i32
      %get3A_1269 = arith.index_cast %multiple_of3A_1268 : i32 to index
      %get3A_1270 = tpu.vector_load %arg6[%get3A_1269] {strides = array<i32>} : memref<1024xi32, #tpu.memory_space<vmem>>, vector<16xi32>,
      %get3A_1271 = vector.shape_cast %get3A_1270 : vector<16xi32> to vector<16xi32>
      %add3A_1272 = arith.addi %get3A_1271, %broadcast_in_dim3A_1225 : vector<16xi32>
      %swap3A_1273 = arith.constant 10 : i32
      %swap3A_1274 = arith.index_cast %swap3A_1273 : i32 to index
      %swap3A_1275 = arith.constant 16 : index
      %swap3A_1276 = tpu.vector_load %arg7[%swap3A_1274, %swap3A_1275] {strides = array<i32>} : memref<16x128xi32, #tpu.memory_space<vmem>>, vector<1x16xi32>,
      %swap3A_1277 = vector.shape_cast %swap3A_1276 : vector<1x16xi32> to vector<16xi32>
      %swap3A_1278 = vector.shape_cast %add3A_1272 : vector<16xi32> to vector<1x16xi32>
      tpu.vector_store %arg7[%swap3A_1274, %swap3A_1275], %swap3A_1278 {strides = array<i32>} : memref<16x128xi32, #tpu.memory_space<vmem>>, vector<1x16xi32>,
      %add3A_1279 = arith.constant 32 : i32
      %add3A_1280 = arith.addi %mul3A_1252, %add3A_1279 : i32
      %multiple_of3A_1281 = tpu.assume_multiple %add3A_1280, 8 : i32
      %get3A_1282 = arith.index_cast %multiple_of3A_1281 : i32 to index
      %get3A_1283 = tpu.vector_load %arg6[%get3A_1282] {strides = array<i32>} : memref<1024xi32, #tpu.memory_space<vmem>>, vector<16xi32>,
      %get3A_1284 = vector.shape_cast %get3A_1283 : vector<16xi32> to vector<16xi32>
      %add3A_1285 = arith.addi %get3A_1284, %broadcast_in_dim3A_1225 : vector<16xi32>
      %swap3A_1286 = arith.constant 10 : i32
      %swap3A_1287 = arith.index_cast %swap3A_1286 : i32 to index
      %swap3A_1288 = arith.constant 32 : index
      %swap3A_1289 = tpu.vector_load %arg7[%swap3A_1287, %swap3A_1288] {strides = array<i32>} : memref<16x128xi32, #tpu.memory_space<vmem>>, vector<1x16xi32>,
      %swap3A_1290 = vector.shape_cast %swap3A_1289 : vector<1x16xi32> to vector<16xi32>
      %swap3A_1291 = vector.shape_cast %add3A_1285 : vector<16xi32> to vector<1x16xi32>
      tpu.vector_store %arg7[%swap3A_1287, %swap3A_1288], %swap3A_1291 {strides = array<i32>} : memref<16x128xi32, #tpu.memory_space<vmem>>, vector<1x16xi32>,
      %add3A_1292 = arith.constant 48 : i32
      %add3A_1293 = arith.addi %mul3A_1252, %add3A_1292 : i32
      %multiple_of3A_1294 = tpu.assume_multiple %add3A_1293, 8 : i32
      %get3A_1295 = arith.index_cast %multiple_of3A_1294 : i32 to index
      %get3A_1296 = tpu.vector_load %arg6[%get3A_1295] {strides = array<i32>} : memref<1024xi32, #tpu.memory_space<vmem>>, vector<16xi32>,
      %get3A_1297 = vector.shape_cast %get3A_1296 : vector<16xi32> to vector<16xi32>
      %add3A_1298 = arith.addi %get3A_1297, %broadcast_in_dim3A_1225 : vector<16xi32>
      %swap3A_1299 = arith.constant 10 : i32
      %swap3A_1300 = arith.index_cast %swap3A_1299 : i32 to index
      %swap3A_1301 = arith.constant 48 : index
      %swap3A_1302 = tpu.vector_load %arg7[%swap3A_1300, %swap3A_1301] {strides = array<i32>} : memref<16x128xi32, #tpu.memory_space<vmem>>, vector<1x16xi32>,
      %swap3A_1303 = vector.shape_cast %swap3A_1302 : vector<1x16xi32> to vector<16xi32>
      %swap3A_1304 = vector.shape_cast %add3A_1298 : vector<16xi32> to vector<1x16xi32>
      tpu.vector_store %arg7[%swap3A_1300, %swap3A_1301], %swap3A_1304 {strides = array<i32>} : memref<16x128xi32, #tpu.memory_space<vmem>>, vector<1x16xi32>,
      %add3A_1305 = arith.constant 64 : i32
      %add3A_1306 = arith.addi %mul3A_1252, %add3A_1305 : i32
      %multiple_of3A_1307 = tpu.assume_multiple %add3A_1306, 8 : i32
      %get3A_1308 = arith.index_cast %multiple_of3A_1307 : i32 to index
      %get3A_1309 = tpu.vector_load %arg6[%get3A_1308] {strides = array<i32>} : memref<1024xi32, #tpu.memory_space<vmem>>, vector<16xi32>,
      %get3A_1310 = vector.shape_cast %get3A_1309 : vector<16xi32> to vector<16xi32>
      %add3A_1311 = arith.addi %get3A_1310, %broadcast_in_dim3A_1225 : vector<16xi32>
      %swap3A_1312 = arith.constant 10 : i32
      %swap3A_1313 = arith.index_cast %swap3A_1312 : i32 to index
      %swap3A_1314 = arith.constant 64 : index
      %swap3A_1315 = tpu.vector_load %arg7[%swap3A_1313, %swap3A_1314] {strides = array<i32>} : memref<16x128xi32, #tpu.memory_space<vmem>>, vector<1x16xi32>,
      %swap3A_1316 = vector.shape_cast %swap3A_1315 : vector<1x16xi32> to vector<16xi32>
      %swap3A_1317 = vector.shape_cast %add3A_1311 : vector<16xi32> to vector<1x16xi32>
      tpu.vector_store %arg7[%swap3A_1313, %swap3A_1314], %swap3A_1317 {strides = array<i32>} : memref<16x128xi32, #tpu.memory_space<vmem>>, vector<1x16xi32>,
      %add3A_1318 = arith.constant 80 : i32
      %add3A_1319 = arith.addi %mul3A_1252, %add3A_1318 : i32
      %multiple_of3A_1320 = tpu.assume_multiple %add3A_1319, 8 : i32
      %get3A_1321 = arith.index_cast %multiple_of3A_1320 : i32 to index
      %get3A_1322 = tpu.vector_load %arg6[%get3A_1321] {strides = array<i32>} : memref<1024xi32, #tpu.memory_space<vmem>>, vector<16xi32>,
      %get3A_1323 = vector.shape_cast %get3A_1322 : vector<16xi32> to vector<16xi32>
      %add3A_1324 = arith.addi %get3A_1323, %broadcast_in_dim3A_1225 : vector<16xi32>
      %swap3A_1325 = arith.constant 10 : i32
      %swap3A_1326 = arith.index_cast %swap3A_1325 : i32 to index
      %swap3A_1327 = arith.constant 80 : index
      %swap3A_1328 = tpu.vector_load %arg7[%swap3A_1326, %swap3A_1327] {strides = array<i32>} : memref<16x128xi32, #tpu.memory_space<vmem>>, vector<1x16xi32>,
      %swap3A_1329 = vector.shape_cast %swap3A_1328 : vector<1x16xi32> to vector<16xi32>
      %swap3A_1330 = vector.shape_cast %add3A_1324 : vector<16xi32> to vector<1x16xi32>
      tpu.vector_store %arg7[%swap3A_1326, %swap3A_1327], %swap3A_1330 {strides = array<i32>} : memref<16x128xi32, #tpu.memory_space<vmem>>, vector<1x16xi32>,
      %add3A_1331 = arith.constant 96 : i32
      %add3A_1332 = arith.addi %mul3A_1252, %add3A_1331 : i32
      %multiple_of3A_1333 = tpu.assume_multiple %add3A_1332, 8 : i32
      %get3A_1334 = arith.index_cast %multiple_of3A_1333 : i32 to index
      %get3A_1335 = tpu.vector_load %arg6[%get3A_1334] {strides = array<i32>} : memref<1024xi32, #tpu.memory_space<vmem>>, vector<16xi32>,
      %get3A_1336 = vector.shape_cast %get3A_1335 : vector<16xi32> to vector<16xi32>
      %add3A_1337 = arith.addi %get3A_1336, %broadcast_in_dim3A_1225 : vector<16xi32>
      %swap3A_1338 = arith.constant 10 : i32
      %swap3A_1339 = arith.index_cast %swap3A_1338 : i32 to index
      %swap3A_1340 = arith.constant 96 : index
      %swap3A_1341 = tpu.vector_load %arg7[%swap3A_1339, %swap3A_1340] {strides = array<i32>} : memref<16x128xi32, #tpu.memory_space<vmem>>, vector<1x16xi32>,
      %swap3A_1342 = vector.shape_cast %swap3A_1341 : vector<1x16xi32> to vector<16xi32>
      %swap3A_1343 = vector.shape_cast %add3A_1337 : vector<16xi32> to vector<1x16xi32>
      tpu.vector_store %arg7[%swap3A_1339, %swap3A_1340], %swap3A_1343 {strides = array<i32>} : memref<16x128xi32, #tpu.memory_space<vmem>>, vector<1x16xi32>,
      %add3A_1344 = arith.constant 112 : i32
      %add3A_1345 = arith.addi %mul3A_1252, %add3A_1344 : i32
      %multiple_of3A_1346 = tpu.assume_multiple %add3A_1345, 8 : i32
      %get3A_1347 = arith.index_cast %multiple_of3A_1346 : i32 to index
      %get3A_1348 = tpu.vector_load %arg6[%get3A_1347] {strides = array<i32>} : memref<1024xi32, #tpu.memory_space<vmem>>, vector<16xi32>,
      %get3A_1349 = vector.shape_cast %get3A_1348 : vector<16xi32> to vector<16xi32>
      %add3A_1350 = arith.addi %get3A_1349, %broadcast_in_dim3A_1225 : vector<16xi32>
      %swap3A_1351 = arith.constant 10 : i32
      %swap3A_1352 = arith.index_cast %swap3A_1351 : i32 to index
      %swap3A_1353 = arith.constant 112 : index
      %swap3A_1354 = tpu.vector_load %arg7[%swap3A_1352, %swap3A_1353] {strides = array<i32>} : memref<16x128xi32, #tpu.memory_space<vmem>>, vector<1x16xi32>,
      %swap3A_1355 = vector.shape_cast %swap3A_1354 : vector<1x16xi32> to vector<16xi32>
      %swap3A_1356 = vector.shape_cast %add3A_1350 : vector<16xi32> to vector<1x16xi32>
      tpu.vector_store %arg7[%swap3A_1352, %swap3A_1353], %swap3A_1356 {strides = array<i32>} : memref<16x128xi32, #tpu.memory_space<vmem>>, vector<1x16xi32>,
      %add3A_1357 = arith.constant 128 : i32
      %add3A_1358 = arith.addi %mul3A_1252, %add3A_1357 : i32
      %multiple_of3A_1359 = tpu.assume_multiple %add3A_1358, 8 : i32
      %get3A_1360 = arith.index_cast %multiple_of3A_1359 : i32 to index
      %get3A_1361 = tpu.vector_load %arg6[%get3A_1360] {strides = array<i32>} : memref<1024xi32, #tpu.memory_space<vmem>>, vector<16xi32>,
      %get3A_1362 = vector.shape_cast %get3A_1361 : vector<16xi32> to vector<16xi32>
      %add3A_1363 = arith.addi %get3A_1362, %broadcast_in_dim3A_1225 : vector<16xi32>
      %swap3A_1364 = arith.constant 11 : i32
      %swap3A_1365 = arith.index_cast %swap3A_1364 : i32 to index
      %swap3A_1366 = arith.constant 0 : index
      %swap3A_1367 = tpu.vector_load %arg7[%swap3A_1365, %swap3A_1366] {strides = array<i32>} : memref<16x128xi32, #tpu.memory_space<vmem>>, vector<1x16xi32>,
      %swap3A_1368 = vector.shape_cast %swap3A_1367 : vector<1x16xi32> to vector<16xi32>
      %swap3A_1369 = vector.shape_cast %add3A_1363 : vector<16xi32> to vector<1x16xi32>
      tpu.vector_store %arg7[%swap3A_1365, %swap3A_1366], %swap3A_1369 {strides = array<i32>} : memref<16x128xi32, #tpu.memory_space<vmem>>, vector<1x16xi32>,
      %add3A_1370 = arith.constant 144 : i32
      %add3A_1371 = arith.addi %mul3A_1252, %add3A_1370 : i32
      %multiple_of3A_1372 = tpu.assume_multiple %add3A_1371, 8 : i32
      %get3A_1373 = arith.index_cast %multiple_of3A_1372 : i32 to index
      %get3A_1374 = tpu.vector_load %arg6[%get3A_1373] {strides = array<i32>} : memref<1024xi32, #tpu.memory_space<vmem>>, vector<16xi32>,
      %get3A_1375 = vector.shape_cast %get3A_1374 : vector<16xi32> to vector<16xi32>
      %add3A_1376 = arith.addi %get3A_1375, %broadcast_in_dim3A_1225 : vector<16xi32>
      %swap3A_1377 = arith.constant 11 : i32
      %swap3A_1378 = arith.index_cast %swap3A_1377 : i32 to index
      %swap3A_1379 = arith.constant 16 : index
      %swap3A_1380 = tpu.vector_load %arg7[%swap3A_1378, %swap3A_1379] {strides = array<i32>} : memref<16x128xi32, #tpu.memory_space<vmem>>, vector<1x16xi32>,
      %swap3A_1381 = vector.shape_cast %swap3A_1380 : vector<1x16xi32> to vector<16xi32>
      %swap3A_1382 = vector.shape_cast %add3A_1376 : vector<16xi32> to vector<1x16xi32>
      tpu.vector_store %arg7[%swap3A_1378, %swap3A_1379], %swap3A_1382 {strides = array<i32>} : memref<16x128xi32, #tpu.memory_space<vmem>>, vector<1x16xi32>,
      %add3A_1383 = arith.constant 160 : i32
      %add3A_1384 = arith.addi %mul3A_1252, %add3A_1383 : i32
      %multiple_of3A_1385 = tpu.assume_multiple %add3A_1384, 8 : i32
      %get3A_1386 = arith.index_cast %multiple_of3A_1385 : i32 to index
      %get3A_1387 = tpu.vector_load %arg6[%get3A_1386] {strides = array<i32>} : memref<1024xi32, #tpu.memory_space<vmem>>, vector<16xi32>,
      %get3A_1388 = vector.shape_cast %get3A_1387 : vector<16xi32> to vector<16xi32>
      %add3A_1389 = arith.addi %get3A_1388, %broadcast_in_dim3A_1225 : vector<16xi32>
      %swap3A_1390 = arith.constant 11 : i32
      %swap3A_1391 = arith.index_cast %swap3A_1390 : i32 to index
      %swap3A_1392 = arith.constant 32 : index
      %swap3A_1393 = tpu.vector_load %arg7[%swap3A_1391, %swap3A_1392] {strides = array<i32>} : memref<16x128xi32, #tpu.memory_space<vmem>>, vector<1x16xi32>,
      %swap3A_1394 = vector.shape_cast %swap3A_1393 : vector<1x16xi32> to vector<16xi32>
      %swap3A_1395 = vector.shape_cast %add3A_1389 : vector<16xi32> to vector<1x16xi32>
      tpu.vector_store %arg7[%swap3A_1391, %swap3A_1392], %swap3A_1395 {strides = array<i32>} : memref<16x128xi32, #tpu.memory_space<vmem>>, vector<1x16xi32>,
      %add3A_1396 = arith.constant 176 : i32
      %add3A_1397 = arith.addi %mul3A_1252, %add3A_1396 : i32
      %multiple_of3A_1398 = tpu.assume_multiple %add3A_1397, 8 : i32
      %get3A_1399 = arith.index_cast %multiple_of3A_1398 : i32 to index
      %get3A_1400 = tpu.vector_load %arg6[%get3A_1399] {strides = array<i32>} : memref<1024xi32, #tpu.memory_space<vmem>>, vector<16xi32>,
      %get3A_1401 = vector.shape_cast %get3A_1400 : vector<16xi32> to vector<16xi32>
      %add3A_1402 = arith.addi %get3A_1401, %broadcast_in_dim3A_1225 : vector<16xi32>
      %swap3A_1403 = arith.constant 11 : i32
      %swap3A_1404 = arith.index_cast %swap3A_1403 : i32 to index
      %swap3A_1405 = arith.constant 48 : index
      %swap3A_1406 = tpu.vector_load %arg7[%swap3A_1404, %swap3A_1405] {strides = array<i32>} : memref<16x128xi32, #tpu.memory_space<vmem>>, vector<1x16xi32>,
      %swap3A_1407 = vector.shape_cast %swap3A_1406 : vector<1x16xi32> to vector<16xi32>
      %swap3A_1408 = vector.shape_cast %add3A_1402 : vector<16xi32> to vector<1x16xi32>
      tpu.vector_store %arg7[%swap3A_1404, %swap3A_1405], %swap3A_1408 {strides = array<i32>} : memref<16x128xi32, #tpu.memory_space<vmem>>, vector<1x16xi32>,
      %add3A_1409 = arith.constant 192 : i32
      %add3A_1410 = arith.addi %mul3A_1252, %add3A_1409 : i32
      %multiple_of3A_1411 = tpu.assume_multiple %add3A_1410, 8 : i32
      %get3A_1412 = arith.index_cast %multiple_of3A_1411 : i32 to index
      %get3A_1413 = tpu.vector_load %arg6[%get3A_1412] {strides = array<i32>} : memref<1024xi32, #tpu.memory_space<vmem>>, vector<16xi32>,
      %get3A_1414 = vector.shape_cast %get3A_1413 : vector<16xi32> to vector<16xi32>
      %add3A_1415 = arith.addi %get3A_1414, %broadcast_in_dim3A_1225 : vector<16xi32>
      %swap3A_1416 = arith.constant 11 : i32
      %swap3A_1417 = arith.index_cast %swap3A_1416 : i32 to index
      %swap3A_1418 = arith.constant 64 : index
      %swap3A_1419 = tpu.vector_load %arg7[%swap3A_1417, %swap3A_1418] {strides = array<i32>} : memref<16x128xi32, #tpu.memory_space<vmem>>, vector<1x16xi32>,
      %swap3A_1420 = vector.shape_cast %swap3A_1419 : vector<1x16xi32> to vector<16xi32>
      %swap3A_1421 = vector.shape_cast %add3A_1415 : vector<16xi32> to vector<1x16xi32>
      tpu.vector_store %arg7[%swap3A_1417, %swap3A_1418], %swap3A_1421 {strides = array<i32>} : memref<16x128xi32, #tpu.memory_space<vmem>>, vector<1x16xi32>,
      %add3A_1422 = arith.constant 208 : i32
      %add3A_1423 = arith.addi %mul3A_1252, %add3A_1422 : i32
      %multiple_of3A_1424 = tpu.assume_multiple %add3A_1423, 8 : i32
      %get3A_1425 = arith.index_cast %multiple_of3A_1424 : i32 to index
      %get3A_1426 = tpu.vector_load %arg6[%get3A_1425] {strides = array<i32>} : memref<1024xi32, #tpu.memory_space<vmem>>, vector<16xi32>,
      %get3A_1427 = vector.shape_cast %get3A_1426 : vector<16xi32> to vector<16xi32>
      %add3A_1428 = arith.addi %get3A_1427, %broadcast_in_dim3A_1225 : vector<16xi32>
      %swap3A_1429 = arith.constant 11 : i32
      %swap3A_1430 = arith.index_cast %swap3A_1429 : i32 to index
      %swap3A_1431 = arith.constant 80 : index
      %swap3A_1432 = tpu.vector_load %arg7[%swap3A_1430, %swap3A_1431] {strides = array<i32>} : memref<16x128xi32, #tpu.memory_space<vmem>>, vector<1x16xi32>,
      %swap3A_1433 = vector.shape_cast %swap3A_1432 : vector<1x16xi32> to vector<16xi32>
      %swap3A_1434 = vector.shape_cast %add3A_1428 : vector<16xi32> to vector<1x16xi32>
      tpu.vector_store %arg7[%swap3A_1430, %swap3A_1431], %swap3A_1434 {strides = array<i32>} : memref<16x128xi32, #tpu.memory_space<vmem>>, vector<1x16xi32>,
      %add3A_1435 = arith.constant 224 : i32
      %add3A_1436 = arith.addi %mul3A_1252, %add3A_1435 : i32
      %multiple_of3A_1437 = tpu.assume_multiple %add3A_1436, 8 : i32
      %get3A_1438 = arith.index_cast %multiple_of3A_1437 : i32 to index
      %get3A_1439 = tpu.vector_load %arg6[%get3A_1438] {strides = array<i32>} : memref<1024xi32, #tpu.memory_space<vmem>>, vector<16xi32>,
      %get3A_1440 = vector.shape_cast %get3A_1439 : vector<16xi32> to vector<16xi32>
      %add3A_1441 = arith.addi %get3A_1440, %broadcast_in_dim3A_1225 : vector<16xi32>
      %swap3A_1442 = arith.constant 11 : i32
      %swap3A_1443 = arith.index_cast %swap3A_1442 : i32 to index
      %swap3A_1444 = arith.constant 96 : index
      %swap3A_1445 = tpu.vector_load %arg7[%swap3A_1443, %swap3A_1444] {strides = array<i32>} : memref<16x128xi32, #tpu.memory_space<vmem>>, vector<1x16xi32>,
      %swap3A_1446 = vector.shape_cast %swap3A_1445 : vector<1x16xi32> to vector<16xi32>
      %swap3A_1447 = vector.shape_cast %add3A_1441 : vector<16xi32> to vector<1x16xi32>
      tpu.vector_store %arg7[%swap3A_1443, %swap3A_1444], %swap3A_1447 {strides = array<i32>} : memref<16x128xi32, #tpu.memory_space<vmem>>, vector<1x16xi32>,
      %add3A_1448 = arith.constant 240 : i32
      %add3A_1449 = arith.addi %mul3A_1252, %add3A_1448 : i32
      %multiple_of3A_1450 = tpu.assume_multiple %add3A_1449, 8 : i32
      %get3A_1451 = arith.index_cast %multiple_of3A_1450 : i32 to index
      %get3A_1452 = tpu.vector_load %arg6[%get3A_1451] {strides = array<i32>} : memref<1024xi32, #tpu.memory_space<vmem>>, vector<16xi32>,
      %get3A_1453 = vector.shape_cast %get3A_1452 : vector<16xi32> to vector<16xi32>
      %add3A_1454 = arith.addi %get3A_1453, %broadcast_in_dim3A_1225 : vector<16xi32>
      %swap3A_1455 = arith.constant 11 : i32
      %swap3A_1456 = arith.index_cast %swap3A_1455 : i32 to index
      %swap3A_1457 = arith.constant 112 : index
      %swap3A_1458 = tpu.vector_load %arg7[%swap3A_1456, %swap3A_1457] {strides = array<i32>} : memref<16x128xi32, #tpu.memory_space<vmem>>, vector<1x16xi32>,
      %swap3A_1459 = vector.shape_cast %swap3A_1458 : vector<1x16xi32> to vector<16xi32>
      %swap3A_1460 = vector.shape_cast %add3A_1454 : vector<16xi32> to vector<1x16xi32>
      tpu.vector_store %arg7[%swap3A_1456, %swap3A_1457], %swap3A_1460 {strides = array<i32>} : memref<16x128xi32, #tpu.memory_space<vmem>>, vector<1x16xi32>,
      %add3A_1461 = arith.constant 6 : i32
      %add3A_1462 = arith.addi %mul3A_4, %add3A_1461 : i32
      %mul3A_1463 = arith.constant 16384 : i32
      %mul3A_1464 = arith.muli %add3A_1462, %mul3A_1463 : i32
      %broadcast_in_dim3A_1465 = vector.broadcast %mul3A_1464 : i32 to vector<16xi32>
      %jit3A_1466 = arith.constant 3 : i32
      %div3A_1467 = arith.divsi %add3A_1462, %jit3A_1466 : i32
      %sign3A_1468 = arith.constant 0 : i32
      %sign3A_1469 = arith.cmpi sgt, %add3A_1462, %sign3A_1468 : i32
      %sign3A_1470 = arith.extui %sign3A_1469 : i1 to i32
      %sign3A_1471 = arith.constant 0 : i32
      %sign3A_1472 = arith.cmpi slt, %add3A_1462, %sign3A_1471 : i32
      %sign3A_1473 = arith.extui %sign3A_1472 : i1 to i32
      %sign3A_1474 = arith.subi %sign3A_1470, %sign3A_1473 : i32
      %sign3A_1475 = arith.constant 0 : i32
      %sign3A_1476 = arith.cmpi sgt, %jit3A_1466, %sign3A_1475 : i32
      %sign3A_1477 = arith.extui %sign3A_1476 : i1 to i32
      %sign3A_1478 = arith.constant 0 : i32
      %sign3A_1479 = arith.cmpi slt, %jit3A_1466, %sign3A_1478 : i32
      %sign3A_1480 = arith.extui %sign3A_1479 : i1 to i32
      %sign3A_1481 = arith.subi %sign3A_1477, %sign3A_1480 : i32
      %ne3A_1482 = arith.cmpi ne, %sign3A_1474, %sign3A_1481 : i32
      %rem3A_1483 = arith.remsi %add3A_1462, %jit3A_1466 : i32
      %ne3A_1484 = arith.constant 0 : i32
      %ne3A_1485 = arith.cmpi ne, %rem3A_1483, %ne3A_1484 : i32
      %and3A_1486 = arith.andi %ne3A_1482, %ne3A_1485 : i1
      %sub3A_1487 = arith.constant 1 : i32
      %sub3A_1488 = arith.subi %div3A_1467, %sub3A_1487 : i32
      %select_n3A_1489 = arith.select %and3A_1486, %sub3A_1488, %div3A_1467 : i32
      %sub3A_1490 = arith.subi %select_n3A_1489, %min3A_21 : i32
      %mul3A_1491 = arith.constant 256 : i32
      %mul3A_1492 = arith.muli %sub3A_1490, %mul3A_1491 : i32
      %add3A_1493 = arith.constant 0 : i32
      %add3A_1494 = arith.addi %mul3A_1492, %add3A_1493 : i32
      %multiple_of3A_1495 = tpu.assume_multiple %add3A_1494, 8 : i32
      %get3A_1496 = arith.index_cast %multiple_of3A_1495 : i32 to index
      %get3A_1497 = tpu.vector_load %arg6[%get3A_1496] {strides = array<i32>} : memref<1024xi32, #tpu.memory_space<vmem>>, vector<16xi32>,
      %get3A_1498 = vector.shape_cast %get3A_1497 : vector<16xi32> to vector<16xi32>
      %add3A_1499 = arith.addi %get3A_1498, %broadcast_in_dim3A_1465 : vector<16xi32>
      %swap3A_1500 = arith.constant 12 : i32
      %swap3A_1501 = arith.index_cast %swap3A_1500 : i32 to index
      %swap3A_1502 = arith.constant 0 : index
      %swap3A_1503 = tpu.vector_load %arg7[%swap3A_1501, %swap3A_1502] {strides = array<i32>} : memref<16x128xi32, #tpu.memory_space<vmem>>, vector<1x16xi32>,
      %swap3A_1504 = vector.shape_cast %swap3A_1503 : vector<1x16xi32> to vector<16xi32>
      %swap3A_1505 = vector.shape_cast %add3A_1499 : vector<16xi32> to vector<1x16xi32>
      tpu.vector_store %arg7[%swap3A_1501, %swap3A_1502], %swap3A_1505 {strides = array<i32>} : memref<16x128xi32, #tpu.memory_space<vmem>>, vector<1x16xi32>,
      %add3A_1506 = arith.constant 16 : i32
      %add3A_1507 = arith.addi %mul3A_1492, %add3A_1506 : i32
      %multiple_of3A_1508 = tpu.assume_multiple %add3A_1507, 8 : i32
      %get3A_1509 = arith.index_cast %multiple_of3A_1508 : i32 to index
      %get3A_1510 = tpu.vector_load %arg6[%get3A_1509] {strides = array<i32>} : memref<1024xi32, #tpu.memory_space<vmem>>, vector<16xi32>,
      %get3A_1511 = vector.shape_cast %get3A_1510 : vector<16xi32> to vector<16xi32>
      %add3A_1512 = arith.addi %get3A_1511, %broadcast_in_dim3A_1465 : vector<16xi32>
      %swap3A_1513 = arith.constant 12 : i32
      %swap3A_1514 = arith.index_cast %swap3A_1513 : i32 to index
      %swap3A_1515 = arith.constant 16 : index
      %swap3A_1516 = tpu.vector_load %arg7[%swap3A_1514, %swap3A_1515] {strides = array<i32>} : memref<16x128xi32, #tpu.memory_space<vmem>>, vector<1x16xi32>,
      %swap3A_1517 = vector.shape_cast %swap3A_1516 : vector<1x16xi32> to vector<16xi32>
      %swap3A_1518 = vector.shape_cast %add3A_1512 : vector<16xi32> to vector<1x16xi32>
      tpu.vector_store %arg7[%swap3A_1514, %swap3A_1515], %swap3A_1518 {strides = array<i32>} : memref<16x128xi32, #tpu.memory_space<vmem>>, vector<1x16xi32>,
      %add3A_1519 = arith.constant 32 : i32
      %add3A_1520 = arith.addi %mul3A_1492, %add3A_1519 : i32
      %multiple_of3A_1521 = tpu.assume_multiple %add3A_1520, 8 : i32
      %get3A_1522 = arith.index_cast %multiple_of3A_1521 : i32 to index
      %get3A_1523 = tpu.vector_load %arg6[%get3A_1522] {strides = array<i32>} : memref<1024xi32, #tpu.memory_space<vmem>>, vector<16xi32>,
      %get3A_1524 = vector.shape_cast %get3A_1523 : vector<16xi32> to vector<16xi32>
      %add3A_1525 = arith.addi %get3A_1524, %broadcast_in_dim3A_1465 : vector<16xi32>
      %swap3A_1526 = arith.constant 12 : i32
      %swap3A_1527 = arith.index_cast %swap3A_1526 : i32 to index
      %swap3A_1528 = arith.constant 32 : index
      %swap3A_1529 = tpu.vector_load %arg7[%swap3A_1527, %swap3A_1528] {strides = array<i32>} : memref<16x128xi32, #tpu.memory_space<vmem>>, vector<1x16xi32>,
      %swap3A_1530 = vector.shape_cast %swap3A_1529 : vector<1x16xi32> to vector<16xi32>
      %swap3A_1531 = vector.shape_cast %add3A_1525 : vector<16xi32> to vector<1x16xi32>
      tpu.vector_store %arg7[%swap3A_1527, %swap3A_1528], %swap3A_1531 {strides = array<i32>} : memref<16x128xi32, #tpu.memory_space<vmem>>, vector<1x16xi32>,
      %add3A_1532 = arith.constant 48 : i32
      %add3A_1533 = arith.addi %mul3A_1492, %add3A_1532 : i32
      %multiple_of3A_1534 = tpu.assume_multiple %add3A_1533, 8 : i32
      %get3A_1535 = arith.index_cast %multiple_of3A_1534 : i32 to index
      %get3A_1536 = tpu.vector_load %arg6[%get3A_1535] {strides = array<i32>} : memref<1024xi32, #tpu.memory_space<vmem>>, vector<16xi32>,
      %get3A_1537 = vector.shape_cast %get3A_1536 : vector<16xi32> to vector<16xi32>
      %add3A_1538 = arith.addi %get3A_1537, %broadcast_in_dim3A_1465 : vector<16xi32>
      %swap3A_1539 = arith.constant 12 : i32
      %swap3A_1540 = arith.index_cast %swap3A_1539 : i32 to index
      %swap3A_1541 = arith.constant 48 : index
      %swap3A_1542 = tpu.vector_load %arg7[%swap3A_1540, %swap3A_1541] {strides = array<i32>} : memref<16x128xi32, #tpu.memory_space<vmem>>, vector<1x16xi32>,
      %swap3A_1543 = vector.shape_cast %swap3A_1542 : vector<1x16xi32> to vector<16xi32>
      %swap3A_1544 = vector.shape_cast %add3A_1538 : vector<16xi32> to vector<1x16xi32>
      tpu.vector_store %arg7[%swap3A_1540, %swap3A_1541], %swap3A_1544 {strides = array<i32>} : memref<16x128xi32, #tpu.memory_space<vmem>>, vector<1x16xi32>,
      %add3A_1545 = arith.constant 64 : i32
      %add3A_1546 = arith.addi %mul3A_1492, %add3A_1545 : i32
      %multiple_of3A_1547 = tpu.assume_multiple %add3A_1546, 8 : i32
      %get3A_1548 = arith.index_cast %multiple_of3A_1547 : i32 to index
      %get3A_1549 = tpu.vector_load %arg6[%get3A_1548] {strides = array<i32>} : memref<1024xi32, #tpu.memory_space<vmem>>, vector<16xi32>,
      %get3A_1550 = vector.shape_cast %get3A_1549 : vector<16xi32> to vector<16xi32>
      %add3A_1551 = arith.addi %get3A_1550, %broadcast_in_dim3A_1465 : vector<16xi32>
      %swap3A_1552 = arith.constant 12 : i32
      %swap3A_1553 = arith.index_cast %swap3A_1552 : i32 to index
      %swap3A_1554 = arith.constant 64 : index
      %swap3A_1555 = tpu.vector_load %arg7[%swap3A_1553, %swap3A_1554] {strides = array<i32>} : memref<16x128xi32, #tpu.memory_space<vmem>>, vector<1x16xi32>,
      %swap3A_1556 = vector.shape_cast %swap3A_1555 : vector<1x16xi32> to vector<16xi32>
      %swap3A_1557 = vector.shape_cast %add3A_1551 : vector<16xi32> to vector<1x16xi32>
      tpu.vector_store %arg7[%swap3A_1553, %swap3A_1554], %swap3A_1557 {strides = array<i32>} : memref<16x128xi32, #tpu.memory_space<vmem>>, vector<1x16xi32>,
      %add3A_1558 = arith.constant 80 : i32
      %add3A_1559 = arith.addi %mul3A_1492, %add3A_1558 : i32
      %multiple_of3A_1560 = tpu.assume_multiple %add3A_1559, 8 : i32
      %get3A_1561 = arith.index_cast %multiple_of3A_1560 : i32 to index
      %get3A_1562 = tpu.vector_load %arg6[%get3A_1561] {strides = array<i32>} : memref<1024xi32, #tpu.memory_space<vmem>>, vector<16xi32>,
      %get3A_1563 = vector.shape_cast %get3A_1562 : vector<16xi32> to vector<16xi32>
      %add3A_1564 = arith.addi %get3A_1563, %broadcast_in_dim3A_1465 : vector<16xi32>
      %swap3A_1565 = arith.constant 12 : i32
      %swap3A_1566 = arith.index_cast %swap3A_1565 : i32 to index
      %swap3A_1567 = arith.constant 80 : index
      %swap3A_1568 = tpu.vector_load %arg7[%swap3A_1566, %swap3A_1567] {strides = array<i32>} : memref<16x128xi32, #tpu.memory_space<vmem>>, vector<1x16xi32>,
      %swap3A_1569 = vector.shape_cast %swap3A_1568 : vector<1x16xi32> to vector<16xi32>
      %swap3A_1570 = vector.shape_cast %add3A_1564 : vector<16xi32> to vector<1x16xi32>
      tpu.vector_store %arg7[%swap3A_1566, %swap3A_1567], %swap3A_1570 {strides = array<i32>} : memref<16x128xi32, #tpu.memory_space<vmem>>, vector<1x16xi32>,
      %add3A_1571 = arith.constant 96 : i32
      %add3A_1572 = arith.addi %mul3A_1492, %add3A_1571 : i32
      %multiple_of3A_1573 = tpu.assume_multiple %add3A_1572, 8 : i32
      %get3A_1574 = arith.index_cast %multiple_of3A_1573 : i32 to index
      %get3A_1575 = tpu.vector_load %arg6[%get3A_1574] {strides = array<i32>} : memref<1024xi32, #tpu.memory_space<vmem>>, vector<16xi32>,
      %get3A_1576 = vector.shape_cast %get3A_1575 : vector<16xi32> to vector<16xi32>
      %add3A_1577 = arith.addi %get3A_1576, %broadcast_in_dim3A_1465 : vector<16xi32>
      %swap3A_1578 = arith.constant 12 : i32
      %swap3A_1579 = arith.index_cast %swap3A_1578 : i32 to index
      %swap3A_1580 = arith.constant 96 : index
      %swap3A_1581 = tpu.vector_load %arg7[%swap3A_1579, %swap3A_1580] {strides = array<i32>} : memref<16x128xi32, #tpu.memory_space<vmem>>, vector<1x16xi32>,
      %swap3A_1582 = vector.shape_cast %swap3A_1581 : vector<1x16xi32> to vector<16xi32>
      %swap3A_1583 = vector.shape_cast %add3A_1577 : vector<16xi32> to vector<1x16xi32>
      tpu.vector_store %arg7[%swap3A_1579, %swap3A_1580], %swap3A_1583 {strides = array<i32>} : memref<16x128xi32, #tpu.memory_space<vmem>>, vector<1x16xi32>,
      %add3A_1584 = arith.constant 112 : i32
      %add3A_1585 = arith.addi %mul3A_1492, %add3A_1584 : i32
      %multiple_of3A_1586 = tpu.assume_multiple %add3A_1585, 8 : i32
      %get3A_1587 = arith.index_cast %multiple_of3A_1586 : i32 to index
      %get3A_1588 = tpu.vector_load %arg6[%get3A_1587] {strides = array<i32>} : memref<1024xi32, #tpu.memory_space<vmem>>, vector<16xi32>,
      %get3A_1589 = vector.shape_cast %get3A_1588 : vector<16xi32> to vector<16xi32>
      %add3A_1590 = arith.addi %get3A_1589, %broadcast_in_dim3A_1465 : vector<16xi32>
      %swap3A_1591 = arith.constant 12 : i32
      %swap3A_1592 = arith.index_cast %swap3A_1591 : i32 to index
      %swap3A_1593 = arith.constant 112 : index
      %swap3A_1594 = tpu.vector_load %arg7[%swap3A_1592, %swap3A_1593] {strides = array<i32>} : memref<16x128xi32, #tpu.memory_space<vmem>>, vector<1x16xi32>,
      %swap3A_1595 = vector.shape_cast %swap3A_1594 : vector<1x16xi32> to vector<16xi32>
      %swap3A_1596 = vector.shape_cast %add3A_1590 : vector<16xi32> to vector<1x16xi32>
      tpu.vector_store %arg7[%swap3A_1592, %swap3A_1593], %swap3A_1596 {strides = array<i32>} : memref<16x128xi32, #tpu.memory_space<vmem>>, vector<1x16xi32>,
      %add3A_1597 = arith.constant 128 : i32
      %add3A_1598 = arith.addi %mul3A_1492, %add3A_1597 : i32
      %multiple_of3A_1599 = tpu.assume_multiple %add3A_1598, 8 : i32
      %get3A_1600 = arith.index_cast %multiple_of3A_1599 : i32 to index
      %get3A_1601 = tpu.vector_load %arg6[%get3A_1600] {strides = array<i32>} : memref<1024xi32, #tpu.memory_space<vmem>>, vector<16xi32>,
      %get3A_1602 = vector.shape_cast %get3A_1601 : vector<16xi32> to vector<16xi32>
      %add3A_1603 = arith.addi %get3A_1602, %broadcast_in_dim3A_1465 : vector<16xi32>
      %swap3A_1604 = arith.constant 13 : i32
      %swap3A_1605 = arith.index_cast %swap3A_1604 : i32 to index
      %swap3A_1606 = arith.constant 0 : index
      %swap3A_1607 = tpu.vector_load %arg7[%swap3A_1605, %swap3A_1606] {strides = array<i32>} : memref<16x128xi32, #tpu.memory_space<vmem>>, vector<1x16xi32>,
      %swap3A_1608 = vector.shape_cast %swap3A_1607 : vector<1x16xi32> to vector<16xi32>
      %swap3A_1609 = vector.shape_cast %add3A_1603 : vector<16xi32> to vector<1x16xi32>
      tpu.vector_store %arg7[%swap3A_1605, %swap3A_1606], %swap3A_1609 {strides = array<i32>} : memref<16x128xi32, #tpu.memory_space<vmem>>, vector<1x16xi32>,
      %add3A_1610 = arith.constant 144 : i32
      %add3A_1611 = arith.addi %mul3A_1492, %add3A_1610 : i32
      %multiple_of3A_1612 = tpu.assume_multiple %add3A_1611, 8 : i32
      %get3A_1613 = arith.index_cast %multiple_of3A_1612 : i32 to index
      %get3A_1614 = tpu.vector_load %arg6[%get3A_1613] {strides = array<i32>} : memref<1024xi32, #tpu.memory_space<vmem>>, vector<16xi32>,
      %get3A_1615 = vector.shape_cast %get3A_1614 : vector<16xi32> to vector<16xi32>
      %add3A_1616 = arith.addi %get3A_1615, %broadcast_in_dim3A_1465 : vector<16xi32>
      %swap3A_1617 = arith.constant 13 : i32
      %swap3A_1618 = arith.index_cast %swap3A_1617 : i32 to index
      %swap3A_1619 = arith.constant 16 : index
      %swap3A_1620 = tpu.vector_load %arg7[%swap3A_1618, %swap3A_1619] {strides = array<i32>} : memref<16x128xi32, #tpu.memory_space<vmem>>, vector<1x16xi32>,
      %swap3A_1621 = vector.shape_cast %swap3A_1620 : vector<1x16xi32> to vector<16xi32>
      %swap3A_1622 = vector.shape_cast %add3A_1616 : vector<16xi32> to vector<1x16xi32>
      tpu.vector_store %arg7[%swap3A_1618, %swap3A_1619], %swap3A_1622 {strides = array<i32>} : memref<16x128xi32, #tpu.memory_space<vmem>>, vector<1x16xi32>,
      %add3A_1623 = arith.constant 160 : i32
      %add3A_1624 = arith.addi %mul3A_1492, %add3A_1623 : i32
      %multiple_of3A_1625 = tpu.assume_multiple %add3A_1624, 8 : i32
      %get3A_1626 = arith.index_cast %multiple_of3A_1625 : i32 to index
      %get3A_1627 = tpu.vector_load %arg6[%get3A_1626] {strides = array<i32>} : memref<1024xi32, #tpu.memory_space<vmem>>, vector<16xi32>,
      %get3A_1628 = vector.shape_cast %get3A_1627 : vector<16xi32> to vector<16xi32>
      %add3A_1629 = arith.addi %get3A_1628, %broadcast_in_dim3A_1465 : vector<16xi32>
      %swap3A_1630 = arith.constant 13 : i32
      %swap3A_1631 = arith.index_cast %swap3A_1630 : i32 to index
      %swap3A_1632 = arith.constant 32 : index
      %swap3A_1633 = tpu.vector_load %arg7[%swap3A_1631, %swap3A_1632] {strides = array<i32>} : memref<16x128xi32, #tpu.memory_space<vmem>>, vector<1x16xi32>,
      %swap3A_1634 = vector.shape_cast %swap3A_1633 : vector<1x16xi32> to vector<16xi32>
      %swap3A_1635 = vector.shape_cast %add3A_1629 : vector<16xi32> to vector<1x16xi32>
      tpu.vector_store %arg7[%swap3A_1631, %swap3A_1632], %swap3A_1635 {strides = array<i32>} : memref<16x128xi32, #tpu.memory_space<vmem>>, vector<1x16xi32>,
      %add3A_1636 = arith.constant 176 : i32
      %add3A_1637 = arith.addi %mul3A_1492, %add3A_1636 : i32
      %multiple_of3A_1638 = tpu.assume_multiple %add3A_1637, 8 : i32
      %get3A_1639 = arith.index_cast %multiple_of3A_1638 : i32 to index
      %get3A_1640 = tpu.vector_load %arg6[%get3A_1639] {strides = array<i32>} : memref<1024xi32, #tpu.memory_space<vmem>>, vector<16xi32>,
      %get3A_1641 = vector.shape_cast %get3A_1640 : vector<16xi32> to vector<16xi32>
      %add3A_1642 = arith.addi %get3A_1641, %broadcast_in_dim3A_1465 : vector<16xi32>
      %swap3A_1643 = arith.constant 13 : i32
      %swap3A_1644 = arith.index_cast %swap3A_1643 : i32 to index
      %swap3A_1645 = arith.constant 48 : index
      %swap3A_1646 = tpu.vector_load %arg7[%swap3A_1644, %swap3A_1645] {strides = array<i32>} : memref<16x128xi32, #tpu.memory_space<vmem>>, vector<1x16xi32>,
      %swap3A_1647 = vector.shape_cast %swap3A_1646 : vector<1x16xi32> to vector<16xi32>
      %swap3A_1648 = vector.shape_cast %add3A_1642 : vector<16xi32> to vector<1x16xi32>
      tpu.vector_store %arg7[%swap3A_1644, %swap3A_1645], %swap3A_1648 {strides = array<i32>} : memref<16x128xi32, #tpu.memory_space<vmem>>, vector<1x16xi32>,
      %add3A_1649 = arith.constant 192 : i32
      %add3A_1650 = arith.addi %mul3A_1492, %add3A_1649 : i32
      %multiple_of3A_1651 = tpu.assume_multiple %add3A_1650, 8 : i32
      %get3A_1652 = arith.index_cast %multiple_of3A_1651 : i32 to index
      %get3A_1653 = tpu.vector_load %arg6[%get3A_1652] {strides = array<i32>} : memref<1024xi32, #tpu.memory_space<vmem>>, vector<16xi32>,
      %get3A_1654 = vector.shape_cast %get3A_1653 : vector<16xi32> to vector<16xi32>
      %add3A_1655 = arith.addi %get3A_1654, %broadcast_in_dim3A_1465 : vector<16xi32>
      %swap3A_1656 = arith.constant 13 : i32
      %swap3A_1657 = arith.index_cast %swap3A_1656 : i32 to index
      %swap3A_1658 = arith.constant 64 : index
      %swap3A_1659 = tpu.vector_load %arg7[%swap3A_1657, %swap3A_1658] {strides = array<i32>} : memref<16x128xi32, #tpu.memory_space<vmem>>, vector<1x16xi32>,
      %swap3A_1660 = vector.shape_cast %swap3A_1659 : vector<1x16xi32> to vector<16xi32>
      %swap3A_1661 = vector.shape_cast %add3A_1655 : vector<16xi32> to vector<1x16xi32>
      tpu.vector_store %arg7[%swap3A_1657, %swap3A_1658], %swap3A_1661 {strides = array<i32>} : memref<16x128xi32, #tpu.memory_space<vmem>>, vector<1x16xi32>,
      %add3A_1662 = arith.constant 208 : i32
      %add3A_1663 = arith.addi %mul3A_1492, %add3A_1662 : i32
      %multiple_of3A_1664 = tpu.assume_multiple %add3A_1663, 8 : i32
      %get3A_1665 = arith.index_cast %multiple_of3A_1664 : i32 to index
      %get3A_1666 = tpu.vector_load %arg6[%get3A_1665] {strides = array<i32>} : memref<1024xi32, #tpu.memory_space<vmem>>, vector<16xi32>,
      %get3A_1667 = vector.shape_cast %get3A_1666 : vector<16xi32> to vector<16xi32>
      %add3A_1668 = arith.addi %get3A_1667, %broadcast_in_dim3A_1465 : vector<16xi32>
      %swap3A_1669 = arith.constant 13 : i32
      %swap3A_1670 = arith.index_cast %swap3A_1669 : i32 to index
      %swap3A_1671 = arith.constant 80 : index
      %swap3A_1672 = tpu.vector_load %arg7[%swap3A_1670, %swap3A_1671] {strides = array<i32>} : memref<16x128xi32, #tpu.memory_space<vmem>>, vector<1x16xi32>,
      %swap3A_1673 = vector.shape_cast %swap3A_1672 : vector<1x16xi32> to vector<16xi32>
      %swap3A_1674 = vector.shape_cast %add3A_1668 : vector<16xi32> to vector<1x16xi32>
      tpu.vector_store %arg7[%swap3A_1670, %swap3A_1671], %swap3A_1674 {strides = array<i32>} : memref<16x128xi32, #tpu.memory_space<vmem>>, vector<1x16xi32>,
      %add3A_1675 = arith.constant 224 : i32
      %add3A_1676 = arith.addi %mul3A_1492, %add3A_1675 : i32
      %multiple_of3A_1677 = tpu.assume_multiple %add3A_1676, 8 : i32
      %get3A_1678 = arith.index_cast %multiple_of3A_1677 : i32 to index
      %get3A_1679 = tpu.vector_load %arg6[%get3A_1678] {strides = array<i32>} : memref<1024xi32, #tpu.memory_space<vmem>>, vector<16xi32>,
      %get3A_1680 = vector.shape_cast %get3A_1679 : vector<16xi32> to vector<16xi32>
      %add3A_1681 = arith.addi %get3A_1680, %broadcast_in_dim3A_1465 : vector<16xi32>
      %swap3A_1682 = arith.constant 13 : i32
      %swap3A_1683 = arith.index_cast %swap3A_1682 : i32 to index
      %swap3A_1684 = arith.constant 96 : index
      %swap3A_1685 = tpu.vector_load %arg7[%swap3A_1683, %swap3A_1684] {strides = array<i32>} : memref<16x128xi32, #tpu.memory_space<vmem>>, vector<1x16xi32>,
      %swap3A_1686 = vector.shape_cast %swap3A_1685 : vector<1x16xi32> to vector<16xi32>
      %swap3A_1687 = vector.shape_cast %add3A_1681 : vector<16xi32> to vector<1x16xi32>
      tpu.vector_store %arg7[%swap3A_1683, %swap3A_1684], %swap3A_1687 {strides = array<i32>} : memref<16x128xi32, #tpu.memory_space<vmem>>, vector<1x16xi32>,
      %add3A_1688 = arith.constant 240 : i32
      %add3A_1689 = arith.addi %mul3A_1492, %add3A_1688 : i32
      %multiple_of3A_1690 = tpu.assume_multiple %add3A_1689, 8 : i32
      %get3A_1691 = arith.index_cast %multiple_of3A_1690 : i32 to index
      %get3A_1692 = tpu.vector_load %arg6[%get3A_1691] {strides = array<i32>} : memref<1024xi32, #tpu.memory_space<vmem>>, vector<16xi32>,
      %get3A_1693 = vector.shape_cast %get3A_1692 : vector<16xi32> to vector<16xi32>
      %add3A_1694 = arith.addi %get3A_1693, %broadcast_in_dim3A_1465 : vector<16xi32>
      %swap3A_1695 = arith.constant 13 : i32
      %swap3A_1696 = arith.index_cast %swap3A_1695 : i32 to index
      %swap3A_1697 = arith.constant 112 : index
      %swap3A_1698 = tpu.vector_load %arg7[%swap3A_1696, %swap3A_1697] {strides = array<i32>} : memref<16x128xi32, #tpu.memory_space<vmem>>, vector<1x16xi32>,
      %swap3A_1699 = vector.shape_cast %swap3A_1698 : vector<1x16xi32> to vector<16xi32>
      %swap3A_1700 = vector.shape_cast %add3A_1694 : vector<16xi32> to vector<1x16xi32>
      tpu.vector_store %arg7[%swap3A_1696, %swap3A_1697], %swap3A_1700 {strides = array<i32>} : memref<16x128xi32, #tpu.memory_space<vmem>>, vector<1x16xi32>,
      %add3A_1701 = arith.constant 7 : i32
      %add3A_1702 = arith.addi %mul3A_4, %add3A_1701 : i32
      %mul3A_1703 = arith.constant 16384 : i32
      %mul3A_1704 = arith.muli %add3A_1702, %mul3A_1703 : i32
      %broadcast_in_dim3A_1705 = vector.broadcast %mul3A_1704 : i32 to vector<16xi32>
      %jit3A_1706 = arith.constant 3 : i32
      %div3A_1707 = arith.divsi %add3A_1702, %jit3A_1706 : i32
      %sign3A_1708 = arith.constant 0 : i32
      %sign3A_1709 = arith.cmpi sgt, %add3A_1702, %sign3A_1708 : i32
      %sign3A_1710 = arith.extui %sign3A_1709 : i1 to i32
      %sign3A_1711 = arith.constant 0 : i32
      %sign3A_1712 = arith.cmpi slt, %add3A_1702, %sign3A_1711 : i32
      %sign3A_1713 = arith.extui %sign3A_1712 : i1 to i32
      %sign3A_1714 = arith.subi %sign3A_1710, %sign3A_1713 : i32
      %sign3A_1715 = arith.constant 0 : i32
      %sign3A_1716 = arith.cmpi sgt, %jit3A_1706, %sign3A_1715 : i32
      %sign3A_1717 = arith.extui %sign3A_1716 : i1 to i32
      %sign3A_1718 = arith.constant 0 : i32
      %sign3A_1719 = arith.cmpi slt, %jit3A_1706, %sign3A_1718 : i32
      %sign3A_1720 = arith.extui %sign3A_1719 : i1 to i32
      %sign3A_1721 = arith.subi %sign3A_1717, %sign3A_1720 : i32
      %ne3A_1722 = arith.cmpi ne, %sign3A_1714, %sign3A_1721 : i32
      %rem3A_1723 = arith.remsi %add3A_1702, %jit3A_1706 : i32
      %ne3A_1724 = arith.constant 0 : i32
      %ne3A_1725 = arith.cmpi ne, %rem3A_1723, %ne3A_1724 : i32
      %and3A_1726 = arith.andi %ne3A_1722, %ne3A_1725 : i1
      %sub3A_1727 = arith.constant 1 : i32
      %sub3A_1728 = arith.subi %div3A_1707, %sub3A_1727 : i32
      %select_n3A_1729 = arith.select %and3A_1726, %sub3A_1728, %div3A_1707 : i32
      %sub3A_1730 = arith.subi %select_n3A_1729, %min3A_21 : i32
      %mul3A_1731 = arith.constant 256 : i32
      %mul3A_1732 = arith.muli %sub3A_1730, %mul3A_1731 : i32
      %add3A_1733 = arith.constant 0 : i32
      %add3A_1734 = arith.addi %mul3A_1732, %add3A_1733 : i32
      %multiple_of3A_1735 = tpu.assume_multiple %add3A_1734, 8 : i32
      %get3A_1736 = arith.index_cast %multiple_of3A_1735 : i32 to index
      %get3A_1737 = tpu.vector_load %arg6[%get3A_1736] {strides = array<i32>} : memref<1024xi32, #tpu.memory_space<vmem>>, vector<16xi32>,
      %get3A_1738 = vector.shape_cast %get3A_1737 : vector<16xi32> to vector<16xi32>
      %add3A_1739 = arith.addi %get3A_1738, %broadcast_in_dim3A_1705 : vector<16xi32>
      %swap3A_1740 = arith.constant 14 : i32
      %swap3A_1741 = arith.index_cast %swap3A_1740 : i32 to index
      %swap3A_1742 = arith.constant 0 : index
      %swap3A_1743 = tpu.vector_load %arg7[%swap3A_1741, %swap3A_1742] {strides = array<i32>} : memref<16x128xi32, #tpu.memory_space<vmem>>, vector<1x16xi32>,
      %swap3A_1744 = vector.shape_cast %swap3A_1743 : vector<1x16xi32> to vector<16xi32>
      %swap3A_1745 = vector.shape_cast %add3A_1739 : vector<16xi32> to vector<1x16xi32>
      tpu.vector_store %arg7[%swap3A_1741, %swap3A_1742], %swap3A_1745 {strides = array<i32>} : memref<16x128xi32, #tpu.memory_space<vmem>>, vector<1x16xi32>,
      %add3A_1746 = arith.constant 16 : i32
      %add3A_1747 = arith.addi %mul3A_1732, %add3A_1746 : i32
      %multiple_of3A_1748 = tpu.assume_multiple %add3A_1747, 8 : i32
      %get3A_1749 = arith.index_cast %multiple_of3A_1748 : i32 to index
      %get3A_1750 = tpu.vector_load %arg6[%get3A_1749] {strides = array<i32>} : memref<1024xi32, #tpu.memory_space<vmem>>, vector<16xi32>,
      %get3A_1751 = vector.shape_cast %get3A_1750 : vector<16xi32> to vector<16xi32>
      %add3A_1752 = arith.addi %get3A_1751, %broadcast_in_dim3A_1705 : vector<16xi32>
      %swap3A_1753 = arith.constant 14 : i32
      %swap3A_1754 = arith.index_cast %swap3A_1753 : i32 to index
      %swap3A_1755 = arith.constant 16 : index
      %swap3A_1756 = tpu.vector_load %arg7[%swap3A_1754, %swap3A_1755] {strides = array<i32>} : memref<16x128xi32, #tpu.memory_space<vmem>>, vector<1x16xi32>,
      %swap3A_1757 = vector.shape_cast %swap3A_1756 : vector<1x16xi32> to vector<16xi32>
      %swap3A_1758 = vector.shape_cast %add3A_1752 : vector<16xi32> to vector<1x16xi32>
      tpu.vector_store %arg7[%swap3A_1754, %swap3A_1755], %swap3A_1758 {strides = array<i32>} : memref<16x128xi32, #tpu.memory_space<vmem>>, vector<1x16xi32>,
      %add3A_1759 = arith.constant 32 : i32
      %add3A_1760 = arith.addi %mul3A_1732, %add3A_1759 : i32
      %multiple_of3A_1761 = tpu.assume_multiple %add3A_1760, 8 : i32
      %get3A_1762 = arith.index_cast %multiple_of3A_1761 : i32 to index
      %get3A_1763 = tpu.vector_load %arg6[%get3A_1762] {strides = array<i32>} : memref<1024xi32, #tpu.memory_space<vmem>>, vector<16xi32>,
      %get3A_1764 = vector.shape_cast %get3A_1763 : vector<16xi32> to vector<16xi32>
      %add3A_1765 = arith.addi %get3A_1764, %broadcast_in_dim3A_1705 : vector<16xi32>
      %swap3A_1766 = arith.constant 14 : i32
      %swap3A_1767 = arith.index_cast %swap3A_1766 : i32 to index
      %swap3A_1768 = arith.constant 32 : index
      %swap3A_1769 = tpu.vector_load %arg7[%swap3A_1767, %swap3A_1768] {strides = array<i32>} : memref<16x128xi32, #tpu.memory_space<vmem>>, vector<1x16xi32>,
      %swap3A_1770 = vector.shape_cast %swap3A_1769 : vector<1x16xi32> to vector<16xi32>
      %swap3A_1771 = vector.shape_cast %add3A_1765 : vector<16xi32> to vector<1x16xi32>
      tpu.vector_store %arg7[%swap3A_1767, %swap3A_1768], %swap3A_1771 {strides = array<i32>} : memref<16x128xi32, #tpu.memory_space<vmem>>, vector<1x16xi32>,
      %add3A_1772 = arith.constant 48 : i32
      %add3A_1773 = arith.addi %mul3A_1732, %add3A_1772 : i32
      %multiple_of3A_1774 = tpu.assume_multiple %add3A_1773, 8 : i32
      %get3A_1775 = arith.index_cast %multiple_of3A_1774 : i32 to index
      %get3A_1776 = tpu.vector_load %arg6[%get3A_1775] {strides = array<i32>} : memref<1024xi32, #tpu.memory_space<vmem>>, vector<16xi32>,
      %get3A_1777 = vector.shape_cast %get3A_1776 : vector<16xi32> to vector<16xi32>
      %add3A_1778 = arith.addi %get3A_1777, %broadcast_in_dim3A_1705 : vector<16xi32>
      %swap3A_1779 = arith.constant 14 : i32
      %swap3A_1780 = arith.index_cast %swap3A_1779 : i32 to index
      %swap3A_1781 = arith.constant 48 : index
      %swap3A_1782 = tpu.vector_load %arg7[%swap3A_1780, %swap3A_1781] {strides = array<i32>} : memref<16x128xi32, #tpu.memory_space<vmem>>, vector<1x16xi32>,
      %swap3A_1783 = vector.shape_cast %swap3A_1782 : vector<1x16xi32> to vector<16xi32>
      %swap3A_1784 = vector.shape_cast %add3A_1778 : vector<16xi32> to vector<1x16xi32>
      tpu.vector_store %arg7[%swap3A_1780, %swap3A_1781], %swap3A_1784 {strides = array<i32>} : memref<16x128xi32, #tpu.memory_space<vmem>>, vector<1x16xi32>,
      %add3A_1785 = arith.constant 64 : i32
      %add3A_1786 = arith.addi %mul3A_1732, %add3A_1785 : i32
      %multiple_of3A_1787 = tpu.assume_multiple %add3A_1786, 8 : i32
      %get3A_1788 = arith.index_cast %multiple_of3A_1787 : i32 to index
      %get3A_1789 = tpu.vector_load %arg6[%get3A_1788] {strides = array<i32>} : memref<1024xi32, #tpu.memory_space<vmem>>, vector<16xi32>,
      %get3A_1790 = vector.shape_cast %get3A_1789 : vector<16xi32> to vector<16xi32>
      %add3A_1791 = arith.addi %get3A_1790, %broadcast_in_dim3A_1705 : vector<16xi32>
      %swap3A_1792 = arith.constant 14 : i32
      %swap3A_1793 = arith.index_cast %swap3A_1792 : i32 to index
      %swap3A_1794 = arith.constant 64 : index
      %swap3A_1795 = tpu.vector_load %arg7[%swap3A_1793, %swap3A_1794] {strides = array<i32>} : memref<16x128xi32, #tpu.memory_space<vmem>>, vector<1x16xi32>,
      %swap3A_1796 = vector.shape_cast %swap3A_1795 : vector<1x16xi32> to vector<16xi32>
      %swap3A_1797 = vector.shape_cast %add3A_1791 : vector<16xi32> to vector<1x16xi32>
      tpu.vector_store %arg7[%swap3A_1793, %swap3A_1794], %swap3A_1797 {strides = array<i32>} : memref<16x128xi32, #tpu.memory_space<vmem>>, vector<1x16xi32>,
      %add3A_1798 = arith.constant 80 : i32
      %add3A_1799 = arith.addi %mul3A_1732, %add3A_1798 : i32
      %multiple_of3A_1800 = tpu.assume_multiple %add3A_1799, 8 : i32
      %get3A_1801 = arith.index_cast %multiple_of3A_1800 : i32 to index
      %get3A_1802 = tpu.vector_load %arg6[%get3A_1801] {strides = array<i32>} : memref<1024xi32, #tpu.memory_space<vmem>>, vector<16xi32>,
      %get3A_1803 = vector.shape_cast %get3A_1802 : vector<16xi32> to vector<16xi32>
      %add3A_1804 = arith.addi %get3A_1803, %broadcast_in_dim3A_1705 : vector<16xi32>
      %swap3A_1805 = arith.constant 14 : i32
      %swap3A_1806 = arith.index_cast %swap3A_1805 : i32 to index
      %swap3A_1807 = arith.constant 80 : index
      %swap3A_1808 = tpu.vector_load %arg7[%swap3A_1806, %swap3A_1807] {strides = array<i32>} : memref<16x128xi32, #tpu.memory_space<vmem>>, vector<1x16xi32>,
      %swap3A_1809 = vector.shape_cast %swap3A_1808 : vector<1x16xi32> to vector<16xi32>
      %swap3A_1810 = vector.shape_cast %add3A_1804 : vector<16xi32> to vector<1x16xi32>
      tpu.vector_store %arg7[%swap3A_1806, %swap3A_1807], %swap3A_1810 {strides = array<i32>} : memref<16x128xi32, #tpu.memory_space<vmem>>, vector<1x16xi32>,
      %add3A_1811 = arith.constant 96 : i32
      %add3A_1812 = arith.addi %mul3A_1732, %add3A_1811 : i32
      %multiple_of3A_1813 = tpu.assume_multiple %add3A_1812, 8 : i32
      %get3A_1814 = arith.index_cast %multiple_of3A_1813 : i32 to index
      %get3A_1815 = tpu.vector_load %arg6[%get3A_1814] {strides = array<i32>} : memref<1024xi32, #tpu.memory_space<vmem>>, vector<16xi32>,
      %get3A_1816 = vector.shape_cast %get3A_1815 : vector<16xi32> to vector<16xi32>
      %add3A_1817 = arith.addi %get3A_1816, %broadcast_in_dim3A_1705 : vector<16xi32>
      %swap3A_1818 = arith.constant 14 : i32
      %swap3A_1819 = arith.index_cast %swap3A_1818 : i32 to index
      %swap3A_1820 = arith.constant 96 : index
      %swap3A_1821 = tpu.vector_load %arg7[%swap3A_1819, %swap3A_1820] {strides = array<i32>} : memref<16x128xi32, #tpu.memory_space<vmem>>, vector<1x16xi32>,
      %swap3A_1822 = vector.shape_cast %swap3A_1821 : vector<1x16xi32> to vector<16xi32>
      %swap3A_1823 = vector.shape_cast %add3A_1817 : vector<16xi32> to vector<1x16xi32>
      tpu.vector_store %arg7[%swap3A_1819, %swap3A_1820], %swap3A_1823 {strides = array<i32>} : memref<16x128xi32, #tpu.memory_space<vmem>>, vector<1x16xi32>,
      %add3A_1824 = arith.constant 112 : i32
      %add3A_1825 = arith.addi %mul3A_1732, %add3A_1824 : i32
      %multiple_of3A_1826 = tpu.assume_multiple %add3A_1825, 8 : i32
      %get3A_1827 = arith.index_cast %multiple_of3A_1826 : i32 to index
      %get3A_1828 = tpu.vector_load %arg6[%get3A_1827] {strides = array<i32>} : memref<1024xi32, #tpu.memory_space<vmem>>, vector<16xi32>,
      %get3A_1829 = vector.shape_cast %get3A_1828 : vector<16xi32> to vector<16xi32>
      %add3A_1830 = arith.addi %get3A_1829, %broadcast_in_dim3A_1705 : vector<16xi32>
      %swap3A_1831 = arith.constant 14 : i32
      %swap3A_1832 = arith.index_cast %swap3A_1831 : i32 to index
      %swap3A_1833 = arith.constant 112 : index
      %swap3A_1834 = tpu.vector_load %arg7[%swap3A_1832, %swap3A_1833] {strides = array<i32>} : memref<16x128xi32, #tpu.memory_space<vmem>>, vector<1x16xi32>,
      %swap3A_1835 = vector.shape_cast %swap3A_1834 : vector<1x16xi32> to vector<16xi32>
      %swap3A_1836 = vector.shape_cast %add3A_1830 : vector<16xi32> to vector<1x16xi32>
      tpu.vector_store %arg7[%swap3A_1832, %swap3A_1833], %swap3A_1836 {strides = array<i32>} : memref<16x128xi32, #tpu.memory_space<vmem>>, vector<1x16xi32>,
      %add3A_1837 = arith.constant 128 : i32
      %add3A_1838 = arith.addi %mul3A_1732, %add3A_1837 : i32
      %multiple_of3A_1839 = tpu.assume_multiple %add3A_1838, 8 : i32
      %get3A_1840 = arith.index_cast %multiple_of3A_1839 : i32 to index
      %get3A_1841 = tpu.vector_load %arg6[%get3A_1840] {strides = array<i32>} : memref<1024xi32, #tpu.memory_space<vmem>>, vector<16xi32>,
      %get3A_1842 = vector.shape_cast %get3A_1841 : vector<16xi32> to vector<16xi32>
      %add3A_1843 = arith.addi %get3A_1842, %broadcast_in_dim3A_1705 : vector<16xi32>
      %swap3A_1844 = arith.constant 15 : i32
      %swap3A_1845 = arith.index_cast %swap3A_1844 : i32 to index
      %swap3A_1846 = arith.constant 0 : index
      %swap3A_1847 = tpu.vector_load %arg7[%swap3A_1845, %swap3A_1846] {strides = array<i32>} : memref<16x128xi32, #tpu.memory_space<vmem>>, vector<1x16xi32>,
      %swap3A_1848 = vector.shape_cast %swap3A_1847 : vector<1x16xi32> to vector<16xi32>
      %swap3A_1849 = vector.shape_cast %add3A_1843 : vector<16xi32> to vector<1x16xi32>
      tpu.vector_store %arg7[%swap3A_1845, %swap3A_1846], %swap3A_1849 {strides = array<i32>} : memref<16x128xi32, #tpu.memory_space<vmem>>, vector<1x16xi32>,
      %add3A_1850 = arith.constant 144 : i32
      %add3A_1851 = arith.addi %mul3A_1732, %add3A_1850 : i32
      %multiple_of3A_1852 = tpu.assume_multiple %add3A_1851, 8 : i32
      %get3A_1853 = arith.index_cast %multiple_of3A_1852 : i32 to index
      %get3A_1854 = tpu.vector_load %arg6[%get3A_1853] {strides = array<i32>} : memref<1024xi32, #tpu.memory_space<vmem>>, vector<16xi32>,
      %get3A_1855 = vector.shape_cast %get3A_1854 : vector<16xi32> to vector<16xi32>
      %add3A_1856 = arith.addi %get3A_1855, %broadcast_in_dim3A_1705 : vector<16xi32>
      %swap3A_1857 = arith.constant 15 : i32
      %swap3A_1858 = arith.index_cast %swap3A_1857 : i32 to index
      %swap3A_1859 = arith.constant 16 : index
      %swap3A_1860 = tpu.vector_load %arg7[%swap3A_1858, %swap3A_1859] {strides = array<i32>} : memref<16x128xi32, #tpu.memory_space<vmem>>, vector<1x16xi32>,
      %swap3A_1861 = vector.shape_cast %swap3A_1860 : vector<1x16xi32> to vector<16xi32>
      %swap3A_1862 = vector.shape_cast %add3A_1856 : vector<16xi32> to vector<1x16xi32>
      tpu.vector_store %arg7[%swap3A_1858, %swap3A_1859], %swap3A_1862 {strides = array<i32>} : memref<16x128xi32, #tpu.memory_space<vmem>>, vector<1x16xi32>,
      %add3A_1863 = arith.constant 160 : i32
      %add3A_1864 = arith.addi %mul3A_1732, %add3A_1863 : i32
      %multiple_of3A_1865 = tpu.assume_multiple %add3A_1864, 8 : i32
      %get3A_1866 = arith.index_cast %multiple_of3A_1865 : i32 to index
      %get3A_1867 = tpu.vector_load %arg6[%get3A_1866] {strides = array<i32>} : memref<1024xi32, #tpu.memory_space<vmem>>, vector<16xi32>,
      %get3A_1868 = vector.shape_cast %get3A_1867 : vector<16xi32> to vector<16xi32>
      %add3A_1869 = arith.addi %get3A_1868, %broadcast_in_dim3A_1705 : vector<16xi32>
      %swap3A_1870 = arith.constant 15 : i32
      %swap3A_1871 = arith.index_cast %swap3A_1870 : i32 to index
      %swap3A_1872 = arith.constant 32 : index
      %swap3A_1873 = tpu.vector_load %arg7[%swap3A_1871, %swap3A_1872] {strides = array<i32>} : memref<16x128xi32, #tpu.memory_space<vmem>>, vector<1x16xi32>,
      %swap3A_1874 = vector.shape_cast %swap3A_1873 : vector<1x16xi32> to vector<16xi32>
      %swap3A_1875 = vector.shape_cast %add3A_1869 : vector<16xi32> to vector<1x16xi32>
      tpu.vector_store %arg7[%swap3A_1871, %swap3A_1872], %swap3A_1875 {strides = array<i32>} : memref<16x128xi32, #tpu.memory_space<vmem>>, vector<1x16xi32>,
      %add3A_1876 = arith.constant 176 : i32
      %add3A_1877 = arith.addi %mul3A_1732, %add3A_1876 : i32
      %multiple_of3A_1878 = tpu.assume_multiple %add3A_1877, 8 : i32
      %get3A_1879 = arith.index_cast %multiple_of3A_1878 : i32 to index
      %get3A_1880 = tpu.vector_load %arg6[%get3A_1879] {strides = array<i32>} : memref<1024xi32, #tpu.memory_space<vmem>>, vector<16xi32>,
      %get3A_1881 = vector.shape_cast %get3A_1880 : vector<16xi32> to vector<16xi32>
      %add3A_1882 = arith.addi %get3A_1881, %broadcast_in_dim3A_1705 : vector<16xi32>
      %swap3A_1883 = arith.constant 15 : i32
      %swap3A_1884 = arith.index_cast %swap3A_1883 : i32 to index
      %swap3A_1885 = arith.constant 48 : index
      %swap3A_1886 = tpu.vector_load %arg7[%swap3A_1884, %swap3A_1885] {strides = array<i32>} : memref<16x128xi32, #tpu.memory_space<vmem>>, vector<1x16xi32>,
      %swap3A_1887 = vector.shape_cast %swap3A_1886 : vector<1x16xi32> to vector<16xi32>
      %swap3A_1888 = vector.shape_cast %add3A_1882 : vector<16xi32> to vector<1x16xi32>
      tpu.vector_store %arg7[%swap3A_1884, %swap3A_1885], %swap3A_1888 {strides = array<i32>} : memref<16x128xi32, #tpu.memory_space<vmem>>, vector<1x16xi32>,
      %add3A_1889 = arith.constant 192 : i32
      %add3A_1890 = arith.addi %mul3A_1732, %add3A_1889 : i32
      %multiple_of3A_1891 = tpu.assume_multiple %add3A_1890, 8 : i32
      %get3A_1892 = arith.index_cast %multiple_of3A_1891 : i32 to index
      %get3A_1893 = tpu.vector_load %arg6[%get3A_1892] {strides = array<i32>} : memref<1024xi32, #tpu.memory_space<vmem>>, vector<16xi32>,
      %get3A_1894 = vector.shape_cast %get3A_1893 : vector<16xi32> to vector<16xi32>
      %add3A_1895 = arith.addi %get3A_1894, %broadcast_in_dim3A_1705 : vector<16xi32>
      %swap3A_1896 = arith.constant 15 : i32
      %swap3A_1897 = arith.index_cast %swap3A_1896 : i32 to index
      %swap3A_1898 = arith.constant 64 : index
      %swap3A_1899 = tpu.vector_load %arg7[%swap3A_1897, %swap3A_1898] {strides = array<i32>} : memref<16x128xi32, #tpu.memory_space<vmem>>, vector<1x16xi32>,
      %swap3A_1900 = vector.shape_cast %swap3A_1899 : vector<1x16xi32> to vector<16xi32>
      %swap3A_1901 = vector.shape_cast %add3A_1895 : vector<16xi32> to vector<1x16xi32>
      tpu.vector_store %arg7[%swap3A_1897, %swap3A_1898], %swap3A_1901 {strides = array<i32>} : memref<16x128xi32, #tpu.memory_space<vmem>>, vector<1x16xi32>,
      %add3A_1902 = arith.constant 208 : i32
      %add3A_1903 = arith.addi %mul3A_1732, %add3A_1902 : i32
      %multiple_of3A_1904 = tpu.assume_multiple %add3A_1903, 8 : i32
      %get3A_1905 = arith.index_cast %multiple_of3A_1904 : i32 to index
      %get3A_1906 = tpu.vector_load %arg6[%get3A_1905] {strides = array<i32>} : memref<1024xi32, #tpu.memory_space<vmem>>, vector<16xi32>,
      %get3A_1907 = vector.shape_cast %get3A_1906 : vector<16xi32> to vector<16xi32>
      %add3A_1908 = arith.addi %get3A_1907, %broadcast_in_dim3A_1705 : vector<16xi32>
      %swap3A_1909 = arith.constant 15 : i32
      %swap3A_1910 = arith.index_cast %swap3A_1909 : i32 to index
      %swap3A_1911 = arith.constant 80 : index
      %swap3A_1912 = tpu.vector_load %arg7[%swap3A_1910, %swap3A_1911] {strides = array<i32>} : memref<16x128xi32, #tpu.memory_space<vmem>>, vector<1x16xi32>,
      %swap3A_1913 = vector.shape_cast %swap3A_1912 : vector<1x16xi32> to vector<16xi32>
      %swap3A_1914 = vector.shape_cast %add3A_1908 : vector<16xi32> to vector<1x16xi32>
      tpu.vector_store %arg7[%swap3A_1910, %swap3A_1911], %swap3A_1914 {strides = array<i32>} : memref<16x128xi32, #tpu.memory_space<vmem>>, vector<1x16xi32>,
      %add3A_1915 = arith.constant 224 : i32
      %add3A_1916 = arith.addi %mul3A_1732, %add3A_1915 : i32
      %multiple_of3A_1917 = tpu.assume_multiple %add3A_1916, 8 : i32
      %get3A_1918 = arith.index_cast %multiple_of3A_1917 : i32 to index
      %get3A_1919 = tpu.vector_load %arg6[%get3A_1918] {strides = array<i32>} : memref<1024xi32, #tpu.memory_space<vmem>>, vector<16xi32>,
      %get3A_1920 = vector.shape_cast %get3A_1919 : vector<16xi32> to vector<16xi32>
      %add3A_1921 = arith.addi %get3A_1920, %broadcast_in_dim3A_1705 : vector<16xi32>
      %swap3A_1922 = arith.constant 15 : i32
      %swap3A_1923 = arith.index_cast %swap3A_1922 : i32 to index
      %swap3A_1924 = arith.constant 96 : index
      %swap3A_1925 = tpu.vector_load %arg7[%swap3A_1923, %swap3A_1924] {strides = array<i32>} : memref<16x128xi32, #tpu.memory_space<vmem>>, vector<1x16xi32>,
      %swap3A_1926 = vector.shape_cast %swap3A_1925 : vector<1x16xi32> to vector<16xi32>
      %swap3A_1927 = vector.shape_cast %add3A_1921 : vector<16xi32> to vector<1x16xi32>
      tpu.vector_store %arg7[%swap3A_1923, %swap3A_1924], %swap3A_1927 {strides = array<i32>} : memref<16x128xi32, #tpu.memory_space<vmem>>, vector<1x16xi32>,
      %add3A_1928 = arith.constant 240 : i32
      %add3A_1929 = arith.addi %mul3A_1732, %add3A_1928 : i32
      %multiple_of3A_1930 = tpu.assume_multiple %add3A_1929, 8 : i32
      %get3A_1931 = arith.index_cast %multiple_of3A_1930 : i32 to index
      %get3A_1932 = tpu.vector_load %arg6[%get3A_1931] {strides = array<i32>} : memref<1024xi32, #tpu.memory_space<vmem>>, vector<16xi32>,
      %get3A_1933 = vector.shape_cast %get3A_1932 : vector<16xi32> to vector<16xi32>
      %add3A_1934 = arith.addi %get3A_1933, %broadcast_in_dim3A_1705 : vector<16xi32>
      %swap3A_1935 = arith.constant 15 : i32
      %swap3A_1936 = arith.index_cast %swap3A_1935 : i32 to index
      %swap3A_1937 = arith.constant 112 : index
      %swap3A_1938 = tpu.vector_load %arg7[%swap3A_1936, %swap3A_1937] {strides = array<i32>} : memref<16x128xi32, #tpu.memory_space<vmem>>, vector<1x16xi32>,
      %swap3A_1939 = vector.shape_cast %swap3A_1938 : vector<1x16xi32> to vector<16xi32>
      %swap3A_1940 = vector.shape_cast %add3A_1934 : vector<16xi32> to vector<1x16xi32>
      tpu.vector_store %arg7[%swap3A_1936, %swap3A_1937], %swap3A_1940 {strides = array<i32>} : memref<16x128xi32, #tpu.memory_space<vmem>>, vector<1x16xi32>,
      %dma_start3A = arith.constant 0 : i32
      %dma_start3A_1941 = arith.constant 0 : i32
      %dma_start3A_1942 = arith.constant 0 : i32
      %dma_start3A_1943 = tpu.memref_slice %arg8[%dma_start3A_1941, %dma_start3A_1942] : memref<8x256xf32, #tpu.memory_space<vmem>> -> memref<1x128xf32, #tpu.memory_space<vmem>>
      %dma_start3A_1944 = tpu.memref_squeeze %dma_start3A_1943 : memref<1x128xf32, #tpu.memory_space<vmem>> -> memref<128xf32, #tpu.memory_space<vmem>>
      %dma_start3A_1945 = arith.constant 0 : i32
      %dma_start3A_1946 = tpu.memref_slice %arg7[%dma_start3A, %dma_start3A_1945] : memref<16x128xi32, #tpu.memory_space<vmem>> -> memref<1x128xi32, #tpu.memory_space<vmem>>
      %dma_start3A_1947 = tpu.memref_squeeze %dma_start3A_1946 : memref<1x128xi32, #tpu.memory_space<vmem>> -> memref<128xi32, #tpu.memory_space<vmem>>
      %dma_start3A_1948 = arith.constant 0 : i32
      %dma_start3A_1949 = tpu.memref_slice %arg2[%dma_start3A_1948] : memref<3145728xf32, #tpu.memory_space<hbm>> -> memref<3145728xf32, #tpu.memory_space<hbm>>
      tpu.enqueue_indirect_dma source(%dma_start3A_1949 : memref<3145728xf32, #tpu.memory_space<hbm>>) target(%dma_start3A_1944 : memref<128xf32, #tpu.memory_space<vmem>>) offsets(%dma_start3A_1947 : memref<128xi32, #tpu.memory_space<vmem>>) semaphore(%arg10 : memref<!tpu.dma_semaphore, #tpu.memory_space<semaphore_mem>>)
      %dma_start3A_1950 = arith.constant 0 : i32
      %dma_start3A_1951 = arith.constant 0 : i32
      %dma_start3A_1952 = arith.constant 0 : i32
      %dma_start3A_1953 = tpu.memref_slice %arg9[%dma_start3A_1951, %dma_start3A_1952] : memref<8x256xf32, #tpu.memory_space<vmem>> -> memref<1x128xf32, #tpu.memory_space<vmem>>
      %dma_start3A_1954 = tpu.memref_squeeze %dma_start3A_1953 : memref<1x128xf32, #tpu.memory_space<vmem>> -> memref<128xf32, #tpu.memory_space<vmem>>
      %dma_start3A_1955 = arith.constant 0 : i32
      %dma_start3A_1956 = tpu.memref_slice %arg7[%dma_start3A_1950, %dma_start3A_1955] : memref<16x128xi32, #tpu.memory_space<vmem>> -> memref<1x128xi32, #tpu.memory_space<vmem>>
      %dma_start3A_1957 = tpu.memref_squeeze %dma_start3A_1956 : memref<1x128xi32, #tpu.memory_space<vmem>> -> memref<128xi32, #tpu.memory_space<vmem>>
      %dma_start3A_1958 = arith.constant 0 : i32
      %dma_start3A_1959 = tpu.memref_slice %arg3[%dma_start3A_1958] : memref<3145728xf32, #tpu.memory_space<hbm>> -> memref<3145728xf32, #tpu.memory_space<hbm>>
      tpu.enqueue_indirect_dma source(%dma_start3A_1959 : memref<3145728xf32, #tpu.memory_space<hbm>>) target(%dma_start3A_1954 : memref<128xf32, #tpu.memory_space<vmem>>) offsets(%dma_start3A_1957 : memref<128xi32, #tpu.memory_space<vmem>>) semaphore(%arg10 : memref<!tpu.dma_semaphore, #tpu.memory_space<semaphore_mem>>)
      %dma_start3A_1960 = arith.constant 1 : i32
      %dma_start3A_1961 = arith.constant 0 : i32
      %dma_start3A_1962 = arith.constant 128 : i32
      %dma_start3A_1963 = tpu.memref_slice %arg8[%dma_start3A_1961, %dma_start3A_1962] : memref<8x256xf32, #tpu.memory_space<vmem>> -> memref<1x128xf32, #tpu.memory_space<vmem>>
      %dma_start3A_1964 = tpu.memref_squeeze %dma_start3A_1963 : memref<1x128xf32, #tpu.memory_space<vmem>> -> memref<128xf32, #tpu.memory_space<vmem>>
      %dma_start3A_1965 = arith.constant 0 : i32
      %dma_start3A_1966 = tpu.memref_slice %arg7[%dma_start3A_1960, %dma_start3A_1965] : memref<16x128xi32, #tpu.memory_space<vmem>> -> memref<1x128xi32, #tpu.memory_space<vmem>>
      %dma_start3A_1967 = tpu.memref_squeeze %dma_start3A_1966 : memref<1x128xi32, #tpu.memory_space<vmem>> -> memref<128xi32, #tpu.memory_space<vmem>>
      %dma_start3A_1968 = arith.constant 0 : i32
      %dma_start3A_1969 = tpu.memref_slice %arg2[%dma_start3A_1968] : memref<3145728xf32, #tpu.memory_space<hbm>> -> memref<3145728xf32, #tpu.memory_space<hbm>>
      tpu.enqueue_indirect_dma source(%dma_start3A_1969 : memref<3145728xf32, #tpu.memory_space<hbm>>) target(%dma_start3A_1964 : memref<128xf32, #tpu.memory_space<vmem>>) offsets(%dma_start3A_1967 : memref<128xi32, #tpu.memory_space<vmem>>) semaphore(%arg10 : memref<!tpu.dma_semaphore, #tpu.memory_space<semaphore_mem>>)
      %dma_start3A_1970 = arith.constant 1 : i32
      %dma_start3A_1971 = arith.constant 0 : i32
      %dma_start3A_1972 = arith.constant 128 : i32
      %dma_start3A_1973 = tpu.memref_slice %arg9[%dma_start3A_1971, %dma_start3A_1972] : memref<8x256xf32, #tpu.memory_space<vmem>> -> memref<1x128xf32, #tpu.memory_space<vmem>>
      %dma_start3A_1974 = tpu.memref_squeeze %dma_start3A_1973 : memref<1x128xf32, #tpu.memory_space<vmem>> -> memref<128xf32, #tpu.memory_space<vmem>>
      %dma_start3A_1975 = arith.constant 0 : i32
      %dma_start3A_1976 = tpu.memref_slice %arg7[%dma_start3A_1970, %dma_start3A_1975] : memref<16x128xi32, #tpu.memory_space<vmem>> -> memref<1x128xi32, #tpu.memory_space<vmem>>
      %dma_start3A_1977 = tpu.memref_squeeze %dma_start3A_1976 : memref<1x128xi32, #tpu.memory_space<vmem>> -> memref<128xi32, #tpu.memory_space<vmem>>
      %dma_start3A_1978 = arith.constant 0 : i32
      %dma_start3A_1979 = tpu.memref_slice %arg3[%dma_start3A_1978] : memref<3145728xf32, #tpu.memory_space<hbm>> -> memref<3145728xf32, #tpu.memory_space<hbm>>
      tpu.enqueue_indirect_dma source(%dma_start3A_1979 : memref<3145728xf32, #tpu.memory_space<hbm>>) target(%dma_start3A_1974 : memref<128xf32, #tpu.memory_space<vmem>>) offsets(%dma_start3A_1977 : memref<128xi32, #tpu.memory_space<vmem>>) semaphore(%arg10 : memref<!tpu.dma_semaphore, #tpu.memory_space<semaphore_mem>>)
      %dma_start3A_1980 = arith.constant 2 : i32
      %dma_start3A_1981 = arith.constant 1 : i32
      %dma_start3A_1982 = arith.constant 0 : i32
      %dma_start3A_1983 = tpu.memref_slice %arg8[%dma_start3A_1981, %dma_start3A_1982] : memref<8x256xf32, #tpu.memory_space<vmem>> -> memref<1x128xf32, #tpu.memory_space<vmem>>
      %dma_start3A_1984 = tpu.memref_squeeze %dma_start3A_1983 : memref<1x128xf32, #tpu.memory_space<vmem>> -> memref<128xf32, #tpu.memory_space<vmem>>
      %dma_start3A_1985 = arith.constant 0 : i32
      %dma_start3A_1986 = tpu.memref_slice %arg7[%dma_start3A_1980, %dma_start3A_1985] : memref<16x128xi32, #tpu.memory_space<vmem>> -> memref<1x128xi32, #tpu.memory_space<vmem>>
      %dma_start3A_1987 = tpu.memref_squeeze %dma_start3A_1986 : memref<1x128xi32, #tpu.memory_space<vmem>> -> memref<128xi32, #tpu.memory_space<vmem>>
      %dma_start3A_1988 = arith.constant 0 : i32
      %dma_start3A_1989 = tpu.memref_slice %arg2[%dma_start3A_1988] : memref<3145728xf32, #tpu.memory_space<hbm>> -> memref<3145728xf32, #tpu.memory_space<hbm>>
      tpu.enqueue_indirect_dma source(%dma_start3A_1989 : memref<3145728xf32, #tpu.memory_space<hbm>>) target(%dma_start3A_1984 : memref<128xf32, #tpu.memory_space<vmem>>) offsets(%dma_start3A_1987 : memref<128xi32, #tpu.memory_space<vmem>>) semaphore(%arg10 : memref<!tpu.dma_semaphore, #tpu.memory_space<semaphore_mem>>)
      %dma_start3A_1990 = arith.constant 2 : i32
      %dma_start3A_1991 = arith.constant 1 : i32
      %dma_start3A_1992 = arith.constant 0 : i32
      %dma_start3A_1993 = tpu.memref_slice %arg9[%dma_start3A_1991, %dma_start3A_1992] : memref<8x256xf32, #tpu.memory_space<vmem>> -> memref<1x128xf32, #tpu.memory_space<vmem>>
      %dma_start3A_1994 = tpu.memref_squeeze %dma_start3A_1993 : memref<1x128xf32, #tpu.memory_space<vmem>> -> memref<128xf32, #tpu.memory_space<vmem>>
      %dma_start3A_1995 = arith.constant 0 : i32
      %dma_start3A_1996 = tpu.memref_slice %arg7[%dma_start3A_1990, %dma_start3A_1995] : memref<16x128xi32, #tpu.memory_space<vmem>> -> memref<1x128xi32, #tpu.memory_space<vmem>>
      %dma_start3A_1997 = tpu.memref_squeeze %dma_start3A_1996 : memref<1x128xi32, #tpu.memory_space<vmem>> -> memref<128xi32, #tpu.memory_space<vmem>>
      %dma_start3A_1998 = arith.constant 0 : i32
      %dma_start3A_1999 = tpu.memref_slice %arg3[%dma_start3A_1998] : memref<3145728xf32, #tpu.memory_space<hbm>> -> memref<3145728xf32, #tpu.memory_space<hbm>>
      tpu.enqueue_indirect_dma source(%dma_start3A_1999 : memref<3145728xf32, #tpu.memory_space<hbm>>) target(%dma_start3A_1994 : memref<128xf32, #tpu.memory_space<vmem>>) offsets(%dma_start3A_1997 : memref<128xi32, #tpu.memory_space<vmem>>) semaphore(%arg10 : memref<!tpu.dma_semaphore, #tpu.memory_space<semaphore_mem>>)
      %dma_start3A_2000 = arith.constant 3 : i32
      %dma_start3A_2001 = arith.constant 1 : i32
      %dma_start3A_2002 = arith.constant 128 : i32
      %dma_start3A_2003 = tpu.memref_slice %arg8[%dma_start3A_2001, %dma_start3A_2002] : memref<8x256xf32, #tpu.memory_space<vmem>> -> memref<1x128xf32, #tpu.memory_space<vmem>>
      %dma_start3A_2004 = tpu.memref_squeeze %dma_start3A_2003 : memref<1x128xf32, #tpu.memory_space<vmem>> -> memref<128xf32, #tpu.memory_space<vmem>>
      %dma_start3A_2005 = arith.constant 0 : i32
      %dma_start3A_2006 = tpu.memref_slice %arg7[%dma_start3A_2000, %dma_start3A_2005] : memref<16x128xi32, #tpu.memory_space<vmem>> -> memref<1x128xi32, #tpu.memory_space<vmem>>
      %dma_start3A_2007 = tpu.memref_squeeze %dma_start3A_2006 : memref<1x128xi32, #tpu.memory_space<vmem>> -> memref<128xi32, #tpu.memory_space<vmem>>
      %dma_start3A_2008 = arith.constant 0 : i32
      %dma_start3A_2009 = tpu.memref_slice %arg2[%dma_start3A_2008] : memref<3145728xf32, #tpu.memory_space<hbm>> -> memref<3145728xf32, #tpu.memory_space<hbm>>
      tpu.enqueue_indirect_dma source(%dma_start3A_2009 : memref<3145728xf32, #tpu.memory_space<hbm>>) target(%dma_start3A_2004 : memref<128xf32, #tpu.memory_space<vmem>>) offsets(%dma_start3A_2007 : memref<128xi32, #tpu.memory_space<vmem>>) semaphore(%arg10 : memref<!tpu.dma_semaphore, #tpu.memory_space<semaphore_mem>>)
      %dma_start3A_2010 = arith.constant 3 : i32
      %dma_start3A_2011 = arith.constant 1 : i32
      %dma_start3A_2012 = arith.constant 128 : i32
      %dma_start3A_2013 = tpu.memref_slice %arg9[%dma_start3A_2011, %dma_start3A_2012] : memref<8x256xf32, #tpu.memory_space<vmem>> -> memref<1x128xf32, #tpu.memory_space<vmem>>
      %dma_start3A_2014 = tpu.memref_squeeze %dma_start3A_2013 : memref<1x128xf32, #tpu.memory_space<vmem>> -> memref<128xf32, #tpu.memory_space<vmem>>
      %dma_start3A_2015 = arith.constant 0 : i32
      %dma_start3A_2016 = tpu.memref_slice %arg7[%dma_start3A_2010, %dma_start3A_2015] : memref<16x128xi32, #tpu.memory_space<vmem>> -> memref<1x128xi32, #tpu.memory_space<vmem>>
      %dma_start3A_2017 = tpu.memref_squeeze %dma_start3A_2016 : memref<1x128xi32, #tpu.memory_space<vmem>> -> memref<128xi32, #tpu.memory_space<vmem>>
      %dma_start3A_2018 = arith.constant 0 : i32
      %dma_start3A_2019 = tpu.memref_slice %arg3[%dma_start3A_2018] : memref<3145728xf32, #tpu.memory_space<hbm>> -> memref<3145728xf32, #tpu.memory_space<hbm>>
      tpu.enqueue_indirect_dma source(%dma_start3A_2019 : memref<3145728xf32, #tpu.memory_space<hbm>>) target(%dma_start3A_2014 : memref<128xf32, #tpu.memory_space<vmem>>) offsets(%dma_start3A_2017 : memref<128xi32, #tpu.memory_space<vmem>>) semaphore(%arg10 : memref<!tpu.dma_semaphore, #tpu.memory_space<semaphore_mem>>)
      %dma_start3A_2020 = arith.constant 4 : i32
      %dma_start3A_2021 = arith.constant 2 : i32
      %dma_start3A_2022 = arith.constant 0 : i32
      %dma_start3A_2023 = tpu.memref_slice %arg8[%dma_start3A_2021, %dma_start3A_2022] : memref<8x256xf32, #tpu.memory_space<vmem>> -> memref<1x128xf32, #tpu.memory_space<vmem>>
      %dma_start3A_2024 = tpu.memref_squeeze %dma_start3A_2023 : memref<1x128xf32, #tpu.memory_space<vmem>> -> memref<128xf32, #tpu.memory_space<vmem>>
      %dma_start3A_2025 = arith.constant 0 : i32
      %dma_start3A_2026 = tpu.memref_slice %arg7[%dma_start3A_2020, %dma_start3A_2025] : memref<16x128xi32, #tpu.memory_space<vmem>> -> memref<1x128xi32, #tpu.memory_space<vmem>>
      %dma_start3A_2027 = tpu.memref_squeeze %dma_start3A_2026 : memref<1x128xi32, #tpu.memory_space<vmem>> -> memref<128xi32, #tpu.memory_space<vmem>>
      %dma_start3A_2028 = arith.constant 0 : i32
      %dma_start3A_2029 = tpu.memref_slice %arg2[%dma_start3A_2028] : memref<3145728xf32, #tpu.memory_space<hbm>> -> memref<3145728xf32, #tpu.memory_space<hbm>>
      tpu.enqueue_indirect_dma source(%dma_start3A_2029 : memref<3145728xf32, #tpu.memory_space<hbm>>) target(%dma_start3A_2024 : memref<128xf32, #tpu.memory_space<vmem>>) offsets(%dma_start3A_2027 : memref<128xi32, #tpu.memory_space<vmem>>) semaphore(%arg10 : memref<!tpu.dma_semaphore, #tpu.memory_space<semaphore_mem>>)
      %dma_start3A_2030 = arith.constant 4 : i32
      %dma_start3A_2031 = arith.constant 2 : i32
      %dma_start3A_2032 = arith.constant 0 : i32
      %dma_start3A_2033 = tpu.memref_slice %arg9[%dma_start3A_2031, %dma_start3A_2032] : memref<8x256xf32, #tpu.memory_space<vmem>> -> memref<1x128xf32, #tpu.memory_space<vmem>>
      %dma_start3A_2034 = tpu.memref_squeeze %dma_start3A_2033 : memref<1x128xf32, #tpu.memory_space<vmem>> -> memref<128xf32, #tpu.memory_space<vmem>>
      %dma_start3A_2035 = arith.constant 0 : i32
      %dma_start3A_2036 = tpu.memref_slice %arg7[%dma_start3A_2030, %dma_start3A_2035] : memref<16x128xi32, #tpu.memory_space<vmem>> -> memref<1x128xi32, #tpu.memory_space<vmem>>
      %dma_start3A_2037 = tpu.memref_squeeze %dma_start3A_2036 : memref<1x128xi32, #tpu.memory_space<vmem>> -> memref<128xi32, #tpu.memory_space<vmem>>
      %dma_start3A_2038 = arith.constant 0 : i32
      %dma_start3A_2039 = tpu.memref_slice %arg3[%dma_start3A_2038] : memref<3145728xf32, #tpu.memory_space<hbm>> -> memref<3145728xf32, #tpu.memory_space<hbm>>
      tpu.enqueue_indirect_dma source(%dma_start3A_2039 : memref<3145728xf32, #tpu.memory_space<hbm>>) target(%dma_start3A_2034 : memref<128xf32, #tpu.memory_space<vmem>>) offsets(%dma_start3A_2037 : memref<128xi32, #tpu.memory_space<vmem>>) semaphore(%arg10 : memref<!tpu.dma_semaphore, #tpu.memory_space<semaphore_mem>>)
      %dma_start3A_2040 = arith.constant 5 : i32
      %dma_start3A_2041 = arith.constant 2 : i32
      %dma_start3A_2042 = arith.constant 128 : i32
      %dma_start3A_2043 = tpu.memref_slice %arg8[%dma_start3A_2041, %dma_start3A_2042] : memref<8x256xf32, #tpu.memory_space<vmem>> -> memref<1x128xf32, #tpu.memory_space<vmem>>
      %dma_start3A_2044 = tpu.memref_squeeze %dma_start3A_2043 : memref<1x128xf32, #tpu.memory_space<vmem>> -> memref<128xf32, #tpu.memory_space<vmem>>
      %dma_start3A_2045 = arith.constant 0 : i32
      %dma_start3A_2046 = tpu.memref_slice %arg7[%dma_start3A_2040, %dma_start3A_2045] : memref<16x128xi32, #tpu.memory_space<vmem>> -> memref<1x128xi32, #tpu.memory_space<vmem>>
      %dma_start3A_2047 = tpu.memref_squeeze %dma_start3A_2046 : memref<1x128xi32, #tpu.memory_space<vmem>> -> memref<128xi32, #tpu.memory_space<vmem>>
      %dma_start3A_2048 = arith.constant 0 : i32
      %dma_start3A_2049 = tpu.memref_slice %arg2[%dma_start3A_2048] : memref<3145728xf32, #tpu.memory_space<hbm>> -> memref<3145728xf32, #tpu.memory_space<hbm>>
      tpu.enqueue_indirect_dma source(%dma_start3A_2049 : memref<3145728xf32, #tpu.memory_space<hbm>>) target(%dma_start3A_2044 : memref<128xf32, #tpu.memory_space<vmem>>) offsets(%dma_start3A_2047 : memref<128xi32, #tpu.memory_space<vmem>>) semaphore(%arg10 : memref<!tpu.dma_semaphore, #tpu.memory_space<semaphore_mem>>)
      %dma_start3A_2050 = arith.constant 5 : i32
      %dma_start3A_2051 = arith.constant 2 : i32
      %dma_start3A_2052 = arith.constant 128 : i32
      %dma_start3A_2053 = tpu.memref_slice %arg9[%dma_start3A_2051, %dma_start3A_2052] : memref<8x256xf32, #tpu.memory_space<vmem>> -> memref<1x128xf32, #tpu.memory_space<vmem>>
      %dma_start3A_2054 = tpu.memref_squeeze %dma_start3A_2053 : memref<1x128xf32, #tpu.memory_space<vmem>> -> memref<128xf32, #tpu.memory_space<vmem>>
      %dma_start3A_2055 = arith.constant 0 : i32
      %dma_start3A_2056 = tpu.memref_slice %arg7[%dma_start3A_2050, %dma_start3A_2055] : memref<16x128xi32, #tpu.memory_space<vmem>> -> memref<1x128xi32, #tpu.memory_space<vmem>>
      %dma_start3A_2057 = tpu.memref_squeeze %dma_start3A_2056 : memref<1x128xi32, #tpu.memory_space<vmem>> -> memref<128xi32, #tpu.memory_space<vmem>>
      %dma_start3A_2058 = arith.constant 0 : i32
      %dma_start3A_2059 = tpu.memref_slice %arg3[%dma_start3A_2058] : memref<3145728xf32, #tpu.memory_space<hbm>> -> memref<3145728xf32, #tpu.memory_space<hbm>>
      tpu.enqueue_indirect_dma source(%dma_start3A_2059 : memref<3145728xf32, #tpu.memory_space<hbm>>) target(%dma_start3A_2054 : memref<128xf32, #tpu.memory_space<vmem>>) offsets(%dma_start3A_2057 : memref<128xi32, #tpu.memory_space<vmem>>) semaphore(%arg10 : memref<!tpu.dma_semaphore, #tpu.memory_space<semaphore_mem>>)
      %dma_start3A_2060 = arith.constant 6 : i32
      %dma_start3A_2061 = arith.constant 3 : i32
      %dma_start3A_2062 = arith.constant 0 : i32
      %dma_start3A_2063 = tpu.memref_slice %arg8[%dma_start3A_2061, %dma_start3A_2062] : memref<8x256xf32, #tpu.memory_space<vmem>> -> memref<1x128xf32, #tpu.memory_space<vmem>>
      %dma_start3A_2064 = tpu.memref_squeeze %dma_start3A_2063 : memref<1x128xf32, #tpu.memory_space<vmem>> -> memref<128xf32, #tpu.memory_space<vmem>>
      %dma_start3A_2065 = arith.constant 0 : i32
      %dma_start3A_2066 = tpu.memref_slice %arg7[%dma_start3A_2060, %dma_start3A_2065] : memref<16x128xi32, #tpu.memory_space<vmem>> -> memref<1x128xi32, #tpu.memory_space<vmem>>
      %dma_start3A_2067 = tpu.memref_squeeze %dma_start3A_2066 : memref<1x128xi32, #tpu.memory_space<vmem>> -> memref<128xi32, #tpu.memory_space<vmem>>
      %dma_start3A_2068 = arith.constant 0 : i32
      %dma_start3A_2069 = tpu.memref_slice %arg2[%dma_start3A_2068] : memref<3145728xf32, #tpu.memory_space<hbm>> -> memref<3145728xf32, #tpu.memory_space<hbm>>
      tpu.enqueue_indirect_dma source(%dma_start3A_2069 : memref<3145728xf32, #tpu.memory_space<hbm>>) target(%dma_start3A_2064 : memref<128xf32, #tpu.memory_space<vmem>>) offsets(%dma_start3A_2067 : memref<128xi32, #tpu.memory_space<vmem>>) semaphore(%arg10 : memref<!tpu.dma_semaphore, #tpu.memory_space<semaphore_mem>>)
      %dma_start3A_2070 = arith.constant 6 : i32
      %dma_start3A_2071 = arith.constant 3 : i32
      %dma_start3A_2072 = arith.constant 0 : i32
      %dma_start3A_2073 = tpu.memref_slice %arg9[%dma_start3A_2071, %dma_start3A_2072] : memref<8x256xf32, #tpu.memory_space<vmem>> -> memref<1x128xf32, #tpu.memory_space<vmem>>
      %dma_start3A_2074 = tpu.memref_squeeze %dma_start3A_2073 : memref<1x128xf32, #tpu.memory_space<vmem>> -> memref<128xf32, #tpu.memory_space<vmem>>
      %dma_start3A_2075 = arith.constant 0 : i32
      %dma_start3A_2076 = tpu.memref_slice %arg7[%dma_start3A_2070, %dma_start3A_2075] : memref<16x128xi32, #tpu.memory_space<vmem>> -> memref<1x128xi32, #tpu.memory_space<vmem>>
      %dma_start3A_2077 = tpu.memref_squeeze %dma_start3A_2076 : memref<1x128xi32, #tpu.memory_space<vmem>> -> memref<128xi32, #tpu.memory_space<vmem>>
      %dma_start3A_2078 = arith.constant 0 : i32
      %dma_start3A_2079 = tpu.memref_slice %arg3[%dma_start3A_2078] : memref<3145728xf32, #tpu.memory_space<hbm>> -> memref<3145728xf32, #tpu.memory_space<hbm>>
      tpu.enqueue_indirect_dma source(%dma_start3A_2079 : memref<3145728xf32, #tpu.memory_space<hbm>>) target(%dma_start3A_2074 : memref<128xf32, #tpu.memory_space<vmem>>) offsets(%dma_start3A_2077 : memref<128xi32, #tpu.memory_space<vmem>>) semaphore(%arg10 : memref<!tpu.dma_semaphore, #tpu.memory_space<semaphore_mem>>)
      %dma_start3A_2080 = arith.constant 7 : i32
      %dma_start3A_2081 = arith.constant 3 : i32
      %dma_start3A_2082 = arith.constant 128 : i32
      %dma_start3A_2083 = tpu.memref_slice %arg8[%dma_start3A_2081, %dma_start3A_2082] : memref<8x256xf32, #tpu.memory_space<vmem>> -> memref<1x128xf32, #tpu.memory_space<vmem>>
      %dma_start3A_2084 = tpu.memref_squeeze %dma_start3A_2083 : memref<1x128xf32, #tpu.memory_space<vmem>> -> memref<128xf32, #tpu.memory_space<vmem>>
      %dma_start3A_2085 = arith.constant 0 : i32
      %dma_start3A_2086 = tpu.memref_slice %arg7[%dma_start3A_2080, %dma_start3A_2085] : memref<16x128xi32, #tpu.memory_space<vmem>> -> memref<1x128xi32, #tpu.memory_space<vmem>>
      %dma_start3A_2087 = tpu.memref_squeeze %dma_start3A_2086 : memref<1x128xi32, #tpu.memory_space<vmem>> -> memref<128xi32, #tpu.memory_space<vmem>>
      %dma_start3A_2088 = arith.constant 0 : i32
      %dma_start3A_2089 = tpu.memref_slice %arg2[%dma_start3A_2088] : memref<3145728xf32, #tpu.memory_space<hbm>> -> memref<3145728xf32, #tpu.memory_space<hbm>>
      tpu.enqueue_indirect_dma source(%dma_start3A_2089 : memref<3145728xf32, #tpu.memory_space<hbm>>) target(%dma_start3A_2084 : memref<128xf32, #tpu.memory_space<vmem>>) offsets(%dma_start3A_2087 : memref<128xi32, #tpu.memory_space<vmem>>) semaphore(%arg10 : memref<!tpu.dma_semaphore, #tpu.memory_space<semaphore_mem>>)
      %dma_start3A_2090 = arith.constant 7 : i32
      %dma_start3A_2091 = arith.constant 3 : i32
      %dma_start3A_2092 = arith.constant 128 : i32
      %dma_start3A_2093 = tpu.memref_slice %arg9[%dma_start3A_2091, %dma_start3A_2092] : memref<8x256xf32, #tpu.memory_space<vmem>> -> memref<1x128xf32, #tpu.memory_space<vmem>>
      %dma_start3A_2094 = tpu.memref_squeeze %dma_start3A_2093 : memref<1x128xf32, #tpu.memory_space<vmem>> -> memref<128xf32, #tpu.memory_space<vmem>>
      %dma_start3A_2095 = arith.constant 0 : i32
      %dma_start3A_2096 = tpu.memref_slice %arg7[%dma_start3A_2090, %dma_start3A_2095] : memref<16x128xi32, #tpu.memory_space<vmem>> -> memref<1x128xi32, #tpu.memory_space<vmem>>
      %dma_start3A_2097 = tpu.memref_squeeze %dma_start3A_2096 : memref<1x128xi32, #tpu.memory_space<vmem>> -> memref<128xi32, #tpu.memory_space<vmem>>
      %dma_start3A_2098 = arith.constant 0 : i32
      %dma_start3A_2099 = tpu.memref_slice %arg3[%dma_start3A_2098] : memref<3145728xf32, #tpu.memory_space<hbm>> -> memref<3145728xf32, #tpu.memory_space<hbm>>
      tpu.enqueue_indirect_dma source(%dma_start3A_2099 : memref<3145728xf32, #tpu.memory_space<hbm>>) target(%dma_start3A_2094 : memref<128xf32, #tpu.memory_space<vmem>>) offsets(%dma_start3A_2097 : memref<128xi32, #tpu.memory_space<vmem>>) semaphore(%arg10 : memref<!tpu.dma_semaphore, #tpu.memory_space<semaphore_mem>>)
      %dma_start3A_2100 = arith.constant 8 : i32
      %dma_start3A_2101 = arith.constant 4 : i32
      %dma_start3A_2102 = arith.constant 0 : i32
      %dma_start3A_2103 = tpu.memref_slice %arg8[%dma_start3A_2101, %dma_start3A_2102] : memref<8x256xf32, #tpu.memory_space<vmem>> -> memref<1x128xf32, #tpu.memory_space<vmem>>
      %dma_start3A_2104 = tpu.memref_squeeze %dma_start3A_2103 : memref<1x128xf32, #tpu.memory_space<vmem>> -> memref<128xf32, #tpu.memory_space<vmem>>
      %dma_start3A_2105 = arith.constant 0 : i32
      %dma_start3A_2106 = tpu.memref_slice %arg7[%dma_start3A_2100, %dma_start3A_2105] : memref<16x128xi32, #tpu.memory_space<vmem>> -> memref<1x128xi32, #tpu.memory_space<vmem>>
      %dma_start3A_2107 = tpu.memref_squeeze %dma_start3A_2106 : memref<1x128xi32, #tpu.memory_space<vmem>> -> memref<128xi32, #tpu.memory_space<vmem>>
      %dma_start3A_2108 = arith.constant 0 : i32
      %dma_start3A_2109 = tpu.memref_slice %arg2[%dma_start3A_2108] : memref<3145728xf32, #tpu.memory_space<hbm>> -> memref<3145728xf32, #tpu.memory_space<hbm>>
      tpu.enqueue_indirect_dma source(%dma_start3A_2109 : memref<3145728xf32, #tpu.memory_space<hbm>>) target(%dma_start3A_2104 : memref<128xf32, #tpu.memory_space<vmem>>) offsets(%dma_start3A_2107 : memref<128xi32, #tpu.memory_space<vmem>>) semaphore(%arg10 : memref<!tpu.dma_semaphore, #tpu.memory_space<semaphore_mem>>)
      %dma_start3A_2110 = arith.constant 8 : i32
      %dma_start3A_2111 = arith.constant 4 : i32
      %dma_start3A_2112 = arith.constant 0 : i32
      %dma_start3A_2113 = tpu.memref_slice %arg9[%dma_start3A_2111, %dma_start3A_2112] : memref<8x256xf32, #tpu.memory_space<vmem>> -> memref<1x128xf32, #tpu.memory_space<vmem>>
      %dma_start3A_2114 = tpu.memref_squeeze %dma_start3A_2113 : memref<1x128xf32, #tpu.memory_space<vmem>> -> memref<128xf32, #tpu.memory_space<vmem>>
      %dma_start3A_2115 = arith.constant 0 : i32
      %dma_start3A_2116 = tpu.memref_slice %arg7[%dma_start3A_2110, %dma_start3A_2115] : memref<16x128xi32, #tpu.memory_space<vmem>> -> memref<1x128xi32, #tpu.memory_space<vmem>>
      %dma_start3A_2117 = tpu.memref_squeeze %dma_start3A_2116 : memref<1x128xi32, #tpu.memory_space<vmem>> -> memref<128xi32, #tpu.memory_space<vmem>>
      %dma_start3A_2118 = arith.constant 0 : i32
      %dma_start3A_2119 = tpu.memref_slice %arg3[%dma_start3A_2118] : memref<3145728xf32, #tpu.memory_space<hbm>> -> memref<3145728xf32, #tpu.memory_space<hbm>>
      tpu.enqueue_indirect_dma source(%dma_start3A_2119 : memref<3145728xf32, #tpu.memory_space<hbm>>) target(%dma_start3A_2114 : memref<128xf32, #tpu.memory_space<vmem>>) offsets(%dma_start3A_2117 : memref<128xi32, #tpu.memory_space<vmem>>) semaphore(%arg10 : memref<!tpu.dma_semaphore, #tpu.memory_space<semaphore_mem>>)
      %dma_start3A_2120 = arith.constant 9 : i32
      %dma_start3A_2121 = arith.constant 4 : i32
      %dma_start3A_2122 = arith.constant 128 : i32
      %dma_start3A_2123 = tpu.memref_slice %arg8[%dma_start3A_2121, %dma_start3A_2122] : memref<8x256xf32, #tpu.memory_space<vmem>> -> memref<1x128xf32, #tpu.memory_space<vmem>>
      %dma_start3A_2124 = tpu.memref_squeeze %dma_start3A_2123 : memref<1x128xf32, #tpu.memory_space<vmem>> -> memref<128xf32, #tpu.memory_space<vmem>>
      %dma_start3A_2125 = arith.constant 0 : i32
      %dma_start3A_2126 = tpu.memref_slice %arg7[%dma_start3A_2120, %dma_start3A_2125] : memref<16x128xi32, #tpu.memory_space<vmem>> -> memref<1x128xi32, #tpu.memory_space<vmem>>
      %dma_start3A_2127 = tpu.memref_squeeze %dma_start3A_2126 : memref<1x128xi32, #tpu.memory_space<vmem>> -> memref<128xi32, #tpu.memory_space<vmem>>
      %dma_start3A_2128 = arith.constant 0 : i32
      %dma_start3A_2129 = tpu.memref_slice %arg2[%dma_start3A_2128] : memref<3145728xf32, #tpu.memory_space<hbm>> -> memref<3145728xf32, #tpu.memory_space<hbm>>
      tpu.enqueue_indirect_dma source(%dma_start3A_2129 : memref<3145728xf32, #tpu.memory_space<hbm>>) target(%dma_start3A_2124 : memref<128xf32, #tpu.memory_space<vmem>>) offsets(%dma_start3A_2127 : memref<128xi32, #tpu.memory_space<vmem>>) semaphore(%arg10 : memref<!tpu.dma_semaphore, #tpu.memory_space<semaphore_mem>>)
      %dma_start3A_2130 = arith.constant 9 : i32
      %dma_start3A_2131 = arith.constant 4 : i32
      %dma_start3A_2132 = arith.constant 128 : i32
      %dma_start3A_2133 = tpu.memref_slice %arg9[%dma_start3A_2131, %dma_start3A_2132] : memref<8x256xf32, #tpu.memory_space<vmem>> -> memref<1x128xf32, #tpu.memory_space<vmem>>
      %dma_start3A_2134 = tpu.memref_squeeze %dma_start3A_2133 : memref<1x128xf32, #tpu.memory_space<vmem>> -> memref<128xf32, #tpu.memory_space<vmem>>
      %dma_start3A_2135 = arith.constant 0 : i32
      %dma_start3A_2136 = tpu.memref_slice %arg7[%dma_start3A_2130, %dma_start3A_2135] : memref<16x128xi32, #tpu.memory_space<vmem>> -> memref<1x128xi32, #tpu.memory_space<vmem>>
      %dma_start3A_2137 = tpu.memref_squeeze %dma_start3A_2136 : memref<1x128xi32, #tpu.memory_space<vmem>> -> memref<128xi32, #tpu.memory_space<vmem>>
      %dma_start3A_2138 = arith.constant 0 : i32
      %dma_start3A_2139 = tpu.memref_slice %arg3[%dma_start3A_2138] : memref<3145728xf32, #tpu.memory_space<hbm>> -> memref<3145728xf32, #tpu.memory_space<hbm>>
      tpu.enqueue_indirect_dma source(%dma_start3A_2139 : memref<3145728xf32, #tpu.memory_space<hbm>>) target(%dma_start3A_2134 : memref<128xf32, #tpu.memory_space<vmem>>) offsets(%dma_start3A_2137 : memref<128xi32, #tpu.memory_space<vmem>>) semaphore(%arg10 : memref<!tpu.dma_semaphore, #tpu.memory_space<semaphore_mem>>)
      %dma_start3A_2140 = arith.constant 10 : i32
      %dma_start3A_2141 = arith.constant 5 : i32
      %dma_start3A_2142 = arith.constant 0 : i32
      %dma_start3A_2143 = tpu.memref_slice %arg8[%dma_start3A_2141, %dma_start3A_2142] : memref<8x256xf32, #tpu.memory_space<vmem>> -> memref<1x128xf32, #tpu.memory_space<vmem>>
      %dma_start3A_2144 = tpu.memref_squeeze %dma_start3A_2143 : memref<1x128xf32, #tpu.memory_space<vmem>> -> memref<128xf32, #tpu.memory_space<vmem>>
      %dma_start3A_2145 = arith.constant 0 : i32
      %dma_start3A_2146 = tpu.memref_slice %arg7[%dma_start3A_2140, %dma_start3A_2145] : memref<16x128xi32, #tpu.memory_space<vmem>> -> memref<1x128xi32, #tpu.memory_space<vmem>>
      %dma_start3A_2147 = tpu.memref_squeeze %dma_start3A_2146 : memref<1x128xi32, #tpu.memory_space<vmem>> -> memref<128xi32, #tpu.memory_space<vmem>>
      %dma_start3A_2148 = arith.constant 0 : i32
      %dma_start3A_2149 = tpu.memref_slice %arg2[%dma_start3A_2148] : memref<3145728xf32, #tpu.memory_space<hbm>> -> memref<3145728xf32, #tpu.memory_space<hbm>>
      tpu.enqueue_indirect_dma source(%dma_start3A_2149 : memref<3145728xf32, #tpu.memory_space<hbm>>) target(%dma_start3A_2144 : memref<128xf32, #tpu.memory_space<vmem>>) offsets(%dma_start3A_2147 : memref<128xi32, #tpu.memory_space<vmem>>) semaphore(%arg10 : memref<!tpu.dma_semaphore, #tpu.memory_space<semaphore_mem>>)
      %dma_start3A_2150 = arith.constant 10 : i32
      %dma_start3A_2151 = arith.constant 5 : i32
      %dma_start3A_2152 = arith.constant 0 : i32
      %dma_start3A_2153 = tpu.memref_slice %arg9[%dma_start3A_2151, %dma_start3A_2152] : memref<8x256xf32, #tpu.memory_space<vmem>> -> memref<1x128xf32, #tpu.memory_space<vmem>>
      %dma_start3A_2154 = tpu.memref_squeeze %dma_start3A_2153 : memref<1x128xf32, #tpu.memory_space<vmem>> -> memref<128xf32, #tpu.memory_space<vmem>>
      %dma_start3A_2155 = arith.constant 0 : i32
      %dma_start3A_2156 = tpu.memref_slice %arg7[%dma_start3A_2150, %dma_start3A_2155] : memref<16x128xi32, #tpu.memory_space<vmem>> -> memref<1x128xi32, #tpu.memory_space<vmem>>
      %dma_start3A_2157 = tpu.memref_squeeze %dma_start3A_2156 : memref<1x128xi32, #tpu.memory_space<vmem>> -> memref<128xi32, #tpu.memory_space<vmem>>
      %dma_start3A_2158 = arith.constant 0 : i32
      %dma_start3A_2159 = tpu.memref_slice %arg3[%dma_start3A_2158] : memref<3145728xf32, #tpu.memory_space<hbm>> -> memref<3145728xf32, #tpu.memory_space<hbm>>
      tpu.enqueue_indirect_dma source(%dma_start3A_2159 : memref<3145728xf32, #tpu.memory_space<hbm>>) target(%dma_start3A_2154 : memref<128xf32, #tpu.memory_space<vmem>>) offsets(%dma_start3A_2157 : memref<128xi32, #tpu.memory_space<vmem>>) semaphore(%arg10 : memref<!tpu.dma_semaphore, #tpu.memory_space<semaphore_mem>>)
      %dma_start3A_2160 = arith.constant 11 : i32
      %dma_start3A_2161 = arith.constant 5 : i32
      %dma_start3A_2162 = arith.constant 128 : i32
      %dma_start3A_2163 = tpu.memref_slice %arg8[%dma_start3A_2161, %dma_start3A_2162] : memref<8x256xf32, #tpu.memory_space<vmem>> -> memref<1x128xf32, #tpu.memory_space<vmem>>
      %dma_start3A_2164 = tpu.memref_squeeze %dma_start3A_2163 : memref<1x128xf32, #tpu.memory_space<vmem>> -> memref<128xf32, #tpu.memory_space<vmem>>
      %dma_start3A_2165 = arith.constant 0 : i32
      %dma_start3A_2166 = tpu.memref_slice %arg7[%dma_start3A_2160, %dma_start3A_2165] : memref<16x128xi32, #tpu.memory_space<vmem>> -> memref<1x128xi32, #tpu.memory_space<vmem>>
      %dma_start3A_2167 = tpu.memref_squeeze %dma_start3A_2166 : memref<1x128xi32, #tpu.memory_space<vmem>> -> memref<128xi32, #tpu.memory_space<vmem>>
      %dma_start3A_2168 = arith.constant 0 : i32
      %dma_start3A_2169 = tpu.memref_slice %arg2[%dma_start3A_2168] : memref<3145728xf32, #tpu.memory_space<hbm>> -> memref<3145728xf32, #tpu.memory_space<hbm>>
      tpu.enqueue_indirect_dma source(%dma_start3A_2169 : memref<3145728xf32, #tpu.memory_space<hbm>>) target(%dma_start3A_2164 : memref<128xf32, #tpu.memory_space<vmem>>) offsets(%dma_start3A_2167 : memref<128xi32, #tpu.memory_space<vmem>>) semaphore(%arg10 : memref<!tpu.dma_semaphore, #tpu.memory_space<semaphore_mem>>)
      %dma_start3A_2170 = arith.constant 11 : i32
      %dma_start3A_2171 = arith.constant 5 : i32
      %dma_start3A_2172 = arith.constant 128 : i32
      %dma_start3A_2173 = tpu.memref_slice %arg9[%dma_start3A_2171, %dma_start3A_2172] : memref<8x256xf32, #tpu.memory_space<vmem>> -> memref<1x128xf32, #tpu.memory_space<vmem>>
      %dma_start3A_2174 = tpu.memref_squeeze %dma_start3A_2173 : memref<1x128xf32, #tpu.memory_space<vmem>> -> memref<128xf32, #tpu.memory_space<vmem>>
      %dma_start3A_2175 = arith.constant 0 : i32
      %dma_start3A_2176 = tpu.memref_slice %arg7[%dma_start3A_2170, %dma_start3A_2175] : memref<16x128xi32, #tpu.memory_space<vmem>> -> memref<1x128xi32, #tpu.memory_space<vmem>>
      %dma_start3A_2177 = tpu.memref_squeeze %dma_start3A_2176 : memref<1x128xi32, #tpu.memory_space<vmem>> -> memref<128xi32, #tpu.memory_space<vmem>>
      %dma_start3A_2178 = arith.constant 0 : i32
      %dma_start3A_2179 = tpu.memref_slice %arg3[%dma_start3A_2178] : memref<3145728xf32, #tpu.memory_space<hbm>> -> memref<3145728xf32, #tpu.memory_space<hbm>>
      tpu.enqueue_indirect_dma source(%dma_start3A_2179 : memref<3145728xf32, #tpu.memory_space<hbm>>) target(%dma_start3A_2174 : memref<128xf32, #tpu.memory_space<vmem>>) offsets(%dma_start3A_2177 : memref<128xi32, #tpu.memory_space<vmem>>) semaphore(%arg10 : memref<!tpu.dma_semaphore, #tpu.memory_space<semaphore_mem>>)
      %dma_start3A_2180 = arith.constant 12 : i32
      %dma_start3A_2181 = arith.constant 6 : i32
      %dma_start3A_2182 = arith.constant 0 : i32
      %dma_start3A_2183 = tpu.memref_slice %arg8[%dma_start3A_2181, %dma_start3A_2182] : memref<8x256xf32, #tpu.memory_space<vmem>> -> memref<1x128xf32, #tpu.memory_space<vmem>>
      %dma_start3A_2184 = tpu.memref_squeeze %dma_start3A_2183 : memref<1x128xf32, #tpu.memory_space<vmem>> -> memref<128xf32, #tpu.memory_space<vmem>>
      %dma_start3A_2185 = arith.constant 0 : i32
      %dma_start3A_2186 = tpu.memref_slice %arg7[%dma_start3A_2180, %dma_start3A_2185] : memref<16x128xi32, #tpu.memory_space<vmem>> -> memref<1x128xi32, #tpu.memory_space<vmem>>
      %dma_start3A_2187 = tpu.memref_squeeze %dma_start3A_2186 : memref<1x128xi32, #tpu.memory_space<vmem>> -> memref<128xi32, #tpu.memory_space<vmem>>
      %dma_start3A_2188 = arith.constant 0 : i32
      %dma_start3A_2189 = tpu.memref_slice %arg2[%dma_start3A_2188] : memref<3145728xf32, #tpu.memory_space<hbm>> -> memref<3145728xf32, #tpu.memory_space<hbm>>
      tpu.enqueue_indirect_dma source(%dma_start3A_2189 : memref<3145728xf32, #tpu.memory_space<hbm>>) target(%dma_start3A_2184 : memref<128xf32, #tpu.memory_space<vmem>>) offsets(%dma_start3A_2187 : memref<128xi32, #tpu.memory_space<vmem>>) semaphore(%arg10 : memref<!tpu.dma_semaphore, #tpu.memory_space<semaphore_mem>>)
      %dma_start3A_2190 = arith.constant 12 : i32
      %dma_start3A_2191 = arith.constant 6 : i32
      %dma_start3A_2192 = arith.constant 0 : i32
      %dma_start3A_2193 = tpu.memref_slice %arg9[%dma_start3A_2191, %dma_start3A_2192] : memref<8x256xf32, #tpu.memory_space<vmem>> -> memref<1x128xf32, #tpu.memory_space<vmem>>
      %dma_start3A_2194 = tpu.memref_squeeze %dma_start3A_2193 : memref<1x128xf32, #tpu.memory_space<vmem>> -> memref<128xf32, #tpu.memory_space<vmem>>
      %dma_start3A_2195 = arith.constant 0 : i32
      %dma_start3A_2196 = tpu.memref_slice %arg7[%dma_start3A_2190, %dma_start3A_2195] : memref<16x128xi32, #tpu.memory_space<vmem>> -> memref<1x128xi32, #tpu.memory_space<vmem>>
      %dma_start3A_2197 = tpu.memref_squeeze %dma_start3A_2196 : memref<1x128xi32, #tpu.memory_space<vmem>> -> memref<128xi32, #tpu.memory_space<vmem>>
      %dma_start3A_2198 = arith.constant 0 : i32
      %dma_start3A_2199 = tpu.memref_slice %arg3[%dma_start3A_2198] : memref<3145728xf32, #tpu.memory_space<hbm>> -> memref<3145728xf32, #tpu.memory_space<hbm>>
      tpu.enqueue_indirect_dma source(%dma_start3A_2199 : memref<3145728xf32, #tpu.memory_space<hbm>>) target(%dma_start3A_2194 : memref<128xf32, #tpu.memory_space<vmem>>) offsets(%dma_start3A_2197 : memref<128xi32, #tpu.memory_space<vmem>>) semaphore(%arg10 : memref<!tpu.dma_semaphore, #tpu.memory_space<semaphore_mem>>)
      %dma_start3A_2200 = arith.constant 13 : i32
      %dma_start3A_2201 = arith.constant 6 : i32
      %dma_start3A_2202 = arith.constant 128 : i32
      %dma_start3A_2203 = tpu.memref_slice %arg8[%dma_start3A_2201, %dma_start3A_2202] : memref<8x256xf32, #tpu.memory_space<vmem>> -> memref<1x128xf32, #tpu.memory_space<vmem>>
      %dma_start3A_2204 = tpu.memref_squeeze %dma_start3A_2203 : memref<1x128xf32, #tpu.memory_space<vmem>> -> memref<128xf32, #tpu.memory_space<vmem>>
      %dma_start3A_2205 = arith.constant 0 : i32
      %dma_start3A_2206 = tpu.memref_slice %arg7[%dma_start3A_2200, %dma_start3A_2205] : memref<16x128xi32, #tpu.memory_space<vmem>> -> memref<1x128xi32, #tpu.memory_space<vmem>>
      %dma_start3A_2207 = tpu.memref_squeeze %dma_start3A_2206 : memref<1x128xi32, #tpu.memory_space<vmem>> -> memref<128xi32, #tpu.memory_space<vmem>>
      %dma_start3A_2208 = arith.constant 0 : i32
      %dma_start3A_2209 = tpu.memref_slice %arg2[%dma_start3A_2208] : memref<3145728xf32, #tpu.memory_space<hbm>> -> memref<3145728xf32, #tpu.memory_space<hbm>>
      tpu.enqueue_indirect_dma source(%dma_start3A_2209 : memref<3145728xf32, #tpu.memory_space<hbm>>) target(%dma_start3A_2204 : memref<128xf32, #tpu.memory_space<vmem>>) offsets(%dma_start3A_2207 : memref<128xi32, #tpu.memory_space<vmem>>) semaphore(%arg10 : memref<!tpu.dma_semaphore, #tpu.memory_space<semaphore_mem>>)
      %dma_start3A_2210 = arith.constant 13 : i32
      %dma_start3A_2211 = arith.constant 6 : i32
      %dma_start3A_2212 = arith.constant 128 : i32
      %dma_start3A_2213 = tpu.memref_slice %arg9[%dma_start3A_2211, %dma_start3A_2212] : memref<8x256xf32, #tpu.memory_space<vmem>> -> memref<1x128xf32, #tpu.memory_space<vmem>>
      %dma_start3A_2214 = tpu.memref_squeeze %dma_start3A_2213 : memref<1x128xf32, #tpu.memory_space<vmem>> -> memref<128xf32, #tpu.memory_space<vmem>>
      %dma_start3A_2215 = arith.constant 0 : i32
      %dma_start3A_2216 = tpu.memref_slice %arg7[%dma_start3A_2210, %dma_start3A_2215] : memref<16x128xi32, #tpu.memory_space<vmem>> -> memref<1x128xi32, #tpu.memory_space<vmem>>
      %dma_start3A_2217 = tpu.memref_squeeze %dma_start3A_2216 : memref<1x128xi32, #tpu.memory_space<vmem>> -> memref<128xi32, #tpu.memory_space<vmem>>
      %dma_start3A_2218 = arith.constant 0 : i32
      %dma_start3A_2219 = tpu.memref_slice %arg3[%dma_start3A_2218] : memref<3145728xf32, #tpu.memory_space<hbm>> -> memref<3145728xf32, #tpu.memory_space<hbm>>
      tpu.enqueue_indirect_dma source(%dma_start3A_2219 : memref<3145728xf32, #tpu.memory_space<hbm>>) target(%dma_start3A_2214 : memref<128xf32, #tpu.memory_space<vmem>>) offsets(%dma_start3A_2217 : memref<128xi32, #tpu.memory_space<vmem>>) semaphore(%arg10 : memref<!tpu.dma_semaphore, #tpu.memory_space<semaphore_mem>>)
      %dma_start3A_2220 = arith.constant 14 : i32
      %dma_start3A_2221 = arith.constant 7 : i32
      %dma_start3A_2222 = arith.constant 0 : i32
      %dma_start3A_2223 = tpu.memref_slice %arg8[%dma_start3A_2221, %dma_start3A_2222] : memref<8x256xf32, #tpu.memory_space<vmem>> -> memref<1x128xf32, #tpu.memory_space<vmem>>
      %dma_start3A_2224 = tpu.memref_squeeze %dma_start3A_2223 : memref<1x128xf32, #tpu.memory_space<vmem>> -> memref<128xf32, #tpu.memory_space<vmem>>
      %dma_start3A_2225 = arith.constant 0 : i32
      %dma_start3A_2226 = tpu.memref_slice %arg7[%dma_start3A_2220, %dma_start3A_2225] : memref<16x128xi32, #tpu.memory_space<vmem>> -> memref<1x128xi32, #tpu.memory_space<vmem>>
      %dma_start3A_2227 = tpu.memref_squeeze %dma_start3A_2226 : memref<1x128xi32, #tpu.memory_space<vmem>> -> memref<128xi32, #tpu.memory_space<vmem>>
      %dma_start3A_2228 = arith.constant 0 : i32
      %dma_start3A_2229 = tpu.memref_slice %arg2[%dma_start3A_2228] : memref<3145728xf32, #tpu.memory_space<hbm>> -> memref<3145728xf32, #tpu.memory_space<hbm>>
      tpu.enqueue_indirect_dma source(%dma_start3A_2229 : memref<3145728xf32, #tpu.memory_space<hbm>>) target(%dma_start3A_2224 : memref<128xf32, #tpu.memory_space<vmem>>) offsets(%dma_start3A_2227 : memref<128xi32, #tpu.memory_space<vmem>>) semaphore(%arg10 : memref<!tpu.dma_semaphore, #tpu.memory_space<semaphore_mem>>)
      %dma_start3A_2230 = arith.constant 14 : i32
      %dma_start3A_2231 = arith.constant 7 : i32
      %dma_start3A_2232 = arith.constant 0 : i32
      %dma_start3A_2233 = tpu.memref_slice %arg9[%dma_start3A_2231, %dma_start3A_2232] : memref<8x256xf32, #tpu.memory_space<vmem>> -> memref<1x128xf32, #tpu.memory_space<vmem>>
      %dma_start3A_2234 = tpu.memref_squeeze %dma_start3A_2233 : memref<1x128xf32, #tpu.memory_space<vmem>> -> memref<128xf32, #tpu.memory_space<vmem>>
      %dma_start3A_2235 = arith.constant 0 : i32
      %dma_start3A_2236 = tpu.memref_slice %arg7[%dma_start3A_2230, %dma_start3A_2235] : memref<16x128xi32, #tpu.memory_space<vmem>> -> memref<1x128xi32, #tpu.memory_space<vmem>>
      %dma_start3A_2237 = tpu.memref_squeeze %dma_start3A_2236 : memref<1x128xi32, #tpu.memory_space<vmem>> -> memref<128xi32, #tpu.memory_space<vmem>>
      %dma_start3A_2238 = arith.constant 0 : i32
      %dma_start3A_2239 = tpu.memref_slice %arg3[%dma_start3A_2238] : memref<3145728xf32, #tpu.memory_space<hbm>> -> memref<3145728xf32, #tpu.memory_space<hbm>>
      tpu.enqueue_indirect_dma source(%dma_start3A_2239 : memref<3145728xf32, #tpu.memory_space<hbm>>) target(%dma_start3A_2234 : memref<128xf32, #tpu.memory_space<vmem>>) offsets(%dma_start3A_2237 : memref<128xi32, #tpu.memory_space<vmem>>) semaphore(%arg10 : memref<!tpu.dma_semaphore, #tpu.memory_space<semaphore_mem>>)
      %dma_start3A_2240 = arith.constant 15 : i32
      %dma_start3A_2241 = arith.constant 7 : i32
      %dma_start3A_2242 = arith.constant 128 : i32
      %dma_start3A_2243 = tpu.memref_slice %arg8[%dma_start3A_2241, %dma_start3A_2242] : memref<8x256xf32, #tpu.memory_space<vmem>> -> memref<1x128xf32, #tpu.memory_space<vmem>>
      %dma_start3A_2244 = tpu.memref_squeeze %dma_start3A_2243 : memref<1x128xf32, #tpu.memory_space<vmem>> -> memref<128xf32, #tpu.memory_space<vmem>>
      %dma_start3A_2245 = arith.constant 0 : i32
      %dma_start3A_2246 = tpu.memref_slice %arg7[%dma_start3A_2240, %dma_start3A_2245] : memref<16x128xi32, #tpu.memory_space<vmem>> -> memref<1x128xi32, #tpu.memory_space<vmem>>
      %dma_start3A_2247 = tpu.memref_squeeze %dma_start3A_2246 : memref<1x128xi32, #tpu.memory_space<vmem>> -> memref<128xi32, #tpu.memory_space<vmem>>
      %dma_start3A_2248 = arith.constant 0 : i32
      %dma_start3A_2249 = tpu.memref_slice %arg2[%dma_start3A_2248] : memref<3145728xf32, #tpu.memory_space<hbm>> -> memref<3145728xf32, #tpu.memory_space<hbm>>
      tpu.enqueue_indirect_dma source(%dma_start3A_2249 : memref<3145728xf32, #tpu.memory_space<hbm>>) target(%dma_start3A_2244 : memref<128xf32, #tpu.memory_space<vmem>>) offsets(%dma_start3A_2247 : memref<128xi32, #tpu.memory_space<vmem>>) semaphore(%arg10 : memref<!tpu.dma_semaphore, #tpu.memory_space<semaphore_mem>>)
      %dma_start3A_2250 = arith.constant 15 : i32
      %dma_start3A_2251 = arith.constant 7 : i32
      %dma_start3A_2252 = arith.constant 128 : i32
      %dma_start3A_2253 = tpu.memref_slice %arg9[%dma_start3A_2251, %dma_start3A_2252] : memref<8x256xf32, #tpu.memory_space<vmem>> -> memref<1x128xf32, #tpu.memory_space<vmem>>
      %dma_start3A_2254 = tpu.memref_squeeze %dma_start3A_2253 : memref<1x128xf32, #tpu.memory_space<vmem>> -> memref<128xf32, #tpu.memory_space<vmem>>
      %dma_start3A_2255 = arith.constant 0 : i32
      %dma_start3A_2256 = tpu.memref_slice %arg7[%dma_start3A_2250, %dma_start3A_2255] : memref<16x128xi32, #tpu.memory_space<vmem>> -> memref<1x128xi32, #tpu.memory_space<vmem>>
      %dma_start3A_2257 = tpu.memref_squeeze %dma_start3A_2256 : memref<1x128xi32, #tpu.memory_space<vmem>> -> memref<128xi32, #tpu.memory_space<vmem>>
      %dma_start3A_2258 = arith.constant 0 : i32
      %dma_start3A_2259 = tpu.memref_slice %arg3[%dma_start3A_2258] : memref<3145728xf32, #tpu.memory_space<hbm>> -> memref<3145728xf32, #tpu.memory_space<hbm>>
      tpu.enqueue_indirect_dma source(%dma_start3A_2259 : memref<3145728xf32, #tpu.memory_space<hbm>>) target(%dma_start3A_2254 : memref<128xf32, #tpu.memory_space<vmem>>) offsets(%dma_start3A_2257 : memref<128xi32, #tpu.memory_space<vmem>>) semaphore(%arg10 : memref<!tpu.dma_semaphore, #tpu.memory_space<semaphore_mem>>)
      %dma_wait3A = arith.constant 0 : i32
      %dma_wait3A_2260 = arith.constant 0 : i32
      %dma_wait3A_2261 = arith.constant 0 : i32
      %dma_wait3A_2262 = tpu.memref_slice %arg8[%dma_wait3A_2260, %dma_wait3A_2261] : memref<8x256xf32, #tpu.memory_space<vmem>> -> memref<1x128xf32, #tpu.memory_space<vmem>>
      %dma_wait3A_2263 = tpu.memref_squeeze %dma_wait3A_2262 : memref<1x128xf32, #tpu.memory_space<vmem>> -> memref<128xf32, #tpu.memory_space<vmem>>
      %dma_wait3A_2264 = arith.constant 0 : i32
      %dma_wait3A_2265 = tpu.memref_slice %arg7[%dma_wait3A, %dma_wait3A_2264] : memref<16x128xi32, #tpu.memory_space<vmem>> -> memref<1x128xi32, #tpu.memory_space<vmem>>
      %dma_wait3A_2266 = tpu.memref_squeeze %dma_wait3A_2265 : memref<1x128xi32, #tpu.memory_space<vmem>> -> memref<128xi32, #tpu.memory_space<vmem>>
      %dma_wait3A_2267 = arith.constant 0 : i32
      %dma_wait3A_2268 = tpu.memref_slice %arg2[%dma_wait3A_2267] : memref<3145728xf32, #tpu.memory_space<hbm>> -> memref<3145728xf32, #tpu.memory_space<hbm>>
      tpu.wait_indirect_dma semaphore(%arg10 : memref<!tpu.dma_semaphore, #tpu.memory_space<semaphore_mem>>) src(%dma_wait3A_2268 : memref<3145728xf32, #tpu.memory_space<hbm>>) dst(%dma_wait3A_2263 : memref<128xf32, #tpu.memory_space<vmem>>)
      %dma_wait3A_2269 = arith.constant 0 : i32
      %dma_wait3A_2270 = arith.constant 0 : i32
      %dma_wait3A_2271 = arith.constant 0 : i32
      %dma_wait3A_2272 = tpu.memref_slice %arg9[%dma_wait3A_2270, %dma_wait3A_2271] : memref<8x256xf32, #tpu.memory_space<vmem>> -> memref<1x128xf32, #tpu.memory_space<vmem>>
      %dma_wait3A_2273 = tpu.memref_squeeze %dma_wait3A_2272 : memref<1x128xf32, #tpu.memory_space<vmem>> -> memref<128xf32, #tpu.memory_space<vmem>>
      %dma_wait3A_2274 = arith.constant 0 : i32
      %dma_wait3A_2275 = tpu.memref_slice %arg7[%dma_wait3A_2269, %dma_wait3A_2274] : memref<16x128xi32, #tpu.memory_space<vmem>> -> memref<1x128xi32, #tpu.memory_space<vmem>>
      %dma_wait3A_2276 = tpu.memref_squeeze %dma_wait3A_2275 : memref<1x128xi32, #tpu.memory_space<vmem>> -> memref<128xi32, #tpu.memory_space<vmem>>
      %dma_wait3A_2277 = arith.constant 0 : i32
      %dma_wait3A_2278 = tpu.memref_slice %arg3[%dma_wait3A_2277] : memref<3145728xf32, #tpu.memory_space<hbm>> -> memref<3145728xf32, #tpu.memory_space<hbm>>
      tpu.wait_indirect_dma semaphore(%arg10 : memref<!tpu.dma_semaphore, #tpu.memory_space<semaphore_mem>>) src(%dma_wait3A_2278 : memref<3145728xf32, #tpu.memory_space<hbm>>) dst(%dma_wait3A_2273 : memref<128xf32, #tpu.memory_space<vmem>>)
      %dma_wait3A_2279 = arith.constant 1 : i32
      %dma_wait3A_2280 = arith.constant 0 : i32
      %dma_wait3A_2281 = arith.constant 128 : i32
      %dma_wait3A_2282 = tpu.memref_slice %arg8[%dma_wait3A_2280, %dma_wait3A_2281] : memref<8x256xf32, #tpu.memory_space<vmem>> -> memref<1x128xf32, #tpu.memory_space<vmem>>
      %dma_wait3A_2283 = tpu.memref_squeeze %dma_wait3A_2282 : memref<1x128xf32, #tpu.memory_space<vmem>> -> memref<128xf32, #tpu.memory_space<vmem>>
      %dma_wait3A_2284 = arith.constant 0 : i32
      %dma_wait3A_2285 = tpu.memref_slice %arg7[%dma_wait3A_2279, %dma_wait3A_2284] : memref<16x128xi32, #tpu.memory_space<vmem>> -> memref<1x128xi32, #tpu.memory_space<vmem>>
      %dma_wait3A_2286 = tpu.memref_squeeze %dma_wait3A_2285 : memref<1x128xi32, #tpu.memory_space<vmem>> -> memref<128xi32, #tpu.memory_space<vmem>>
      %dma_wait3A_2287 = arith.constant 0 : i32
      %dma_wait3A_2288 = tpu.memref_slice %arg2[%dma_wait3A_2287] : memref<3145728xf32, #tpu.memory_space<hbm>> -> memref<3145728xf32, #tpu.memory_space<hbm>>
      tpu.wait_indirect_dma semaphore(%arg10 : memref<!tpu.dma_semaphore, #tpu.memory_space<semaphore_mem>>) src(%dma_wait3A_2288 : memref<3145728xf32, #tpu.memory_space<hbm>>) dst(%dma_wait3A_2283 : memref<128xf32, #tpu.memory_space<vmem>>)
      %dma_wait3A_2289 = arith.constant 1 : i32
      %dma_wait3A_2290 = arith.constant 0 : i32
      %dma_wait3A_2291 = arith.constant 128 : i32
      %dma_wait3A_2292 = tpu.memref_slice %arg9[%dma_wait3A_2290, %dma_wait3A_2291] : memref<8x256xf32, #tpu.memory_space<vmem>> -> memref<1x128xf32, #tpu.memory_space<vmem>>
      %dma_wait3A_2293 = tpu.memref_squeeze %dma_wait3A_2292 : memref<1x128xf32, #tpu.memory_space<vmem>> -> memref<128xf32, #tpu.memory_space<vmem>>
      %dma_wait3A_2294 = arith.constant 0 : i32
      %dma_wait3A_2295 = tpu.memref_slice %arg7[%dma_wait3A_2289, %dma_wait3A_2294] : memref<16x128xi32, #tpu.memory_space<vmem>> -> memref<1x128xi32, #tpu.memory_space<vmem>>
      %dma_wait3A_2296 = tpu.memref_squeeze %dma_wait3A_2295 : memref<1x128xi32, #tpu.memory_space<vmem>> -> memref<128xi32, #tpu.memory_space<vmem>>
      %dma_wait3A_2297 = arith.constant 0 : i32
      %dma_wait3A_2298 = tpu.memref_slice %arg3[%dma_wait3A_2297] : memref<3145728xf32, #tpu.memory_space<hbm>> -> memref<3145728xf32, #tpu.memory_space<hbm>>
      tpu.wait_indirect_dma semaphore(%arg10 : memref<!tpu.dma_semaphore, #tpu.memory_space<semaphore_mem>>) src(%dma_wait3A_2298 : memref<3145728xf32, #tpu.memory_space<hbm>>) dst(%dma_wait3A_2293 : memref<128xf32, #tpu.memory_space<vmem>>)
      %dma_wait3A_2299 = arith.constant 2 : i32
      %dma_wait3A_2300 = arith.constant 1 : i32
      %dma_wait3A_2301 = arith.constant 0 : i32
      %dma_wait3A_2302 = tpu.memref_slice %arg8[%dma_wait3A_2300, %dma_wait3A_2301] : memref<8x256xf32, #tpu.memory_space<vmem>> -> memref<1x128xf32, #tpu.memory_space<vmem>>
      %dma_wait3A_2303 = tpu.memref_squeeze %dma_wait3A_2302 : memref<1x128xf32, #tpu.memory_space<vmem>> -> memref<128xf32, #tpu.memory_space<vmem>>
      %dma_wait3A_2304 = arith.constant 0 : i32
      %dma_wait3A_2305 = tpu.memref_slice %arg7[%dma_wait3A_2299, %dma_wait3A_2304] : memref<16x128xi32, #tpu.memory_space<vmem>> -> memref<1x128xi32, #tpu.memory_space<vmem>>
      %dma_wait3A_2306 = tpu.memref_squeeze %dma_wait3A_2305 : memref<1x128xi32, #tpu.memory_space<vmem>> -> memref<128xi32, #tpu.memory_space<vmem>>
      %dma_wait3A_2307 = arith.constant 0 : i32
      %dma_wait3A_2308 = tpu.memref_slice %arg2[%dma_wait3A_2307] : memref<3145728xf32, #tpu.memory_space<hbm>> -> memref<3145728xf32, #tpu.memory_space<hbm>>
      tpu.wait_indirect_dma semaphore(%arg10 : memref<!tpu.dma_semaphore, #tpu.memory_space<semaphore_mem>>) src(%dma_wait3A_2308 : memref<3145728xf32, #tpu.memory_space<hbm>>) dst(%dma_wait3A_2303 : memref<128xf32, #tpu.memory_space<vmem>>)
      %dma_wait3A_2309 = arith.constant 2 : i32
      %dma_wait3A_2310 = arith.constant 1 : i32
      %dma_wait3A_2311 = arith.constant 0 : i32
      %dma_wait3A_2312 = tpu.memref_slice %arg9[%dma_wait3A_2310, %dma_wait3A_2311] : memref<8x256xf32, #tpu.memory_space<vmem>> -> memref<1x128xf32, #tpu.memory_space<vmem>>
      %dma_wait3A_2313 = tpu.memref_squeeze %dma_wait3A_2312 : memref<1x128xf32, #tpu.memory_space<vmem>> -> memref<128xf32, #tpu.memory_space<vmem>>
      %dma_wait3A_2314 = arith.constant 0 : i32
      %dma_wait3A_2315 = tpu.memref_slice %arg7[%dma_wait3A_2309, %dma_wait3A_2314] : memref<16x128xi32, #tpu.memory_space<vmem>> -> memref<1x128xi32, #tpu.memory_space<vmem>>
      %dma_wait3A_2316 = tpu.memref_squeeze %dma_wait3A_2315 : memref<1x128xi32, #tpu.memory_space<vmem>> -> memref<128xi32, #tpu.memory_space<vmem>>
      %dma_wait3A_2317 = arith.constant 0 : i32
      %dma_wait3A_2318 = tpu.memref_slice %arg3[%dma_wait3A_2317] : memref<3145728xf32, #tpu.memory_space<hbm>> -> memref<3145728xf32, #tpu.memory_space<hbm>>
      tpu.wait_indirect_dma semaphore(%arg10 : memref<!tpu.dma_semaphore, #tpu.memory_space<semaphore_mem>>) src(%dma_wait3A_2318 : memref<3145728xf32, #tpu.memory_space<hbm>>) dst(%dma_wait3A_2313 : memref<128xf32, #tpu.memory_space<vmem>>)
      %dma_wait3A_2319 = arith.constant 3 : i32
      %dma_wait3A_2320 = arith.constant 1 : i32
      %dma_wait3A_2321 = arith.constant 128 : i32
      %dma_wait3A_2322 = tpu.memref_slice %arg8[%dma_wait3A_2320, %dma_wait3A_2321] : memref<8x256xf32, #tpu.memory_space<vmem>> -> memref<1x128xf32, #tpu.memory_space<vmem>>
      %dma_wait3A_2323 = tpu.memref_squeeze %dma_wait3A_2322 : memref<1x128xf32, #tpu.memory_space<vmem>> -> memref<128xf32, #tpu.memory_space<vmem>>
      %dma_wait3A_2324 = arith.constant 0 : i32
      %dma_wait3A_2325 = tpu.memref_slice %arg7[%dma_wait3A_2319, %dma_wait3A_2324] : memref<16x128xi32, #tpu.memory_space<vmem>> -> memref<1x128xi32, #tpu.memory_space<vmem>>
      %dma_wait3A_2326 = tpu.memref_squeeze %dma_wait3A_2325 : memref<1x128xi32, #tpu.memory_space<vmem>> -> memref<128xi32, #tpu.memory_space<vmem>>
      %dma_wait3A_2327 = arith.constant 0 : i32
      %dma_wait3A_2328 = tpu.memref_slice %arg2[%dma_wait3A_2327] : memref<3145728xf32, #tpu.memory_space<hbm>> -> memref<3145728xf32, #tpu.memory_space<hbm>>
      tpu.wait_indirect_dma semaphore(%arg10 : memref<!tpu.dma_semaphore, #tpu.memory_space<semaphore_mem>>) src(%dma_wait3A_2328 : memref<3145728xf32, #tpu.memory_space<hbm>>) dst(%dma_wait3A_2323 : memref<128xf32, #tpu.memory_space<vmem>>)
      %dma_wait3A_2329 = arith.constant 3 : i32
      %dma_wait3A_2330 = arith.constant 1 : i32
      %dma_wait3A_2331 = arith.constant 128 : i32
      %dma_wait3A_2332 = tpu.memref_slice %arg9[%dma_wait3A_2330, %dma_wait3A_2331] : memref<8x256xf32, #tpu.memory_space<vmem>> -> memref<1x128xf32, #tpu.memory_space<vmem>>
      %dma_wait3A_2333 = tpu.memref_squeeze %dma_wait3A_2332 : memref<1x128xf32, #tpu.memory_space<vmem>> -> memref<128xf32, #tpu.memory_space<vmem>>
      %dma_wait3A_2334 = arith.constant 0 : i32
      %dma_wait3A_2335 = tpu.memref_slice %arg7[%dma_wait3A_2329, %dma_wait3A_2334] : memref<16x128xi32, #tpu.memory_space<vmem>> -> memref<1x128xi32, #tpu.memory_space<vmem>>
      %dma_wait3A_2336 = tpu.memref_squeeze %dma_wait3A_2335 : memref<1x128xi32, #tpu.memory_space<vmem>> -> memref<128xi32, #tpu.memory_space<vmem>>
      %dma_wait3A_2337 = arith.constant 0 : i32
      %dma_wait3A_2338 = tpu.memref_slice %arg3[%dma_wait3A_2337] : memref<3145728xf32, #tpu.memory_space<hbm>> -> memref<3145728xf32, #tpu.memory_space<hbm>>
      tpu.wait_indirect_dma semaphore(%arg10 : memref<!tpu.dma_semaphore, #tpu.memory_space<semaphore_mem>>) src(%dma_wait3A_2338 : memref<3145728xf32, #tpu.memory_space<hbm>>) dst(%dma_wait3A_2333 : memref<128xf32, #tpu.memory_space<vmem>>)
      %dma_wait3A_2339 = arith.constant 4 : i32
      %dma_wait3A_2340 = arith.constant 2 : i32
      %dma_wait3A_2341 = arith.constant 0 : i32
      %dma_wait3A_2342 = tpu.memref_slice %arg8[%dma_wait3A_2340, %dma_wait3A_2341] : memref<8x256xf32, #tpu.memory_space<vmem>> -> memref<1x128xf32, #tpu.memory_space<vmem>>
      %dma_wait3A_2343 = tpu.memref_squeeze %dma_wait3A_2342 : memref<1x128xf32, #tpu.memory_space<vmem>> -> memref<128xf32, #tpu.memory_space<vmem>>
      %dma_wait3A_2344 = arith.constant 0 : i32
      %dma_wait3A_2345 = tpu.memref_slice %arg7[%dma_wait3A_2339, %dma_wait3A_2344] : memref<16x128xi32, #tpu.memory_space<vmem>> -> memref<1x128xi32, #tpu.memory_space<vmem>>
      %dma_wait3A_2346 = tpu.memref_squeeze %dma_wait3A_2345 : memref<1x128xi32, #tpu.memory_space<vmem>> -> memref<128xi32, #tpu.memory_space<vmem>>
      %dma_wait3A_2347 = arith.constant 0 : i32
      %dma_wait3A_2348 = tpu.memref_slice %arg2[%dma_wait3A_2347] : memref<3145728xf32, #tpu.memory_space<hbm>> -> memref<3145728xf32, #tpu.memory_space<hbm>>
      tpu.wait_indirect_dma semaphore(%arg10 : memref<!tpu.dma_semaphore, #tpu.memory_space<semaphore_mem>>) src(%dma_wait3A_2348 : memref<3145728xf32, #tpu.memory_space<hbm>>) dst(%dma_wait3A_2343 : memref<128xf32, #tpu.memory_space<vmem>>)
      %dma_wait3A_2349 = arith.constant 4 : i32
      %dma_wait3A_2350 = arith.constant 2 : i32
      %dma_wait3A_2351 = arith.constant 0 : i32
      %dma_wait3A_2352 = tpu.memref_slice %arg9[%dma_wait3A_2350, %dma_wait3A_2351] : memref<8x256xf32, #tpu.memory_space<vmem>> -> memref<1x128xf32, #tpu.memory_space<vmem>>
      %dma_wait3A_2353 = tpu.memref_squeeze %dma_wait3A_2352 : memref<1x128xf32, #tpu.memory_space<vmem>> -> memref<128xf32, #tpu.memory_space<vmem>>
      %dma_wait3A_2354 = arith.constant 0 : i32
      %dma_wait3A_2355 = tpu.memref_slice %arg7[%dma_wait3A_2349, %dma_wait3A_2354] : memref<16x128xi32, #tpu.memory_space<vmem>> -> memref<1x128xi32, #tpu.memory_space<vmem>>
      %dma_wait3A_2356 = tpu.memref_squeeze %dma_wait3A_2355 : memref<1x128xi32, #tpu.memory_space<vmem>> -> memref<128xi32, #tpu.memory_space<vmem>>
      %dma_wait3A_2357 = arith.constant 0 : i32
      %dma_wait3A_2358 = tpu.memref_slice %arg3[%dma_wait3A_2357] : memref<3145728xf32, #tpu.memory_space<hbm>> -> memref<3145728xf32, #tpu.memory_space<hbm>>
      tpu.wait_indirect_dma semaphore(%arg10 : memref<!tpu.dma_semaphore, #tpu.memory_space<semaphore_mem>>) src(%dma_wait3A_2358 : memref<3145728xf32, #tpu.memory_space<hbm>>) dst(%dma_wait3A_2353 : memref<128xf32, #tpu.memory_space<vmem>>)
      %dma_wait3A_2359 = arith.constant 5 : i32
      %dma_wait3A_2360 = arith.constant 2 : i32
      %dma_wait3A_2361 = arith.constant 128 : i32
      %dma_wait3A_2362 = tpu.memref_slice %arg8[%dma_wait3A_2360, %dma_wait3A_2361] : memref<8x256xf32, #tpu.memory_space<vmem>> -> memref<1x128xf32, #tpu.memory_space<vmem>>
      %dma_wait3A_2363 = tpu.memref_squeeze %dma_wait3A_2362 : memref<1x128xf32, #tpu.memory_space<vmem>> -> memref<128xf32, #tpu.memory_space<vmem>>
      %dma_wait3A_2364 = arith.constant 0 : i32
      %dma_wait3A_2365 = tpu.memref_slice %arg7[%dma_wait3A_2359, %dma_wait3A_2364] : memref<16x128xi32, #tpu.memory_space<vmem>> -> memref<1x128xi32, #tpu.memory_space<vmem>>
      %dma_wait3A_2366 = tpu.memref_squeeze %dma_wait3A_2365 : memref<1x128xi32, #tpu.memory_space<vmem>> -> memref<128xi32, #tpu.memory_space<vmem>>
      %dma_wait3A_2367 = arith.constant 0 : i32
      %dma_wait3A_2368 = tpu.memref_slice %arg2[%dma_wait3A_2367] : memref<3145728xf32, #tpu.memory_space<hbm>> -> memref<3145728xf32, #tpu.memory_space<hbm>>
      tpu.wait_indirect_dma semaphore(%arg10 : memref<!tpu.dma_semaphore, #tpu.memory_space<semaphore_mem>>) src(%dma_wait3A_2368 : memref<3145728xf32, #tpu.memory_space<hbm>>) dst(%dma_wait3A_2363 : memref<128xf32, #tpu.memory_space<vmem>>)
      %dma_wait3A_2369 = arith.constant 5 : i32
      %dma_wait3A_2370 = arith.constant 2 : i32
      %dma_wait3A_2371 = arith.constant 128 : i32
      %dma_wait3A_2372 = tpu.memref_slice %arg9[%dma_wait3A_2370, %dma_wait3A_2371] : memref<8x256xf32, #tpu.memory_space<vmem>> -> memref<1x128xf32, #tpu.memory_space<vmem>>
      %dma_wait3A_2373 = tpu.memref_squeeze %dma_wait3A_2372 : memref<1x128xf32, #tpu.memory_space<vmem>> -> memref<128xf32, #tpu.memory_space<vmem>>
      %dma_wait3A_2374 = arith.constant 0 : i32
      %dma_wait3A_2375 = tpu.memref_slice %arg7[%dma_wait3A_2369, %dma_wait3A_2374] : memref<16x128xi32, #tpu.memory_space<vmem>> -> memref<1x128xi32, #tpu.memory_space<vmem>>
      %dma_wait3A_2376 = tpu.memref_squeeze %dma_wait3A_2375 : memref<1x128xi32, #tpu.memory_space<vmem>> -> memref<128xi32, #tpu.memory_space<vmem>>
      %dma_wait3A_2377 = arith.constant 0 : i32
      %dma_wait3A_2378 = tpu.memref_slice %arg3[%dma_wait3A_2377] : memref<3145728xf32, #tpu.memory_space<hbm>> -> memref<3145728xf32, #tpu.memory_space<hbm>>
      tpu.wait_indirect_dma semaphore(%arg10 : memref<!tpu.dma_semaphore, #tpu.memory_space<semaphore_mem>>) src(%dma_wait3A_2378 : memref<3145728xf32, #tpu.memory_space<hbm>>) dst(%dma_wait3A_2373 : memref<128xf32, #tpu.memory_space<vmem>>)
      %dma_wait3A_2379 = arith.constant 6 : i32
      %dma_wait3A_2380 = arith.constant 3 : i32
      %dma_wait3A_2381 = arith.constant 0 : i32
      %dma_wait3A_2382 = tpu.memref_slice %arg8[%dma_wait3A_2380, %dma_wait3A_2381] : memref<8x256xf32, #tpu.memory_space<vmem>> -> memref<1x128xf32, #tpu.memory_space<vmem>>
      %dma_wait3A_2383 = tpu.memref_squeeze %dma_wait3A_2382 : memref<1x128xf32, #tpu.memory_space<vmem>> -> memref<128xf32, #tpu.memory_space<vmem>>
      %dma_wait3A_2384 = arith.constant 0 : i32
      %dma_wait3A_2385 = tpu.memref_slice %arg7[%dma_wait3A_2379, %dma_wait3A_2384] : memref<16x128xi32, #tpu.memory_space<vmem>> -> memref<1x128xi32, #tpu.memory_space<vmem>>
      %dma_wait3A_2386 = tpu.memref_squeeze %dma_wait3A_2385 : memref<1x128xi32, #tpu.memory_space<vmem>> -> memref<128xi32, #tpu.memory_space<vmem>>
      %dma_wait3A_2387 = arith.constant 0 : i32
      %dma_wait3A_2388 = tpu.memref_slice %arg2[%dma_wait3A_2387] : memref<3145728xf32, #tpu.memory_space<hbm>> -> memref<3145728xf32, #tpu.memory_space<hbm>>
      tpu.wait_indirect_dma semaphore(%arg10 : memref<!tpu.dma_semaphore, #tpu.memory_space<semaphore_mem>>) src(%dma_wait3A_2388 : memref<3145728xf32, #tpu.memory_space<hbm>>) dst(%dma_wait3A_2383 : memref<128xf32, #tpu.memory_space<vmem>>)
      %dma_wait3A_2389 = arith.constant 6 : i32
      %dma_wait3A_2390 = arith.constant 3 : i32
      %dma_wait3A_2391 = arith.constant 0 : i32
      %dma_wait3A_2392 = tpu.memref_slice %arg9[%dma_wait3A_2390, %dma_wait3A_2391] : memref<8x256xf32, #tpu.memory_space<vmem>> -> memref<1x128xf32, #tpu.memory_space<vmem>>
      %dma_wait3A_2393 = tpu.memref_squeeze %dma_wait3A_2392 : memref<1x128xf32, #tpu.memory_space<vmem>> -> memref<128xf32, #tpu.memory_space<vmem>>
      %dma_wait3A_2394 = arith.constant 0 : i32
      %dma_wait3A_2395 = tpu.memref_slice %arg7[%dma_wait3A_2389, %dma_wait3A_2394] : memref<16x128xi32, #tpu.memory_space<vmem>> -> memref<1x128xi32, #tpu.memory_space<vmem>>
      %dma_wait3A_2396 = tpu.memref_squeeze %dma_wait3A_2395 : memref<1x128xi32, #tpu.memory_space<vmem>> -> memref<128xi32, #tpu.memory_space<vmem>>
      %dma_wait3A_2397 = arith.constant 0 : i32
      %dma_wait3A_2398 = tpu.memref_slice %arg3[%dma_wait3A_2397] : memref<3145728xf32, #tpu.memory_space<hbm>> -> memref<3145728xf32, #tpu.memory_space<hbm>>
      tpu.wait_indirect_dma semaphore(%arg10 : memref<!tpu.dma_semaphore, #tpu.memory_space<semaphore_mem>>) src(%dma_wait3A_2398 : memref<3145728xf32, #tpu.memory_space<hbm>>) dst(%dma_wait3A_2393 : memref<128xf32, #tpu.memory_space<vmem>>)
      %dma_wait3A_2399 = arith.constant 7 : i32
      %dma_wait3A_2400 = arith.constant 3 : i32
      %dma_wait3A_2401 = arith.constant 128 : i32
      %dma_wait3A_2402 = tpu.memref_slice %arg8[%dma_wait3A_2400, %dma_wait3A_2401] : memref<8x256xf32, #tpu.memory_space<vmem>> -> memref<1x128xf32, #tpu.memory_space<vmem>>
      %dma_wait3A_2403 = tpu.memref_squeeze %dma_wait3A_2402 : memref<1x128xf32, #tpu.memory_space<vmem>> -> memref<128xf32, #tpu.memory_space<vmem>>
      %dma_wait3A_2404 = arith.constant 0 : i32
      %dma_wait3A_2405 = tpu.memref_slice %arg7[%dma_wait3A_2399, %dma_wait3A_2404] : memref<16x128xi32, #tpu.memory_space<vmem>> -> memref<1x128xi32, #tpu.memory_space<vmem>>
      %dma_wait3A_2406 = tpu.memref_squeeze %dma_wait3A_2405 : memref<1x128xi32, #tpu.memory_space<vmem>> -> memref<128xi32, #tpu.memory_space<vmem>>
      %dma_wait3A_2407 = arith.constant 0 : i32
      %dma_wait3A_2408 = tpu.memref_slice %arg2[%dma_wait3A_2407] : memref<3145728xf32, #tpu.memory_space<hbm>> -> memref<3145728xf32, #tpu.memory_space<hbm>>
      tpu.wait_indirect_dma semaphore(%arg10 : memref<!tpu.dma_semaphore, #tpu.memory_space<semaphore_mem>>) src(%dma_wait3A_2408 : memref<3145728xf32, #tpu.memory_space<hbm>>) dst(%dma_wait3A_2403 : memref<128xf32, #tpu.memory_space<vmem>>)
      %dma_wait3A_2409 = arith.constant 7 : i32
      %dma_wait3A_2410 = arith.constant 3 : i32
      %dma_wait3A_2411 = arith.constant 128 : i32
      %dma_wait3A_2412 = tpu.memref_slice %arg9[%dma_wait3A_2410, %dma_wait3A_2411] : memref<8x256xf32, #tpu.memory_space<vmem>> -> memref<1x128xf32, #tpu.memory_space<vmem>>
      %dma_wait3A_2413 = tpu.memref_squeeze %dma_wait3A_2412 : memref<1x128xf32, #tpu.memory_space<vmem>> -> memref<128xf32, #tpu.memory_space<vmem>>
      %dma_wait3A_2414 = arith.constant 0 : i32
      %dma_wait3A_2415 = tpu.memref_slice %arg7[%dma_wait3A_2409, %dma_wait3A_2414] : memref<16x128xi32, #tpu.memory_space<vmem>> -> memref<1x128xi32, #tpu.memory_space<vmem>>
      %dma_wait3A_2416 = tpu.memref_squeeze %dma_wait3A_2415 : memref<1x128xi32, #tpu.memory_space<vmem>> -> memref<128xi32, #tpu.memory_space<vmem>>
      %dma_wait3A_2417 = arith.constant 0 : i32
      %dma_wait3A_2418 = tpu.memref_slice %arg3[%dma_wait3A_2417] : memref<3145728xf32, #tpu.memory_space<hbm>> -> memref<3145728xf32, #tpu.memory_space<hbm>>
      tpu.wait_indirect_dma semaphore(%arg10 : memref<!tpu.dma_semaphore, #tpu.memory_space<semaphore_mem>>) src(%dma_wait3A_2418 : memref<3145728xf32, #tpu.memory_space<hbm>>) dst(%dma_wait3A_2413 : memref<128xf32, #tpu.memory_space<vmem>>)
      %dma_wait3A_2419 = arith.constant 8 : i32
      %dma_wait3A_2420 = arith.constant 4 : i32
      %dma_wait3A_2421 = arith.constant 0 : i32
      %dma_wait3A_2422 = tpu.memref_slice %arg8[%dma_wait3A_2420, %dma_wait3A_2421] : memref<8x256xf32, #tpu.memory_space<vmem>> -> memref<1x128xf32, #tpu.memory_space<vmem>>
      %dma_wait3A_2423 = tpu.memref_squeeze %dma_wait3A_2422 : memref<1x128xf32, #tpu.memory_space<vmem>> -> memref<128xf32, #tpu.memory_space<vmem>>
      %dma_wait3A_2424 = arith.constant 0 : i32
      %dma_wait3A_2425 = tpu.memref_slice %arg7[%dma_wait3A_2419, %dma_wait3A_2424] : memref<16x128xi32, #tpu.memory_space<vmem>> -> memref<1x128xi32, #tpu.memory_space<vmem>>
      %dma_wait3A_2426 = tpu.memref_squeeze %dma_wait3A_2425 : memref<1x128xi32, #tpu.memory_space<vmem>> -> memref<128xi32, #tpu.memory_space<vmem>>
      %dma_wait3A_2427 = arith.constant 0 : i32
      %dma_wait3A_2428 = tpu.memref_slice %arg2[%dma_wait3A_2427] : memref<3145728xf32, #tpu.memory_space<hbm>> -> memref<3145728xf32, #tpu.memory_space<hbm>>
      tpu.wait_indirect_dma semaphore(%arg10 : memref<!tpu.dma_semaphore, #tpu.memory_space<semaphore_mem>>) src(%dma_wait3A_2428 : memref<3145728xf32, #tpu.memory_space<hbm>>) dst(%dma_wait3A_2423 : memref<128xf32, #tpu.memory_space<vmem>>)
      %dma_wait3A_2429 = arith.constant 8 : i32
      %dma_wait3A_2430 = arith.constant 4 : i32
      %dma_wait3A_2431 = arith.constant 0 : i32
      %dma_wait3A_2432 = tpu.memref_slice %arg9[%dma_wait3A_2430, %dma_wait3A_2431] : memref<8x256xf32, #tpu.memory_space<vmem>> -> memref<1x128xf32, #tpu.memory_space<vmem>>
      %dma_wait3A_2433 = tpu.memref_squeeze %dma_wait3A_2432 : memref<1x128xf32, #tpu.memory_space<vmem>> -> memref<128xf32, #tpu.memory_space<vmem>>
      %dma_wait3A_2434 = arith.constant 0 : i32
      %dma_wait3A_2435 = tpu.memref_slice %arg7[%dma_wait3A_2429, %dma_wait3A_2434] : memref<16x128xi32, #tpu.memory_space<vmem>> -> memref<1x128xi32, #tpu.memory_space<vmem>>
      %dma_wait3A_2436 = tpu.memref_squeeze %dma_wait3A_2435 : memref<1x128xi32, #tpu.memory_space<vmem>> -> memref<128xi32, #tpu.memory_space<vmem>>
      %dma_wait3A_2437 = arith.constant 0 : i32
      %dma_wait3A_2438 = tpu.memref_slice %arg3[%dma_wait3A_2437] : memref<3145728xf32, #tpu.memory_space<hbm>> -> memref<3145728xf32, #tpu.memory_space<hbm>>
      tpu.wait_indirect_dma semaphore(%arg10 : memref<!tpu.dma_semaphore, #tpu.memory_space<semaphore_mem>>) src(%dma_wait3A_2438 : memref<3145728xf32, #tpu.memory_space<hbm>>) dst(%dma_wait3A_2433 : memref<128xf32, #tpu.memory_space<vmem>>)
      %dma_wait3A_2439 = arith.constant 9 : i32
      %dma_wait3A_2440 = arith.constant 4 : i32
      %dma_wait3A_2441 = arith.constant 128 : i32
      %dma_wait3A_2442 = tpu.memref_slice %arg8[%dma_wait3A_2440, %dma_wait3A_2441] : memref<8x256xf32, #tpu.memory_space<vmem>> -> memref<1x128xf32, #tpu.memory_space<vmem>>
      %dma_wait3A_2443 = tpu.memref_squeeze %dma_wait3A_2442 : memref<1x128xf32, #tpu.memory_space<vmem>> -> memref<128xf32, #tpu.memory_space<vmem>>
      %dma_wait3A_2444 = arith.constant 0 : i32
      %dma_wait3A_2445 = tpu.memref_slice %arg7[%dma_wait3A_2439, %dma_wait3A_2444] : memref<16x128xi32, #tpu.memory_space<vmem>> -> memref<1x128xi32, #tpu.memory_space<vmem>>
      %dma_wait3A_2446 = tpu.memref_squeeze %dma_wait3A_2445 : memref<1x128xi32, #tpu.memory_space<vmem>> -> memref<128xi32, #tpu.memory_space<vmem>>
      %dma_wait3A_2447 = arith.constant 0 : i32
      %dma_wait3A_2448 = tpu.memref_slice %arg2[%dma_wait3A_2447] : memref<3145728xf32, #tpu.memory_space<hbm>> -> memref<3145728xf32, #tpu.memory_space<hbm>>
      tpu.wait_indirect_dma semaphore(%arg10 : memref<!tpu.dma_semaphore, #tpu.memory_space<semaphore_mem>>) src(%dma_wait3A_2448 : memref<3145728xf32, #tpu.memory_space<hbm>>) dst(%dma_wait3A_2443 : memref<128xf32, #tpu.memory_space<vmem>>)
      %dma_wait3A_2449 = arith.constant 9 : i32
      %dma_wait3A_2450 = arith.constant 4 : i32
      %dma_wait3A_2451 = arith.constant 128 : i32
      %dma_wait3A_2452 = tpu.memref_slice %arg9[%dma_wait3A_2450, %dma_wait3A_2451] : memref<8x256xf32, #tpu.memory_space<vmem>> -> memref<1x128xf32, #tpu.memory_space<vmem>>
      %dma_wait3A_2453 = tpu.memref_squeeze %dma_wait3A_2452 : memref<1x128xf32, #tpu.memory_space<vmem>> -> memref<128xf32, #tpu.memory_space<vmem>>
      %dma_wait3A_2454 = arith.constant 0 : i32
      %dma_wait3A_2455 = tpu.memref_slice %arg7[%dma_wait3A_2449, %dma_wait3A_2454] : memref<16x128xi32, #tpu.memory_space<vmem>> -> memref<1x128xi32, #tpu.memory_space<vmem>>
      %dma_wait3A_2456 = tpu.memref_squeeze %dma_wait3A_2455 : memref<1x128xi32, #tpu.memory_space<vmem>> -> memref<128xi32, #tpu.memory_space<vmem>>
      %dma_wait3A_2457 = arith.constant 0 : i32
      %dma_wait3A_2458 = tpu.memref_slice %arg3[%dma_wait3A_2457] : memref<3145728xf32, #tpu.memory_space<hbm>> -> memref<3145728xf32, #tpu.memory_space<hbm>>
      tpu.wait_indirect_dma semaphore(%arg10 : memref<!tpu.dma_semaphore, #tpu.memory_space<semaphore_mem>>) src(%dma_wait3A_2458 : memref<3145728xf32, #tpu.memory_space<hbm>>) dst(%dma_wait3A_2453 : memref<128xf32, #tpu.memory_space<vmem>>)
      %dma_wait3A_2459 = arith.constant 10 : i32
      %dma_wait3A_2460 = arith.constant 5 : i32
      %dma_wait3A_2461 = arith.constant 0 : i32
      %dma_wait3A_2462 = tpu.memref_slice %arg8[%dma_wait3A_2460, %dma_wait3A_2461] : memref<8x256xf32, #tpu.memory_space<vmem>> -> memref<1x128xf32, #tpu.memory_space<vmem>>
      %dma_wait3A_2463 = tpu.memref_squeeze %dma_wait3A_2462 : memref<1x128xf32, #tpu.memory_space<vmem>> -> memref<128xf32, #tpu.memory_space<vmem>>
      %dma_wait3A_2464 = arith.constant 0 : i32
      %dma_wait3A_2465 = tpu.memref_slice %arg7[%dma_wait3A_2459, %dma_wait3A_2464] : memref<16x128xi32, #tpu.memory_space<vmem>> -> memref<1x128xi32, #tpu.memory_space<vmem>>
      %dma_wait3A_2466 = tpu.memref_squeeze %dma_wait3A_2465 : memref<1x128xi32, #tpu.memory_space<vmem>> -> memref<128xi32, #tpu.memory_space<vmem>>
      %dma_wait3A_2467 = arith.constant 0 : i32
      %dma_wait3A_2468 = tpu.memref_slice %arg2[%dma_wait3A_2467] : memref<3145728xf32, #tpu.memory_space<hbm>> -> memref<3145728xf32, #tpu.memory_space<hbm>>
      tpu.wait_indirect_dma semaphore(%arg10 : memref<!tpu.dma_semaphore, #tpu.memory_space<semaphore_mem>>) src(%dma_wait3A_2468 : memref<3145728xf32, #tpu.memory_space<hbm>>) dst(%dma_wait3A_2463 : memref<128xf32, #tpu.memory_space<vmem>>)
      %dma_wait3A_2469 = arith.constant 10 : i32
      %dma_wait3A_2470 = arith.constant 5 : i32
      %dma_wait3A_2471 = arith.constant 0 : i32
      %dma_wait3A_2472 = tpu.memref_slice %arg9[%dma_wait3A_2470, %dma_wait3A_2471] : memref<8x256xf32, #tpu.memory_space<vmem>> -> memref<1x128xf32, #tpu.memory_space<vmem>>
      %dma_wait3A_2473 = tpu.memref_squeeze %dma_wait3A_2472 : memref<1x128xf32, #tpu.memory_space<vmem>> -> memref<128xf32, #tpu.memory_space<vmem>>
      %dma_wait3A_2474 = arith.constant 0 : i32
      %dma_wait3A_2475 = tpu.memref_slice %arg7[%dma_wait3A_2469, %dma_wait3A_2474] : memref<16x128xi32, #tpu.memory_space<vmem>> -> memref<1x128xi32, #tpu.memory_space<vmem>>
      %dma_wait3A_2476 = tpu.memref_squeeze %dma_wait3A_2475 : memref<1x128xi32, #tpu.memory_space<vmem>> -> memref<128xi32, #tpu.memory_space<vmem>>
      %dma_wait3A_2477 = arith.constant 0 : i32
      %dma_wait3A_2478 = tpu.memref_slice %arg3[%dma_wait3A_2477] : memref<3145728xf32, #tpu.memory_space<hbm>> -> memref<3145728xf32, #tpu.memory_space<hbm>>
      tpu.wait_indirect_dma semaphore(%arg10 : memref<!tpu.dma_semaphore, #tpu.memory_space<semaphore_mem>>) src(%dma_wait3A_2478 : memref<3145728xf32, #tpu.memory_space<hbm>>) dst(%dma_wait3A_2473 : memref<128xf32, #tpu.memory_space<vmem>>)
      %dma_wait3A_2479 = arith.constant 11 : i32
      %dma_wait3A_2480 = arith.constant 5 : i32
      %dma_wait3A_2481 = arith.constant 128 : i32
      %dma_wait3A_2482 = tpu.memref_slice %arg8[%dma_wait3A_2480, %dma_wait3A_2481] : memref<8x256xf32, #tpu.memory_space<vmem>> -> memref<1x128xf32, #tpu.memory_space<vmem>>
      %dma_wait3A_2483 = tpu.memref_squeeze %dma_wait3A_2482 : memref<1x128xf32, #tpu.memory_space<vmem>> -> memref<128xf32, #tpu.memory_space<vmem>>
      %dma_wait3A_2484 = arith.constant 0 : i32
      %dma_wait3A_2485 = tpu.memref_slice %arg7[%dma_wait3A_2479, %dma_wait3A_2484] : memref<16x128xi32, #tpu.memory_space<vmem>> -> memref<1x128xi32, #tpu.memory_space<vmem>>
      %dma_wait3A_2486 = tpu.memref_squeeze %dma_wait3A_2485 : memref<1x128xi32, #tpu.memory_space<vmem>> -> memref<128xi32, #tpu.memory_space<vmem>>
      %dma_wait3A_2487 = arith.constant 0 : i32
      %dma_wait3A_2488 = tpu.memref_slice %arg2[%dma_wait3A_2487] : memref<3145728xf32, #tpu.memory_space<hbm>> -> memref<3145728xf32, #tpu.memory_space<hbm>>
      tpu.wait_indirect_dma semaphore(%arg10 : memref<!tpu.dma_semaphore, #tpu.memory_space<semaphore_mem>>) src(%dma_wait3A_2488 : memref<3145728xf32, #tpu.memory_space<hbm>>) dst(%dma_wait3A_2483 : memref<128xf32, #tpu.memory_space<vmem>>)
      %dma_wait3A_2489 = arith.constant 11 : i32
      %dma_wait3A_2490 = arith.constant 5 : i32
      %dma_wait3A_2491 = arith.constant 128 : i32
      %dma_wait3A_2492 = tpu.memref_slice %arg9[%dma_wait3A_2490, %dma_wait3A_2491] : memref<8x256xf32, #tpu.memory_space<vmem>> -> memref<1x128xf32, #tpu.memory_space<vmem>>
      %dma_wait3A_2493 = tpu.memref_squeeze %dma_wait3A_2492 : memref<1x128xf32, #tpu.memory_space<vmem>> -> memref<128xf32, #tpu.memory_space<vmem>>
      %dma_wait3A_2494 = arith.constant 0 : i32
      %dma_wait3A_2495 = tpu.memref_slice %arg7[%dma_wait3A_2489, %dma_wait3A_2494] : memref<16x128xi32, #tpu.memory_space<vmem>> -> memref<1x128xi32, #tpu.memory_space<vmem>>
      %dma_wait3A_2496 = tpu.memref_squeeze %dma_wait3A_2495 : memref<1x128xi32, #tpu.memory_space<vmem>> -> memref<128xi32, #tpu.memory_space<vmem>>
      %dma_wait3A_2497 = arith.constant 0 : i32
      %dma_wait3A_2498 = tpu.memref_slice %arg3[%dma_wait3A_2497] : memref<3145728xf32, #tpu.memory_space<hbm>> -> memref<3145728xf32, #tpu.memory_space<hbm>>
      tpu.wait_indirect_dma semaphore(%arg10 : memref<!tpu.dma_semaphore, #tpu.memory_space<semaphore_mem>>) src(%dma_wait3A_2498 : memref<3145728xf32, #tpu.memory_space<hbm>>) dst(%dma_wait3A_2493 : memref<128xf32, #tpu.memory_space<vmem>>)
      %dma_wait3A_2499 = arith.constant 12 : i32
      %dma_wait3A_2500 = arith.constant 6 : i32
      %dma_wait3A_2501 = arith.constant 0 : i32
      %dma_wait3A_2502 = tpu.memref_slice %arg8[%dma_wait3A_2500, %dma_wait3A_2501] : memref<8x256xf32, #tpu.memory_space<vmem>> -> memref<1x128xf32, #tpu.memory_space<vmem>>
      %dma_wait3A_2503 = tpu.memref_squeeze %dma_wait3A_2502 : memref<1x128xf32, #tpu.memory_space<vmem>> -> memref<128xf32, #tpu.memory_space<vmem>>
      %dma_wait3A_2504 = arith.constant 0 : i32
      %dma_wait3A_2505 = tpu.memref_slice %arg7[%dma_wait3A_2499, %dma_wait3A_2504] : memref<16x128xi32, #tpu.memory_space<vmem>> -> memref<1x128xi32, #tpu.memory_space<vmem>>
      %dma_wait3A_2506 = tpu.memref_squeeze %dma_wait3A_2505 : memref<1x128xi32, #tpu.memory_space<vmem>> -> memref<128xi32, #tpu.memory_space<vmem>>
      %dma_wait3A_2507 = arith.constant 0 : i32
      %dma_wait3A_2508 = tpu.memref_slice %arg2[%dma_wait3A_2507] : memref<3145728xf32, #tpu.memory_space<hbm>> -> memref<3145728xf32, #tpu.memory_space<hbm>>
      tpu.wait_indirect_dma semaphore(%arg10 : memref<!tpu.dma_semaphore, #tpu.memory_space<semaphore_mem>>) src(%dma_wait3A_2508 : memref<3145728xf32, #tpu.memory_space<hbm>>) dst(%dma_wait3A_2503 : memref<128xf32, #tpu.memory_space<vmem>>)
      %dma_wait3A_2509 = arith.constant 12 : i32
      %dma_wait3A_2510 = arith.constant 6 : i32
      %dma_wait3A_2511 = arith.constant 0 : i32
      %dma_wait3A_2512 = tpu.memref_slice %arg9[%dma_wait3A_2510, %dma_wait3A_2511] : memref<8x256xf32, #tpu.memory_space<vmem>> -> memref<1x128xf32, #tpu.memory_space<vmem>>
      %dma_wait3A_2513 = tpu.memref_squeeze %dma_wait3A_2512 : memref<1x128xf32, #tpu.memory_space<vmem>> -> memref<128xf32, #tpu.memory_space<vmem>>
      %dma_wait3A_2514 = arith.constant 0 : i32
      %dma_wait3A_2515 = tpu.memref_slice %arg7[%dma_wait3A_2509, %dma_wait3A_2514] : memref<16x128xi32, #tpu.memory_space<vmem>> -> memref<1x128xi32, #tpu.memory_space<vmem>>
      %dma_wait3A_2516 = tpu.memref_squeeze %dma_wait3A_2515 : memref<1x128xi32, #tpu.memory_space<vmem>> -> memref<128xi32, #tpu.memory_space<vmem>>
      %dma_wait3A_2517 = arith.constant 0 : i32
      %dma_wait3A_2518 = tpu.memref_slice %arg3[%dma_wait3A_2517] : memref<3145728xf32, #tpu.memory_space<hbm>> -> memref<3145728xf32, #tpu.memory_space<hbm>>
      tpu.wait_indirect_dma semaphore(%arg10 : memref<!tpu.dma_semaphore, #tpu.memory_space<semaphore_mem>>) src(%dma_wait3A_2518 : memref<3145728xf32, #tpu.memory_space<hbm>>) dst(%dma_wait3A_2513 : memref<128xf32, #tpu.memory_space<vmem>>)
      %dma_wait3A_2519 = arith.constant 13 : i32
      %dma_wait3A_2520 = arith.constant 6 : i32
      %dma_wait3A_2521 = arith.constant 128 : i32
      %dma_wait3A_2522 = tpu.memref_slice %arg8[%dma_wait3A_2520, %dma_wait3A_2521] : memref<8x256xf32, #tpu.memory_space<vmem>> -> memref<1x128xf32, #tpu.memory_space<vmem>>
      %dma_wait3A_2523 = tpu.memref_squeeze %dma_wait3A_2522 : memref<1x128xf32, #tpu.memory_space<vmem>> -> memref<128xf32, #tpu.memory_space<vmem>>
      %dma_wait3A_2524 = arith.constant 0 : i32
      %dma_wait3A_2525 = tpu.memref_slice %arg7[%dma_wait3A_2519, %dma_wait3A_2524] : memref<16x128xi32, #tpu.memory_space<vmem>> -> memref<1x128xi32, #tpu.memory_space<vmem>>
      %dma_wait3A_2526 = tpu.memref_squeeze %dma_wait3A_2525 : memref<1x128xi32, #tpu.memory_space<vmem>> -> memref<128xi32, #tpu.memory_space<vmem>>
      %dma_wait3A_2527 = arith.constant 0 : i32
      %dma_wait3A_2528 = tpu.memref_slice %arg2[%dma_wait3A_2527] : memref<3145728xf32, #tpu.memory_space<hbm>> -> memref<3145728xf32, #tpu.memory_space<hbm>>
      tpu.wait_indirect_dma semaphore(%arg10 : memref<!tpu.dma_semaphore, #tpu.memory_space<semaphore_mem>>) src(%dma_wait3A_2528 : memref<3145728xf32, #tpu.memory_space<hbm>>) dst(%dma_wait3A_2523 : memref<128xf32, #tpu.memory_space<vmem>>)
      %dma_wait3A_2529 = arith.constant 13 : i32
      %dma_wait3A_2530 = arith.constant 6 : i32
      %dma_wait3A_2531 = arith.constant 128 : i32
      %dma_wait3A_2532 = tpu.memref_slice %arg9[%dma_wait3A_2530, %dma_wait3A_2531] : memref<8x256xf32, #tpu.memory_space<vmem>> -> memref<1x128xf32, #tpu.memory_space<vmem>>
      %dma_wait3A_2533 = tpu.memref_squeeze %dma_wait3A_2532 : memref<1x128xf32, #tpu.memory_space<vmem>> -> memref<128xf32, #tpu.memory_space<vmem>>
      %dma_wait3A_2534 = arith.constant 0 : i32
      %dma_wait3A_2535 = tpu.memref_slice %arg7[%dma_wait3A_2529, %dma_wait3A_2534] : memref<16x128xi32, #tpu.memory_space<vmem>> -> memref<1x128xi32, #tpu.memory_space<vmem>>
      %dma_wait3A_2536 = tpu.memref_squeeze %dma_wait3A_2535 : memref<1x128xi32, #tpu.memory_space<vmem>> -> memref<128xi32, #tpu.memory_space<vmem>>
      %dma_wait3A_2537 = arith.constant 0 : i32
      %dma_wait3A_2538 = tpu.memref_slice %arg3[%dma_wait3A_2537] : memref<3145728xf32, #tpu.memory_space<hbm>> -> memref<3145728xf32, #tpu.memory_space<hbm>>
      tpu.wait_indirect_dma semaphore(%arg10 : memref<!tpu.dma_semaphore, #tpu.memory_space<semaphore_mem>>) src(%dma_wait3A_2538 : memref<3145728xf32, #tpu.memory_space<hbm>>) dst(%dma_wait3A_2533 : memref<128xf32, #tpu.memory_space<vmem>>)
      %dma_wait3A_2539 = arith.constant 14 : i32
      %dma_wait3A_2540 = arith.constant 7 : i32
      %dma_wait3A_2541 = arith.constant 0 : i32
      %dma_wait3A_2542 = tpu.memref_slice %arg8[%dma_wait3A_2540, %dma_wait3A_2541] : memref<8x256xf32, #tpu.memory_space<vmem>> -> memref<1x128xf32, #tpu.memory_space<vmem>>
      %dma_wait3A_2543 = tpu.memref_squeeze %dma_wait3A_2542 : memref<1x128xf32, #tpu.memory_space<vmem>> -> memref<128xf32, #tpu.memory_space<vmem>>
      %dma_wait3A_2544 = arith.constant 0 : i32
      %dma_wait3A_2545 = tpu.memref_slice %arg7[%dma_wait3A_2539, %dma_wait3A_2544] : memref<16x128xi32, #tpu.memory_space<vmem>> -> memref<1x128xi32, #tpu.memory_space<vmem>>
      %dma_wait3A_2546 = tpu.memref_squeeze %dma_wait3A_2545 : memref<1x128xi32, #tpu.memory_space<vmem>> -> memref<128xi32, #tpu.memory_space<vmem>>
      %dma_wait3A_2547 = arith.constant 0 : i32
      %dma_wait3A_2548 = tpu.memref_slice %arg2[%dma_wait3A_2547] : memref<3145728xf32, #tpu.memory_space<hbm>> -> memref<3145728xf32, #tpu.memory_space<hbm>>
      tpu.wait_indirect_dma semaphore(%arg10 : memref<!tpu.dma_semaphore, #tpu.memory_space<semaphore_mem>>) src(%dma_wait3A_2548 : memref<3145728xf32, #tpu.memory_space<hbm>>) dst(%dma_wait3A_2543 : memref<128xf32, #tpu.memory_space<vmem>>)
      %dma_wait3A_2549 = arith.constant 14 : i32
      %dma_wait3A_2550 = arith.constant 7 : i32
      %dma_wait3A_2551 = arith.constant 0 : i32
      %dma_wait3A_2552 = tpu.memref_slice %arg9[%dma_wait3A_2550, %dma_wait3A_2551] : memref<8x256xf32, #tpu.memory_space<vmem>> -> memref<1x128xf32, #tpu.memory_space<vmem>>
      %dma_wait3A_2553 = tpu.memref_squeeze %dma_wait3A_2552 : memref<1x128xf32, #tpu.memory_space<vmem>> -> memref<128xf32, #tpu.memory_space<vmem>>
      %dma_wait3A_2554 = arith.constant 0 : i32
      %dma_wait3A_2555 = tpu.memref_slice %arg7[%dma_wait3A_2549, %dma_wait3A_2554] : memref<16x128xi32, #tpu.memory_space<vmem>> -> memref<1x128xi32, #tpu.memory_space<vmem>>
      %dma_wait3A_2556 = tpu.memref_squeeze %dma_wait3A_2555 : memref<1x128xi32, #tpu.memory_space<vmem>> -> memref<128xi32, #tpu.memory_space<vmem>>
      %dma_wait3A_2557 = arith.constant 0 : i32
      %dma_wait3A_2558 = tpu.memref_slice %arg3[%dma_wait3A_2557] : memref<3145728xf32, #tpu.memory_space<hbm>> -> memref<3145728xf32, #tpu.memory_space<hbm>>
      tpu.wait_indirect_dma semaphore(%arg10 : memref<!tpu.dma_semaphore, #tpu.memory_space<semaphore_mem>>) src(%dma_wait3A_2558 : memref<3145728xf32, #tpu.memory_space<hbm>>) dst(%dma_wait3A_2553 : memref<128xf32, #tpu.memory_space<vmem>>)
      %dma_wait3A_2559 = arith.constant 15 : i32
      %dma_wait3A_2560 = arith.constant 7 : i32
      %dma_wait3A_2561 = arith.constant 128 : i32
      %dma_wait3A_2562 = tpu.memref_slice %arg8[%dma_wait3A_2560, %dma_wait3A_2561] : memref<8x256xf32, #tpu.memory_space<vmem>> -> memref<1x128xf32, #tpu.memory_space<vmem>>
      %dma_wait3A_2563 = tpu.memref_squeeze %dma_wait3A_2562 : memref<1x128xf32, #tpu.memory_space<vmem>> -> memref<128xf32, #tpu.memory_space<vmem>>
      %dma_wait3A_2564 = arith.constant 0 : i32
      %dma_wait3A_2565 = tpu.memref_slice %arg7[%dma_wait3A_2559, %dma_wait3A_2564] : memref<16x128xi32, #tpu.memory_space<vmem>> -> memref<1x128xi32, #tpu.memory_space<vmem>>
      %dma_wait3A_2566 = tpu.memref_squeeze %dma_wait3A_2565 : memref<1x128xi32, #tpu.memory_space<vmem>> -> memref<128xi32, #tpu.memory_space<vmem>>
      %dma_wait3A_2567 = arith.constant 0 : i32
      %dma_wait3A_2568 = tpu.memref_slice %arg2[%dma_wait3A_2567] : memref<3145728xf32, #tpu.memory_space<hbm>> -> memref<3145728xf32, #tpu.memory_space<hbm>>
      tpu.wait_indirect_dma semaphore(%arg10 : memref<!tpu.dma_semaphore, #tpu.memory_space<semaphore_mem>>) src(%dma_wait3A_2568 : memref<3145728xf32, #tpu.memory_space<hbm>>) dst(%dma_wait3A_2563 : memref<128xf32, #tpu.memory_space<vmem>>)
      %dma_wait3A_2569 = arith.constant 15 : i32
      %dma_wait3A_2570 = arith.constant 7 : i32
      %dma_wait3A_2571 = arith.constant 128 : i32
      %dma_wait3A_2572 = tpu.memref_slice %arg9[%dma_wait3A_2570, %dma_wait3A_2571] : memref<8x256xf32, #tpu.memory_space<vmem>> -> memref<1x128xf32, #tpu.memory_space<vmem>>
      %dma_wait3A_2573 = tpu.memref_squeeze %dma_wait3A_2572 : memref<1x128xf32, #tpu.memory_space<vmem>> -> memref<128xf32, #tpu.memory_space<vmem>>
      %dma_wait3A_2574 = arith.constant 0 : i32
      %dma_wait3A_2575 = tpu.memref_slice %arg7[%dma_wait3A_2569, %dma_wait3A_2574] : memref<16x128xi32, #tpu.memory_space<vmem>> -> memref<1x128xi32, #tpu.memory_space<vmem>>
      %dma_wait3A_2576 = tpu.memref_squeeze %dma_wait3A_2575 : memref<1x128xi32, #tpu.memory_space<vmem>> -> memref<128xi32, #tpu.memory_space<vmem>>
      %dma_wait3A_2577 = arith.constant 0 : i32
      %dma_wait3A_2578 = tpu.memref_slice %arg3[%dma_wait3A_2577] : memref<3145728xf32, #tpu.memory_space<hbm>> -> memref<3145728xf32, #tpu.memory_space<hbm>>
      tpu.wait_indirect_dma semaphore(%arg10 : memref<!tpu.dma_semaphore, #tpu.memory_space<semaphore_mem>>) src(%dma_wait3A_2578 : memref<3145728xf32, #tpu.memory_space<hbm>>) dst(%dma_wait3A_2573 : memref<128xf32, #tpu.memory_space<vmem>>)
      %mul3A_2579 = arith.constant 8 : i32
      %mul3A_2580 = arith.muli %add3A, %mul3A_2579 : i32
      %multiple_of3A_2581 = tpu.assume_multiple %mul3A_2580, 8 : i32
      "tpu.region"() ({
        %run_scoped3A = tpu.sem_alloc : memref<!tpu.dma_semaphore, #tpu.memory_space<semaphore_mem>>
        %dma_start3A_2582 = arith.constant 0 : i32
        %dma_start3A_2583 = tpu.memref_slice %arg5[%multiple_of3A_2581, %dma_start3A_2582] : memref<192x512xf32, #tpu.memory_space<hbm>> -> memref<8x256xf32, #tpu.memory_space<hbm>>
        %dma_start3A_2584 = arith.constant 0 : i32
        %dma_start3A_2585 = tpu.memref_slice %arg5[%multiple_of3A_2581, %dma_start3A_2584] : memref<192x512xf32, #tpu.memory_space<hbm>> -> memref<8x256xf32, #tpu.memory_space<hbm>>
        tpu.enqueue_dma source(%arg8 : memref<8x256xf32, #tpu.memory_space<vmem>>) target(%dma_start3A_2585 : memref<8x256xf32, #tpu.memory_space<hbm>>) target_semaphore(%run_scoped3A : memref<!tpu.dma_semaphore, #tpu.memory_space<semaphore_mem>>)
        %dma_wait3A_2586 = arith.constant 0 : i32
        %dma_wait3A_2587 = tpu.memref_slice %arg5[%multiple_of3A_2581, %dma_wait3A_2586] : memref<192x512xf32, #tpu.memory_space<hbm>> -> memref<8x256xf32, #tpu.memory_space<hbm>>
        %dma_wait3A_2588 = arith.constant 0 : i32
        %dma_wait3A_2589 = tpu.memref_slice %arg5[%multiple_of3A_2581, %dma_wait3A_2588] : memref<192x512xf32, #tpu.memory_space<hbm>> -> memref<8x256xf32, #tpu.memory_space<hbm>>
        tpu.wait_dma2 semaphore(%run_scoped3A : memref<!tpu.dma_semaphore, #tpu.memory_space<semaphore_mem>>) src(%arg8 : memref<8x256xf32, #tpu.memory_space<vmem>>) dst(%dma_wait3A_2589 : memref<8x256xf32, #tpu.memory_space<hbm>>)
        tpu.yield
      }) : () -> ()
      "tpu.region"() ({
        %run_scoped3A = tpu.sem_alloc : memref<!tpu.dma_semaphore, #tpu.memory_space<semaphore_mem>>
        %dma_start3A_2582 = arith.constant 256 : i32
        %dma_start3A_2583 = tpu.memref_slice %arg5[%multiple_of3A_2581, %dma_start3A_2582] : memref<192x512xf32, #tpu.memory_space<hbm>> -> memref<8x256xf32, #tpu.memory_space<hbm>>
        %dma_start3A_2584 = arith.constant 256 : i32
        %dma_start3A_2585 = tpu.memref_slice %arg5[%multiple_of3A_2581, %dma_start3A_2584] : memref<192x512xf32, #tpu.memory_space<hbm>> -> memref<8x256xf32, #tpu.memory_space<hbm>>
        tpu.enqueue_dma source(%arg9 : memref<8x256xf32, #tpu.memory_space<vmem>>) target(%dma_start3A_2585 : memref<8x256xf32, #tpu.memory_space<hbm>>) target_semaphore(%run_scoped3A : memref<!tpu.dma_semaphore, #tpu.memory_space<semaphore_mem>>)
        %dma_wait3A_2586 = arith.constant 256 : i32
        %dma_wait3A_2587 = tpu.memref_slice %arg5[%multiple_of3A_2581, %dma_wait3A_2586] : memref<192x512xf32, #tpu.memory_space<hbm>> -> memref<8x256xf32, #tpu.memory_space<hbm>>
        %dma_wait3A_2588 = arith.constant 256 : i32
        %dma_wait3A_2589 = tpu.memref_slice %arg5[%multiple_of3A_2581, %dma_wait3A_2588] : memref<192x512xf32, #tpu.memory_space<hbm>> -> memref<8x256xf32, #tpu.memory_space<hbm>>
        tpu.wait_dma2 semaphore(%run_scoped3A : memref<!tpu.dma_semaphore, #tpu.memory_space<semaphore_mem>>) src(%arg9 : memref<8x256xf32, #tpu.memory_space<vmem>>) dst(%dma_wait3A_2589 : memref<8x256xf32, #tpu.memory_space<hbm>>)
        tpu.yield
      }) : () -> ()
    } else {
    }
    return
  }
}

module attributes {stable_mosaic.version = 14 : i64} {
  func.func @body(%arg0: memref<192x512xf32, #tpu.memory_space<vmem>>, %arg1: memref<64x400xf32, #tpu.memory_space<vmem>>, %arg2: memref<1x400xi32, #tpu.memory_space<vmem>>, %arg3: memref<1x1xf32, #tpu.memory_space<smem>>, %arg4: memref<1x1xf32, #tpu.memory_space<smem>>, %arg5: memref<1x1xf32, #tpu.memory_space<smem>>, %arg6: memref<1x1xf32, #tpu.memory_space<smem>>, %arg7: memref<1x1xf32, #tpu.memory_space<smem>>) attributes {dimension_semantics = [], scalar_prefetch = 0 : i64, scratch_operands = 0 : i64, tpu.core_type = #tpu.core_type<tc>} {
    %get3A = arith.constant 0 : index
    %get3A_0 = arith.constant 0 : index
    %get3A_1 = vector.load %arg1[%get3A, %get3A_0] : memref<64x400xf32, #tpu.memory_space<vmem>>, vector<64x400xf32>
    %get3A_2 = arith.constant 0 : index
    %get3A_3 = arith.constant 0 : index
    %get3A_4 = vector.load %arg2[%get3A_2, %get3A_3] : memref<1x400xi32, #tpu.memory_space<vmem>>, vector<1x400xi32>
    %get3A_5 = arith.constant 0 : index
    %get3A_6 = arith.constant 0 : index
    %get3A_7 = vector.load %arg0[%get3A_5, %get3A_6] : memref<192x512xf32, #tpu.memory_space<vmem>>, vector<192x256xf32>
    %get3A_8 = arith.constant 0 : index
    %get3A_9 = arith.constant 256 : index
    %get3A_10 = vector.load %arg0[%get3A_8, %get3A_9] : memref<192x512xf32, #tpu.memory_space<vmem>>, vector<192x256xf32>
    %sub3A = arith.subf %get3A_7, %get3A_10 : vector<192x256xf32>
    %broadcast_in_dim3A = arith.constant 0.000000e+00 : f32
    %broadcast_in_dim3A_11 = vector.broadcast %broadcast_in_dim3A : f32 to vector<192x400xf32>
    %slice3A = vector.extract_strided_slice %sub3A {offsets = [0, 0], sizes = [192, 64], strides = [1, 1]} : vector<192x256xf32> to vector<192x64xf32>
    %dot_general3A = arith.constant dense<0.000000e+00> : vector<192x400xf32>
    %dot_general3A_12 = tpu.matmul %slice3A, %get3A_1, %dot_general3A {dimension_numbers = #tpu.dot_dimension_numbers<[1], [0], [0], [1], [0, 0, 1, 1], [], []>, transpose_lhs_hint = false} : vector<192x64xf32>, vector<64x400xf32>, vector<192x400xf32> -> vector<192x400xf32>
    %eq3A = arith.constant 0 : i32
    %eq3A_13 = vector.broadcast %eq3A : i32 to vector<1x400xi32>
    %eq3A_14 = arith.cmpi eq, %get3A_4, %eq3A_13 : vector<1x400xi32>
    %convert_element_type3A = arith.extui %eq3A_14 : vector<1x400xi1> to vector<1x400xi32>
    %convert_element_type3A_15 = arith.sitofp %convert_element_type3A : vector<1x400xi32> to vector<1x400xf32>
    %mul3A = vector.broadcast %convert_element_type3A_15 : vector<1x400xf32> to vector<192x400xf32>
    %mul3A_16 = arith.mulf %dot_general3A_12, %mul3A : vector<192x400xf32>
    %add3A = arith.addf %broadcast_in_dim3A_11, %mul3A_16 : vector<192x400xf32>
    %slice3A_17 = vector.extract_strided_slice %sub3A {offsets = [0, 64], sizes = [192, 64], strides = [1, 1]} : vector<192x256xf32> to vector<192x64xf32>
    %dot_general3A_18 = arith.constant dense<0.000000e+00> : vector<192x400xf32>
    %dot_general3A_19 = tpu.matmul %slice3A_17, %get3A_1, %dot_general3A_18 {dimension_numbers = #tpu.dot_dimension_numbers<[1], [0], [0], [1], [0, 0, 1, 1], [], []>, transpose_lhs_hint = false} : vector<192x64xf32>, vector<64x400xf32>, vector<192x400xf32> -> vector<192x400xf32>
    %eq3A_20 = arith.constant 1 : i32
    %eq3A_21 = vector.broadcast %eq3A_20 : i32 to vector<1x400xi32>
    %eq3A_22 = arith.cmpi eq, %get3A_4, %eq3A_21 : vector<1x400xi32>
    %convert_element_type3A_23 = arith.extui %eq3A_22 : vector<1x400xi1> to vector<1x400xi32>
    %convert_element_type3A_24 = arith.sitofp %convert_element_type3A_23 : vector<1x400xi32> to vector<1x400xf32>
    %mul3A_25 = vector.broadcast %convert_element_type3A_24 : vector<1x400xf32> to vector<192x400xf32>
    %mul3A_26 = arith.mulf %dot_general3A_19, %mul3A_25 : vector<192x400xf32>
    %add3A_27 = arith.addf %add3A, %mul3A_26 : vector<192x400xf32>
    %slice3A_28 = vector.extract_strided_slice %sub3A {offsets = [0, 128], sizes = [192, 64], strides = [1, 1]} : vector<192x256xf32> to vector<192x64xf32>
    %dot_general3A_29 = arith.constant dense<0.000000e+00> : vector<192x400xf32>
    %dot_general3A_30 = tpu.matmul %slice3A_28, %get3A_1, %dot_general3A_29 {dimension_numbers = #tpu.dot_dimension_numbers<[1], [0], [0], [1], [0, 0, 1, 1], [], []>, transpose_lhs_hint = false} : vector<192x64xf32>, vector<64x400xf32>, vector<192x400xf32> -> vector<192x400xf32>
    %eq3A_31 = arith.constant 2 : i32
    %eq3A_32 = vector.broadcast %eq3A_31 : i32 to vector<1x400xi32>
    %eq3A_33 = arith.cmpi eq, %get3A_4, %eq3A_32 : vector<1x400xi32>
    %convert_element_type3A_34 = arith.extui %eq3A_33 : vector<1x400xi1> to vector<1x400xi32>
    %convert_element_type3A_35 = arith.sitofp %convert_element_type3A_34 : vector<1x400xi32> to vector<1x400xf32>
    %mul3A_36 = vector.broadcast %convert_element_type3A_35 : vector<1x400xf32> to vector<192x400xf32>
    %mul3A_37 = arith.mulf %dot_general3A_30, %mul3A_36 : vector<192x400xf32>
    %add3A_38 = arith.addf %add3A_27, %mul3A_37 : vector<192x400xf32>
    %slice3A_39 = vector.extract_strided_slice %sub3A {offsets = [0, 192], sizes = [192, 64], strides = [1, 1]} : vector<192x256xf32> to vector<192x64xf32>
    %dot_general3A_40 = arith.constant dense<0.000000e+00> : vector<192x400xf32>
    %dot_general3A_41 = tpu.matmul %slice3A_39, %get3A_1, %dot_general3A_40 {dimension_numbers = #tpu.dot_dimension_numbers<[1], [0], [0], [1], [0, 0, 1, 1], [], []>, transpose_lhs_hint = false} : vector<192x64xf32>, vector<64x400xf32>, vector<192x400xf32> -> vector<192x400xf32>
    %eq3A_42 = arith.constant 3 : i32
    %eq3A_43 = vector.broadcast %eq3A_42 : i32 to vector<1x400xi32>
    %eq3A_44 = arith.cmpi eq, %get3A_4, %eq3A_43 : vector<1x400xi32>
    %convert_element_type3A_45 = arith.extui %eq3A_44 : vector<1x400xi1> to vector<1x400xi32>
    %convert_element_type3A_46 = arith.sitofp %convert_element_type3A_45 : vector<1x400xi32> to vector<1x400xf32>
    %mul3A_47 = vector.broadcast %convert_element_type3A_46 : vector<1x400xf32> to vector<192x400xf32>
    %mul3A_48 = arith.mulf %dot_general3A_41, %mul3A_47 : vector<192x400xf32>
    %add3A_49 = arith.addf %add3A_38, %mul3A_48 : vector<192x400xf32>
    %abs3A = math.absf %add3A_49 : vector<192x400xf32>
    %reduce_sum3A = vector.shape_cast %abs3A : vector<192x400xf32> to vector<1x192x400xf32>
    %reduce_sum3A_50 = arith.constant dense<0.000000e+00> : vector<1xf32>
    %reduce_sum3A_51 = vector.multi_reduction <add>, %reduce_sum3A, %reduce_sum3A_50 [1, 2] : vector<1x192x400xf32> to vector<1xf32>
    %reduce_sum3A_52 = vector.shape_cast %reduce_sum3A_51 : vector<1xf32> to vector<1x1x1xf32>
    %reduce_sum3A_53 = vector.extract %reduce_sum3A_52[0, 0, 0] : f32 from vector<1x1x1xf32>
    %get3A_54 = arith.constant 0 : index
    %get3A_55 = arith.constant 0 : index
    %get3A_56 = memref.load %arg3[%get3A_54, %get3A_55] : memref<1x1xf32, #tpu.memory_space<smem>>
    %get3A_57 = arith.constant 0 : index
    %get3A_58 = arith.constant 0 : index
    %get3A_59 = memref.load %arg4[%get3A_57, %get3A_58] : memref<1x1xf32, #tpu.memory_space<smem>>
    %mul3A_60 = arith.constant 3.000000e+00 : f32
    %mul3A_61 = arith.mulf %mul3A_60, %get3A_59 : f32
    %div3A = arith.divf %get3A_56, %mul3A_61 : f32
    %div3A_62 = arith.constant 7.680000e+04 : f32
    %div3A_63 = arith.divf %reduce_sum3A_53, %div3A_62 : f32
    %swap3A = arith.constant 0 : index
    %swap3A_64 = arith.constant 0 : index
    %swap3A_65 = memref.load %arg6[%swap3A, %swap3A_64] : memref<1x1xf32, #tpu.memory_space<smem>>
    memref.store %div3A, %arg6[%swap3A, %swap3A_64] : memref<1x1xf32, #tpu.memory_space<smem>>
    %swap3A_66 = arith.constant 0 : index
    %swap3A_67 = arith.constant 0 : index
    %swap3A_68 = memref.load %arg7[%swap3A_66, %swap3A_67] : memref<1x1xf32, #tpu.memory_space<smem>>
    memref.store %div3A_63, %arg7[%swap3A_66, %swap3A_67] : memref<1x1xf32, #tpu.memory_space<smem>>
    %add3A_69 = arith.addf %div3A, %div3A_63 : f32
    %swap3A_70 = arith.constant 0 : index
    %swap3A_71 = arith.constant 0 : index
    %swap3A_72 = memref.load %arg5[%swap3A_70, %swap3A_71] : memref<1x1xf32, #tpu.memory_space<smem>>
    memref.store %add3A_69, %arg5[%swap3A_70, %swap3A_71] : memref<1x1xf32, #tpu.memory_space<smem>>
    return
  }
}

module attributes {stable_mosaic.version = 14 : i64} {
  func.func @body(%arg0: i32, %arg1: memref<16x128x128xf32, #tpu.memory_space<vmem>>, %arg2: memref<16x3x128x128xf32, #tpu.memory_space<vmem>>, %arg3: memref<16x3x128x128xf32, #tpu.memory_space<vmem>>, %arg4: memref<1x1xf32, #tpu.memory_space<smem>>, %arg5: memref<1x1xf32, #tpu.memory_space<smem>>, %arg6: memref<128x128xf32, #tpu.memory_space<vmem>>, %arg7: memref<128x128xf32, #tpu.memory_space<vmem>>) attributes {dimension_semantics = [#tpu.dimension_semantics<arbitrary>], iteration_bounds = array<i64: 4>, scalar_prefetch = 0 : i64, scratch_operands = 2 : i64, tpu.core_type = #tpu.core_type<tc>, window_params = [{transform_indices = @transform_0, window_bounds = array<i64: 16, 128, 128>}, {transform_indices = @transform_1, window_bounds = array<i64: 16, 3, 128, 128>}, {transform_indices = @transform_2, window_bounds = array<i64: 16, 3, 128, 128>}, {transform_indices = @transform_3, window_bounds = array<i64: 1, 1>}, {transform_indices = @transform_4, window_bounds = array<i64: 1, 1>}]} {
    %eq3A = arith.constant 0 : i32
    %eq3A_0 = arith.cmpi eq, %arg0, %eq3A : i32
    %convert_element_type3A = arith.extui %eq3A_0 : i1 to i32
    %cond3A = arith.constant 0 : i32
    %cond3A_1 = arith.cmpi ne, %convert_element_type3A, %cond3A : i32
    scf.if %cond3A_1 {
      %broadcast_in_dim3A_1114 = arith.constant 0.000000e+00 : f32
      %broadcast_in_dim3A_1115 = vector.broadcast %broadcast_in_dim3A_1114 : f32 to vector<128x128xf32>
      %swap3A_1116 = arith.constant 0 : index
      %swap3A_1117 = arith.constant 0 : index
      %swap3A_1118 = vector.load %arg6[%swap3A_1116, %swap3A_1117] : memref<128x128xf32, #tpu.memory_space<vmem>>, vector<128x128xf32>
      tpu.vector_store %arg6[%swap3A_1116, %swap3A_1117], %broadcast_in_dim3A_1115 {strides = array<i32>} : memref<128x128xf32, #tpu.memory_space<vmem>>, vector<128x128xf32>,
      %broadcast_in_dim3A_1119 = arith.constant 0.000000e+00 : f32
      %broadcast_in_dim3A_1120 = vector.broadcast %broadcast_in_dim3A_1119 : f32 to vector<128x128xf32>
      %swap3A_1121 = arith.constant 0 : index
      %swap3A_1122 = arith.constant 0 : index
      %swap3A_1123 = vector.load %arg7[%swap3A_1121, %swap3A_1122] : memref<128x128xf32, #tpu.memory_space<vmem>>, vector<128x128xf32>
      tpu.vector_store %arg7[%swap3A_1121, %swap3A_1122], %broadcast_in_dim3A_1120 {strides = array<i32>} : memref<128x128xf32, #tpu.memory_space<vmem>>, vector<128x128xf32>,
    } else {
    }
    %get3A = arith.constant 0 : index
    %get3A_2 = arith.constant 0 : index
    %get3A_3 = vector.load %arg6[%get3A, %get3A_2] : memref<128x128xf32, #tpu.memory_space<vmem>>, vector<128x128xf32>
    %get3A_4 = arith.constant 0 : index
    %get3A_5 = arith.constant 0 : index
    %get3A_6 = vector.load %arg7[%get3A_4, %get3A_5] : memref<128x128xf32, #tpu.memory_space<vmem>>, vector<128x128xf32>
    %get3A_7 = arith.constant 0 : index
    %get3A_8 = arith.constant 0 : index
    %get3A_9 = arith.constant 0 : index
    %get3A_10 = vector.load %arg1[%get3A_7, %get3A_8, %get3A_9] : memref<16x128x128xf32, #tpu.memory_space<vmem>>, vector<1x128x128xf32>
    %get3A_11 = vector.shape_cast %get3A_10 : vector<1x128x128xf32> to vector<128x128xf32>
    %ne3A = arith.constant 0.000000e+00 : f32
    %ne3A_12 = vector.broadcast %ne3A : f32 to vector<128x128xf32>
    %ne3A_13 = arith.cmpf one, %get3A_11, %ne3A_12 : vector<128x128xf32>
    %get3A_14 = arith.constant 0 : index
    %get3A_15 = arith.constant 0 : index
    %get3A_16 = arith.constant 0 : index
    %get3A_17 = arith.constant 0 : index
    %get3A_18 = vector.load %arg3[%get3A_14, %get3A_15, %get3A_16, %get3A_17] : memref<16x3x128x128xf32, #tpu.memory_space<vmem>>, vector<1x1x128x128xf32>
    %get3A_19 = vector.shape_cast %get3A_18 : vector<1x1x128x128xf32> to vector<128x128xf32>
    %jit3A = arith.constant 0.000000e+00 : f32
    %broadcast_in_dim3A = vector.broadcast %jit3A : f32 to vector<128x128xf32>
    %select_n3A = arith.select %ne3A_13, %get3A_19, %broadcast_in_dim3A : vector<128x128xi1>, vector<128x128xf32>
    %get3A_20 = arith.constant 0 : index
    %get3A_21 = arith.constant 0 : index
    %get3A_22 = arith.constant 0 : index
    %get3A_23 = arith.constant 0 : index
    %get3A_24 = vector.load %arg2[%get3A_20, %get3A_21, %get3A_22, %get3A_23] : memref<16x3x128x128xf32, #tpu.memory_space<vmem>>, vector<1x1x128x128xf32>
    %get3A_25 = vector.shape_cast %get3A_24 : vector<1x1x128x128xf32> to vector<128x128xf32>
    %sub3A = arith.subf %select_n3A, %get3A_25 : vector<128x128xf32>
    %abs3A = math.absf %sub3A : vector<128x128xf32>
    %add3A = arith.addf %get3A_3, %abs3A : vector<128x128xf32>
    %ne3A_26 = arith.constant 0.000000e+00 : f32
    %ne3A_27 = vector.broadcast %ne3A_26 : f32 to vector<128x128xf32>
    %ne3A_28 = arith.cmpf one, %get3A_11, %ne3A_27 : vector<128x128xf32>
    %get3A_29 = arith.constant 0 : index
    %get3A_30 = arith.constant 1 : index
    %get3A_31 = arith.constant 0 : index
    %get3A_32 = arith.constant 0 : index
    %get3A_33 = vector.load %arg3[%get3A_29, %get3A_30, %get3A_31, %get3A_32] : memref<16x3x128x128xf32, #tpu.memory_space<vmem>>, vector<1x1x128x128xf32>
    %get3A_34 = vector.shape_cast %get3A_33 : vector<1x1x128x128xf32> to vector<128x128xf32>
    %jit3A_35 = arith.constant 0.000000e+00 : f32
    %broadcast_in_dim3A_36 = vector.broadcast %jit3A_35 : f32 to vector<128x128xf32>
    %select_n3A_37 = arith.select %ne3A_28, %get3A_34, %broadcast_in_dim3A_36 : vector<128x128xi1>, vector<128x128xf32>
    %get3A_38 = arith.constant 0 : index
    %get3A_39 = arith.constant 1 : index
    %get3A_40 = arith.constant 0 : index
    %get3A_41 = arith.constant 0 : index
    %get3A_42 = vector.load %arg2[%get3A_38, %get3A_39, %get3A_40, %get3A_41] : memref<16x3x128x128xf32, #tpu.memory_space<vmem>>, vector<1x1x128x128xf32>
    %get3A_43 = vector.shape_cast %get3A_42 : vector<1x1x128x128xf32> to vector<128x128xf32>
    %sub3A_44 = arith.subf %select_n3A_37, %get3A_43 : vector<128x128xf32>
    %abs3A_45 = math.absf %sub3A_44 : vector<128x128xf32>
    %add3A_46 = arith.addf %add3A, %abs3A_45 : vector<128x128xf32>
    %ne3A_47 = arith.constant 0.000000e+00 : f32
    %ne3A_48 = vector.broadcast %ne3A_47 : f32 to vector<128x128xf32>
    %ne3A_49 = arith.cmpf one, %get3A_11, %ne3A_48 : vector<128x128xf32>
    %get3A_50 = arith.constant 0 : index
    %get3A_51 = arith.constant 2 : index
    %get3A_52 = arith.constant 0 : index
    %get3A_53 = arith.constant 0 : index
    %get3A_54 = vector.load %arg3[%get3A_50, %get3A_51, %get3A_52, %get3A_53] : memref<16x3x128x128xf32, #tpu.memory_space<vmem>>, vector<1x1x128x128xf32>
    %get3A_55 = vector.shape_cast %get3A_54 : vector<1x1x128x128xf32> to vector<128x128xf32>
    %jit3A_56 = arith.constant 0.000000e+00 : f32
    %broadcast_in_dim3A_57 = vector.broadcast %jit3A_56 : f32 to vector<128x128xf32>
    %select_n3A_58 = arith.select %ne3A_49, %get3A_55, %broadcast_in_dim3A_57 : vector<128x128xi1>, vector<128x128xf32>
    %get3A_59 = arith.constant 0 : index
    %get3A_60 = arith.constant 2 : index
    %get3A_61 = arith.constant 0 : index
    %get3A_62 = arith.constant 0 : index
    %get3A_63 = vector.load %arg2[%get3A_59, %get3A_60, %get3A_61, %get3A_62] : memref<16x3x128x128xf32, #tpu.memory_space<vmem>>, vector<1x1x128x128xf32>
    %get3A_64 = vector.shape_cast %get3A_63 : vector<1x1x128x128xf32> to vector<128x128xf32>
    %sub3A_65 = arith.subf %select_n3A_58, %get3A_64 : vector<128x128xf32>
    %abs3A_66 = math.absf %sub3A_65 : vector<128x128xf32>
    %add3A_67 = arith.addf %add3A_46, %abs3A_66 : vector<128x128xf32>
    %add3A_68 = arith.addf %get3A_6, %get3A_11 : vector<128x128xf32>
    %get3A_69 = arith.constant 1 : index
    %get3A_70 = arith.constant 0 : index
    %get3A_71 = arith.constant 0 : index
    %get3A_72 = vector.load %arg1[%get3A_69, %get3A_70, %get3A_71] : memref<16x128x128xf32, #tpu.memory_space<vmem>>, vector<1x128x128xf32>
    %get3A_73 = vector.shape_cast %get3A_72 : vector<1x128x128xf32> to vector<128x128xf32>
    %ne3A_74 = arith.constant 0.000000e+00 : f32
    %ne3A_75 = vector.broadcast %ne3A_74 : f32 to vector<128x128xf32>
    %ne3A_76 = arith.cmpf one, %get3A_73, %ne3A_75 : vector<128x128xf32>
    %get3A_77 = arith.constant 1 : index
    %get3A_78 = arith.constant 0 : index
    %get3A_79 = arith.constant 0 : index
    %get3A_80 = arith.constant 0 : index
    %get3A_81 = vector.load %arg3[%get3A_77, %get3A_78, %get3A_79, %get3A_80] : memref<16x3x128x128xf32, #tpu.memory_space<vmem>>, vector<1x1x128x128xf32>
    %get3A_82 = vector.shape_cast %get3A_81 : vector<1x1x128x128xf32> to vector<128x128xf32>
    %jit3A_83 = arith.constant 0.000000e+00 : f32
    %broadcast_in_dim3A_84 = vector.broadcast %jit3A_83 : f32 to vector<128x128xf32>
    %select_n3A_85 = arith.select %ne3A_76, %get3A_82, %broadcast_in_dim3A_84 : vector<128x128xi1>, vector<128x128xf32>
    %get3A_86 = arith.constant 1 : index
    %get3A_87 = arith.constant 0 : index
    %get3A_88 = arith.constant 0 : index
    %get3A_89 = arith.constant 0 : index
    %get3A_90 = vector.load %arg2[%get3A_86, %get3A_87, %get3A_88, %get3A_89] : memref<16x3x128x128xf32, #tpu.memory_space<vmem>>, vector<1x1x128x128xf32>
    %get3A_91 = vector.shape_cast %get3A_90 : vector<1x1x128x128xf32> to vector<128x128xf32>
    %sub3A_92 = arith.subf %select_n3A_85, %get3A_91 : vector<128x128xf32>
    %abs3A_93 = math.absf %sub3A_92 : vector<128x128xf32>
    %add3A_94 = arith.addf %add3A_67, %abs3A_93 : vector<128x128xf32>
    %ne3A_95 = arith.constant 0.000000e+00 : f32
    %ne3A_96 = vector.broadcast %ne3A_95 : f32 to vector<128x128xf32>
    %ne3A_97 = arith.cmpf one, %get3A_73, %ne3A_96 : vector<128x128xf32>
    %get3A_98 = arith.constant 1 : index
    %get3A_99 = arith.constant 1 : index
    %get3A_100 = arith.constant 0 : index
    %get3A_101 = arith.constant 0 : index
    %get3A_102 = vector.load %arg3[%get3A_98, %get3A_99, %get3A_100, %get3A_101] : memref<16x3x128x128xf32, #tpu.memory_space<vmem>>, vector<1x1x128x128xf32>
    %get3A_103 = vector.shape_cast %get3A_102 : vector<1x1x128x128xf32> to vector<128x128xf32>
    %jit3A_104 = arith.constant 0.000000e+00 : f32
    %broadcast_in_dim3A_105 = vector.broadcast %jit3A_104 : f32 to vector<128x128xf32>
    %select_n3A_106 = arith.select %ne3A_97, %get3A_103, %broadcast_in_dim3A_105 : vector<128x128xi1>, vector<128x128xf32>
    %get3A_107 = arith.constant 1 : index
    %get3A_108 = arith.constant 1 : index
    %get3A_109 = arith.constant 0 : index
    %get3A_110 = arith.constant 0 : index
    %get3A_111 = vector.load %arg2[%get3A_107, %get3A_108, %get3A_109, %get3A_110] : memref<16x3x128x128xf32, #tpu.memory_space<vmem>>, vector<1x1x128x128xf32>
    %get3A_112 = vector.shape_cast %get3A_111 : vector<1x1x128x128xf32> to vector<128x128xf32>
    %sub3A_113 = arith.subf %select_n3A_106, %get3A_112 : vector<128x128xf32>
    %abs3A_114 = math.absf %sub3A_113 : vector<128x128xf32>
    %add3A_115 = arith.addf %add3A_94, %abs3A_114 : vector<128x128xf32>
    %ne3A_116 = arith.constant 0.000000e+00 : f32
    %ne3A_117 = vector.broadcast %ne3A_116 : f32 to vector<128x128xf32>
    %ne3A_118 = arith.cmpf one, %get3A_73, %ne3A_117 : vector<128x128xf32>
    %get3A_119 = arith.constant 1 : index
    %get3A_120 = arith.constant 2 : index
    %get3A_121 = arith.constant 0 : index
    %get3A_122 = arith.constant 0 : index
    %get3A_123 = vector.load %arg3[%get3A_119, %get3A_120, %get3A_121, %get3A_122] : memref<16x3x128x128xf32, #tpu.memory_space<vmem>>, vector<1x1x128x128xf32>
    %get3A_124 = vector.shape_cast %get3A_123 : vector<1x1x128x128xf32> to vector<128x128xf32>
    %jit3A_125 = arith.constant 0.000000e+00 : f32
    %broadcast_in_dim3A_126 = vector.broadcast %jit3A_125 : f32 to vector<128x128xf32>
    %select_n3A_127 = arith.select %ne3A_118, %get3A_124, %broadcast_in_dim3A_126 : vector<128x128xi1>, vector<128x128xf32>
    %get3A_128 = arith.constant 1 : index
    %get3A_129 = arith.constant 2 : index
    %get3A_130 = arith.constant 0 : index
    %get3A_131 = arith.constant 0 : index
    %get3A_132 = vector.load %arg2[%get3A_128, %get3A_129, %get3A_130, %get3A_131] : memref<16x3x128x128xf32, #tpu.memory_space<vmem>>, vector<1x1x128x128xf32>
    %get3A_133 = vector.shape_cast %get3A_132 : vector<1x1x128x128xf32> to vector<128x128xf32>
    %sub3A_134 = arith.subf %select_n3A_127, %get3A_133 : vector<128x128xf32>
    %abs3A_135 = math.absf %sub3A_134 : vector<128x128xf32>
    %add3A_136 = arith.addf %add3A_115, %abs3A_135 : vector<128x128xf32>
    %add3A_137 = arith.addf %add3A_68, %get3A_73 : vector<128x128xf32>
    %get3A_138 = arith.constant 2 : index
    %get3A_139 = arith.constant 0 : index
    %get3A_140 = arith.constant 0 : index
    %get3A_141 = vector.load %arg1[%get3A_138, %get3A_139, %get3A_140] : memref<16x128x128xf32, #tpu.memory_space<vmem>>, vector<1x128x128xf32>
    %get3A_142 = vector.shape_cast %get3A_141 : vector<1x128x128xf32> to vector<128x128xf32>
    %ne3A_143 = arith.constant 0.000000e+00 : f32
    %ne3A_144 = vector.broadcast %ne3A_143 : f32 to vector<128x128xf32>
    %ne3A_145 = arith.cmpf one, %get3A_142, %ne3A_144 : vector<128x128xf32>
    %get3A_146 = arith.constant 2 : index
    %get3A_147 = arith.constant 0 : index
    %get3A_148 = arith.constant 0 : index
    %get3A_149 = arith.constant 0 : index
    %get3A_150 = vector.load %arg3[%get3A_146, %get3A_147, %get3A_148, %get3A_149] : memref<16x3x128x128xf32, #tpu.memory_space<vmem>>, vector<1x1x128x128xf32>
    %get3A_151 = vector.shape_cast %get3A_150 : vector<1x1x128x128xf32> to vector<128x128xf32>
    %jit3A_152 = arith.constant 0.000000e+00 : f32
    %broadcast_in_dim3A_153 = vector.broadcast %jit3A_152 : f32 to vector<128x128xf32>
    %select_n3A_154 = arith.select %ne3A_145, %get3A_151, %broadcast_in_dim3A_153 : vector<128x128xi1>, vector<128x128xf32>
    %get3A_155 = arith.constant 2 : index
    %get3A_156 = arith.constant 0 : index
    %get3A_157 = arith.constant 0 : index
    %get3A_158 = arith.constant 0 : index
    %get3A_159 = vector.load %arg2[%get3A_155, %get3A_156, %get3A_157, %get3A_158] : memref<16x3x128x128xf32, #tpu.memory_space<vmem>>, vector<1x1x128x128xf32>
    %get3A_160 = vector.shape_cast %get3A_159 : vector<1x1x128x128xf32> to vector<128x128xf32>
    %sub3A_161 = arith.subf %select_n3A_154, %get3A_160 : vector<128x128xf32>
    %abs3A_162 = math.absf %sub3A_161 : vector<128x128xf32>
    %add3A_163 = arith.addf %add3A_136, %abs3A_162 : vector<128x128xf32>
    %ne3A_164 = arith.constant 0.000000e+00 : f32
    %ne3A_165 = vector.broadcast %ne3A_164 : f32 to vector<128x128xf32>
    %ne3A_166 = arith.cmpf one, %get3A_142, %ne3A_165 : vector<128x128xf32>
    %get3A_167 = arith.constant 2 : index
    %get3A_168 = arith.constant 1 : index
    %get3A_169 = arith.constant 0 : index
    %get3A_170 = arith.constant 0 : index
    %get3A_171 = vector.load %arg3[%get3A_167, %get3A_168, %get3A_169, %get3A_170] : memref<16x3x128x128xf32, #tpu.memory_space<vmem>>, vector<1x1x128x128xf32>
    %get3A_172 = vector.shape_cast %get3A_171 : vector<1x1x128x128xf32> to vector<128x128xf32>
    %jit3A_173 = arith.constant 0.000000e+00 : f32
    %broadcast_in_dim3A_174 = vector.broadcast %jit3A_173 : f32 to vector<128x128xf32>
    %select_n3A_175 = arith.select %ne3A_166, %get3A_172, %broadcast_in_dim3A_174 : vector<128x128xi1>, vector<128x128xf32>
    %get3A_176 = arith.constant 2 : index
    %get3A_177 = arith.constant 1 : index
    %get3A_178 = arith.constant 0 : index
    %get3A_179 = arith.constant 0 : index
    %get3A_180 = vector.load %arg2[%get3A_176, %get3A_177, %get3A_178, %get3A_179] : memref<16x3x128x128xf32, #tpu.memory_space<vmem>>, vector<1x1x128x128xf32>
    %get3A_181 = vector.shape_cast %get3A_180 : vector<1x1x128x128xf32> to vector<128x128xf32>
    %sub3A_182 = arith.subf %select_n3A_175, %get3A_181 : vector<128x128xf32>
    %abs3A_183 = math.absf %sub3A_182 : vector<128x128xf32>
    %add3A_184 = arith.addf %add3A_163, %abs3A_183 : vector<128x128xf32>
    %ne3A_185 = arith.constant 0.000000e+00 : f32
    %ne3A_186 = vector.broadcast %ne3A_185 : f32 to vector<128x128xf32>
    %ne3A_187 = arith.cmpf one, %get3A_142, %ne3A_186 : vector<128x128xf32>
    %get3A_188 = arith.constant 2 : index
    %get3A_189 = arith.constant 2 : index
    %get3A_190 = arith.constant 0 : index
    %get3A_191 = arith.constant 0 : index
    %get3A_192 = vector.load %arg3[%get3A_188, %get3A_189, %get3A_190, %get3A_191] : memref<16x3x128x128xf32, #tpu.memory_space<vmem>>, vector<1x1x128x128xf32>
    %get3A_193 = vector.shape_cast %get3A_192 : vector<1x1x128x128xf32> to vector<128x128xf32>
    %jit3A_194 = arith.constant 0.000000e+00 : f32
    %broadcast_in_dim3A_195 = vector.broadcast %jit3A_194 : f32 to vector<128x128xf32>
    %select_n3A_196 = arith.select %ne3A_187, %get3A_193, %broadcast_in_dim3A_195 : vector<128x128xi1>, vector<128x128xf32>
    %get3A_197 = arith.constant 2 : index
    %get3A_198 = arith.constant 2 : index
    %get3A_199 = arith.constant 0 : index
    %get3A_200 = arith.constant 0 : index
    %get3A_201 = vector.load %arg2[%get3A_197, %get3A_198, %get3A_199, %get3A_200] : memref<16x3x128x128xf32, #tpu.memory_space<vmem>>, vector<1x1x128x128xf32>
    %get3A_202 = vector.shape_cast %get3A_201 : vector<1x1x128x128xf32> to vector<128x128xf32>
    %sub3A_203 = arith.subf %select_n3A_196, %get3A_202 : vector<128x128xf32>
    %abs3A_204 = math.absf %sub3A_203 : vector<128x128xf32>
    %add3A_205 = arith.addf %add3A_184, %abs3A_204 : vector<128x128xf32>
    %add3A_206 = arith.addf %add3A_137, %get3A_142 : vector<128x128xf32>
    %get3A_207 = arith.constant 3 : index
    %get3A_208 = arith.constant 0 : index
    %get3A_209 = arith.constant 0 : index
    %get3A_210 = vector.load %arg1[%get3A_207, %get3A_208, %get3A_209] : memref<16x128x128xf32, #tpu.memory_space<vmem>>, vector<1x128x128xf32>
    %get3A_211 = vector.shape_cast %get3A_210 : vector<1x128x128xf32> to vector<128x128xf32>
    %ne3A_212 = arith.constant 0.000000e+00 : f32
    %ne3A_213 = vector.broadcast %ne3A_212 : f32 to vector<128x128xf32>
    %ne3A_214 = arith.cmpf one, %get3A_211, %ne3A_213 : vector<128x128xf32>
    %get3A_215 = arith.constant 3 : index
    %get3A_216 = arith.constant 0 : index
    %get3A_217 = arith.constant 0 : index
    %get3A_218 = arith.constant 0 : index
    %get3A_219 = vector.load %arg3[%get3A_215, %get3A_216, %get3A_217, %get3A_218] : memref<16x3x128x128xf32, #tpu.memory_space<vmem>>, vector<1x1x128x128xf32>
    %get3A_220 = vector.shape_cast %get3A_219 : vector<1x1x128x128xf32> to vector<128x128xf32>
    %jit3A_221 = arith.constant 0.000000e+00 : f32
    %broadcast_in_dim3A_222 = vector.broadcast %jit3A_221 : f32 to vector<128x128xf32>
    %select_n3A_223 = arith.select %ne3A_214, %get3A_220, %broadcast_in_dim3A_222 : vector<128x128xi1>, vector<128x128xf32>
    %get3A_224 = arith.constant 3 : index
    %get3A_225 = arith.constant 0 : index
    %get3A_226 = arith.constant 0 : index
    %get3A_227 = arith.constant 0 : index
    %get3A_228 = vector.load %arg2[%get3A_224, %get3A_225, %get3A_226, %get3A_227] : memref<16x3x128x128xf32, #tpu.memory_space<vmem>>, vector<1x1x128x128xf32>
    %get3A_229 = vector.shape_cast %get3A_228 : vector<1x1x128x128xf32> to vector<128x128xf32>
    %sub3A_230 = arith.subf %select_n3A_223, %get3A_229 : vector<128x128xf32>
    %abs3A_231 = math.absf %sub3A_230 : vector<128x128xf32>
    %add3A_232 = arith.addf %add3A_205, %abs3A_231 : vector<128x128xf32>
    %ne3A_233 = arith.constant 0.000000e+00 : f32
    %ne3A_234 = vector.broadcast %ne3A_233 : f32 to vector<128x128xf32>
    %ne3A_235 = arith.cmpf one, %get3A_211, %ne3A_234 : vector<128x128xf32>
    %get3A_236 = arith.constant 3 : index
    %get3A_237 = arith.constant 1 : index
    %get3A_238 = arith.constant 0 : index
    %get3A_239 = arith.constant 0 : index
    %get3A_240 = vector.load %arg3[%get3A_236, %get3A_237, %get3A_238, %get3A_239] : memref<16x3x128x128xf32, #tpu.memory_space<vmem>>, vector<1x1x128x128xf32>
    %get3A_241 = vector.shape_cast %get3A_240 : vector<1x1x128x128xf32> to vector<128x128xf32>
    %jit3A_242 = arith.constant 0.000000e+00 : f32
    %broadcast_in_dim3A_243 = vector.broadcast %jit3A_242 : f32 to vector<128x128xf32>
    %select_n3A_244 = arith.select %ne3A_235, %get3A_241, %broadcast_in_dim3A_243 : vector<128x128xi1>, vector<128x128xf32>
    %get3A_245 = arith.constant 3 : index
    %get3A_246 = arith.constant 1 : index
    %get3A_247 = arith.constant 0 : index
    %get3A_248 = arith.constant 0 : index
    %get3A_249 = vector.load %arg2[%get3A_245, %get3A_246, %get3A_247, %get3A_248] : memref<16x3x128x128xf32, #tpu.memory_space<vmem>>, vector<1x1x128x128xf32>
    %get3A_250 = vector.shape_cast %get3A_249 : vector<1x1x128x128xf32> to vector<128x128xf32>
    %sub3A_251 = arith.subf %select_n3A_244, %get3A_250 : vector<128x128xf32>
    %abs3A_252 = math.absf %sub3A_251 : vector<128x128xf32>
    %add3A_253 = arith.addf %add3A_232, %abs3A_252 : vector<128x128xf32>
    %ne3A_254 = arith.constant 0.000000e+00 : f32
    %ne3A_255 = vector.broadcast %ne3A_254 : f32 to vector<128x128xf32>
    %ne3A_256 = arith.cmpf one, %get3A_211, %ne3A_255 : vector<128x128xf32>
    %get3A_257 = arith.constant 3 : index
    %get3A_258 = arith.constant 2 : index
    %get3A_259 = arith.constant 0 : index
    %get3A_260 = arith.constant 0 : index
    %get3A_261 = vector.load %arg3[%get3A_257, %get3A_258, %get3A_259, %get3A_260] : memref<16x3x128x128xf32, #tpu.memory_space<vmem>>, vector<1x1x128x128xf32>
    %get3A_262 = vector.shape_cast %get3A_261 : vector<1x1x128x128xf32> to vector<128x128xf32>
    %jit3A_263 = arith.constant 0.000000e+00 : f32
    %broadcast_in_dim3A_264 = vector.broadcast %jit3A_263 : f32 to vector<128x128xf32>
    %select_n3A_265 = arith.select %ne3A_256, %get3A_262, %broadcast_in_dim3A_264 : vector<128x128xi1>, vector<128x128xf32>
    %get3A_266 = arith.constant 3 : index
    %get3A_267 = arith.constant 2 : index
    %get3A_268 = arith.constant 0 : index
    %get3A_269 = arith.constant 0 : index
    %get3A_270 = vector.load %arg2[%get3A_266, %get3A_267, %get3A_268, %get3A_269] : memref<16x3x128x128xf32, #tpu.memory_space<vmem>>, vector<1x1x128x128xf32>
    %get3A_271 = vector.shape_cast %get3A_270 : vector<1x1x128x128xf32> to vector<128x128xf32>
    %sub3A_272 = arith.subf %select_n3A_265, %get3A_271 : vector<128x128xf32>
    %abs3A_273 = math.absf %sub3A_272 : vector<128x128xf32>
    %add3A_274 = arith.addf %add3A_253, %abs3A_273 : vector<128x128xf32>
    %add3A_275 = arith.addf %add3A_206, %get3A_211 : vector<128x128xf32>
    %get3A_276 = arith.constant 4 : index
    %get3A_277 = arith.constant 0 : index
    %get3A_278 = arith.constant 0 : index
    %get3A_279 = vector.load %arg1[%get3A_276, %get3A_277, %get3A_278] : memref<16x128x128xf32, #tpu.memory_space<vmem>>, vector<1x128x128xf32>
    %get3A_280 = vector.shape_cast %get3A_279 : vector<1x128x128xf32> to vector<128x128xf32>
    %ne3A_281 = arith.constant 0.000000e+00 : f32
    %ne3A_282 = vector.broadcast %ne3A_281 : f32 to vector<128x128xf32>
    %ne3A_283 = arith.cmpf one, %get3A_280, %ne3A_282 : vector<128x128xf32>
    %get3A_284 = arith.constant 4 : index
    %get3A_285 = arith.constant 0 : index
    %get3A_286 = arith.constant 0 : index
    %get3A_287 = arith.constant 0 : index
    %get3A_288 = vector.load %arg3[%get3A_284, %get3A_285, %get3A_286, %get3A_287] : memref<16x3x128x128xf32, #tpu.memory_space<vmem>>, vector<1x1x128x128xf32>
    %get3A_289 = vector.shape_cast %get3A_288 : vector<1x1x128x128xf32> to vector<128x128xf32>
    %jit3A_290 = arith.constant 0.000000e+00 : f32
    %broadcast_in_dim3A_291 = vector.broadcast %jit3A_290 : f32 to vector<128x128xf32>
    %select_n3A_292 = arith.select %ne3A_283, %get3A_289, %broadcast_in_dim3A_291 : vector<128x128xi1>, vector<128x128xf32>
    %get3A_293 = arith.constant 4 : index
    %get3A_294 = arith.constant 0 : index
    %get3A_295 = arith.constant 0 : index
    %get3A_296 = arith.constant 0 : index
    %get3A_297 = vector.load %arg2[%get3A_293, %get3A_294, %get3A_295, %get3A_296] : memref<16x3x128x128xf32, #tpu.memory_space<vmem>>, vector<1x1x128x128xf32>
    %get3A_298 = vector.shape_cast %get3A_297 : vector<1x1x128x128xf32> to vector<128x128xf32>
    %sub3A_299 = arith.subf %select_n3A_292, %get3A_298 : vector<128x128xf32>
    %abs3A_300 = math.absf %sub3A_299 : vector<128x128xf32>
    %add3A_301 = arith.addf %add3A_274, %abs3A_300 : vector<128x128xf32>
    %ne3A_302 = arith.constant 0.000000e+00 : f32
    %ne3A_303 = vector.broadcast %ne3A_302 : f32 to vector<128x128xf32>
    %ne3A_304 = arith.cmpf one, %get3A_280, %ne3A_303 : vector<128x128xf32>
    %get3A_305 = arith.constant 4 : index
    %get3A_306 = arith.constant 1 : index
    %get3A_307 = arith.constant 0 : index
    %get3A_308 = arith.constant 0 : index
    %get3A_309 = vector.load %arg3[%get3A_305, %get3A_306, %get3A_307, %get3A_308] : memref<16x3x128x128xf32, #tpu.memory_space<vmem>>, vector<1x1x128x128xf32>
    %get3A_310 = vector.shape_cast %get3A_309 : vector<1x1x128x128xf32> to vector<128x128xf32>
    %jit3A_311 = arith.constant 0.000000e+00 : f32
    %broadcast_in_dim3A_312 = vector.broadcast %jit3A_311 : f32 to vector<128x128xf32>
    %select_n3A_313 = arith.select %ne3A_304, %get3A_310, %broadcast_in_dim3A_312 : vector<128x128xi1>, vector<128x128xf32>
    %get3A_314 = arith.constant 4 : index
    %get3A_315 = arith.constant 1 : index
    %get3A_316 = arith.constant 0 : index
    %get3A_317 = arith.constant 0 : index
    %get3A_318 = vector.load %arg2[%get3A_314, %get3A_315, %get3A_316, %get3A_317] : memref<16x3x128x128xf32, #tpu.memory_space<vmem>>, vector<1x1x128x128xf32>
    %get3A_319 = vector.shape_cast %get3A_318 : vector<1x1x128x128xf32> to vector<128x128xf32>
    %sub3A_320 = arith.subf %select_n3A_313, %get3A_319 : vector<128x128xf32>
    %abs3A_321 = math.absf %sub3A_320 : vector<128x128xf32>
    %add3A_322 = arith.addf %add3A_301, %abs3A_321 : vector<128x128xf32>
    %ne3A_323 = arith.constant 0.000000e+00 : f32
    %ne3A_324 = vector.broadcast %ne3A_323 : f32 to vector<128x128xf32>
    %ne3A_325 = arith.cmpf one, %get3A_280, %ne3A_324 : vector<128x128xf32>
    %get3A_326 = arith.constant 4 : index
    %get3A_327 = arith.constant 2 : index
    %get3A_328 = arith.constant 0 : index
    %get3A_329 = arith.constant 0 : index
    %get3A_330 = vector.load %arg3[%get3A_326, %get3A_327, %get3A_328, %get3A_329] : memref<16x3x128x128xf32, #tpu.memory_space<vmem>>, vector<1x1x128x128xf32>
    %get3A_331 = vector.shape_cast %get3A_330 : vector<1x1x128x128xf32> to vector<128x128xf32>
    %jit3A_332 = arith.constant 0.000000e+00 : f32
    %broadcast_in_dim3A_333 = vector.broadcast %jit3A_332 : f32 to vector<128x128xf32>
    %select_n3A_334 = arith.select %ne3A_325, %get3A_331, %broadcast_in_dim3A_333 : vector<128x128xi1>, vector<128x128xf32>
    %get3A_335 = arith.constant 4 : index
    %get3A_336 = arith.constant 2 : index
    %get3A_337 = arith.constant 0 : index
    %get3A_338 = arith.constant 0 : index
    %get3A_339 = vector.load %arg2[%get3A_335, %get3A_336, %get3A_337, %get3A_338] : memref<16x3x128x128xf32, #tpu.memory_space<vmem>>, vector<1x1x128x128xf32>
    %get3A_340 = vector.shape_cast %get3A_339 : vector<1x1x128x128xf32> to vector<128x128xf32>
    %sub3A_341 = arith.subf %select_n3A_334, %get3A_340 : vector<128x128xf32>
    %abs3A_342 = math.absf %sub3A_341 : vector<128x128xf32>
    %add3A_343 = arith.addf %add3A_322, %abs3A_342 : vector<128x128xf32>
    %add3A_344 = arith.addf %add3A_275, %get3A_280 : vector<128x128xf32>
    %get3A_345 = arith.constant 5 : index
    %get3A_346 = arith.constant 0 : index
    %get3A_347 = arith.constant 0 : index
    %get3A_348 = vector.load %arg1[%get3A_345, %get3A_346, %get3A_347] : memref<16x128x128xf32, #tpu.memory_space<vmem>>, vector<1x128x128xf32>
    %get3A_349 = vector.shape_cast %get3A_348 : vector<1x128x128xf32> to vector<128x128xf32>
    %ne3A_350 = arith.constant 0.000000e+00 : f32
    %ne3A_351 = vector.broadcast %ne3A_350 : f32 to vector<128x128xf32>
    %ne3A_352 = arith.cmpf one, %get3A_349, %ne3A_351 : vector<128x128xf32>
    %get3A_353 = arith.constant 5 : index
    %get3A_354 = arith.constant 0 : index
    %get3A_355 = arith.constant 0 : index
    %get3A_356 = arith.constant 0 : index
    %get3A_357 = vector.load %arg3[%get3A_353, %get3A_354, %get3A_355, %get3A_356] : memref<16x3x128x128xf32, #tpu.memory_space<vmem>>, vector<1x1x128x128xf32>
    %get3A_358 = vector.shape_cast %get3A_357 : vector<1x1x128x128xf32> to vector<128x128xf32>
    %jit3A_359 = arith.constant 0.000000e+00 : f32
    %broadcast_in_dim3A_360 = vector.broadcast %jit3A_359 : f32 to vector<128x128xf32>
    %select_n3A_361 = arith.select %ne3A_352, %get3A_358, %broadcast_in_dim3A_360 : vector<128x128xi1>, vector<128x128xf32>
    %get3A_362 = arith.constant 5 : index
    %get3A_363 = arith.constant 0 : index
    %get3A_364 = arith.constant 0 : index
    %get3A_365 = arith.constant 0 : index
    %get3A_366 = vector.load %arg2[%get3A_362, %get3A_363, %get3A_364, %get3A_365] : memref<16x3x128x128xf32, #tpu.memory_space<vmem>>, vector<1x1x128x128xf32>
    %get3A_367 = vector.shape_cast %get3A_366 : vector<1x1x128x128xf32> to vector<128x128xf32>
    %sub3A_368 = arith.subf %select_n3A_361, %get3A_367 : vector<128x128xf32>
    %abs3A_369 = math.absf %sub3A_368 : vector<128x128xf32>
    %add3A_370 = arith.addf %add3A_343, %abs3A_369 : vector<128x128xf32>
    %ne3A_371 = arith.constant 0.000000e+00 : f32
    %ne3A_372 = vector.broadcast %ne3A_371 : f32 to vector<128x128xf32>
    %ne3A_373 = arith.cmpf one, %get3A_349, %ne3A_372 : vector<128x128xf32>
    %get3A_374 = arith.constant 5 : index
    %get3A_375 = arith.constant 1 : index
    %get3A_376 = arith.constant 0 : index
    %get3A_377 = arith.constant 0 : index
    %get3A_378 = vector.load %arg3[%get3A_374, %get3A_375, %get3A_376, %get3A_377] : memref<16x3x128x128xf32, #tpu.memory_space<vmem>>, vector<1x1x128x128xf32>
    %get3A_379 = vector.shape_cast %get3A_378 : vector<1x1x128x128xf32> to vector<128x128xf32>
    %jit3A_380 = arith.constant 0.000000e+00 : f32
    %broadcast_in_dim3A_381 = vector.broadcast %jit3A_380 : f32 to vector<128x128xf32>
    %select_n3A_382 = arith.select %ne3A_373, %get3A_379, %broadcast_in_dim3A_381 : vector<128x128xi1>, vector<128x128xf32>
    %get3A_383 = arith.constant 5 : index
    %get3A_384 = arith.constant 1 : index
    %get3A_385 = arith.constant 0 : index
    %get3A_386 = arith.constant 0 : index
    %get3A_387 = vector.load %arg2[%get3A_383, %get3A_384, %get3A_385, %get3A_386] : memref<16x3x128x128xf32, #tpu.memory_space<vmem>>, vector<1x1x128x128xf32>
    %get3A_388 = vector.shape_cast %get3A_387 : vector<1x1x128x128xf32> to vector<128x128xf32>
    %sub3A_389 = arith.subf %select_n3A_382, %get3A_388 : vector<128x128xf32>
    %abs3A_390 = math.absf %sub3A_389 : vector<128x128xf32>
    %add3A_391 = arith.addf %add3A_370, %abs3A_390 : vector<128x128xf32>
    %ne3A_392 = arith.constant 0.000000e+00 : f32
    %ne3A_393 = vector.broadcast %ne3A_392 : f32 to vector<128x128xf32>
    %ne3A_394 = arith.cmpf one, %get3A_349, %ne3A_393 : vector<128x128xf32>
    %get3A_395 = arith.constant 5 : index
    %get3A_396 = arith.constant 2 : index
    %get3A_397 = arith.constant 0 : index
    %get3A_398 = arith.constant 0 : index
    %get3A_399 = vector.load %arg3[%get3A_395, %get3A_396, %get3A_397, %get3A_398] : memref<16x3x128x128xf32, #tpu.memory_space<vmem>>, vector<1x1x128x128xf32>
    %get3A_400 = vector.shape_cast %get3A_399 : vector<1x1x128x128xf32> to vector<128x128xf32>
    %jit3A_401 = arith.constant 0.000000e+00 : f32
    %broadcast_in_dim3A_402 = vector.broadcast %jit3A_401 : f32 to vector<128x128xf32>
    %select_n3A_403 = arith.select %ne3A_394, %get3A_400, %broadcast_in_dim3A_402 : vector<128x128xi1>, vector<128x128xf32>
    %get3A_404 = arith.constant 5 : index
    %get3A_405 = arith.constant 2 : index
    %get3A_406 = arith.constant 0 : index
    %get3A_407 = arith.constant 0 : index
    %get3A_408 = vector.load %arg2[%get3A_404, %get3A_405, %get3A_406, %get3A_407] : memref<16x3x128x128xf32, #tpu.memory_space<vmem>>, vector<1x1x128x128xf32>
    %get3A_409 = vector.shape_cast %get3A_408 : vector<1x1x128x128xf32> to vector<128x128xf32>
    %sub3A_410 = arith.subf %select_n3A_403, %get3A_409 : vector<128x128xf32>
    %abs3A_411 = math.absf %sub3A_410 : vector<128x128xf32>
    %add3A_412 = arith.addf %add3A_391, %abs3A_411 : vector<128x128xf32>
    %add3A_413 = arith.addf %add3A_344, %get3A_349 : vector<128x128xf32>
    %get3A_414 = arith.constant 6 : index
    %get3A_415 = arith.constant 0 : index
    %get3A_416 = arith.constant 0 : index
    %get3A_417 = vector.load %arg1[%get3A_414, %get3A_415, %get3A_416] : memref<16x128x128xf32, #tpu.memory_space<vmem>>, vector<1x128x128xf32>
    %get3A_418 = vector.shape_cast %get3A_417 : vector<1x128x128xf32> to vector<128x128xf32>
    %ne3A_419 = arith.constant 0.000000e+00 : f32
    %ne3A_420 = vector.broadcast %ne3A_419 : f32 to vector<128x128xf32>
    %ne3A_421 = arith.cmpf one, %get3A_418, %ne3A_420 : vector<128x128xf32>
    %get3A_422 = arith.constant 6 : index
    %get3A_423 = arith.constant 0 : index
    %get3A_424 = arith.constant 0 : index
    %get3A_425 = arith.constant 0 : index
    %get3A_426 = vector.load %arg3[%get3A_422, %get3A_423, %get3A_424, %get3A_425] : memref<16x3x128x128xf32, #tpu.memory_space<vmem>>, vector<1x1x128x128xf32>
    %get3A_427 = vector.shape_cast %get3A_426 : vector<1x1x128x128xf32> to vector<128x128xf32>
    %jit3A_428 = arith.constant 0.000000e+00 : f32
    %broadcast_in_dim3A_429 = vector.broadcast %jit3A_428 : f32 to vector<128x128xf32>
    %select_n3A_430 = arith.select %ne3A_421, %get3A_427, %broadcast_in_dim3A_429 : vector<128x128xi1>, vector<128x128xf32>
    %get3A_431 = arith.constant 6 : index
    %get3A_432 = arith.constant 0 : index
    %get3A_433 = arith.constant 0 : index
    %get3A_434 = arith.constant 0 : index
    %get3A_435 = vector.load %arg2[%get3A_431, %get3A_432, %get3A_433, %get3A_434] : memref<16x3x128x128xf32, #tpu.memory_space<vmem>>, vector<1x1x128x128xf32>
    %get3A_436 = vector.shape_cast %get3A_435 : vector<1x1x128x128xf32> to vector<128x128xf32>
    %sub3A_437 = arith.subf %select_n3A_430, %get3A_436 : vector<128x128xf32>
    %abs3A_438 = math.absf %sub3A_437 : vector<128x128xf32>
    %add3A_439 = arith.addf %add3A_412, %abs3A_438 : vector<128x128xf32>
    %ne3A_440 = arith.constant 0.000000e+00 : f32
    %ne3A_441 = vector.broadcast %ne3A_440 : f32 to vector<128x128xf32>
    %ne3A_442 = arith.cmpf one, %get3A_418, %ne3A_441 : vector<128x128xf32>
    %get3A_443 = arith.constant 6 : index
    %get3A_444 = arith.constant 1 : index
    %get3A_445 = arith.constant 0 : index
    %get3A_446 = arith.constant 0 : index
    %get3A_447 = vector.load %arg3[%get3A_443, %get3A_444, %get3A_445, %get3A_446] : memref<16x3x128x128xf32, #tpu.memory_space<vmem>>, vector<1x1x128x128xf32>
    %get3A_448 = vector.shape_cast %get3A_447 : vector<1x1x128x128xf32> to vector<128x128xf32>
    %jit3A_449 = arith.constant 0.000000e+00 : f32
    %broadcast_in_dim3A_450 = vector.broadcast %jit3A_449 : f32 to vector<128x128xf32>
    %select_n3A_451 = arith.select %ne3A_442, %get3A_448, %broadcast_in_dim3A_450 : vector<128x128xi1>, vector<128x128xf32>
    %get3A_452 = arith.constant 6 : index
    %get3A_453 = arith.constant 1 : index
    %get3A_454 = arith.constant 0 : index
    %get3A_455 = arith.constant 0 : index
    %get3A_456 = vector.load %arg2[%get3A_452, %get3A_453, %get3A_454, %get3A_455] : memref<16x3x128x128xf32, #tpu.memory_space<vmem>>, vector<1x1x128x128xf32>
    %get3A_457 = vector.shape_cast %get3A_456 : vector<1x1x128x128xf32> to vector<128x128xf32>
    %sub3A_458 = arith.subf %select_n3A_451, %get3A_457 : vector<128x128xf32>
    %abs3A_459 = math.absf %sub3A_458 : vector<128x128xf32>
    %add3A_460 = arith.addf %add3A_439, %abs3A_459 : vector<128x128xf32>
    %ne3A_461 = arith.constant 0.000000e+00 : f32
    %ne3A_462 = vector.broadcast %ne3A_461 : f32 to vector<128x128xf32>
    %ne3A_463 = arith.cmpf one, %get3A_418, %ne3A_462 : vector<128x128xf32>
    %get3A_464 = arith.constant 6 : index
    %get3A_465 = arith.constant 2 : index
    %get3A_466 = arith.constant 0 : index
    %get3A_467 = arith.constant 0 : index
    %get3A_468 = vector.load %arg3[%get3A_464, %get3A_465, %get3A_466, %get3A_467] : memref<16x3x128x128xf32, #tpu.memory_space<vmem>>, vector<1x1x128x128xf32>
    %get3A_469 = vector.shape_cast %get3A_468 : vector<1x1x128x128xf32> to vector<128x128xf32>
    %jit3A_470 = arith.constant 0.000000e+00 : f32
    %broadcast_in_dim3A_471 = vector.broadcast %jit3A_470 : f32 to vector<128x128xf32>
    %select_n3A_472 = arith.select %ne3A_463, %get3A_469, %broadcast_in_dim3A_471 : vector<128x128xi1>, vector<128x128xf32>
    %get3A_473 = arith.constant 6 : index
    %get3A_474 = arith.constant 2 : index
    %get3A_475 = arith.constant 0 : index
    %get3A_476 = arith.constant 0 : index
    %get3A_477 = vector.load %arg2[%get3A_473, %get3A_474, %get3A_475, %get3A_476] : memref<16x3x128x128xf32, #tpu.memory_space<vmem>>, vector<1x1x128x128xf32>
    %get3A_478 = vector.shape_cast %get3A_477 : vector<1x1x128x128xf32> to vector<128x128xf32>
    %sub3A_479 = arith.subf %select_n3A_472, %get3A_478 : vector<128x128xf32>
    %abs3A_480 = math.absf %sub3A_479 : vector<128x128xf32>
    %add3A_481 = arith.addf %add3A_460, %abs3A_480 : vector<128x128xf32>
    %add3A_482 = arith.addf %add3A_413, %get3A_418 : vector<128x128xf32>
    %get3A_483 = arith.constant 7 : index
    %get3A_484 = arith.constant 0 : index
    %get3A_485 = arith.constant 0 : index
    %get3A_486 = vector.load %arg1[%get3A_483, %get3A_484, %get3A_485] : memref<16x128x128xf32, #tpu.memory_space<vmem>>, vector<1x128x128xf32>
    %get3A_487 = vector.shape_cast %get3A_486 : vector<1x128x128xf32> to vector<128x128xf32>
    %ne3A_488 = arith.constant 0.000000e+00 : f32
    %ne3A_489 = vector.broadcast %ne3A_488 : f32 to vector<128x128xf32>
    %ne3A_490 = arith.cmpf one, %get3A_487, %ne3A_489 : vector<128x128xf32>
    %get3A_491 = arith.constant 7 : index
    %get3A_492 = arith.constant 0 : index
    %get3A_493 = arith.constant 0 : index
    %get3A_494 = arith.constant 0 : index
    %get3A_495 = vector.load %arg3[%get3A_491, %get3A_492, %get3A_493, %get3A_494] : memref<16x3x128x128xf32, #tpu.memory_space<vmem>>, vector<1x1x128x128xf32>
    %get3A_496 = vector.shape_cast %get3A_495 : vector<1x1x128x128xf32> to vector<128x128xf32>
    %jit3A_497 = arith.constant 0.000000e+00 : f32
    %broadcast_in_dim3A_498 = vector.broadcast %jit3A_497 : f32 to vector<128x128xf32>
    %select_n3A_499 = arith.select %ne3A_490, %get3A_496, %broadcast_in_dim3A_498 : vector<128x128xi1>, vector<128x128xf32>
    %get3A_500 = arith.constant 7 : index
    %get3A_501 = arith.constant 0 : index
    %get3A_502 = arith.constant 0 : index
    %get3A_503 = arith.constant 0 : index
    %get3A_504 = vector.load %arg2[%get3A_500, %get3A_501, %get3A_502, %get3A_503] : memref<16x3x128x128xf32, #tpu.memory_space<vmem>>, vector<1x1x128x128xf32>
    %get3A_505 = vector.shape_cast %get3A_504 : vector<1x1x128x128xf32> to vector<128x128xf32>
    %sub3A_506 = arith.subf %select_n3A_499, %get3A_505 : vector<128x128xf32>
    %abs3A_507 = math.absf %sub3A_506 : vector<128x128xf32>
    %add3A_508 = arith.addf %add3A_481, %abs3A_507 : vector<128x128xf32>
    %ne3A_509 = arith.constant 0.000000e+00 : f32
    %ne3A_510 = vector.broadcast %ne3A_509 : f32 to vector<128x128xf32>
    %ne3A_511 = arith.cmpf one, %get3A_487, %ne3A_510 : vector<128x128xf32>
    %get3A_512 = arith.constant 7 : index
    %get3A_513 = arith.constant 1 : index
    %get3A_514 = arith.constant 0 : index
    %get3A_515 = arith.constant 0 : index
    %get3A_516 = vector.load %arg3[%get3A_512, %get3A_513, %get3A_514, %get3A_515] : memref<16x3x128x128xf32, #tpu.memory_space<vmem>>, vector<1x1x128x128xf32>
    %get3A_517 = vector.shape_cast %get3A_516 : vector<1x1x128x128xf32> to vector<128x128xf32>
    %jit3A_518 = arith.constant 0.000000e+00 : f32
    %broadcast_in_dim3A_519 = vector.broadcast %jit3A_518 : f32 to vector<128x128xf32>
    %select_n3A_520 = arith.select %ne3A_511, %get3A_517, %broadcast_in_dim3A_519 : vector<128x128xi1>, vector<128x128xf32>
    %get3A_521 = arith.constant 7 : index
    %get3A_522 = arith.constant 1 : index
    %get3A_523 = arith.constant 0 : index
    %get3A_524 = arith.constant 0 : index
    %get3A_525 = vector.load %arg2[%get3A_521, %get3A_522, %get3A_523, %get3A_524] : memref<16x3x128x128xf32, #tpu.memory_space<vmem>>, vector<1x1x128x128xf32>
    %get3A_526 = vector.shape_cast %get3A_525 : vector<1x1x128x128xf32> to vector<128x128xf32>
    %sub3A_527 = arith.subf %select_n3A_520, %get3A_526 : vector<128x128xf32>
    %abs3A_528 = math.absf %sub3A_527 : vector<128x128xf32>
    %add3A_529 = arith.addf %add3A_508, %abs3A_528 : vector<128x128xf32>
    %ne3A_530 = arith.constant 0.000000e+00 : f32
    %ne3A_531 = vector.broadcast %ne3A_530 : f32 to vector<128x128xf32>
    %ne3A_532 = arith.cmpf one, %get3A_487, %ne3A_531 : vector<128x128xf32>
    %get3A_533 = arith.constant 7 : index
    %get3A_534 = arith.constant 2 : index
    %get3A_535 = arith.constant 0 : index
    %get3A_536 = arith.constant 0 : index
    %get3A_537 = vector.load %arg3[%get3A_533, %get3A_534, %get3A_535, %get3A_536] : memref<16x3x128x128xf32, #tpu.memory_space<vmem>>, vector<1x1x128x128xf32>
    %get3A_538 = vector.shape_cast %get3A_537 : vector<1x1x128x128xf32> to vector<128x128xf32>
    %jit3A_539 = arith.constant 0.000000e+00 : f32
    %broadcast_in_dim3A_540 = vector.broadcast %jit3A_539 : f32 to vector<128x128xf32>
    %select_n3A_541 = arith.select %ne3A_532, %get3A_538, %broadcast_in_dim3A_540 : vector<128x128xi1>, vector<128x128xf32>
    %get3A_542 = arith.constant 7 : index
    %get3A_543 = arith.constant 2 : index
    %get3A_544 = arith.constant 0 : index
    %get3A_545 = arith.constant 0 : index
    %get3A_546 = vector.load %arg2[%get3A_542, %get3A_543, %get3A_544, %get3A_545] : memref<16x3x128x128xf32, #tpu.memory_space<vmem>>, vector<1x1x128x128xf32>
    %get3A_547 = vector.shape_cast %get3A_546 : vector<1x1x128x128xf32> to vector<128x128xf32>
    %sub3A_548 = arith.subf %select_n3A_541, %get3A_547 : vector<128x128xf32>
    %abs3A_549 = math.absf %sub3A_548 : vector<128x128xf32>
    %add3A_550 = arith.addf %add3A_529, %abs3A_549 : vector<128x128xf32>
    %add3A_551 = arith.addf %add3A_482, %get3A_487 : vector<128x128xf32>
    %get3A_552 = arith.constant 8 : index
    %get3A_553 = arith.constant 0 : index
    %get3A_554 = arith.constant 0 : index
    %get3A_555 = vector.load %arg1[%get3A_552, %get3A_553, %get3A_554] : memref<16x128x128xf32, #tpu.memory_space<vmem>>, vector<1x128x128xf32>
    %get3A_556 = vector.shape_cast %get3A_555 : vector<1x128x128xf32> to vector<128x128xf32>
    %ne3A_557 = arith.constant 0.000000e+00 : f32
    %ne3A_558 = vector.broadcast %ne3A_557 : f32 to vector<128x128xf32>
    %ne3A_559 = arith.cmpf one, %get3A_556, %ne3A_558 : vector<128x128xf32>
    %get3A_560 = arith.constant 8 : index
    %get3A_561 = arith.constant 0 : index
    %get3A_562 = arith.constant 0 : index
    %get3A_563 = arith.constant 0 : index
    %get3A_564 = vector.load %arg3[%get3A_560, %get3A_561, %get3A_562, %get3A_563] : memref<16x3x128x128xf32, #tpu.memory_space<vmem>>, vector<1x1x128x128xf32>
    %get3A_565 = vector.shape_cast %get3A_564 : vector<1x1x128x128xf32> to vector<128x128xf32>
    %jit3A_566 = arith.constant 0.000000e+00 : f32
    %broadcast_in_dim3A_567 = vector.broadcast %jit3A_566 : f32 to vector<128x128xf32>
    %select_n3A_568 = arith.select %ne3A_559, %get3A_565, %broadcast_in_dim3A_567 : vector<128x128xi1>, vector<128x128xf32>
    %get3A_569 = arith.constant 8 : index
    %get3A_570 = arith.constant 0 : index
    %get3A_571 = arith.constant 0 : index
    %get3A_572 = arith.constant 0 : index
    %get3A_573 = vector.load %arg2[%get3A_569, %get3A_570, %get3A_571, %get3A_572] : memref<16x3x128x128xf32, #tpu.memory_space<vmem>>, vector<1x1x128x128xf32>
    %get3A_574 = vector.shape_cast %get3A_573 : vector<1x1x128x128xf32> to vector<128x128xf32>
    %sub3A_575 = arith.subf %select_n3A_568, %get3A_574 : vector<128x128xf32>
    %abs3A_576 = math.absf %sub3A_575 : vector<128x128xf32>
    %add3A_577 = arith.addf %add3A_550, %abs3A_576 : vector<128x128xf32>
    %ne3A_578 = arith.constant 0.000000e+00 : f32
    %ne3A_579 = vector.broadcast %ne3A_578 : f32 to vector<128x128xf32>
    %ne3A_580 = arith.cmpf one, %get3A_556, %ne3A_579 : vector<128x128xf32>
    %get3A_581 = arith.constant 8 : index
    %get3A_582 = arith.constant 1 : index
    %get3A_583 = arith.constant 0 : index
    %get3A_584 = arith.constant 0 : index
    %get3A_585 = vector.load %arg3[%get3A_581, %get3A_582, %get3A_583, %get3A_584] : memref<16x3x128x128xf32, #tpu.memory_space<vmem>>, vector<1x1x128x128xf32>
    %get3A_586 = vector.shape_cast %get3A_585 : vector<1x1x128x128xf32> to vector<128x128xf32>
    %jit3A_587 = arith.constant 0.000000e+00 : f32
    %broadcast_in_dim3A_588 = vector.broadcast %jit3A_587 : f32 to vector<128x128xf32>
    %select_n3A_589 = arith.select %ne3A_580, %get3A_586, %broadcast_in_dim3A_588 : vector<128x128xi1>, vector<128x128xf32>
    %get3A_590 = arith.constant 8 : index
    %get3A_591 = arith.constant 1 : index
    %get3A_592 = arith.constant 0 : index
    %get3A_593 = arith.constant 0 : index
    %get3A_594 = vector.load %arg2[%get3A_590, %get3A_591, %get3A_592, %get3A_593] : memref<16x3x128x128xf32, #tpu.memory_space<vmem>>, vector<1x1x128x128xf32>
    %get3A_595 = vector.shape_cast %get3A_594 : vector<1x1x128x128xf32> to vector<128x128xf32>
    %sub3A_596 = arith.subf %select_n3A_589, %get3A_595 : vector<128x128xf32>
    %abs3A_597 = math.absf %sub3A_596 : vector<128x128xf32>
    %add3A_598 = arith.addf %add3A_577, %abs3A_597 : vector<128x128xf32>
    %ne3A_599 = arith.constant 0.000000e+00 : f32
    %ne3A_600 = vector.broadcast %ne3A_599 : f32 to vector<128x128xf32>
    %ne3A_601 = arith.cmpf one, %get3A_556, %ne3A_600 : vector<128x128xf32>
    %get3A_602 = arith.constant 8 : index
    %get3A_603 = arith.constant 2 : index
    %get3A_604 = arith.constant 0 : index
    %get3A_605 = arith.constant 0 : index
    %get3A_606 = vector.load %arg3[%get3A_602, %get3A_603, %get3A_604, %get3A_605] : memref<16x3x128x128xf32, #tpu.memory_space<vmem>>, vector<1x1x128x128xf32>
    %get3A_607 = vector.shape_cast %get3A_606 : vector<1x1x128x128xf32> to vector<128x128xf32>
    %jit3A_608 = arith.constant 0.000000e+00 : f32
    %broadcast_in_dim3A_609 = vector.broadcast %jit3A_608 : f32 to vector<128x128xf32>
    %select_n3A_610 = arith.select %ne3A_601, %get3A_607, %broadcast_in_dim3A_609 : vector<128x128xi1>, vector<128x128xf32>
    %get3A_611 = arith.constant 8 : index
    %get3A_612 = arith.constant 2 : index
    %get3A_613 = arith.constant 0 : index
    %get3A_614 = arith.constant 0 : index
    %get3A_615 = vector.load %arg2[%get3A_611, %get3A_612, %get3A_613, %get3A_614] : memref<16x3x128x128xf32, #tpu.memory_space<vmem>>, vector<1x1x128x128xf32>
    %get3A_616 = vector.shape_cast %get3A_615 : vector<1x1x128x128xf32> to vector<128x128xf32>
    %sub3A_617 = arith.subf %select_n3A_610, %get3A_616 : vector<128x128xf32>
    %abs3A_618 = math.absf %sub3A_617 : vector<128x128xf32>
    %add3A_619 = arith.addf %add3A_598, %abs3A_618 : vector<128x128xf32>
    %add3A_620 = arith.addf %add3A_551, %get3A_556 : vector<128x128xf32>
    %get3A_621 = arith.constant 9 : index
    %get3A_622 = arith.constant 0 : index
    %get3A_623 = arith.constant 0 : index
    %get3A_624 = vector.load %arg1[%get3A_621, %get3A_622, %get3A_623] : memref<16x128x128xf32, #tpu.memory_space<vmem>>, vector<1x128x128xf32>
    %get3A_625 = vector.shape_cast %get3A_624 : vector<1x128x128xf32> to vector<128x128xf32>
    %ne3A_626 = arith.constant 0.000000e+00 : f32
    %ne3A_627 = vector.broadcast %ne3A_626 : f32 to vector<128x128xf32>
    %ne3A_628 = arith.cmpf one, %get3A_625, %ne3A_627 : vector<128x128xf32>
    %get3A_629 = arith.constant 9 : index
    %get3A_630 = arith.constant 0 : index
    %get3A_631 = arith.constant 0 : index
    %get3A_632 = arith.constant 0 : index
    %get3A_633 = vector.load %arg3[%get3A_629, %get3A_630, %get3A_631, %get3A_632] : memref<16x3x128x128xf32, #tpu.memory_space<vmem>>, vector<1x1x128x128xf32>
    %get3A_634 = vector.shape_cast %get3A_633 : vector<1x1x128x128xf32> to vector<128x128xf32>
    %jit3A_635 = arith.constant 0.000000e+00 : f32
    %broadcast_in_dim3A_636 = vector.broadcast %jit3A_635 : f32 to vector<128x128xf32>
    %select_n3A_637 = arith.select %ne3A_628, %get3A_634, %broadcast_in_dim3A_636 : vector<128x128xi1>, vector<128x128xf32>
    %get3A_638 = arith.constant 9 : index
    %get3A_639 = arith.constant 0 : index
    %get3A_640 = arith.constant 0 : index
    %get3A_641 = arith.constant 0 : index
    %get3A_642 = vector.load %arg2[%get3A_638, %get3A_639, %get3A_640, %get3A_641] : memref<16x3x128x128xf32, #tpu.memory_space<vmem>>, vector<1x1x128x128xf32>
    %get3A_643 = vector.shape_cast %get3A_642 : vector<1x1x128x128xf32> to vector<128x128xf32>
    %sub3A_644 = arith.subf %select_n3A_637, %get3A_643 : vector<128x128xf32>
    %abs3A_645 = math.absf %sub3A_644 : vector<128x128xf32>
    %add3A_646 = arith.addf %add3A_619, %abs3A_645 : vector<128x128xf32>
    %ne3A_647 = arith.constant 0.000000e+00 : f32
    %ne3A_648 = vector.broadcast %ne3A_647 : f32 to vector<128x128xf32>
    %ne3A_649 = arith.cmpf one, %get3A_625, %ne3A_648 : vector<128x128xf32>
    %get3A_650 = arith.constant 9 : index
    %get3A_651 = arith.constant 1 : index
    %get3A_652 = arith.constant 0 : index
    %get3A_653 = arith.constant 0 : index
    %get3A_654 = vector.load %arg3[%get3A_650, %get3A_651, %get3A_652, %get3A_653] : memref<16x3x128x128xf32, #tpu.memory_space<vmem>>, vector<1x1x128x128xf32>
    %get3A_655 = vector.shape_cast %get3A_654 : vector<1x1x128x128xf32> to vector<128x128xf32>
    %jit3A_656 = arith.constant 0.000000e+00 : f32
    %broadcast_in_dim3A_657 = vector.broadcast %jit3A_656 : f32 to vector<128x128xf32>
    %select_n3A_658 = arith.select %ne3A_649, %get3A_655, %broadcast_in_dim3A_657 : vector<128x128xi1>, vector<128x128xf32>
    %get3A_659 = arith.constant 9 : index
    %get3A_660 = arith.constant 1 : index
    %get3A_661 = arith.constant 0 : index
    %get3A_662 = arith.constant 0 : index
    %get3A_663 = vector.load %arg2[%get3A_659, %get3A_660, %get3A_661, %get3A_662] : memref<16x3x128x128xf32, #tpu.memory_space<vmem>>, vector<1x1x128x128xf32>
    %get3A_664 = vector.shape_cast %get3A_663 : vector<1x1x128x128xf32> to vector<128x128xf32>
    %sub3A_665 = arith.subf %select_n3A_658, %get3A_664 : vector<128x128xf32>
    %abs3A_666 = math.absf %sub3A_665 : vector<128x128xf32>
    %add3A_667 = arith.addf %add3A_646, %abs3A_666 : vector<128x128xf32>
    %ne3A_668 = arith.constant 0.000000e+00 : f32
    %ne3A_669 = vector.broadcast %ne3A_668 : f32 to vector<128x128xf32>
    %ne3A_670 = arith.cmpf one, %get3A_625, %ne3A_669 : vector<128x128xf32>
    %get3A_671 = arith.constant 9 : index
    %get3A_672 = arith.constant 2 : index
    %get3A_673 = arith.constant 0 : index
    %get3A_674 = arith.constant 0 : index
    %get3A_675 = vector.load %arg3[%get3A_671, %get3A_672, %get3A_673, %get3A_674] : memref<16x3x128x128xf32, #tpu.memory_space<vmem>>, vector<1x1x128x128xf32>
    %get3A_676 = vector.shape_cast %get3A_675 : vector<1x1x128x128xf32> to vector<128x128xf32>
    %jit3A_677 = arith.constant 0.000000e+00 : f32
    %broadcast_in_dim3A_678 = vector.broadcast %jit3A_677 : f32 to vector<128x128xf32>
    %select_n3A_679 = arith.select %ne3A_670, %get3A_676, %broadcast_in_dim3A_678 : vector<128x128xi1>, vector<128x128xf32>
    %get3A_680 = arith.constant 9 : index
    %get3A_681 = arith.constant 2 : index
    %get3A_682 = arith.constant 0 : index
    %get3A_683 = arith.constant 0 : index
    %get3A_684 = vector.load %arg2[%get3A_680, %get3A_681, %get3A_682, %get3A_683] : memref<16x3x128x128xf32, #tpu.memory_space<vmem>>, vector<1x1x128x128xf32>
    %get3A_685 = vector.shape_cast %get3A_684 : vector<1x1x128x128xf32> to vector<128x128xf32>
    %sub3A_686 = arith.subf %select_n3A_679, %get3A_685 : vector<128x128xf32>
    %abs3A_687 = math.absf %sub3A_686 : vector<128x128xf32>
    %add3A_688 = arith.addf %add3A_667, %abs3A_687 : vector<128x128xf32>
    %add3A_689 = arith.addf %add3A_620, %get3A_625 : vector<128x128xf32>
    %get3A_690 = arith.constant 10 : index
    %get3A_691 = arith.constant 0 : index
    %get3A_692 = arith.constant 0 : index
    %get3A_693 = vector.load %arg1[%get3A_690, %get3A_691, %get3A_692] : memref<16x128x128xf32, #tpu.memory_space<vmem>>, vector<1x128x128xf32>
    %get3A_694 = vector.shape_cast %get3A_693 : vector<1x128x128xf32> to vector<128x128xf32>
    %ne3A_695 = arith.constant 0.000000e+00 : f32
    %ne3A_696 = vector.broadcast %ne3A_695 : f32 to vector<128x128xf32>
    %ne3A_697 = arith.cmpf one, %get3A_694, %ne3A_696 : vector<128x128xf32>
    %get3A_698 = arith.constant 10 : index
    %get3A_699 = arith.constant 0 : index
    %get3A_700 = arith.constant 0 : index
    %get3A_701 = arith.constant 0 : index
    %get3A_702 = vector.load %arg3[%get3A_698, %get3A_699, %get3A_700, %get3A_701] : memref<16x3x128x128xf32, #tpu.memory_space<vmem>>, vector<1x1x128x128xf32>
    %get3A_703 = vector.shape_cast %get3A_702 : vector<1x1x128x128xf32> to vector<128x128xf32>
    %jit3A_704 = arith.constant 0.000000e+00 : f32
    %broadcast_in_dim3A_705 = vector.broadcast %jit3A_704 : f32 to vector<128x128xf32>
    %select_n3A_706 = arith.select %ne3A_697, %get3A_703, %broadcast_in_dim3A_705 : vector<128x128xi1>, vector<128x128xf32>
    %get3A_707 = arith.constant 10 : index
    %get3A_708 = arith.constant 0 : index
    %get3A_709 = arith.constant 0 : index
    %get3A_710 = arith.constant 0 : index
    %get3A_711 = vector.load %arg2[%get3A_707, %get3A_708, %get3A_709, %get3A_710] : memref<16x3x128x128xf32, #tpu.memory_space<vmem>>, vector<1x1x128x128xf32>
    %get3A_712 = vector.shape_cast %get3A_711 : vector<1x1x128x128xf32> to vector<128x128xf32>
    %sub3A_713 = arith.subf %select_n3A_706, %get3A_712 : vector<128x128xf32>
    %abs3A_714 = math.absf %sub3A_713 : vector<128x128xf32>
    %add3A_715 = arith.addf %add3A_688, %abs3A_714 : vector<128x128xf32>
    %ne3A_716 = arith.constant 0.000000e+00 : f32
    %ne3A_717 = vector.broadcast %ne3A_716 : f32 to vector<128x128xf32>
    %ne3A_718 = arith.cmpf one, %get3A_694, %ne3A_717 : vector<128x128xf32>
    %get3A_719 = arith.constant 10 : index
    %get3A_720 = arith.constant 1 : index
    %get3A_721 = arith.constant 0 : index
    %get3A_722 = arith.constant 0 : index
    %get3A_723 = vector.load %arg3[%get3A_719, %get3A_720, %get3A_721, %get3A_722] : memref<16x3x128x128xf32, #tpu.memory_space<vmem>>, vector<1x1x128x128xf32>
    %get3A_724 = vector.shape_cast %get3A_723 : vector<1x1x128x128xf32> to vector<128x128xf32>
    %jit3A_725 = arith.constant 0.000000e+00 : f32
    %broadcast_in_dim3A_726 = vector.broadcast %jit3A_725 : f32 to vector<128x128xf32>
    %select_n3A_727 = arith.select %ne3A_718, %get3A_724, %broadcast_in_dim3A_726 : vector<128x128xi1>, vector<128x128xf32>
    %get3A_728 = arith.constant 10 : index
    %get3A_729 = arith.constant 1 : index
    %get3A_730 = arith.constant 0 : index
    %get3A_731 = arith.constant 0 : index
    %get3A_732 = vector.load %arg2[%get3A_728, %get3A_729, %get3A_730, %get3A_731] : memref<16x3x128x128xf32, #tpu.memory_space<vmem>>, vector<1x1x128x128xf32>
    %get3A_733 = vector.shape_cast %get3A_732 : vector<1x1x128x128xf32> to vector<128x128xf32>
    %sub3A_734 = arith.subf %select_n3A_727, %get3A_733 : vector<128x128xf32>
    %abs3A_735 = math.absf %sub3A_734 : vector<128x128xf32>
    %add3A_736 = arith.addf %add3A_715, %abs3A_735 : vector<128x128xf32>
    %ne3A_737 = arith.constant 0.000000e+00 : f32
    %ne3A_738 = vector.broadcast %ne3A_737 : f32 to vector<128x128xf32>
    %ne3A_739 = arith.cmpf one, %get3A_694, %ne3A_738 : vector<128x128xf32>
    %get3A_740 = arith.constant 10 : index
    %get3A_741 = arith.constant 2 : index
    %get3A_742 = arith.constant 0 : index
    %get3A_743 = arith.constant 0 : index
    %get3A_744 = vector.load %arg3[%get3A_740, %get3A_741, %get3A_742, %get3A_743] : memref<16x3x128x128xf32, #tpu.memory_space<vmem>>, vector<1x1x128x128xf32>
    %get3A_745 = vector.shape_cast %get3A_744 : vector<1x1x128x128xf32> to vector<128x128xf32>
    %jit3A_746 = arith.constant 0.000000e+00 : f32
    %broadcast_in_dim3A_747 = vector.broadcast %jit3A_746 : f32 to vector<128x128xf32>
    %select_n3A_748 = arith.select %ne3A_739, %get3A_745, %broadcast_in_dim3A_747 : vector<128x128xi1>, vector<128x128xf32>
    %get3A_749 = arith.constant 10 : index
    %get3A_750 = arith.constant 2 : index
    %get3A_751 = arith.constant 0 : index
    %get3A_752 = arith.constant 0 : index
    %get3A_753 = vector.load %arg2[%get3A_749, %get3A_750, %get3A_751, %get3A_752] : memref<16x3x128x128xf32, #tpu.memory_space<vmem>>, vector<1x1x128x128xf32>
    %get3A_754 = vector.shape_cast %get3A_753 : vector<1x1x128x128xf32> to vector<128x128xf32>
    %sub3A_755 = arith.subf %select_n3A_748, %get3A_754 : vector<128x128xf32>
    %abs3A_756 = math.absf %sub3A_755 : vector<128x128xf32>
    %add3A_757 = arith.addf %add3A_736, %abs3A_756 : vector<128x128xf32>
    %add3A_758 = arith.addf %add3A_689, %get3A_694 : vector<128x128xf32>
    %get3A_759 = arith.constant 11 : index
    %get3A_760 = arith.constant 0 : index
    %get3A_761 = arith.constant 0 : index
    %get3A_762 = vector.load %arg1[%get3A_759, %get3A_760, %get3A_761] : memref<16x128x128xf32, #tpu.memory_space<vmem>>, vector<1x128x128xf32>
    %get3A_763 = vector.shape_cast %get3A_762 : vector<1x128x128xf32> to vector<128x128xf32>
    %ne3A_764 = arith.constant 0.000000e+00 : f32
    %ne3A_765 = vector.broadcast %ne3A_764 : f32 to vector<128x128xf32>
    %ne3A_766 = arith.cmpf one, %get3A_763, %ne3A_765 : vector<128x128xf32>
    %get3A_767 = arith.constant 11 : index
    %get3A_768 = arith.constant 0 : index
    %get3A_769 = arith.constant 0 : index
    %get3A_770 = arith.constant 0 : index
    %get3A_771 = vector.load %arg3[%get3A_767, %get3A_768, %get3A_769, %get3A_770] : memref<16x3x128x128xf32, #tpu.memory_space<vmem>>, vector<1x1x128x128xf32>
    %get3A_772 = vector.shape_cast %get3A_771 : vector<1x1x128x128xf32> to vector<128x128xf32>
    %jit3A_773 = arith.constant 0.000000e+00 : f32
    %broadcast_in_dim3A_774 = vector.broadcast %jit3A_773 : f32 to vector<128x128xf32>
    %select_n3A_775 = arith.select %ne3A_766, %get3A_772, %broadcast_in_dim3A_774 : vector<128x128xi1>, vector<128x128xf32>
    %get3A_776 = arith.constant 11 : index
    %get3A_777 = arith.constant 0 : index
    %get3A_778 = arith.constant 0 : index
    %get3A_779 = arith.constant 0 : index
    %get3A_780 = vector.load %arg2[%get3A_776, %get3A_777, %get3A_778, %get3A_779] : memref<16x3x128x128xf32, #tpu.memory_space<vmem>>, vector<1x1x128x128xf32>
    %get3A_781 = vector.shape_cast %get3A_780 : vector<1x1x128x128xf32> to vector<128x128xf32>
    %sub3A_782 = arith.subf %select_n3A_775, %get3A_781 : vector<128x128xf32>
    %abs3A_783 = math.absf %sub3A_782 : vector<128x128xf32>
    %add3A_784 = arith.addf %add3A_757, %abs3A_783 : vector<128x128xf32>
    %ne3A_785 = arith.constant 0.000000e+00 : f32
    %ne3A_786 = vector.broadcast %ne3A_785 : f32 to vector<128x128xf32>
    %ne3A_787 = arith.cmpf one, %get3A_763, %ne3A_786 : vector<128x128xf32>
    %get3A_788 = arith.constant 11 : index
    %get3A_789 = arith.constant 1 : index
    %get3A_790 = arith.constant 0 : index
    %get3A_791 = arith.constant 0 : index
    %get3A_792 = vector.load %arg3[%get3A_788, %get3A_789, %get3A_790, %get3A_791] : memref<16x3x128x128xf32, #tpu.memory_space<vmem>>, vector<1x1x128x128xf32>
    %get3A_793 = vector.shape_cast %get3A_792 : vector<1x1x128x128xf32> to vector<128x128xf32>
    %jit3A_794 = arith.constant 0.000000e+00 : f32
    %broadcast_in_dim3A_795 = vector.broadcast %jit3A_794 : f32 to vector<128x128xf32>
    %select_n3A_796 = arith.select %ne3A_787, %get3A_793, %broadcast_in_dim3A_795 : vector<128x128xi1>, vector<128x128xf32>
    %get3A_797 = arith.constant 11 : index
    %get3A_798 = arith.constant 1 : index
    %get3A_799 = arith.constant 0 : index
    %get3A_800 = arith.constant 0 : index
    %get3A_801 = vector.load %arg2[%get3A_797, %get3A_798, %get3A_799, %get3A_800] : memref<16x3x128x128xf32, #tpu.memory_space<vmem>>, vector<1x1x128x128xf32>
    %get3A_802 = vector.shape_cast %get3A_801 : vector<1x1x128x128xf32> to vector<128x128xf32>
    %sub3A_803 = arith.subf %select_n3A_796, %get3A_802 : vector<128x128xf32>
    %abs3A_804 = math.absf %sub3A_803 : vector<128x128xf32>
    %add3A_805 = arith.addf %add3A_784, %abs3A_804 : vector<128x128xf32>
    %ne3A_806 = arith.constant 0.000000e+00 : f32
    %ne3A_807 = vector.broadcast %ne3A_806 : f32 to vector<128x128xf32>
    %ne3A_808 = arith.cmpf one, %get3A_763, %ne3A_807 : vector<128x128xf32>
    %get3A_809 = arith.constant 11 : index
    %get3A_810 = arith.constant 2 : index
    %get3A_811 = arith.constant 0 : index
    %get3A_812 = arith.constant 0 : index
    %get3A_813 = vector.load %arg3[%get3A_809, %get3A_810, %get3A_811, %get3A_812] : memref<16x3x128x128xf32, #tpu.memory_space<vmem>>, vector<1x1x128x128xf32>
    %get3A_814 = vector.shape_cast %get3A_813 : vector<1x1x128x128xf32> to vector<128x128xf32>
    %jit3A_815 = arith.constant 0.000000e+00 : f32
    %broadcast_in_dim3A_816 = vector.broadcast %jit3A_815 : f32 to vector<128x128xf32>
    %select_n3A_817 = arith.select %ne3A_808, %get3A_814, %broadcast_in_dim3A_816 : vector<128x128xi1>, vector<128x128xf32>
    %get3A_818 = arith.constant 11 : index
    %get3A_819 = arith.constant 2 : index
    %get3A_820 = arith.constant 0 : index
    %get3A_821 = arith.constant 0 : index
    %get3A_822 = vector.load %arg2[%get3A_818, %get3A_819, %get3A_820, %get3A_821] : memref<16x3x128x128xf32, #tpu.memory_space<vmem>>, vector<1x1x128x128xf32>
    %get3A_823 = vector.shape_cast %get3A_822 : vector<1x1x128x128xf32> to vector<128x128xf32>
    %sub3A_824 = arith.subf %select_n3A_817, %get3A_823 : vector<128x128xf32>
    %abs3A_825 = math.absf %sub3A_824 : vector<128x128xf32>
    %add3A_826 = arith.addf %add3A_805, %abs3A_825 : vector<128x128xf32>
    %add3A_827 = arith.addf %add3A_758, %get3A_763 : vector<128x128xf32>
    %get3A_828 = arith.constant 12 : index
    %get3A_829 = arith.constant 0 : index
    %get3A_830 = arith.constant 0 : index
    %get3A_831 = vector.load %arg1[%get3A_828, %get3A_829, %get3A_830] : memref<16x128x128xf32, #tpu.memory_space<vmem>>, vector<1x128x128xf32>
    %get3A_832 = vector.shape_cast %get3A_831 : vector<1x128x128xf32> to vector<128x128xf32>
    %ne3A_833 = arith.constant 0.000000e+00 : f32
    %ne3A_834 = vector.broadcast %ne3A_833 : f32 to vector<128x128xf32>
    %ne3A_835 = arith.cmpf one, %get3A_832, %ne3A_834 : vector<128x128xf32>
    %get3A_836 = arith.constant 12 : index
    %get3A_837 = arith.constant 0 : index
    %get3A_838 = arith.constant 0 : index
    %get3A_839 = arith.constant 0 : index
    %get3A_840 = vector.load %arg3[%get3A_836, %get3A_837, %get3A_838, %get3A_839] : memref<16x3x128x128xf32, #tpu.memory_space<vmem>>, vector<1x1x128x128xf32>
    %get3A_841 = vector.shape_cast %get3A_840 : vector<1x1x128x128xf32> to vector<128x128xf32>
    %jit3A_842 = arith.constant 0.000000e+00 : f32
    %broadcast_in_dim3A_843 = vector.broadcast %jit3A_842 : f32 to vector<128x128xf32>
    %select_n3A_844 = arith.select %ne3A_835, %get3A_841, %broadcast_in_dim3A_843 : vector<128x128xi1>, vector<128x128xf32>
    %get3A_845 = arith.constant 12 : index
    %get3A_846 = arith.constant 0 : index
    %get3A_847 = arith.constant 0 : index
    %get3A_848 = arith.constant 0 : index
    %get3A_849 = vector.load %arg2[%get3A_845, %get3A_846, %get3A_847, %get3A_848] : memref<16x3x128x128xf32, #tpu.memory_space<vmem>>, vector<1x1x128x128xf32>
    %get3A_850 = vector.shape_cast %get3A_849 : vector<1x1x128x128xf32> to vector<128x128xf32>
    %sub3A_851 = arith.subf %select_n3A_844, %get3A_850 : vector<128x128xf32>
    %abs3A_852 = math.absf %sub3A_851 : vector<128x128xf32>
    %add3A_853 = arith.addf %add3A_826, %abs3A_852 : vector<128x128xf32>
    %ne3A_854 = arith.constant 0.000000e+00 : f32
    %ne3A_855 = vector.broadcast %ne3A_854 : f32 to vector<128x128xf32>
    %ne3A_856 = arith.cmpf one, %get3A_832, %ne3A_855 : vector<128x128xf32>
    %get3A_857 = arith.constant 12 : index
    %get3A_858 = arith.constant 1 : index
    %get3A_859 = arith.constant 0 : index
    %get3A_860 = arith.constant 0 : index
    %get3A_861 = vector.load %arg3[%get3A_857, %get3A_858, %get3A_859, %get3A_860] : memref<16x3x128x128xf32, #tpu.memory_space<vmem>>, vector<1x1x128x128xf32>
    %get3A_862 = vector.shape_cast %get3A_861 : vector<1x1x128x128xf32> to vector<128x128xf32>
    %jit3A_863 = arith.constant 0.000000e+00 : f32
    %broadcast_in_dim3A_864 = vector.broadcast %jit3A_863 : f32 to vector<128x128xf32>
    %select_n3A_865 = arith.select %ne3A_856, %get3A_862, %broadcast_in_dim3A_864 : vector<128x128xi1>, vector<128x128xf32>
    %get3A_866 = arith.constant 12 : index
    %get3A_867 = arith.constant 1 : index
    %get3A_868 = arith.constant 0 : index
    %get3A_869 = arith.constant 0 : index
    %get3A_870 = vector.load %arg2[%get3A_866, %get3A_867, %get3A_868, %get3A_869] : memref<16x3x128x128xf32, #tpu.memory_space<vmem>>, vector<1x1x128x128xf32>
    %get3A_871 = vector.shape_cast %get3A_870 : vector<1x1x128x128xf32> to vector<128x128xf32>
    %sub3A_872 = arith.subf %select_n3A_865, %get3A_871 : vector<128x128xf32>
    %abs3A_873 = math.absf %sub3A_872 : vector<128x128xf32>
    %add3A_874 = arith.addf %add3A_853, %abs3A_873 : vector<128x128xf32>
    %ne3A_875 = arith.constant 0.000000e+00 : f32
    %ne3A_876 = vector.broadcast %ne3A_875 : f32 to vector<128x128xf32>
    %ne3A_877 = arith.cmpf one, %get3A_832, %ne3A_876 : vector<128x128xf32>
    %get3A_878 = arith.constant 12 : index
    %get3A_879 = arith.constant 2 : index
    %get3A_880 = arith.constant 0 : index
    %get3A_881 = arith.constant 0 : index
    %get3A_882 = vector.load %arg3[%get3A_878, %get3A_879, %get3A_880, %get3A_881] : memref<16x3x128x128xf32, #tpu.memory_space<vmem>>, vector<1x1x128x128xf32>
    %get3A_883 = vector.shape_cast %get3A_882 : vector<1x1x128x128xf32> to vector<128x128xf32>
    %jit3A_884 = arith.constant 0.000000e+00 : f32
    %broadcast_in_dim3A_885 = vector.broadcast %jit3A_884 : f32 to vector<128x128xf32>
    %select_n3A_886 = arith.select %ne3A_877, %get3A_883, %broadcast_in_dim3A_885 : vector<128x128xi1>, vector<128x128xf32>
    %get3A_887 = arith.constant 12 : index
    %get3A_888 = arith.constant 2 : index
    %get3A_889 = arith.constant 0 : index
    %get3A_890 = arith.constant 0 : index
    %get3A_891 = vector.load %arg2[%get3A_887, %get3A_888, %get3A_889, %get3A_890] : memref<16x3x128x128xf32, #tpu.memory_space<vmem>>, vector<1x1x128x128xf32>
    %get3A_892 = vector.shape_cast %get3A_891 : vector<1x1x128x128xf32> to vector<128x128xf32>
    %sub3A_893 = arith.subf %select_n3A_886, %get3A_892 : vector<128x128xf32>
    %abs3A_894 = math.absf %sub3A_893 : vector<128x128xf32>
    %add3A_895 = arith.addf %add3A_874, %abs3A_894 : vector<128x128xf32>
    %add3A_896 = arith.addf %add3A_827, %get3A_832 : vector<128x128xf32>
    %get3A_897 = arith.constant 13 : index
    %get3A_898 = arith.constant 0 : index
    %get3A_899 = arith.constant 0 : index
    %get3A_900 = vector.load %arg1[%get3A_897, %get3A_898, %get3A_899] : memref<16x128x128xf32, #tpu.memory_space<vmem>>, vector<1x128x128xf32>
    %get3A_901 = vector.shape_cast %get3A_900 : vector<1x128x128xf32> to vector<128x128xf32>
    %ne3A_902 = arith.constant 0.000000e+00 : f32
    %ne3A_903 = vector.broadcast %ne3A_902 : f32 to vector<128x128xf32>
    %ne3A_904 = arith.cmpf one, %get3A_901, %ne3A_903 : vector<128x128xf32>
    %get3A_905 = arith.constant 13 : index
    %get3A_906 = arith.constant 0 : index
    %get3A_907 = arith.constant 0 : index
    %get3A_908 = arith.constant 0 : index
    %get3A_909 = vector.load %arg3[%get3A_905, %get3A_906, %get3A_907, %get3A_908] : memref<16x3x128x128xf32, #tpu.memory_space<vmem>>, vector<1x1x128x128xf32>
    %get3A_910 = vector.shape_cast %get3A_909 : vector<1x1x128x128xf32> to vector<128x128xf32>
    %jit3A_911 = arith.constant 0.000000e+00 : f32
    %broadcast_in_dim3A_912 = vector.broadcast %jit3A_911 : f32 to vector<128x128xf32>
    %select_n3A_913 = arith.select %ne3A_904, %get3A_910, %broadcast_in_dim3A_912 : vector<128x128xi1>, vector<128x128xf32>
    %get3A_914 = arith.constant 13 : index
    %get3A_915 = arith.constant 0 : index
    %get3A_916 = arith.constant 0 : index
    %get3A_917 = arith.constant 0 : index
    %get3A_918 = vector.load %arg2[%get3A_914, %get3A_915, %get3A_916, %get3A_917] : memref<16x3x128x128xf32, #tpu.memory_space<vmem>>, vector<1x1x128x128xf32>
    %get3A_919 = vector.shape_cast %get3A_918 : vector<1x1x128x128xf32> to vector<128x128xf32>
    %sub3A_920 = arith.subf %select_n3A_913, %get3A_919 : vector<128x128xf32>
    %abs3A_921 = math.absf %sub3A_920 : vector<128x128xf32>
    %add3A_922 = arith.addf %add3A_895, %abs3A_921 : vector<128x128xf32>
    %ne3A_923 = arith.constant 0.000000e+00 : f32
    %ne3A_924 = vector.broadcast %ne3A_923 : f32 to vector<128x128xf32>
    %ne3A_925 = arith.cmpf one, %get3A_901, %ne3A_924 : vector<128x128xf32>
    %get3A_926 = arith.constant 13 : index
    %get3A_927 = arith.constant 1 : index
    %get3A_928 = arith.constant 0 : index
    %get3A_929 = arith.constant 0 : index
    %get3A_930 = vector.load %arg3[%get3A_926, %get3A_927, %get3A_928, %get3A_929] : memref<16x3x128x128xf32, #tpu.memory_space<vmem>>, vector<1x1x128x128xf32>
    %get3A_931 = vector.shape_cast %get3A_930 : vector<1x1x128x128xf32> to vector<128x128xf32>
    %jit3A_932 = arith.constant 0.000000e+00 : f32
    %broadcast_in_dim3A_933 = vector.broadcast %jit3A_932 : f32 to vector<128x128xf32>
    %select_n3A_934 = arith.select %ne3A_925, %get3A_931, %broadcast_in_dim3A_933 : vector<128x128xi1>, vector<128x128xf32>
    %get3A_935 = arith.constant 13 : index
    %get3A_936 = arith.constant 1 : index
    %get3A_937 = arith.constant 0 : index
    %get3A_938 = arith.constant 0 : index
    %get3A_939 = vector.load %arg2[%get3A_935, %get3A_936, %get3A_937, %get3A_938] : memref<16x3x128x128xf32, #tpu.memory_space<vmem>>, vector<1x1x128x128xf32>
    %get3A_940 = vector.shape_cast %get3A_939 : vector<1x1x128x128xf32> to vector<128x128xf32>
    %sub3A_941 = arith.subf %select_n3A_934, %get3A_940 : vector<128x128xf32>
    %abs3A_942 = math.absf %sub3A_941 : vector<128x128xf32>
    %add3A_943 = arith.addf %add3A_922, %abs3A_942 : vector<128x128xf32>
    %ne3A_944 = arith.constant 0.000000e+00 : f32
    %ne3A_945 = vector.broadcast %ne3A_944 : f32 to vector<128x128xf32>
    %ne3A_946 = arith.cmpf one, %get3A_901, %ne3A_945 : vector<128x128xf32>
    %get3A_947 = arith.constant 13 : index
    %get3A_948 = arith.constant 2 : index
    %get3A_949 = arith.constant 0 : index
    %get3A_950 = arith.constant 0 : index
    %get3A_951 = vector.load %arg3[%get3A_947, %get3A_948, %get3A_949, %get3A_950] : memref<16x3x128x128xf32, #tpu.memory_space<vmem>>, vector<1x1x128x128xf32>
    %get3A_952 = vector.shape_cast %get3A_951 : vector<1x1x128x128xf32> to vector<128x128xf32>
    %jit3A_953 = arith.constant 0.000000e+00 : f32
    %broadcast_in_dim3A_954 = vector.broadcast %jit3A_953 : f32 to vector<128x128xf32>
    %select_n3A_955 = arith.select %ne3A_946, %get3A_952, %broadcast_in_dim3A_954 : vector<128x128xi1>, vector<128x128xf32>
    %get3A_956 = arith.constant 13 : index
    %get3A_957 = arith.constant 2 : index
    %get3A_958 = arith.constant 0 : index
    %get3A_959 = arith.constant 0 : index
    %get3A_960 = vector.load %arg2[%get3A_956, %get3A_957, %get3A_958, %get3A_959] : memref<16x3x128x128xf32, #tpu.memory_space<vmem>>, vector<1x1x128x128xf32>
    %get3A_961 = vector.shape_cast %get3A_960 : vector<1x1x128x128xf32> to vector<128x128xf32>
    %sub3A_962 = arith.subf %select_n3A_955, %get3A_961 : vector<128x128xf32>
    %abs3A_963 = math.absf %sub3A_962 : vector<128x128xf32>
    %add3A_964 = arith.addf %add3A_943, %abs3A_963 : vector<128x128xf32>
    %add3A_965 = arith.addf %add3A_896, %get3A_901 : vector<128x128xf32>
    %get3A_966 = arith.constant 14 : index
    %get3A_967 = arith.constant 0 : index
    %get3A_968 = arith.constant 0 : index
    %get3A_969 = vector.load %arg1[%get3A_966, %get3A_967, %get3A_968] : memref<16x128x128xf32, #tpu.memory_space<vmem>>, vector<1x128x128xf32>
    %get3A_970 = vector.shape_cast %get3A_969 : vector<1x128x128xf32> to vector<128x128xf32>
    %ne3A_971 = arith.constant 0.000000e+00 : f32
    %ne3A_972 = vector.broadcast %ne3A_971 : f32 to vector<128x128xf32>
    %ne3A_973 = arith.cmpf one, %get3A_970, %ne3A_972 : vector<128x128xf32>
    %get3A_974 = arith.constant 14 : index
    %get3A_975 = arith.constant 0 : index
    %get3A_976 = arith.constant 0 : index
    %get3A_977 = arith.constant 0 : index
    %get3A_978 = vector.load %arg3[%get3A_974, %get3A_975, %get3A_976, %get3A_977] : memref<16x3x128x128xf32, #tpu.memory_space<vmem>>, vector<1x1x128x128xf32>
    %get3A_979 = vector.shape_cast %get3A_978 : vector<1x1x128x128xf32> to vector<128x128xf32>
    %jit3A_980 = arith.constant 0.000000e+00 : f32
    %broadcast_in_dim3A_981 = vector.broadcast %jit3A_980 : f32 to vector<128x128xf32>
    %select_n3A_982 = arith.select %ne3A_973, %get3A_979, %broadcast_in_dim3A_981 : vector<128x128xi1>, vector<128x128xf32>
    %get3A_983 = arith.constant 14 : index
    %get3A_984 = arith.constant 0 : index
    %get3A_985 = arith.constant 0 : index
    %get3A_986 = arith.constant 0 : index
    %get3A_987 = vector.load %arg2[%get3A_983, %get3A_984, %get3A_985, %get3A_986] : memref<16x3x128x128xf32, #tpu.memory_space<vmem>>, vector<1x1x128x128xf32>
    %get3A_988 = vector.shape_cast %get3A_987 : vector<1x1x128x128xf32> to vector<128x128xf32>
    %sub3A_989 = arith.subf %select_n3A_982, %get3A_988 : vector<128x128xf32>
    %abs3A_990 = math.absf %sub3A_989 : vector<128x128xf32>
    %add3A_991 = arith.addf %add3A_964, %abs3A_990 : vector<128x128xf32>
    %ne3A_992 = arith.constant 0.000000e+00 : f32
    %ne3A_993 = vector.broadcast %ne3A_992 : f32 to vector<128x128xf32>
    %ne3A_994 = arith.cmpf one, %get3A_970, %ne3A_993 : vector<128x128xf32>
    %get3A_995 = arith.constant 14 : index
    %get3A_996 = arith.constant 1 : index
    %get3A_997 = arith.constant 0 : index
    %get3A_998 = arith.constant 0 : index
    %get3A_999 = vector.load %arg3[%get3A_995, %get3A_996, %get3A_997, %get3A_998] : memref<16x3x128x128xf32, #tpu.memory_space<vmem>>, vector<1x1x128x128xf32>
    %get3A_1000 = vector.shape_cast %get3A_999 : vector<1x1x128x128xf32> to vector<128x128xf32>
    %jit3A_1001 = arith.constant 0.000000e+00 : f32
    %broadcast_in_dim3A_1002 = vector.broadcast %jit3A_1001 : f32 to vector<128x128xf32>
    %select_n3A_1003 = arith.select %ne3A_994, %get3A_1000, %broadcast_in_dim3A_1002 : vector<128x128xi1>, vector<128x128xf32>
    %get3A_1004 = arith.constant 14 : index
    %get3A_1005 = arith.constant 1 : index
    %get3A_1006 = arith.constant 0 : index
    %get3A_1007 = arith.constant 0 : index
    %get3A_1008 = vector.load %arg2[%get3A_1004, %get3A_1005, %get3A_1006, %get3A_1007] : memref<16x3x128x128xf32, #tpu.memory_space<vmem>>, vector<1x1x128x128xf32>
    %get3A_1009 = vector.shape_cast %get3A_1008 : vector<1x1x128x128xf32> to vector<128x128xf32>
    %sub3A_1010 = arith.subf %select_n3A_1003, %get3A_1009 : vector<128x128xf32>
    %abs3A_1011 = math.absf %sub3A_1010 : vector<128x128xf32>
    %add3A_1012 = arith.addf %add3A_991, %abs3A_1011 : vector<128x128xf32>
    %ne3A_1013 = arith.constant 0.000000e+00 : f32
    %ne3A_1014 = vector.broadcast %ne3A_1013 : f32 to vector<128x128xf32>
    %ne3A_1015 = arith.cmpf one, %get3A_970, %ne3A_1014 : vector<128x128xf32>
    %get3A_1016 = arith.constant 14 : index
    %get3A_1017 = arith.constant 2 : index
    %get3A_1018 = arith.constant 0 : index
    %get3A_1019 = arith.constant 0 : index
    %get3A_1020 = vector.load %arg3[%get3A_1016, %get3A_1017, %get3A_1018, %get3A_1019] : memref<16x3x128x128xf32, #tpu.memory_space<vmem>>, vector<1x1x128x128xf32>
    %get3A_1021 = vector.shape_cast %get3A_1020 : vector<1x1x128x128xf32> to vector<128x128xf32>
    %jit3A_1022 = arith.constant 0.000000e+00 : f32
    %broadcast_in_dim3A_1023 = vector.broadcast %jit3A_1022 : f32 to vector<128x128xf32>
    %select_n3A_1024 = arith.select %ne3A_1015, %get3A_1021, %broadcast_in_dim3A_1023 : vector<128x128xi1>, vector<128x128xf32>
    %get3A_1025 = arith.constant 14 : index
    %get3A_1026 = arith.constant 2 : index
    %get3A_1027 = arith.constant 0 : index
    %get3A_1028 = arith.constant 0 : index
    %get3A_1029 = vector.load %arg2[%get3A_1025, %get3A_1026, %get3A_1027, %get3A_1028] : memref<16x3x128x128xf32, #tpu.memory_space<vmem>>, vector<1x1x128x128xf32>
    %get3A_1030 = vector.shape_cast %get3A_1029 : vector<1x1x128x128xf32> to vector<128x128xf32>
    %sub3A_1031 = arith.subf %select_n3A_1024, %get3A_1030 : vector<128x128xf32>
    %abs3A_1032 = math.absf %sub3A_1031 : vector<128x128xf32>
    %add3A_1033 = arith.addf %add3A_1012, %abs3A_1032 : vector<128x128xf32>
    %add3A_1034 = arith.addf %add3A_965, %get3A_970 : vector<128x128xf32>
    %get3A_1035 = arith.constant 15 : index
    %get3A_1036 = arith.constant 0 : index
    %get3A_1037 = arith.constant 0 : index
    %get3A_1038 = vector.load %arg1[%get3A_1035, %get3A_1036, %get3A_1037] : memref<16x128x128xf32, #tpu.memory_space<vmem>>, vector<1x128x128xf32>
    %get3A_1039 = vector.shape_cast %get3A_1038 : vector<1x128x128xf32> to vector<128x128xf32>
    %ne3A_1040 = arith.constant 0.000000e+00 : f32
    %ne3A_1041 = vector.broadcast %ne3A_1040 : f32 to vector<128x128xf32>
    %ne3A_1042 = arith.cmpf one, %get3A_1039, %ne3A_1041 : vector<128x128xf32>
    %get3A_1043 = arith.constant 15 : index
    %get3A_1044 = arith.constant 0 : index
    %get3A_1045 = arith.constant 0 : index
    %get3A_1046 = arith.constant 0 : index
    %get3A_1047 = vector.load %arg3[%get3A_1043, %get3A_1044, %get3A_1045, %get3A_1046] : memref<16x3x128x128xf32, #tpu.memory_space<vmem>>, vector<1x1x128x128xf32>
    %get3A_1048 = vector.shape_cast %get3A_1047 : vector<1x1x128x128xf32> to vector<128x128xf32>
    %jit3A_1049 = arith.constant 0.000000e+00 : f32
    %broadcast_in_dim3A_1050 = vector.broadcast %jit3A_1049 : f32 to vector<128x128xf32>
    %select_n3A_1051 = arith.select %ne3A_1042, %get3A_1048, %broadcast_in_dim3A_1050 : vector<128x128xi1>, vector<128x128xf32>
    %get3A_1052 = arith.constant 15 : index
    %get3A_1053 = arith.constant 0 : index
    %get3A_1054 = arith.constant 0 : index
    %get3A_1055 = arith.constant 0 : index
    %get3A_1056 = vector.load %arg2[%get3A_1052, %get3A_1053, %get3A_1054, %get3A_1055] : memref<16x3x128x128xf32, #tpu.memory_space<vmem>>, vector<1x1x128x128xf32>
    %get3A_1057 = vector.shape_cast %get3A_1056 : vector<1x1x128x128xf32> to vector<128x128xf32>
    %sub3A_1058 = arith.subf %select_n3A_1051, %get3A_1057 : vector<128x128xf32>
    %abs3A_1059 = math.absf %sub3A_1058 : vector<128x128xf32>
    %add3A_1060 = arith.addf %add3A_1033, %abs3A_1059 : vector<128x128xf32>
    %ne3A_1061 = arith.constant 0.000000e+00 : f32
    %ne3A_1062 = vector.broadcast %ne3A_1061 : f32 to vector<128x128xf32>
    %ne3A_1063 = arith.cmpf one, %get3A_1039, %ne3A_1062 : vector<128x128xf32>
    %get3A_1064 = arith.constant 15 : index
    %get3A_1065 = arith.constant 1 : index
    %get3A_1066 = arith.constant 0 : index
    %get3A_1067 = arith.constant 0 : index
    %get3A_1068 = vector.load %arg3[%get3A_1064, %get3A_1065, %get3A_1066, %get3A_1067] : memref<16x3x128x128xf32, #tpu.memory_space<vmem>>, vector<1x1x128x128xf32>
    %get3A_1069 = vector.shape_cast %get3A_1068 : vector<1x1x128x128xf32> to vector<128x128xf32>
    %jit3A_1070 = arith.constant 0.000000e+00 : f32
    %broadcast_in_dim3A_1071 = vector.broadcast %jit3A_1070 : f32 to vector<128x128xf32>
    %select_n3A_1072 = arith.select %ne3A_1063, %get3A_1069, %broadcast_in_dim3A_1071 : vector<128x128xi1>, vector<128x128xf32>
    %get3A_1073 = arith.constant 15 : index
    %get3A_1074 = arith.constant 1 : index
    %get3A_1075 = arith.constant 0 : index
    %get3A_1076 = arith.constant 0 : index
    %get3A_1077 = vector.load %arg2[%get3A_1073, %get3A_1074, %get3A_1075, %get3A_1076] : memref<16x3x128x128xf32, #tpu.memory_space<vmem>>, vector<1x1x128x128xf32>
    %get3A_1078 = vector.shape_cast %get3A_1077 : vector<1x1x128x128xf32> to vector<128x128xf32>
    %sub3A_1079 = arith.subf %select_n3A_1072, %get3A_1078 : vector<128x128xf32>
    %abs3A_1080 = math.absf %sub3A_1079 : vector<128x128xf32>
    %add3A_1081 = arith.addf %add3A_1060, %abs3A_1080 : vector<128x128xf32>
    %ne3A_1082 = arith.constant 0.000000e+00 : f32
    %ne3A_1083 = vector.broadcast %ne3A_1082 : f32 to vector<128x128xf32>
    %ne3A_1084 = arith.cmpf one, %get3A_1039, %ne3A_1083 : vector<128x128xf32>
    %get3A_1085 = arith.constant 15 : index
    %get3A_1086 = arith.constant 2 : index
    %get3A_1087 = arith.constant 0 : index
    %get3A_1088 = arith.constant 0 : index
    %get3A_1089 = vector.load %arg3[%get3A_1085, %get3A_1086, %get3A_1087, %get3A_1088] : memref<16x3x128x128xf32, #tpu.memory_space<vmem>>, vector<1x1x128x128xf32>
    %get3A_1090 = vector.shape_cast %get3A_1089 : vector<1x1x128x128xf32> to vector<128x128xf32>
    %jit3A_1091 = arith.constant 0.000000e+00 : f32
    %broadcast_in_dim3A_1092 = vector.broadcast %jit3A_1091 : f32 to vector<128x128xf32>
    %select_n3A_1093 = arith.select %ne3A_1084, %get3A_1090, %broadcast_in_dim3A_1092 : vector<128x128xi1>, vector<128x128xf32>
    %get3A_1094 = arith.constant 15 : index
    %get3A_1095 = arith.constant 2 : index
    %get3A_1096 = arith.constant 0 : index
    %get3A_1097 = arith.constant 0 : index
    %get3A_1098 = vector.load %arg2[%get3A_1094, %get3A_1095, %get3A_1096, %get3A_1097] : memref<16x3x128x128xf32, #tpu.memory_space<vmem>>, vector<1x1x128x128xf32>
    %get3A_1099 = vector.shape_cast %get3A_1098 : vector<1x1x128x128xf32> to vector<128x128xf32>
    %sub3A_1100 = arith.subf %select_n3A_1093, %get3A_1099 : vector<128x128xf32>
    %abs3A_1101 = math.absf %sub3A_1100 : vector<128x128xf32>
    %add3A_1102 = arith.addf %add3A_1081, %abs3A_1101 : vector<128x128xf32>
    %add3A_1103 = arith.addf %add3A_1034, %get3A_1039 : vector<128x128xf32>
    %swap3A = arith.constant 0 : index
    %swap3A_1104 = arith.constant 0 : index
    %swap3A_1105 = vector.load %arg6[%swap3A, %swap3A_1104] : memref<128x128xf32, #tpu.memory_space<vmem>>, vector<128x128xf32>
    tpu.vector_store %arg6[%swap3A, %swap3A_1104], %add3A_1102 {strides = array<i32>} : memref<128x128xf32, #tpu.memory_space<vmem>>, vector<128x128xf32>,
    %swap3A_1106 = arith.constant 0 : index
    %swap3A_1107 = arith.constant 0 : index
    %swap3A_1108 = vector.load %arg7[%swap3A_1106, %swap3A_1107] : memref<128x128xf32, #tpu.memory_space<vmem>>, vector<128x128xf32>
    tpu.vector_store %arg7[%swap3A_1106, %swap3A_1107], %add3A_1103 {strides = array<i32>} : memref<128x128xf32, #tpu.memory_space<vmem>>, vector<128x128xf32>,
    %eq3A_1109 = arith.constant 3 : i32
    %eq3A_1110 = arith.cmpi eq, %arg0, %eq3A_1109 : i32
    %convert_element_type3A_1111 = arith.extui %eq3A_1110 : i1 to i32
    %cond3A_1112 = arith.constant 0 : i32
    %cond3A_1113 = arith.cmpi ne, %convert_element_type3A_1111, %cond3A_1112 : i32
    scf.if %cond3A_1113 {
      %get3A_1114 = arith.constant 0 : index
      %get3A_1115 = arith.constant 0 : index
      %get3A_1116 = vector.load %arg6[%get3A_1114, %get3A_1115] : memref<128x128xf32, #tpu.memory_space<vmem>>, vector<128x128xf32>
      %reduce_sum3A = vector.shape_cast %get3A_1116 : vector<128x128xf32> to vector<1x128x128xf32>
      %reduce_sum3A_1117 = arith.constant dense<0.000000e+00> : vector<1xf32>
      %reduce_sum3A_1118 = vector.multi_reduction <add>, %reduce_sum3A, %reduce_sum3A_1117 [1, 2] : vector<1x128x128xf32> to vector<1xf32>
      %reduce_sum3A_1119 = vector.shape_cast %reduce_sum3A_1118 : vector<1xf32> to vector<1x1x1xf32>
      %reduce_sum3A_1120 = vector.extract %reduce_sum3A_1119[0, 0, 0] : f32 from vector<1x1x1xf32>
      %swap3A_1121 = arith.constant 0 : index
      %swap3A_1122 = arith.constant 0 : index
      %swap3A_1123 = memref.load %arg4[%swap3A_1121, %swap3A_1122] : memref<1x1xf32, #tpu.memory_space<smem>>
      memref.store %reduce_sum3A_1120, %arg4[%swap3A_1121, %swap3A_1122] : memref<1x1xf32, #tpu.memory_space<smem>>
      %get3A_1124 = arith.constant 0 : index
      %get3A_1125 = arith.constant 0 : index
      %get3A_1126 = vector.load %arg7[%get3A_1124, %get3A_1125] : memref<128x128xf32, #tpu.memory_space<vmem>>, vector<128x128xf32>
      %reduce_sum3A_1127 = vector.shape_cast %get3A_1126 : vector<128x128xf32> to vector<1x128x128xf32>
      %reduce_sum3A_1128 = arith.constant dense<0.000000e+00> : vector<1xf32>
      %reduce_sum3A_1129 = vector.multi_reduction <add>, %reduce_sum3A_1127, %reduce_sum3A_1128 [1, 2] : vector<1x128x128xf32> to vector<1xf32>
      %reduce_sum3A_1130 = vector.shape_cast %reduce_sum3A_1129 : vector<1xf32> to vector<1x1x1xf32>
      %reduce_sum3A_1131 = vector.extract %reduce_sum3A_1130[0, 0, 0] : f32 from vector<1x1x1xf32>
      %swap3A_1132 = arith.constant 0 : index
      %swap3A_1133 = arith.constant 0 : index
      %swap3A_1134 = memref.load %arg5[%swap3A_1132, %swap3A_1133] : memref<1x1xf32, #tpu.memory_space<smem>>
      memref.store %reduce_sum3A_1131, %arg5[%swap3A_1132, %swap3A_1133] : memref<1x1xf32, #tpu.memory_space<smem>>
    } else {
    }
    return
  }
  func.func @transform_0(%arg0: i32) -> (i32, i32, i32) {
    %c0_i32 = arith.constant 0 : i32
    %c0_i32_0 = arith.constant 0 : i32
    %c0_i32_1 = arith.constant 0 : i32
    return %arg0, %c0_i32, %c0_i32_0 : i32, i32, i32
  }
  func.func @transform_1(%arg0: i32) -> (i32, i32, i32, i32) {
    %c0_i32 = arith.constant 0 : i32
    %c0_i32_0 = arith.constant 0 : i32
    %c0_i32_1 = arith.constant 0 : i32
    %c0_i32_2 = arith.constant 0 : i32
    return %arg0, %c0_i32, %c0_i32_0, %c0_i32_1 : i32, i32, i32, i32
  }
  func.func @transform_2(%arg0: i32) -> (i32, i32, i32, i32) {
    %c0_i32 = arith.constant 0 : i32
    %c0_i32_0 = arith.constant 0 : i32
    %c0_i32_1 = arith.constant 0 : i32
    %c0_i32_2 = arith.constant 0 : i32
    return %arg0, %c0_i32, %c0_i32_0, %c0_i32_1 : i32, i32, i32, i32
  }
  func.func @transform_3(%arg0: i32) -> (i32, i32) {
    %c0_i32 = arith.constant 0 : i32
    %c0_i32_0 = arith.constant 0 : i32
    %c0_i32_1 = arith.constant 0 : i32
    return %c0_i32, %c0_i32_0 : i32, i32
  }
  func.func @transform_4(%arg0: i32) -> (i32, i32) {
    %c0_i32 = arith.constant 0 : i32
    %c0_i32_0 = arith.constant 0 : i32
    %c0_i32_1 = arith.constant 0 : i32
    return %c0_i32, %c0_i32_0 : i32, i32
  }
}

</mosaic_0001>

<sc_bundles>
// kernel: kernel.5.cloned.1.call-start
scs
__scs_entry_jumppad:
0x0: {  	(pc) =	sbr.rel $0x88, $3  }
0x1: {  	(tag) =	ssettag $0x0;
	lr =	simm.s32 $0x1  }
0x2: {  	[smem:$0x3F9B] =	sst lr;
	_ =	strace $0xD0000000  }
0x3: {  	_ = 	snop  }
0x4: {  	_ = 	snop  }
0x5: {  	_ = 	snop  }
0x6: {  	_ = 	snop  }
0x7: {  	_ = 	snop  }
__scs_overlays_trampoline_lowered:
0x8: {  	[smem:$0x3FAA] =	sst s0  }
0x9: {  	[smem:$0x3FAB] =	sst s1  }
0xa: {  	[smem:$0x3FAC] =	sst s2  }
0xb: {  	[smem:$0x3FAD] =	sst s3  }
0xc: {  	[smem:$0x3FAE] =	sst s4  }
0xd: {  	[smem:$0x3FAF] =	sst s5  }
0xe: {  	[smem:$0x3FB0] =	sst s6  }
0xf: {  	[smem:$0x3FB1] =	sst s7  }
0x10: {  	[smem:$0x3FB2] =	sst s8  }
0x11: {  	[smem:$0x3FB3] =	sst s9;
	s0 =	simm.s32 @!p0 $0x0  }
0x12: {  	s1 =	sld [smem:$0x3F99];
	s0 =	simm.s32 @p0 $0x1  }
0x13: {  	[smem:$0x3FB4] =	sst s0;
	s0 =	simm.s32 @!p1 $0x0  }
0x14: {  	s2 =	sld [smem:$0x3F98];
	s0 =	simm.s32 @p1 $0x1  }
0x15: {  	[smem:$0x3FB5] =	sst s0;
	s0 =	simm.s32 @!p2 $0x0  }
0x16: {  	s3 =	sld [smem:$0x3FDB];
	s0 =	simm.s32 @p2 $0x1  }
0x17: {  	s4 =	simm.s32 $0x1BF5;
	[smem:$0x3FB7] =	sst s0  }
0x18: {  	s0 =	sld [smem:$0x3F9A];
	_ =	swait.ge [sflag:s4], $0x0  }
0x19: {  	s7 =	sld [smem:$0x3F9B]  }
0x1a: {  	s8 =	sadd.s32 $0xFFFFE003, lr  }
0x1b: {  	s9 =	sadd.s32 $0xFFFFFEF7, lr;
	s5 =	simm.s32 $0xFFFFFFFF;
	p2 =	slt.u32 s8, $0xFFFFF086  }
0x1c: {  	p1 =	slt.u32 s9, $0xF7A;
	s5 =	simm.s32 @!p2 $0x0  }
0x1d: {  	s5 =	simm.s32 @p1 $0x1;
	p0 =	seq.s32 s7, s2  }
0x1e: {  	s7 =	smul.u32 @!p0 $0xF7A, s2;
	p2 =	seq.s32 @!p0 s5, $0x0  }
0x1f: {  	s9 =	smul.u32 $0xF7A, s1;
	s8 =	simm.s32 @!p0 $0x1BF5;
	p2 =	por !p2, p0  }
0x20: {  	[sflag:s8] =	ssyncset.s32 @!p0 $0xFFFFF086;
	s6 =	sadd.s32 @!p0 s3, s7;
	s7 =	simm.s32 @!p0 $0x108  }
0x21: {  	s3 =	sadd.s32 s3, s9;
	s6 =	sadd.s32 @!p0 $0x88, s6;
	s7 =	simm.s32 @p2 $0x1082  }
0x22: {  	[simem:s7], [sflag:s8] =	dma.local @!p0 [hbm:s6], $0xF7A  }
0x23: {  	s9 =	sor.u32 $0xD0000000, s2;
	s6 =	simm.s32 $0x108;
	_ =	swait.ge @!p0 [sflag:s8], $0x0  }
0x24: {  	s3 =	sadd.s32 $0x88, s3;
	s6 =	simm.s32 @!p1 $0x1082;
	[sflag:s4] =	ssyncset.s32 $0xFFFFF086  }
0x25: {  	[simem:s6], [sflag:s4] =	dma.local [hbm:s3], $0xF7A  }
0x26: {  	[smem:$0x3F9B] =	sst s1;
	(tag) =	ssettag s2;
	_ =	strace s9  }
0x27: {  	s1 =	sld [smem:$0x3FAB]  }
0x28: {  	s2 =	sld [smem:$0x3FAC]  }
0x29: {  	s4 =	sld [smem:$0x3FAE]  }
0x2a: {  	p0 =	seq.s32 s5, $0x0;
	s5 =	sld [smem:$0x3FAF]  }
0x2b: {  	s6 =	sld [smem:$0x3FB0]  }
0x2c: {  	s7 =	sld [smem:$0x3FB1]  }
0x2d: {  	s3 =	simm.s32 $0x108;
	s8 =	sld [smem:$0x3FB2]  }
0x2e: {  	s3 =	simm.s32 @!p0 $0x1082;
	s9 =	sld [smem:$0x3FB3]  }
0x2f: {  	lr =	sadd.s32 s0, s3;
	s0 =	sld [smem:$0x3FAA]  }
0x30: {  	s3 =	sld [smem:$0x3FAD]  }
0x31: {  	[smem:$0x3FB6] =	sst s10  }
0x32: {  	s10 =	sld [smem:$0x3FB4];
	_ =	sdelay $0x3  }
0x33: {  	p0 =	seq.s32 s10, $0x1;
	s10 =	sld [smem:$0x3FB6];
	_ =	sdelay $0x3  }
0x34: {  	[smem:$0x3FB6] =	sst s10  }
0x35: {  	s10 =	sld [smem:$0x3FB5];
	_ =	sdelay $0x3  }
0x36: {  	p1 =	seq.s32 s10, $0x1;
	s10 =	sld [smem:$0x3FB6];
	_ =	sdelay $0x3  }
0x37: {  	[smem:$0x3FB6] =	sst s10  }
0x38: {  	s10 =	sld [smem:$0x3FB7]  }
0x39: {  	_ = 	snop;
	(pc) =	sbr.ind lr, $3  }
0x3a: {  	_ = 	snop  }
0x3b: {  	_ = 	snop  }
0x3c: {  	p2 =	seq.s32 s10, $0x1;
	s10 =	sld [smem:$0x3FB6]  }
0x3d: {  	_ =	shalt  }
0x3e: {  	_ =	shalt  }
0x3f: {  	_ =	shalt  }
0x40: {  	_ =	shalt  }
0x41: {  	_ =	shalt  }
0x42: {  	_ =	shalt  }
0x43: {  	_ =	shalt  }
0x44: {  	_ =	shalt  }
0x45: {  	_ =	shalt  }
0x46: {  	_ =	shalt  }
0x47: {  	_ =	shalt  }
0x48: {  	_ =	shalt  }
0x49: {  	_ =	shalt  }
0x4a: {  	_ =	shalt  }
0x4b: {  	_ =	shalt  }
0x4c: {  	_ =	shalt  }
0x4d: {  	_ =	shalt  }
0x4e: {  	_ =	shalt  }
0x4f: {  	_ =	shalt  }
0x50: {  	_ =	shalt  }
0x51: {  	_ =	shalt  }
0x52: {  	_ =	shalt  }
0x53: {  	_ =	shalt  }
0x54: {  	_ =	shalt  }
0x55: {  	_ =	shalt  }
0x56: {  	_ =	shalt  }
0x57: {  	_ =	shalt  }
0x58: {  	_ =	shalt  }
0x59: {  	_ =	shalt  }
0x5a: {  	_ =	shalt  }
0x5b: {  	_ =	shalt  }
0x5c: {  	_ =	shalt  }
0x5d: {  	_ =	shalt  }
0x5e: {  	_ =	shalt  }
0x5f: {  	_ =	shalt  }
0x60: {  	_ =	shalt  }
0x61: {  	_ =	shalt  }
0x62: {  	_ =	shalt  }
0x63: {  	_ =	shalt  }
0x64: {  	_ =	shalt  }
0x65: {  	_ =	shalt  }
0x66: {  	_ =	shalt  }
0x67: {  	_ =	shalt  }
0x68: {  	_ =	shalt  }
0x69: {  	_ =	shalt  }
0x6a: {  	_ =	shalt  }
0x6b: {  	_ =	shalt  }
0x6c: {  	_ =	shalt  }
0x6d: {  	_ =	shalt  }
0x6e: {  	_ =	shalt  }
0x6f: {  	_ =	shalt  }
0x70: {  	_ =	shalt  }
0x71: {  	_ =	shalt  }
0x72: {  	_ =	shalt  }
0x73: {  	_ =	shalt  }
0x74: {  	_ =	shalt  }
0x75: {  	_ =	shalt  }
0x76: {  	_ =	shalt  }
0x77: {  	_ =	shalt  }
0x78: {  	_ =	shalt  }
0x79: {  	_ =	shalt  }
0x7a: {  	_ =	shalt  }
0x7b: {  	_ =	shalt  }
0x7c: {  	_ =	shalt  }
0x7d: {  	_ =	shalt  }
0x7e: {  	_ =	shalt  }
0x7f: {  	_ =	shalt  }
0x80: {  	_ =	shalt  }
0x81: {  	_ =	shalt  }
0x82: {  	_ =	shalt  }
0x83: {  	_ =	shalt  }
0x84: {  	_ =	shalt  }
0x85: {  	_ =	shalt  }
0x86: {  	_ =	shalt  }
0x87: {  	_ =	shalt  }
.Lfunc_end0:
.L_simem_size_0:
called_computation_lowered:
.L_overlay_start_0:
0x88: {  	s2 =	sld [smem:$0x3FD9]  }
0x89: {  	s3 =	sld [smem:$0x3FFE];
	_ =	sdelay $0x1  }
0x8a: {  	s1 =	srdreg.scid  }
0x8b: {  	s0 =	sand.u32 $0x1, s1  }
0x8c: {  	s17 =	sshll.u32 s0, $0xA;
	s2 =	sadd.s32 s3, s2  }
0x8d: {  	s2 =	sadd.s32 s2, s17  }
0x8e: {  	[smem:$0x3FC2] =	sst s2  }
0x8f: {  	_ = 	snop  }
0x90: {  	s2 =	sld [smem:$0x3FC7]  }
0x91: {  	s18 =	sld [smem:$0x3FC6];
	(tm) =	ssettm $0x1  }
0x92: {  	s4 =	sld [smem:$0x3FFB];
	_ =	sdelay $0x3  }
0x93: {  	_ =	strace s4  }
0x94: {  	s4 =	sld [smem:$0x3FFC];
	_ =	sdelay $0x3  }
0x95: {  	_ =	strace s4  }
0x96: {  	s4 =	sld [smem:$0x3FFD];
	_ =	sdelay $0x3  }
0x97: {  	_ =	strace s4  }
0x98: {  	_ =	strace $0x8FFFFFFF  }
0x99: {  	s19 =	sld [smem:$0x3FDB];
	_ =	sdelay $0x1  }
0x9a: {  	s5 =	simm.s32 $_scs_section_size  }
0x9b: {  	s6 =	simm.s32 $_size__tile_overlayer_lowered;
	s7 =	simm.s32 $_tile_overlayer_lowered  }
0x9c: {  	s22 =	simm.s32 $0x1BFF;
	s21 =	sshll.u32 s7, $0x1;
	s4 =	sadd.s32 s5, s19  }
0x9d: {  	s8 =	simm.s32 $0x0;
	s20 =	sshll.u32 s6, $0x1;
	s6 =	sadd.s32 s21, s4  }
0x9e: {  	[timem:s8], [sflag:s22] =	dma.local [hbm:s6], s20  }
0x9f: {  	_ =	swait.ge [sflag:s22], s20  }
0xa0: {  	s5 =	ssub.s32 $0x0, s20;
	[sflag:s22] =	ssyncset.done $0x0  }
0xa1: {  	[sflag:s22] =	ssyncadd.s32 s5;
	_ =	sdelay $0x1  }
0xa2: {  	s23 =	simm.s32 $0x1B8B  }
0xa3: {  	_ =	swait.ge [sflag:s23], $0x1  }
0xa4: {  	[sflag:s23] =	ssyncset.done $0x0  }
0xa5: {  	s25 =	simm.s32 $0x1B8E;
	s24 =	sld [smem:$0x3FFE];
	[sflag:s23] =	ssyncadd.s32 $0xFFFFFFFF  }
0xa6: {  	s26 =	simm.s32 $execute0_lowered;
	[smem:$0x3FD2] =	sst s25  }
0xa7: {  	s6 =	sshll.u32 s26, $0x1;
	_ =	strace $0x80000046;
	[dreg:$0x1] =	wrdreg $0xFFFFFFFF  }
0xa8: {  	s28 =	simm.s32 $_size_execute0_lowered;
	s4 =	sadd.s32 s4, s6;
	[dreg:$0x0] =	wrdreg $0x0  }
0xa9: {  	s6 =	sshll.u32 s28, $0x1;
	[dreg:$0x2] =	wrdreg s4  }
0xaa: {  	[dreg:$0x3] =	wrdreg s6  }
0xab: {  	[dreg:$0x4] =	wrdreg $0xC0  }
0xac: {  	_ =	task [dreg:s8], $0x5FFFF  }
0xad: {  	[dreg:$0x1] =	wrdreg $0xFFFFFFFF  }
0xae: {  	[dreg:$0x0] =	wrdreg $0x60  }
0xaf: {  	[dreg:$0x2] =	wrdreg s2  }
0xb0: {  	[dreg:$0x3] =	wrdreg s18  }
0xb1: {  	[dreg:$0x4] =	wrdreg s24  }
0xb2: {  	[dreg:$0x5] =	wrdreg $0x9  }
0xb3: {  	_ =	task.clear_ibuf [dreg:s8], $0x6FFFF;
	_ =	strace $0x90000046  }
0xb4: {  	s29 =	simm.s32 $0x9;
	_ =	strace $0x80000048  }
0xb5: {  	_ =	swait.ge [sflag:s29], $0x1  }
0xb6: {  	[sflag:s29] =	ssyncadd.s32 $0xFFFFFFFF  }
0xb7: {  	_ =	strace $0x90000048  }
0xb8: {  	_ =	sfence  }
0xb9: {  	s30 =	sld [smem:$0x0];
	_ =	sdelay $0x2  }
0xba: {  	s31 =	sshll.u32 s1, $0xD;
	s1 =	sshrl.u32 s1, $0x2  }
0xbb: {  	s3 =	sand.u32 $0x4000, s31;
	s1 =	sadd.s32 s1, s30  }
0xbc: {  	s0 =	sor.u32 s3, s0;
	s1 =	sshll.u32 s1, $0x11  }
0xbd: {  	s0 =	sor.u32 s1, s0  }
0xbe: {  	s0 =	sadd.s32 $0x8F2B, s0  }
0xbf: {  	[sflag:s0] =	ssyncadd.remote.s32 $0x1  }
0xc0: {  	_ =	sfence.sel $0xFFFF  }
0xc1: {  	[dreg:$0x0] =	wrdreg $0xFFFFFFFF;
	(pc) =	sbr.abs _section_cstart, $3  }
0xc2: {  	[dreg:$0x1] =	wrdreg $0xFFFFFFFF  }
0xc3: {  	_ =	task.clear_ibuf [dreg:s8], $0x2FFFF;
	_ =	strace $0x9FFFFFFF  }
0xc4: {  	(tm) =	ssettm $0x7FFFFFFF  }
0xc5: {  	_ =	shalt  }
tec
execute0_lowered:
.L_overlay_start_1:
0x0: {  	(tag) =	ssettag $0x1  }
0x1: {  	s2 =	stileid.u32  }
0x2: {  	p0 =	sgt.u32 s2, $0xB  }
.Ltmp0:
0x3: {  	_ = 	snop;
	(pc) =	sbr.rel @p0 .LBB2_3-.Ltmp0, $4  }
0x4: {  	s1 =	rddreg [dreg:$0x0]  }
0x5: {  	s3 =	rddreg [dreg:$0x1];
	s4 =	simm.s32 $0x0  }
0x6: {  	[smem:$0x7FF] =	sst s4  }
0x7: {  	s0 =	rddreg [dreg:$0x2];
	_ =	strace $0x80000047  }
0x8: {  	s2 =	srdreg.scid;
	s22 =	stileid.u32  }
0x9: {  	s13 =	sand.u32 $0x1, s2;
	s2 =	sshll.u32 s22, $0x1  }
0xa: {  	s10 =	sadd.s32 $0x1200, s0;
	s14 =	sor.u32 s13, s2  }
0xb: {  	s29 =	simm.s32 $0x900;
	s13 =	ssub.s32 $0x2, s13;
	s2 =	smul.u32 $0x558, s14  }
0xc: {  	s11 =	sshll.u32 s14, $0x3;
	s5 =	sshll.u32 s14, $0x9;
	s28 =	sshll.u32 s14, $0x11  }
0xd: {  	s14 =	sshllo.u32 s14, $0x3;
	s6 =	sor.u32 $0x1, s11;
	s15 =	sadd.s32 s5, s0  }
0xe: {  	s7 =	sor.u32 $0x2, s11;
	s25 =	sor.u32 $0x3, s11;
	s23 =	smul.u32 $0xAB, s6  }
0xf: {  	s16 =	sor.u32 $0x4, s11;
	s19 =	sor.u32 $0x5, s11;
	s8 =	smul.u32 $0xAB, s7  }
0x10: {  	s11 =	sor.u32 $0x6, s11;
	v0 =	vmov s28;
	s28 =	simm.s32 $0x880;
	s9 =	smul.u32 $0xAB, s25  }
0x11: {  	s2 =	sshrl.u32 s2, $0x9;
	s26 =	sshll.u32 s6, $0xE;
	s17 =	smul.u32 $0xAB, s16  }
0x12: {  	s31 =	sshll.u32 s7, $0xE;
	s30 =	sshll.u32 s16, $0xE;
	s22 =	sadd.s32 $0x1A00, s15  }
0x13: {  	s15 =	sadd.s32 $0x1B00, s15;
	s16 =	simm.s32 $0x1480;
	[dreg:$0x4] =	wrdreg s22  }
0x14: {  	s12 =	smin.u32 s2, $0x3C;
	[dreg:$0x5] =	wrdreg s15;
	s15 =	simm.s32 $0xC80  }
0x15: {  	[dreg:$0xa] =	wrdreg s16;
	s16 =	sshll.u32 s11, $0xE;
	s22 =	simm.s32 $0xD00  }
0x16: {  	v1 =	vmov s26;
	s26 =	simm.s32 $0x800;
	v2 =	vmov s31;
	v4 =	vmov s30;
	s30 =	simm.s32 $0x980;
	s31 =	simm.s32 $0xA00  }
0x17: {  	s2 =	ssub.s32 s2, s12;
	s0 =	sshrl.u32 s23, $0x9;
	s24 =	sshrl.u32 s8, $0x9  }
0x18: {  	s9 =	sshrl.u32 s9, $0x9;
	s17 =	sshrl.u32 s17, $0x9;
	[dreg:$0x9] =	wrdreg s15  }
0x19: {  	s23 =	sshll.u32 s12, $0x5;
	[dreg:$0xd] =	wrdreg s22;
	s15 =	simm.s32 $0xD80  }
0x1a: {  	s22 =	simm.s32 $0xE00;
	v6 =	vmov s16;
	s16 =	simm.s32 $0xB80;
	s2 =	sshll.u32 s2, $0xA  }
0x1b: {  	s0 =	sand.u32 $0x7F, s0;
	s18 =	sand.u32 $0x7F, s17;
	s17 =	sshll.u32 s19, $0xE  }
0x1c: {  	s10 =	sadd.s32 s10, s23;
	s23 =	simm.s32 $0x1500;
	[dreg:$0x11] =	wrdreg s15  }
0x1d: {  	[dreg:$0x15] =	wrdreg s22;
	s22 =	simm.s32 $0xF00;
	s5 =	sshra.s32 s2, $0x2  }
0x1e: {  	s0 =	ssub.s32 s0, s12;
	s2 =	sand.u32 $0x7F, s24;
	s8 =	ssub.s32 s18, s12  }
0x1f: {  	s18 =	smul.u32 $0xAB, s19;
	[dreg:$0x6] =	wrdreg s10;
	s24 =	simm.s32 $0x1000  }
0x20: {  	s19 =	simm.s32 $0x1080;
	[dreg:$0xe] =	wrdreg s23;
	s23 =	simm.s32 $0x1600  }
0x21: {  	[dreg:$0x1d] =	wrdreg s22;
	s22 =	simm.s32 $0x1B80;
	v5 =	vmov s17;
	s17 =	simm.s32 $0x1  }
0x22: {  	s0 =	sshll.u32 s0, $0xA;
	s2 =	ssub.s32 s2, s12;
	[dreg:$0x7] =	wrdreg s24  }
0x23: {  	s20 =	sshll.u32 s8, $0xA;
	[dreg:$0xb] =	wrdreg s19;
	s24 =	simm.s32 $0x1100  }
0x24: {  	s19 =	smul.u32 $0xAB, s14;
	[dreg:$0x16] =	wrdreg s23;
	s23 =	simm.s32 $0x1700  }
0x25: {  	[smem:$0x7FD] =	sst s22;
	s6 =	sshra.s32 s0, $0x2;
	s7 =	sshll.u32 s2, $0xA  }
0x26: {  	s0 =	sshll.u32 s25, $0xE;
	s2 =	sand.u32 $0x7F, s9;
	s9 =	sshra.s32 s20, $0x2  }
0x27: {  	s21 =	sshrl.u32 s18, $0x9;
	s25 =	simm.s32 $0x1800;
	[dreg:$0xf] =	wrdreg s24  }
0x28: {  	s18 =	smul.u32 $0xAB, s11;
	s20 =	simm.s32 $0x1880;
	[dreg:$0x1e] =	wrdreg s23  }
0x29: {  	s24 =	simm.s32 $0x1200;
	s23 =	simm.s32 $0x680;
	[dreg:$0x8] =	wrdreg s25  }
0x2a: {  	s7 =	sshra.s32 s7, $0x2;
	s2 =	ssub.s32 s2, s12;
	[dreg:$0xc] =	wrdreg s20  }
0x2b: {  	s25 =	simm.s32 $0x1900;
	s20 =	simm.s32 $0x1180;
	s15 =	sshrl.u32 s19, $0x9  }
0x2c: {  	[dreg:$0x17] =	wrdreg s24;
	s19 =	sshrl.u32 s13, $0x1;
	s24 =	simm.s32 $0x1300  }
0x2d: {  	v3 =	vmov s0;
	s0 =	simm.s32 $0xA80;
	s2 =	sshll.u32 s2, $0xA;
	[dreg:$0x10] =	wrdreg s25  }
0x2e: {  	[dreg:$0x13] =	wrdreg s20;
	s15 =	sand.u32 $0x7F, s15;
	s25 =	simm.s32 $0x1A00  }
0x2f: {  	s20 =	simm.s32 $0x1280;
	s13 =	ssub.s32 s13, s19;
	[dreg:$0x1f] =	wrdreg s24  }
0x30: {  	s19 =	simm.s32 $0xF80;
	s24 =	simm.s32 $0x700;
	s8 =	sshra.s32 s2, $0x2  }
0x31: {  	s2 =	sand.u32 $0x7F, s21;
	s21 =	sshrl.u32 s18, $0x9;
	[dreg:$0x18] =	wrdreg s25  }
0x32: {  	s18 =	simm.s32 $0x1580;
	[dreg:$0x1b] =	wrdreg s20;
	s13 =	smax.u32 s13, $0x1  }
0x33: {  	s25 =	simm.s32 $0x1B00;
	[smem:$0x7FA] =	sst s19;
	s20 =	simm.s32 $0x1780  }
0x34: {  	s2 =	ssub.s32 s2, s12;
	s11 =	sand.u32 $0x7F, s21;
	[dreg:$0x12] =	wrdreg s18  }
0x35: {  	s21 =	simm.s32 $0x1980;
	s18 =	simm.s32 $0x1680;
	[smem:$0x7F9] =	sst s25  }
0x36: {  	[smem:$0x7FB] =	sst s20;
	s25 =	simm.s32 $0x780;
	s20 =	simm.s32 $0xC00  }
0x37: {  	s2 =	sshll.u32 s2, $0xA;
	s11 =	ssub.s32 s11, s12;
	[dreg:$0x14] =	wrdreg s21  }
0x38: {  	s12 =	ssub.s32 s15, s12;
	s15 =	simm.s32 $0xE80;
	[dreg:$0x1a] =	wrdreg s18  }
0x39: {  	s21 =	simm.s32 $0x1A80;
	s10 =	sshra.s32 s2, $0x2;
	s11 =	sshll.u32 s11, $0xA  }
0x3a: {  	s2 =	sshll.u32 s14, $0xE;
	s12 =	sshll.u32 s12, $0xA;
	[dreg:$0x19] =	wrdreg s15  }
0x3b: {  	[dreg:$0x1c] =	wrdreg s21;
	s14 =	simm.s32 $0x2;
	s15 =	simm.s32 $0x80  }
0x3c: {  	s21 =	simm.s32 $0x1380;
	s11 =	sshra.s32 s11, $0x2;
	s12 =	sshra.s32 s12, $0x2  }
0x3d: {  	[smem:$0x7FC] =	sst s21;
	v7 =	vmov s2;
	s2 =	simm.s32 $0xB00;
	s21 =	simm.s32 $0x1400  }
.LBB2_2:
0x3e: {  	s18 =	rddreg [dreg:$0x6]  }
0x3f: {  	[tilespmem:s4], [sflag:$0x2] =	stream.linear.gather [hbm4b:s18+s4], $0x400, $0x38;
	[tilespmem:$0x1C00] =	vst v63  }
0x40: {  	_ =	swait.ge [sflag:s14], $0x400  }
0x41: {  	[sflag:s14] =	ssyncset.done $0x0  }
0x42: {  	[sflag:s14] =	ssyncadd.s32 $0xFFFFFC00  }
0x43: {  	v8 =	vld [tilespmem:s5+$0x0];
	_ =	sdelay $0x4  }
0x44: {  	v8 =	vadd.s32 v0, v8  }
0x45: {  	[tilespmem:$0x400] =	vst v8  }
0x46: {  	v8 =	vld [tilespmem:s5+$0x10];
	_ =	sdelay $0x4  }
0x47: {  	v8 =	vadd.s32 v0, v8  }
0x48: {  	[tilespmem:$0x410] =	vst v8  }
0x49: {  	v8 =	vld [tilespmem:s5+$0x20];
	_ =	sdelay $0x4  }
0x4a: {  	v8 =	vadd.s32 v0, v8  }
0x4b: {  	[tilespmem:$0x420] =	vst v8  }
0x4c: {  	v8 =	vld [tilespmem:s5+$0x30];
	_ =	sdelay $0x4  }
0x4d: {  	v8 =	vadd.s32 v0, v8  }
0x4e: {  	[tilespmem:$0x430] =	vst v8  }
0x4f: {  	v8 =	vld [tilespmem:s5+$0x40];
	_ =	sdelay $0x4  }
0x50: {  	v8 =	vadd.s32 v0, v8  }
0x51: {  	[tilespmem:$0x440] =	vst v8  }
0x52: {  	v8 =	vld [tilespmem:s5+$0x50];
	_ =	sdelay $0x4  }
0x53: {  	v8 =	vadd.s32 v0, v8  }
0x54: {  	[tilespmem:$0x450] =	vst v8  }
0x55: {  	v8 =	vld [tilespmem:s5+$0x60];
	_ =	sdelay $0x4  }
0x56: {  	v8 =	vadd.s32 v0, v8  }
0x57: {  	[tilespmem:$0x460] =	vst v8  }
0x58: {  	v8 =	vld [tilespmem:s5+$0x70];
	_ =	sdelay $0x4  }
0x59: {  	v8 =	vadd.s32 v0, v8  }
0x5a: {  	[tilespmem:$0x470] =	vst v8  }
0x5b: {  	v8 =	vld [tilespmem:s5+$0x80];
	_ =	sdelay $0x4  }
0x5c: {  	v8 =	vadd.s32 v0, v8  }
0x5d: {  	[tilespmem:$0x480] =	vst v8  }
0x5e: {  	v8 =	vld [tilespmem:s5+$0x90];
	_ =	sdelay $0x4  }
0x5f: {  	v8 =	vadd.s32 v0, v8  }
0x60: {  	[tilespmem:$0x490] =	vst v8  }
0x61: {  	v8 =	vld [tilespmem:s5+$0xA0];
	_ =	sdelay $0x4  }
0x62: {  	v8 =	vadd.s32 v0, v8  }
0x63: {  	[tilespmem:$0x4A0] =	vst v8  }
0x64: {  	v8 =	vld [tilespmem:s5+$0xB0];
	_ =	sdelay $0x4  }
0x65: {  	v8 =	vadd.s32 v0, v8  }
0x66: {  	[tilespmem:$0x4B0] =	vst v8  }
0x67: {  	v8 =	vld [tilespmem:s5+$0xC0];
	_ =	sdelay $0x4  }
0x68: {  	v8 =	vadd.s32 v0, v8  }
0x69: {  	[tilespmem:$0x4C0] =	vst v8  }
0x6a: {  	v8 =	vld [tilespmem:s5+$0xD0];
	_ =	sdelay $0x4  }
0x6b: {  	v8 =	vadd.s32 v0, v8  }
0x6c: {  	[tilespmem:$0x4D0] =	vst v8  }
0x6d: {  	v8 =	vld [tilespmem:s5+$0xE0];
	_ =	sdelay $0x4  }
0x6e: {  	v8 =	vadd.s32 v0, v8  }
0x6f: {  	[tilespmem:$0x4E0] =	vst v8  }
0x70: {  	v8 =	vld [tilespmem:s5+$0xF0];
	_ =	sdelay $0x4  }
0x71: {  	v8 =	vadd.s32 v0, v8  }
0x72: {  	[tilespmem:$0x4F0] =	vst v8  }
0x73: {  	v8 =	vld [tilespmem:s6+$0x0];
	_ =	sdelay $0x4  }
0x74: {  	v8 =	vadd.s32 v1, v8  }
0x75: {  	[tilespmem:$0x500] =	vst v8  }
0x76: {  	v8 =	vld [tilespmem:s6+$0x10];
	_ =	sdelay $0x4  }
0x77: {  	v8 =	vadd.s32 v1, v8  }
0x78: {  	[tilespmem:$0x510] =	vst v8  }
0x79: {  	v8 =	vld [tilespmem:s6+$0x20];
	_ =	sdelay $0x4  }
0x7a: {  	v8 =	vadd.s32 v1, v8  }
0x7b: {  	[tilespmem:$0x520] =	vst v8  }
0x7c: {  	v8 =	vld [tilespmem:s6+$0x30];
	_ =	sdelay $0x4  }
0x7d: {  	v8 =	vadd.s32 v1, v8  }
0x7e: {  	[tilespmem:$0x530] =	vst v8  }
0x7f: {  	v8 =	vld [tilespmem:s6+$0x40];
	_ =	sdelay $0x4  }
0x80: {  	v8 =	vadd.s32 v1, v8  }
0x81: {  	[tilespmem:$0x540] =	vst v8  }
0x82: {  	v8 =	vld [tilespmem:s6+$0x50];
	_ =	sdelay $0x4  }
0x83: {  	v8 =	vadd.s32 v1, v8  }
0x84: {  	[tilespmem:$0x550] =	vst v8  }
0x85: {  	v8 =	vld [tilespmem:s6+$0x60];
	_ =	sdelay $0x4  }
0x86: {  	v8 =	vadd.s32 v1, v8  }
0x87: {  	[tilespmem:$0x560] =	vst v8  }
0x88: {  	v8 =	vld [tilespmem:s6+$0x70];
	_ =	sdelay $0x4  }
0x89: {  	v8 =	vadd.s32 v1, v8  }
0x8a: {  	[tilespmem:$0x570] =	vst v8  }
0x8b: {  	v8 =	vld [tilespmem:s6+$0x80];
	_ =	sdelay $0x4  }
0x8c: {  	v8 =	vadd.s32 v1, v8  }
0x8d: {  	[tilespmem:$0x580] =	vst v8  }
0x8e: {  	v8 =	vld [tilespmem:s6+$0x90];
	_ =	sdelay $0x4  }
0x8f: {  	v8 =	vadd.s32 v1, v8  }
0x90: {  	[tilespmem:$0x590] =	vst v8  }
0x91: {  	v8 =	vld [tilespmem:s6+$0xA0];
	_ =	sdelay $0x4  }
0x92: {  	v8 =	vadd.s32 v1, v8  }
0x93: {  	[tilespmem:$0x5A0] =	vst v8  }
0x94: {  	v8 =	vld [tilespmem:s6+$0xB0];
	_ =	sdelay $0x4  }
0x95: {  	v8 =	vadd.s32 v1, v8  }
0x96: {  	[tilespmem:$0x5B0] =	vst v8  }
0x97: {  	v8 =	vld [tilespmem:s6+$0xC0];
	_ =	sdelay $0x4  }
0x98: {  	v8 =	vadd.s32 v1, v8  }
0x99: {  	[tilespmem:$0x5C0] =	vst v8  }
0x9a: {  	v8 =	vld [tilespmem:s6+$0xD0];
	_ =	sdelay $0x4  }
0x9b: {  	v8 =	vadd.s32 v1, v8  }
0x9c: {  	[tilespmem:$0x5D0] =	vst v8  }
0x9d: {  	v8 =	vld [tilespmem:s6+$0xE0];
	_ =	sdelay $0x4  }
0x9e: {  	v8 =	vadd.s32 v1, v8  }
0x9f: {  	[tilespmem:$0x5E0] =	vst v8  }
0xa0: {  	v8 =	vld [tilespmem:s6+$0xF0];
	_ =	sdelay $0x4  }
0xa1: {  	v8 =	vadd.s32 v1, v8  }
0xa2: {  	[tilespmem:$0x5F0] =	vst v8  }
0xa3: {  	v8 =	vld [tilespmem:s7+$0x0];
	_ =	sdelay $0x4  }
0xa4: {  	v8 =	vadd.s32 v2, v8  }
0xa5: {  	[tilespmem:$0x600] =	vst v8  }
0xa6: {  	v8 =	vld [tilespmem:s7+$0x10];
	_ =	sdelay $0x4  }
0xa7: {  	v8 =	vadd.s32 v2, v8  }
0xa8: {  	[tilespmem:$0x610] =	vst v8  }
0xa9: {  	v8 =	vld [tilespmem:s7+$0x20];
	_ =	sdelay $0x4  }
0xaa: {  	v8 =	vadd.s32 v2, v8  }
0xab: {  	[tilespmem:$0x620] =	vst v8  }
0xac: {  	v8 =	vld [tilespmem:s7+$0x30];
	_ =	sdelay $0x4  }
0xad: {  	v8 =	vadd.s32 v2, v8  }
0xae: {  	[tilespmem:$0x630] =	vst v8  }
0xaf: {  	v8 =	vld [tilespmem:s7+$0x40];
	_ =	sdelay $0x4  }
0xb0: {  	v8 =	vadd.s32 v2, v8  }
0xb1: {  	[tilespmem:$0x640] =	vst v8  }
0xb2: {  	v8 =	vld [tilespmem:s7+$0x50];
	_ =	sdelay $0x4  }
0xb3: {  	v8 =	vadd.s32 v2, v8  }
0xb4: {  	[tilespmem:$0x650] =	vst v8  }
0xb5: {  	v8 =	vld [tilespmem:s7+$0x60];
	_ =	sdelay $0x4  }
0xb6: {  	v8 =	vadd.s32 v2, v8  }
0xb7: {  	[tilespmem:$0x660] =	vst v8  }
0xb8: {  	v8 =	vld [tilespmem:s7+$0x70];
	_ =	sdelay $0x4  }
0xb9: {  	v8 =	vadd.s32 v2, v8  }
0xba: {  	[tilespmem:$0x670] =	vst v8  }
0xbb: {  	v8 =	vld [tilespmem:s7+$0x80];
	_ =	sdelay $0x4  }
0xbc: {  	v8 =	vadd.s32 v2, v8  }
0xbd: {  	[tilespmem:$0x680] =	vst v8  }
0xbe: {  	v8 =	vld [tilespmem:s7+$0x90];
	_ =	sdelay $0x4  }
0xbf: {  	v8 =	vadd.s32 v2, v8  }
0xc0: {  	[tilespmem:$0x690] =	vst v8  }
0xc1: {  	v8 =	vld [tilespmem:s7+$0xA0];
	_ =	sdelay $0x4  }
0xc2: {  	v8 =	vadd.s32 v2, v8  }
0xc3: {  	[tilespmem:$0x6A0] =	vst v8  }
0xc4: {  	v8 =	vld [tilespmem:s7+$0xB0];
	_ =	sdelay $0x4  }
0xc5: {  	v8 =	vadd.s32 v2, v8  }
0xc6: {  	[tilespmem:$0x6B0] =	vst v8  }
0xc7: {  	v8 =	vld [tilespmem:s7+$0xC0];
	_ =	sdelay $0x4  }
0xc8: {  	v8 =	vadd.s32 v2, v8  }
0xc9: {  	[tilespmem:$0x6C0] =	vst v8  }
0xca: {  	v8 =	vld [tilespmem:s7+$0xD0];
	_ =	sdelay $0x4  }
0xcb: {  	v8 =	vadd.s32 v2, v8  }
0xcc: {  	[tilespmem:$0x6D0] =	vst v8  }
0xcd: {  	v8 =	vld [tilespmem:s7+$0xE0];
	_ =	sdelay $0x4  }
0xce: {  	v8 =	vadd.s32 v2, v8  }
0xcf: {  	[tilespmem:$0x6E0] =	vst v8  }
0xd0: {  	v8 =	vld [tilespmem:s7+$0xF0];
	_ =	sdelay $0x4  }
0xd1: {  	v8 =	vadd.s32 v2, v8  }
0xd2: {  	[tilespmem:$0x6F0] =	vst v8  }
0xd3: {  	v8 =	vld [tilespmem:s8+$0x0];
	_ =	sdelay $0x4  }
0xd4: {  	v8 =	vadd.s32 v3, v8  }
0xd5: {  	[tilespmem:$0x700] =	vst v8  }
0xd6: {  	v8 =	vld [tilespmem:s8+$0x10];
	_ =	sdelay $0x4  }
0xd7: {  	v8 =	vadd.s32 v3, v8  }
0xd8: {  	[tilespmem:$0x710] =	vst v8  }
0xd9: {  	v8 =	vld [tilespmem:s8+$0x20];
	_ =	sdelay $0x4  }
0xda: {  	v8 =	vadd.s32 v3, v8  }
0xdb: {  	[tilespmem:$0x720] =	vst v8  }
0xdc: {  	v8 =	vld [tilespmem:s8+$0x30];
	_ =	sdelay $0x4  }
0xdd: {  	v8 =	vadd.s32 v3, v8  }
0xde: {  	[tilespmem:$0x730] =	vst v8  }
0xdf: {  	v8 =	vld [tilespmem:s8+$0x40];
	_ =	sdelay $0x4  }
0xe0: {  	v8 =	vadd.s32 v3, v8  }
0xe1: {  	[tilespmem:$0x740] =	vst v8  }
0xe2: {  	v8 =	vld [tilespmem:s8+$0x50];
	_ =	sdelay $0x4  }
0xe3: {  	v8 =	vadd.s32 v3, v8  }
0xe4: {  	[tilespmem:$0x750] =	vst v8  }
0xe5: {  	v8 =	vld [tilespmem:s8+$0x60];
	_ =	sdelay $0x4  }
0xe6: {  	v8 =	vadd.s32 v3, v8  }
0xe7: {  	[tilespmem:$0x760] =	vst v8  }
0xe8: {  	v8 =	vld [tilespmem:s8+$0x70];
	_ =	sdelay $0x4  }
0xe9: {  	v8 =	vadd.s32 v3, v8  }
0xea: {  	[tilespmem:$0x770] =	vst v8  }
0xeb: {  	v8 =	vld [tilespmem:s8+$0x80];
	_ =	sdelay $0x4  }
0xec: {  	v8 =	vadd.s32 v3, v8  }
0xed: {  	[tilespmem:$0x780] =	vst v8  }
0xee: {  	v8 =	vld [tilespmem:s8+$0x90];
	_ =	sdelay $0x4  }
0xef: {  	v8 =	vadd.s32 v3, v8  }
0xf0: {  	[tilespmem:$0x790] =	vst v8  }
0xf1: {  	v8 =	vld [tilespmem:s8+$0xA0];
	_ =	sdelay $0x4  }
0xf2: {  	v8 =	vadd.s32 v3, v8  }
0xf3: {  	[tilespmem:$0x7A0] =	vst v8  }
0xf4: {  	v8 =	vld [tilespmem:s8+$0xB0];
	_ =	sdelay $0x4  }
0xf5: {  	v8 =	vadd.s32 v3, v8  }
0xf6: {  	[tilespmem:$0x7B0] =	vst v8  }
0xf7: {  	v8 =	vld [tilespmem:s8+$0xC0];
	_ =	sdelay $0x4  }
0xf8: {  	v8 =	vadd.s32 v3, v8  }
0xf9: {  	[tilespmem:$0x7C0] =	vst v8  }
0xfa: {  	v8 =	vld [tilespmem:s8+$0xD0];
	_ =	sdelay $0x4  }
0xfb: {  	v8 =	vadd.s32 v3, v8  }
0xfc: {  	[tilespmem:$0x7D0] =	vst v8  }
0xfd: {  	v8 =	vld [tilespmem:s8+$0xE0];
	_ =	sdelay $0x4  }
0xfe: {  	v8 =	vadd.s32 v3, v8  }
0xff: {  	[tilespmem:$0x7E0] =	vst v8  }
0x100: {  	v8 =	vld [tilespmem:s8+$0xF0];
	_ =	sdelay $0x4  }
0x101: {  	v8 =	vadd.s32 v3, v8  }
0x102: {  	[tilespmem:$0x7F0] =	vst v8  }
0x103: {  	v8 =	vld [tilespmem:s9+$0x0];
	_ =	sdelay $0x4  }
0x104: {  	v8 =	vadd.s32 v4, v8  }
0x105: {  	[tilespmem:$0x800] =	vst v8  }
0x106: {  	v8 =	vld [tilespmem:s9+$0x10];
	_ =	sdelay $0x4  }
0x107: {  	v8 =	vadd.s32 v4, v8  }
0x108: {  	[tilespmem:$0x810] =	vst v8  }
0x109: {  	v8 =	vld [tilespmem:s9+$0x20];
	_ =	sdelay $0x4  }
0x10a: {  	v8 =	vadd.s32 v4, v8  }
0x10b: {  	[tilespmem:$0x820] =	vst v8  }
0x10c: {  	v8 =	vld [tilespmem:s9+$0x30];
	_ =	sdelay $0x4  }
0x10d: {  	v8 =	vadd.s32 v4, v8  }
0x10e: {  	[tilespmem:$0x830] =	vst v8  }
0x10f: {  	v8 =	vld [tilespmem:s9+$0x40];
	_ =	sdelay $0x4  }
0x110: {  	v8 =	vadd.s32 v4, v8  }
0x111: {  	[tilespmem:$0x840] =	vst v8  }
0x112: {  	v8 =	vld [tilespmem:s9+$0x50];
	_ =	sdelay $0x4  }
0x113: {  	v8 =	vadd.s32 v4, v8  }
0x114: {  	[tilespmem:$0x850] =	vst v8  }
0x115: {  	v8 =	vld [tilespmem:s9+$0x60];
	_ =	sdelay $0x4  }
0x116: {  	v8 =	vadd.s32 v4, v8  }
0x117: {  	[tilespmem:$0x860] =	vst v8  }
0x118: {  	v8 =	vld [tilespmem:s9+$0x70];
	_ =	sdelay $0x4  }
0x119: {  	v8 =	vadd.s32 v4, v8  }
0x11a: {  	[tilespmem:$0x870] =	vst v8  }
0x11b: {  	v8 =	vld [tilespmem:s9+$0x80];
	_ =	sdelay $0x4  }
0x11c: {  	v8 =	vadd.s32 v4, v8  }
0x11d: {  	[tilespmem:$0x880] =	vst v8  }
0x11e: {  	v8 =	vld [tilespmem:s9+$0x90];
	_ =	sdelay $0x4  }
0x11f: {  	v8 =	vadd.s32 v4, v8  }
0x120: {  	[tilespmem:$0x890] =	vst v8  }
0x121: {  	v8 =	vld [tilespmem:s9+$0xA0];
	_ =	sdelay $0x4  }
0x122: {  	v8 =	vadd.s32 v4, v8  }
0x123: {  	[tilespmem:$0x8A0] =	vst v8  }
0x124: {  	v8 =	vld [tilespmem:s9+$0xB0];
	_ =	sdelay $0x4  }
0x125: {  	v8 =	vadd.s32 v4, v8  }
0x126: {  	[tilespmem:$0x8B0] =	vst v8  }
0x127: {  	v8 =	vld [tilespmem:s9+$0xC0];
	_ =	sdelay $0x4  }
0x128: {  	v8 =	vadd.s32 v4, v8  }
0x129: {  	[tilespmem:$0x8C0] =	vst v8  }
0x12a: {  	v8 =	vld [tilespmem:s9+$0xD0];
	_ =	sdelay $0x4  }
0x12b: {  	v8 =	vadd.s32 v4, v8  }
0x12c: {  	[tilespmem:$0x8D0] =	vst v8  }
0x12d: {  	v8 =	vld [tilespmem:s9+$0xE0];
	_ =	sdelay $0x4  }
0x12e: {  	v8 =	vadd.s32 v4, v8  }
0x12f: {  	[tilespmem:$0x8E0] =	vst v8  }
0x130: {  	v8 =	vld [tilespmem:s9+$0xF0];
	_ =	sdelay $0x4  }
0x131: {  	v8 =	vadd.s32 v4, v8  }
0x132: {  	[tilespmem:$0x8F0] =	vst v8  }
0x133: {  	v8 =	vld [tilespmem:s10+$0x0];
	_ =	sdelay $0x4  }
0x134: {  	v8 =	vadd.s32 v5, v8  }
0x135: {  	[tilespmem:$0x900] =	vst v8  }
0x136: {  	v8 =	vld [tilespmem:s10+$0x10];
	_ =	sdelay $0x4  }
0x137: {  	v8 =	vadd.s32 v5, v8  }
0x138: {  	[tilespmem:$0x910] =	vst v8  }
0x139: {  	v8 =	vld [tilespmem:s10+$0x20];
	_ =	sdelay $0x4  }
0x13a: {  	v8 =	vadd.s32 v5, v8  }
0x13b: {  	[tilespmem:$0x920] =	vst v8  }
0x13c: {  	v8 =	vld [tilespmem:s10+$0x30];
	_ =	sdelay $0x4  }
0x13d: {  	v8 =	vadd.s32 v5, v8  }
0x13e: {  	[tilespmem:$0x930] =	vst v8  }
0x13f: {  	v8 =	vld [tilespmem:s10+$0x40];
	_ =	sdelay $0x4  }
0x140: {  	v8 =	vadd.s32 v5, v8  }
0x141: {  	[tilespmem:$0x940] =	vst v8  }
0x142: {  	v8 =	vld [tilespmem:s10+$0x50];
	_ =	sdelay $0x4  }
0x143: {  	v8 =	vadd.s32 v5, v8  }
0x144: {  	[tilespmem:$0x950] =	vst v8  }
0x145: {  	v8 =	vld [tilespmem:s10+$0x60];
	_ =	sdelay $0x4  }
0x146: {  	v8 =	vadd.s32 v5, v8  }
0x147: {  	[tilespmem:$0x960] =	vst v8  }
0x148: {  	v8 =	vld [tilespmem:s10+$0x70];
	_ =	sdelay $0x4  }
0x149: {  	v8 =	vadd.s32 v5, v8  }
0x14a: {  	[tilespmem:$0x970] =	vst v8  }
0x14b: {  	v8 =	vld [tilespmem:s10+$0x80];
	_ =	sdelay $0x4  }
0x14c: {  	v8 =	vadd.s32 v5, v8  }
0x14d: {  	[tilespmem:$0x980] =	vst v8  }
0x14e: {  	v8 =	vld [tilespmem:s10+$0x90];
	_ =	sdelay $0x4  }
0x14f: {  	v8 =	vadd.s32 v5, v8  }
0x150: {  	[tilespmem:$0x990] =	vst v8  }
0x151: {  	v8 =	vld [tilespmem:s10+$0xA0];
	_ =	sdelay $0x4  }
0x152: {  	v8 =	vadd.s32 v5, v8  }
0x153: {  	[tilespmem:$0x9A0] =	vst v8  }
0x154: {  	v8 =	vld [tilespmem:s10+$0xB0];
	_ =	sdelay $0x4  }
0x155: {  	v8 =	vadd.s32 v5, v8  }
0x156: {  	[tilespmem:$0x9B0] =	vst v8  }
0x157: {  	v8 =	vld [tilespmem:s10+$0xC0];
	_ =	sdelay $0x4  }
0x158: {  	v8 =	vadd.s32 v5, v8  }
0x159: {  	[tilespmem:$0x9C0] =	vst v8  }
0x15a: {  	v8 =	vld [tilespmem:s10+$0xD0];
	_ =	sdelay $0x4  }
0x15b: {  	v8 =	vadd.s32 v5, v8  }
0x15c: {  	[tilespmem:$0x9D0] =	vst v8  }
0x15d: {  	v8 =	vld [tilespmem:s10+$0xE0];
	_ =	sdelay $0x4  }
0x15e: {  	v8 =	vadd.s32 v5, v8  }
0x15f: {  	[tilespmem:$0x9E0] =	vst v8  }
0x160: {  	v8 =	vld [tilespmem:s10+$0xF0];
	_ =	sdelay $0x4  }
0x161: {  	v8 =	vadd.s32 v5, v8  }
0x162: {  	[tilespmem:$0x9F0] =	vst v8  }
0x163: {  	v8 =	vld [tilespmem:s11+$0x0];
	_ =	sdelay $0x4  }
0x164: {  	v8 =	vadd.s32 v6, v8  }
0x165: {  	[tilespmem:$0xA00] =	vst v8  }
0x166: {  	v8 =	vld [tilespmem:s11+$0x10];
	_ =	sdelay $0x4  }
0x167: {  	v8 =	vadd.s32 v6, v8  }
0x168: {  	[tilespmem:$0xA10] =	vst v8  }
0x169: {  	v8 =	vld [tilespmem:s11+$0x20];
	_ =	sdelay $0x4  }
0x16a: {  	v8 =	vadd.s32 v6, v8  }
0x16b: {  	[tilespmem:$0xA20] =	vst v8  }
0x16c: {  	v8 =	vld [tilespmem:s11+$0x30];
	_ =	sdelay $0x4  }
0x16d: {  	v8 =	vadd.s32 v6, v8  }
0x16e: {  	[tilespmem:$0xA30] =	vst v8  }
0x16f: {  	v8 =	vld [tilespmem:s11+$0x40];
	_ =	sdelay $0x4  }
0x170: {  	v8 =	vadd.s32 v6, v8  }
0x171: {  	[tilespmem:$0xA40] =	vst v8  }
0x172: {  	v8 =	vld [tilespmem:s11+$0x50];
	_ =	sdelay $0x4  }
0x173: {  	v8 =	vadd.s32 v6, v8  }
0x174: {  	[tilespmem:$0xA50] =	vst v8  }
0x175: {  	v8 =	vld [tilespmem:s11+$0x60];
	_ =	sdelay $0x4  }
0x176: {  	v8 =	vadd.s32 v6, v8  }
0x177: {  	[tilespmem:$0xA60] =	vst v8  }
0x178: {  	v8 =	vld [tilespmem:s11+$0x70];
	_ =	sdelay $0x4  }
0x179: {  	v8 =	vadd.s32 v6, v8  }
0x17a: {  	[tilespmem:$0xA70] =	vst v8  }
0x17b: {  	v8 =	vld [tilespmem:s11+$0x80];
	_ =	sdelay $0x4  }
0x17c: {  	v8 =	vadd.s32 v6, v8  }
0x17d: {  	[tilespmem:$0xA80] =	vst v8  }
0x17e: {  	v8 =	vld [tilespmem:s11+$0x90];
	_ =	sdelay $0x4  }
0x17f: {  	v8 =	vadd.s32 v6, v8  }
0x180: {  	[tilespmem:$0xA90] =	vst v8  }
0x181: {  	v8 =	vld [tilespmem:s11+$0xA0];
	_ =	sdelay $0x4  }
0x182: {  	v8 =	vadd.s32 v6, v8  }
0x183: {  	[tilespmem:$0xAA0] =	vst v8  }
0x184: {  	v8 =	vld [tilespmem:s11+$0xB0];
	_ =	sdelay $0x4  }
0x185: {  	v8 =	vadd.s32 v6, v8  }
0x186: {  	[tilespmem:$0xAB0] =	vst v8  }
0x187: {  	v8 =	vld [tilespmem:s11+$0xC0];
	_ =	sdelay $0x4  }
0x188: {  	v8 =	vadd.s32 v6, v8  }
0x189: {  	[tilespmem:$0xAC0] =	vst v8  }
0x18a: {  	v8 =	vld [tilespmem:s11+$0xD0];
	_ =	sdelay $0x4  }
0x18b: {  	v8 =	vadd.s32 v6, v8  }
0x18c: {  	[tilespmem:$0xAD0] =	vst v8  }
0x18d: {  	v8 =	vld [tilespmem:s11+$0xE0];
	_ =	sdelay $0x4  }
0x18e: {  	v8 =	vadd.s32 v6, v8  }
0x18f: {  	[tilespmem:$0xAE0] =	vst v8  }
0x190: {  	v8 =	vld [tilespmem:s11+$0xF0];
	_ =	sdelay $0x4  }
0x191: {  	v8 =	vadd.s32 v6, v8  }
0x192: {  	[tilespmem:$0xAF0] =	vst v8  }
0x193: {  	v8 =	vld [tilespmem:s12+$0x0];
	_ =	sdelay $0x4  }
0x194: {  	v8 =	vadd.s32 v7, v8  }
0x195: {  	[tilespmem:$0xB00] =	vst v8  }
0x196: {  	v8 =	vld [tilespmem:s12+$0x10];
	_ =	sdelay $0x4  }
0x197: {  	v8 =	vadd.s32 v7, v8  }
0x198: {  	[tilespmem:$0xB10] =	vst v8  }
0x199: {  	v8 =	vld [tilespmem:s12+$0x20];
	_ =	sdelay $0x4  }
0x19a: {  	v8 =	vadd.s32 v7, v8  }
0x19b: {  	[tilespmem:$0xB20] =	vst v8  }
0x19c: {  	v8 =	vld [tilespmem:s12+$0x30];
	_ =	sdelay $0x4  }
0x19d: {  	v8 =	vadd.s32 v7, v8  }
0x19e: {  	[tilespmem:$0xB30] =	vst v8  }
0x19f: {  	v8 =	vld [tilespmem:s12+$0x40];
	_ =	sdelay $0x4  }
0x1a0: {  	v8 =	vadd.s32 v7, v8  }
0x1a1: {  	[tilespmem:$0xB40] =	vst v8  }
0x1a2: {  	v8 =	vld [tilespmem:s12+$0x50];
	_ =	sdelay $0x4  }
0x1a3: {  	v8 =	vadd.s32 v7, v8  }
0x1a4: {  	[tilespmem:$0xB50] =	vst v8  }
0x1a5: {  	v8 =	vld [tilespmem:s12+$0x60];
	_ =	sdelay $0x4  }
0x1a6: {  	v8 =	vadd.s32 v7, v8  }
0x1a7: {  	[tilespmem:$0xB60] =	vst v8  }
0x1a8: {  	v8 =	vld [tilespmem:s12+$0x70];
	_ =	sdelay $0x4  }
0x1a9: {  	v8 =	vadd.s32 v7, v8  }
0x1aa: {  	[tilespmem:$0xB70] =	vst v8  }
0x1ab: {  	v8 =	vld [tilespmem:s12+$0x80];
	_ =	sdelay $0x4  }
0x1ac: {  	v8 =	vadd.s32 v7, v8  }
0x1ad: {  	[tilespmem:$0xB80] =	vst v8  }
0x1ae: {  	v8 =	vld [tilespmem:s12+$0x90];
	_ =	sdelay $0x4  }
0x1af: {  	v8 =	vadd.s32 v7, v8  }
0x1b0: {  	[tilespmem:$0xB90] =	vst v8  }
0x1b1: {  	v8 =	vld [tilespmem:s12+$0xA0];
	_ =	sdelay $0x4  }
0x1b2: {  	v8 =	vadd.s32 v7, v8  }
0x1b3: {  	[tilespmem:$0xBA0] =	vst v8  }
0x1b4: {  	v8 =	vld [tilespmem:s12+$0xB0];
	_ =	sdelay $0x4  }
0x1b5: {  	v8 =	vadd.s32 v7, v8  }
0x1b6: {  	[tilespmem:$0xBB0] =	vst v8  }
0x1b7: {  	v8 =	vld [tilespmem:s12+$0xC0];
	_ =	sdelay $0x4  }
0x1b8: {  	v8 =	vadd.s32 v7, v8  }
0x1b9: {  	[tilespmem:$0xBC0] =	vst v8  }
0x1ba: {  	v8 =	vld [tilespmem:s12+$0xD0];
	_ =	sdelay $0x4  }
0x1bb: {  	v8 =	vadd.s32 v7, v8  }
0x1bc: {  	[tilespmem:$0xBD0] =	vst v8  }
0x1bd: {  	v8 =	vld [tilespmem:s12+$0xE0];
	_ =	sdelay $0x4  }
0x1be: {  	v8 =	vadd.s32 v7, v8  }
0x1bf: {  	[tilespmem:$0xBE0] =	vst v8  }
0x1c0: {  	v8 =	vld [tilespmem:s12+$0xF0];
	_ =	sdelay $0x4  }
0x1c1: {  	v8 =	vadd.s32 v7, v8  }
0x1c2: {  	s19 =	simm.s32 $0x400;
	[tilespmem:$0xBF0] =	vst v8  }
0x1c3: {  	[tilespmem:s20], [sflag:$0x1] =	stream.indirect.gather [hbm4b:s1+s15], $0x1, s19, s15, $0xb8;
	[tilespmem:$0x1C00] =	vst v63  }
0x1c4: {  	s18 =	rddreg [dreg:$0x7]  }
0x1c5: {  	[tilespmem:s21], [sflag:$0x1] =	stream.indirect.gather [hbm4b:s3+s15], $0x1, s19, s15, $0xb8;
	[tilespmem:$0x1C00] =	vst v63  }
0x1c6: {  	s22 =	simm.s32 $0x480;
	s19 =	rddreg [dreg:$0x8]  }
0x1c7: {  	[tilespmem:s18], [sflag:$0x1] =	stream.indirect.gather [hbm4b:s1+s15], $0x1, s22, s15, $0xb8;
	[tilespmem:$0x1C00] =	vst v63  }
0x1c8: {  	s18 =	rddreg [dreg:$0x9]  }
0x1c9: {  	[tilespmem:s19], [sflag:$0x1] =	stream.indirect.gather [hbm4b:s3+s15], $0x1, s22, s15, $0xb8;
	[tilespmem:$0x1C00] =	vst v63  }
0x1ca: {  	s19 =	rddreg [dreg:$0xa];
	s22 =	simm.s32 $0x500  }
0x1cb: {  	[tilespmem:s18], [sflag:$0x1] =	stream.indirect.gather [hbm4b:s1+s15], $0x1, s22, s15, $0xb8;
	[tilespmem:$0x1C00] =	vst v63  }
0x1cc: {  	s18 =	rddreg [dreg:$0xb]  }
0x1cd: {  	[tilespmem:s19], [sflag:$0x1] =	stream.indirect.gather [hbm4b:s3+s15], $0x1, s22, s15, $0xb8;
	[tilespmem:$0x1C00] =	vst v63  }
0x1ce: {  	s19 =	rddreg [dreg:$0xc];
	s22 =	simm.s32 $0x580  }
0x1cf: {  	[tilespmem:s18], [sflag:$0x1] =	stream.indirect.gather [hbm4b:s1+s15], $0x1, s22, s15, $0xb8;
	[tilespmem:$0x1C00] =	vst v63  }
0x1d0: {  	s18 =	rddreg [dreg:$0xd]  }
0x1d1: {  	[tilespmem:s19], [sflag:$0x1] =	stream.indirect.gather [hbm4b:s3+s15], $0x1, s22, s15, $0xb8;
	[tilespmem:$0x1C00] =	vst v63  }
0x1d2: {  	s19 =	rddreg [dreg:$0xe];
	s22 =	simm.s32 $0x600  }
0x1d3: {  	[tilespmem:s18], [sflag:$0x1] =	stream.indirect.gather [hbm4b:s1+s15], $0x1, s22, s15, $0xb8;
	[tilespmem:$0x1C00] =	vst v63  }
0x1d4: {  	s18 =	rddreg [dreg:$0xf]  }
0x1d5: {  	[tilespmem:s19], [sflag:$0x1] =	stream.indirect.gather [hbm4b:s3+s15], $0x1, s22, s15, $0xb8;
	[tilespmem:$0x1C00] =	vst v63  }
0x1d6: {  	s22 =	rddreg [dreg:$0x10]  }
0x1d7: {  	[tilespmem:s18], [sflag:$0x1] =	stream.indirect.gather [hbm4b:s1+s15], $0x1, s23, s15, $0xb8;
	[tilespmem:$0x1C00] =	vst v63  }
0x1d8: {  	s18 =	rddreg [dreg:$0x11]  }
0x1d9: {  	[tilespmem:s22], [sflag:$0x1] =	stream.indirect.gather [hbm4b:s3+s15], $0x1, s23, s15, $0xb8;
	[tilespmem:$0x1C00] =	vst v63  }
0x1da: {  	s22 =	rddreg [dreg:$0x12]  }
0x1db: {  	[tilespmem:s18], [sflag:$0x1] =	stream.indirect.gather [hbm4b:s1+s15], $0x1, s24, s15, $0xb8;
	[tilespmem:$0x1C00] =	vst v63  }
0x1dc: {  	s18 =	rddreg [dreg:$0x13]  }
0x1dd: {  	[tilespmem:s22], [sflag:$0x1] =	stream.indirect.gather [hbm4b:s3+s15], $0x1, s24, s15, $0xb8;
	[tilespmem:$0x1C00] =	vst v63  }
0x1de: {  	s22 =	rddreg [dreg:$0x14]  }
0x1df: {  	[tilespmem:s18], [sflag:$0x1] =	stream.indirect.gather [hbm4b:s1+s15], $0x1, s25, s15, $0xb8;
	[tilespmem:$0x1C00] =	vst v63  }
0x1e0: {  	s18 =	rddreg [dreg:$0x15]  }
0x1e1: {  	[tilespmem:s22], [sflag:$0x1] =	stream.indirect.gather [hbm4b:s3+s15], $0x1, s25, s15, $0xb8;
	[tilespmem:$0x1C00] =	vst v63  }
0x1e2: {  	s22 =	rddreg [dreg:$0x16]  }
0x1e3: {  	[tilespmem:s18], [sflag:$0x1] =	stream.indirect.gather [hbm4b:s1+s15], $0x1, s26, s15, $0xb8;
	[tilespmem:$0x1C00] =	vst v63  }
0x1e4: {  	s18 =	rddreg [dreg:$0x17]  }
0x1e5: {  	[tilespmem:s22], [sflag:$0x1] =	stream.indirect.gather [hbm4b:s3+s15], $0x1, s26, s15, $0xb8;
	[tilespmem:$0x1C00] =	vst v63  }
0x1e6: {  	s22 =	rddreg [dreg:$0x18]  }
0x1e7: {  	[tilespmem:s18], [sflag:$0x1] =	stream.indirect.gather [hbm4b:s1+s15], $0x1, s28, s15, $0xb8;
	[tilespmem:$0x1C00] =	vst v63  }
0x1e8: {  	s18 =	rddreg [dreg:$0x19]  }
0x1e9: {  	[tilespmem:s22], [sflag:$0x1] =	stream.indirect.gather [hbm4b:s3+s15], $0x1, s28, s15, $0xb8;
	[tilespmem:$0x1C00] =	vst v63  }
0x1ea: {  	s22 =	rddreg [dreg:$0x1a]  }
0x1eb: {  	[tilespmem:s18], [sflag:$0x1] =	stream.indirect.gather [hbm4b:s1+s15], $0x1, s29, s15, $0xb8;
	[tilespmem:$0x1C00] =	vst v63  }
0x1ec: {  	s18 =	rddreg [dreg:$0x1b]  }
0x1ed: {  	[tilespmem:s22], [sflag:$0x1] =	stream.indirect.gather [hbm4b:s3+s15], $0x1, s29, s15, $0xb8;
	[tilespmem:$0x1C00] =	vst v63  }
0x1ee: {  	s22 =	rddreg [dreg:$0x1c]  }
0x1ef: {  	[tilespmem:s18], [sflag:$0x1] =	stream.indirect.gather [hbm4b:s1+s15], $0x1, s30, s15, $0xb8;
	[tilespmem:$0x1C00] =	vst v63  }
0x1f0: {  	s18 =	rddreg [dreg:$0x1d]  }
0x1f1: {  	[tilespmem:s22], [sflag:$0x1] =	stream.indirect.gather [hbm4b:s3+s15], $0x1, s30, s15, $0xb8;
	[tilespmem:$0x1C00] =	vst v63  }
0x1f2: {  	s22 =	rddreg [dreg:$0x1e]  }
0x1f3: {  	[tilespmem:s18], [sflag:$0x1] =	stream.indirect.gather [hbm4b:s1+s15], $0x1, s31, s15, $0xb8;
	[tilespmem:$0x1C00] =	vst v63  }
0x1f4: {  	s18 =	rddreg [dreg:$0x1f]  }
0x1f5: {  	[tilespmem:s22], [sflag:$0x1] =	stream.indirect.gather [hbm4b:s3+s15], $0x1, s31, s15, $0xb8;
	[tilespmem:$0x1C00] =	vst v63  }
0x1f6: {  	s22 =	sld [smem:$0x7F9]  }
0x1f7: {  	[tilespmem:s18], [sflag:$0x1] =	stream.indirect.gather [hbm4b:s1+s15], $0x1, s0, s15, $0xb8;
	[tilespmem:$0x1C00] =	vst v63  }
0x1f8: {  	s18 =	sld [smem:$0x7FA]  }
0x1f9: {  	[tilespmem:s22], [sflag:$0x1] =	stream.indirect.gather [hbm4b:s3+s15], $0x1, s0, s15, $0xb8;
	[tilespmem:$0x1C00] =	vst v63  }
0x1fa: {  	s22 =	sld [smem:$0x7FB]  }
0x1fb: {  	[tilespmem:s18], [sflag:$0x1] =	stream.indirect.gather [hbm4b:s1+s15], $0x1, s2, s15, $0xb8;
	[tilespmem:$0x1C00] =	vst v63  }
0x1fc: {  	s18 =	sld [smem:$0x7FC]  }
0x1fd: {  	[tilespmem:s22], [sflag:$0x1] =	stream.indirect.gather [hbm4b:s3+s15], $0x1, s2, s15, $0xb8;
	[tilespmem:$0x1C00] =	vst v63  }
0x1fe: {  	s22 =	sld [smem:$0x7FD]  }
0x1ff: {  	[tilespmem:s18], [sflag:$0x1] =	stream.indirect.gather [hbm4b:s1+s15], $0x1, s16, s15, $0xb8;
	[tilespmem:$0x1C00] =	vst v63  }
0x200: {  	_ = 	snop  }
0x201: {  	[tilespmem:s22], [sflag:$0x1] =	stream.indirect.gather [hbm4b:s3+s15], $0x1, s16, s15, $0xb8;
	[tilespmem:$0x1C00] =	vst v63  }
0x202: {  	_ =	swait.ge [sflag:s17], $0x80  }
0x203: {  	[sflag:s17] =	ssyncset.done $0x0  }
0x204: {  	[sflag:s17] =	ssyncadd.s32 $0xFFFFFF80  }
0x205: {  	_ =	swait.ge [sflag:s17], $0x80  }
0x206: {  	[sflag:s17] =	ssyncset.done $0x0  }
0x207: {  	[sflag:s17] =	ssyncadd.s32 $0xFFFFFF80  }
0x208: {  	_ =	swait.ge [sflag:s17], $0x80  }
0x209: {  	[sflag:s17] =	ssyncset.done $0x0  }
0x20a: {  	[sflag:s17] =	ssyncadd.s32 $0xFFFFFF80  }
0x20b: {  	_ =	swait.ge [sflag:s17], $0x80  }
0x20c: {  	[sflag:s17] =	ssyncset.done $0x0  }
0x20d: {  	[sflag:s17] =	ssyncadd.s32 $0xFFFFFF80  }
0x20e: {  	_ =	swait.ge [sflag:s17], $0x80  }
0x20f: {  	[sflag:s17] =	ssyncset.done $0x0  }
0x210: {  	[sflag:s17] =	ssyncadd.s32 $0xFFFFFF80  }
0x211: {  	_ =	swait.ge [sflag:s17], $0x80  }
0x212: {  	[sflag:s17] =	ssyncset.done $0x0  }
0x213: {  	[sflag:s17] =	ssyncadd.s32 $0xFFFFFF80  }
0x214: {  	_ =	swait.ge [sflag:s17], $0x80  }
0x215: {  	[sflag:s17] =	ssyncset.done $0x0  }
0x216: {  	[sflag:s17] =	ssyncadd.s32 $0xFFFFFF80  }
0x217: {  	_ =	swait.ge [sflag:s17], $0x80  }
0x218: {  	[sflag:s17] =	ssyncset.done $0x0  }
0x219: {  	[sflag:s17] =	ssyncadd.s32 $0xFFFFFF80  }
0x21a: {  	_ =	swait.ge [sflag:s17], $0x80  }
0x21b: {  	[sflag:s17] =	ssyncset.done $0x0  }
0x21c: {  	[sflag:s17] =	ssyncadd.s32 $0xFFFFFF80  }
0x21d: {  	_ =	swait.ge [sflag:s17], $0x80  }
0x21e: {  	[sflag:s17] =	ssyncset.done $0x0  }
0x21f: {  	[sflag:s17] =	ssyncadd.s32 $0xFFFFFF80  }
0x220: {  	_ =	swait.ge [sflag:s17], $0x80  }
0x221: {  	[sflag:s17] =	ssyncset.done $0x0  }
0x222: {  	[sflag:s17] =	ssyncadd.s32 $0xFFFFFF80  }
0x223: {  	_ =	swait.ge [sflag:s17], $0x80  }
0x224: {  	[sflag:s17] =	ssyncset.done $0x0  }
0x225: {  	[sflag:s17] =	ssyncadd.s32 $0xFFFFFF80  }
0x226: {  	_ =	swait.ge [sflag:s17], $0x80  }
0x227: {  	[sflag:s17] =	ssyncset.done $0x0  }
0x228: {  	[sflag:s17] =	ssyncadd.s32 $0xFFFFFF80  }
0x229: {  	_ =	swait.ge [sflag:s17], $0x80  }
0x22a: {  	[sflag:s17] =	ssyncset.done $0x0  }
0x22b: {  	[sflag:s17] =	ssyncadd.s32 $0xFFFFFF80  }
0x22c: {  	_ =	swait.ge [sflag:s17], $0x80  }
0x22d: {  	[sflag:s17] =	ssyncset.done $0x0  }
0x22e: {  	[sflag:s17] =	ssyncadd.s32 $0xFFFFFF80  }
0x22f: {  	_ =	swait.ge [sflag:s17], $0x80  }
0x230: {  	[sflag:s17] =	ssyncset.done $0x0  }
0x231: {  	[sflag:s17] =	ssyncadd.s32 $0xFFFFFF80  }
0x232: {  	_ =	swait.ge [sflag:s17], $0x80  }
0x233: {  	[sflag:s17] =	ssyncset.done $0x0  }
0x234: {  	[sflag:s17] =	ssyncadd.s32 $0xFFFFFF80  }
0x235: {  	_ =	swait.ge [sflag:s17], $0x80  }
0x236: {  	[sflag:s17] =	ssyncset.done $0x0  }
0x237: {  	[sflag:s17] =	ssyncadd.s32 $0xFFFFFF80  }
0x238: {  	_ =	swait.ge [sflag:s17], $0x80  }
0x239: {  	[sflag:s17] =	ssyncset.done $0x0  }
0x23a: {  	[sflag:s17] =	ssyncadd.s32 $0xFFFFFF80  }
0x23b: {  	_ =	swait.ge [sflag:s17], $0x80  }
0x23c: {  	[sflag:s17] =	ssyncset.done $0x0  }
0x23d: {  	[sflag:s17] =	ssyncadd.s32 $0xFFFFFF80  }
0x23e: {  	_ =	swait.ge [sflag:s17], $0x80  }
0x23f: {  	[sflag:s17] =	ssyncset.done $0x0  }
0x240: {  	[sflag:s17] =	ssyncadd.s32 $0xFFFFFF80  }
0x241: {  	_ =	swait.ge [sflag:s17], $0x80  }
0x242: {  	[sflag:s17] =	ssyncset.done $0x0  }
0x243: {  	[sflag:s17] =	ssyncadd.s32 $0xFFFFFF80  }
0x244: {  	_ =	swait.ge [sflag:s17], $0x80  }
0x245: {  	[sflag:s17] =	ssyncset.done $0x0  }
0x246: {  	[sflag:s17] =	ssyncadd.s32 $0xFFFFFF80  }
0x247: {  	_ =	swait.ge [sflag:s17], $0x80  }
0x248: {  	[sflag:s17] =	ssyncset.done $0x0  }
0x249: {  	[sflag:s17] =	ssyncadd.s32 $0xFFFFFF80  }
0x24a: {  	_ =	swait.ge [sflag:s17], $0x80  }
0x24b: {  	[sflag:s17] =	ssyncset.done $0x0  }
0x24c: {  	[sflag:s17] =	ssyncadd.s32 $0xFFFFFF80  }
0x24d: {  	_ =	swait.ge [sflag:s17], $0x80  }
0x24e: {  	[sflag:s17] =	ssyncset.done $0x0  }
0x24f: {  	[sflag:s17] =	ssyncadd.s32 $0xFFFFFF80  }
0x250: {  	_ =	swait.ge [sflag:s17], $0x80  }
0x251: {  	[sflag:s17] =	ssyncset.done $0x0  }
0x252: {  	[sflag:s17] =	ssyncadd.s32 $0xFFFFFF80  }
0x253: {  	_ =	swait.ge [sflag:s17], $0x80  }
0x254: {  	[sflag:s17] =	ssyncset.done $0x0  }
0x255: {  	[sflag:s17] =	ssyncadd.s32 $0xFFFFFF80  }
0x256: {  	_ =	swait.ge [sflag:s17], $0x80  }
0x257: {  	[sflag:s17] =	ssyncset.done $0x0  }
0x258: {  	[sflag:s17] =	ssyncadd.s32 $0xFFFFFF80  }
0x259: {  	_ =	swait.ge [sflag:s17], $0x80  }
0x25a: {  	[sflag:s17] =	ssyncset.done $0x0  }
0x25b: {  	[sflag:s17] =	ssyncadd.s32 $0xFFFFFF80  }
0x25c: {  	_ =	swait.ge [sflag:s17], $0x80  }
0x25d: {  	[sflag:s17] =	ssyncset.done $0x0  }
0x25e: {  	[sflag:s17] =	ssyncadd.s32 $0xFFFFFF80  }
0x25f: {  	_ =	swait.ge [sflag:s17], $0x80  }
0x260: {  	[sflag:s17] =	ssyncset.done $0x0  }
0x261: {  	s19 =	rddreg [dreg:$0x4];
	[sflag:s17] =	ssyncadd.s32 $0xFFFFFF80  }
0x262: {  	[hbm4b:s19+s4] =	stream.linear.scatter [tilespmem:s20], [sflag:$0x2], $0x800, $0x38;
	[tilespmem:$0x1C00] =	vst v63  }
0x263: {  	_ =	swait.ge [sflag:s14], $0x800  }
0x264: {  	p0 =	sne.s32 s13, $0x1;
	[sflag:s14] =	ssyncset.done $0x0  }
.Ltmp1:
0x265: {  	s22 =	rddreg [dreg:$0x5];
	[sflag:s14] =	ssyncadd.s32 $0xFFFFF800;
	(pc) =	sbr.rel @p0 .LBB2_2-.Ltmp1, $4  }
0x266: {  	[hbm4b:s22+s4] =	stream.linear.scatter [tilespmem:s21], [sflag:$0x2], $0x800, $0x38;
	[tilespmem:$0x1C00] =	vst v63  }
0x267: {  	_ =	swait.ge [sflag:s14], $0x800  }
0x268: {  	[sflag:s14] =	ssyncset.done $0x0  }
0x269: {  	s13 =	sadd.s32 $0xFFFFFFFF, s13;
	[sflag:s14] =	ssyncadd.s32 $0xFFFFF800  }
.LBB2_3:
0x26a: {  	_ =	sfence.sel $0x180000  }
0x26b: {  	[bflag:$0x0] =	sbarrier.arrive $0xFFFF  }
0x26c: {  	_ =	strace $0x90000047  }
0x26d: {  	s0 =	stileid.u32;
	[bflag:$0x2] =	sbarrier.arrive $0xFFFF  }
0x26e: {  	p0 =	sne.s32 s0, $0x0;
	s0 =	rddreg [dreg:$0x3]  }
0x26f: {  	s0 =	sadd.s32 @!p0 $0x100000, s0  }
0x270: {  	[sflag:s0] =	ssyncadd.tile.s32 @!p0 $0x1;
	_ =	shalt  }
.Lfunc_end2:
_tile_overlayer_lowered:
.L_overlay_start_2:
0x271: {  	(tag) =	ssettag $0x2  }
0x272: {  	s0 =	rddreg [dreg:$0x0];
	s2 =	stileid.u32  }
0x273: {  	s1 =	rddreg [dreg:$0x1];
	p0 =	sne.s32 s2, $0x0  }
0x274: {  	s3 =	rddreg [dreg:$0x2];
	[bflag:$0x3] =	sbarrier.arrive $0xFFFF;
	s2 =	simm.s32 @!p0 $0x1C02  }
0x275: {  	[timem:s3], [sflag:s2] =	dma.local @!p0 [hbm:s0], s1  }
0x276: {  	s0 =	simm.s32 @!p0 $0x2  }
0x277: {  	_ =	swait.ge @!p0 [sflag:s0], s1  }
0x278: {  	s1 =	ssub.s32 @!p0 $0x0, s1;
	[sflag:s0] =	ssyncset.done @!p0 $0x0  }
0x279: {  	[sflag:s0] =	ssyncadd.s32 @!p0 s1  }
0x27a: {  	[bflag:$0x3] =	sbarrier.arrive $0xFFFF  }
0x27b: {  	_ =	shalt  }

</sc_bundles>
